<compile_context>
chip_gen: v7x
topology: tpu7x:2x2x1
jax: 0.10.2.dev20260603
libtpu: 0.0.44.dev20260713+nightly
codegen_flags: <defaults>
</compile_context>

<pallas_src>
import functools

import jax
import jax.numpy as jnp
from jax import lax
from jax.experimental import pallas as pl
from jax.experimental.pallas import tpu as pltpu
from jax.experimental.pallas import tpu_sc as plsc

ROWS, COLS = 8192, 384

NSC_ROWS = 3072
NC, NS, L = 2, 16, 16
NW = NC * NS
ROWS_W = NSC_ROWS // NW
N_CHUNKS = 2
CHUNK_R = ROWS_W // N_CHUNKS
VPR = COLS // L
UNROLL = 4

TC_ROWS = ROWS - NSC_ROWS
TC_BR = 256
TC_GRID = TC_ROWS // TC_BR


def _sc_body(x_hbm, kmv_hbm, out_hbm, kmv_v, bufs, lsems, ssems):
    wid = lax.axis_index("s") * NC + lax.axis_index("c")
    base = wid * ROWS_W

    loads = []
    for c in range(N_CHUNKS):
        cp = pltpu.make_async_copy(
            x_hbm.at[pl.ds(base + c * CHUNK_R, CHUNK_R), :], bufs[c],
            lsems[c])
        cp.start()
        loads.append(cp)

    pltpu.sync_copy(kmv_hbm, kmv_v)
    snd, _ = plsc.sort_key_val(kmv_v[...], lax.iota(jnp.int32, 16))

    iota = lax.iota(jnp.int32, L)
    shifted = jnp.take_along_axis(snd, jnp.minimum(iota + 1, 15), axis=0)
    mv = 0.5 * (snd + shifted)
    mb7 = jnp.full((L,), mv[7], dtype=jnp.float32)
    mb3 = jnp.full((L,), mv[3], dtype=jnp.float32)
    mb11 = jnp.full((L,), mv[11], dtype=jnp.float32)
    c11 = jnp.full((L,), 11, dtype=jnp.int32)
    c3 = jnp.full((L,), 3, dtype=jnp.int32)
    p2 = jnp.full((L,), 2, dtype=jnp.int32)
    n2 = jnp.full((L,), -2, dtype=jnp.int32)
    p1 = jnp.full((L,), 1, dtype=jnp.int32)
    n1 = jnp.full((L,), -1, dtype=jnp.int32)
    i0 = jnp.zeros((L,), dtype=jnp.int32)

    def quant_vreg(xv):
        c8 = xv > mb7
        b4 = jnp.where(c8, mb11, mb3)
        c4 = xv > b4
        t = jnp.where(c8, c11, c3) + jnp.where(c4, p2, n2)
        b2 = jnp.take_along_axis(mv, t, axis=0)
        c2 = xv > b2
        t = t + jnp.where(c2, p1, n1)
        c1 = xv > jnp.take_along_axis(mv, t, axis=0)
        j = t + jnp.where(c1, p1, i0)
        return jnp.take_along_axis(snd, j, axis=0)

    stores = []
    for c in range(N_CHUNKS):
        loads[c].wait()
        buf = bufs[c]

        @plsc.parallel_loop(0, CHUNK_R, unroll=UNROLL)
        def quant_row(r):
            for v in range(VPR):
                sl = pl.ds(v * L, L)
                buf[r, sl] = quant_vreg(buf[r, sl])

        cp = pltpu.make_async_copy(
            buf, out_hbm.at[pl.ds(base + c * CHUNK_R, CHUNK_R), :],
            ssems[c])
        cp.start()
        stores.append(cp)

    for cp in stores:
        cp.wait()


def _sc_quantize(x2d, kmvalue):
    mesh = plsc.VectorSubcoreMesh(core_axis_name="c", subcore_axis_name="s")
    return pl.kernel(
        _sc_body,
        out_type=jax.ShapeDtypeStruct((NSC_ROWS, COLS), jnp.float32),
        mesh=mesh,
        scratch_types=[
            pltpu.VMEM((16,), jnp.float32),
            [pltpu.VMEM((CHUNK_R, COLS), jnp.float32)
             for _ in range(N_CHUNKS)],
            [pltpu.SemaphoreType.DMA for _ in range(N_CHUNKS)],
            [pltpu.SemaphoreType.DMA for _ in range(N_CHUNKS)],
        ],
        compiler_params=pltpu.CompilerParams(needs_layout_passes=False),
    )(x2d, kmvalue)


def _oem_pairs(n):
    pairs = []

    def merge(lo, hi, r):
        step = r * 2
        if step < hi - lo:
            merge(lo, hi, step)
            merge(lo + r, hi, step)
            for i in range(lo + r, hi - r, step):
                pairs.append((i, i + r))
        else:
            pairs.append((lo, lo + r))

    def sort(lo, hi):
        if hi - lo >= 2:
            mid = lo + (hi - lo) // 2
            sort(lo, mid)
            sort(mid, hi)
            merge(lo, hi, 1)

    sort(0, n)
    return pairs


_PAIRS16 = _oem_pairs(16)


def _tc_body(km_ref, x_ref, o_ref):
    v = [km_ref[i] for i in range(16)]
    for a, b in _PAIRS16:
        va, vb = v[a], v[b]
        v[a] = jnp.minimum(va, vb)
        v[b] = jnp.maximum(va, vb)
    m = [0.5 * (v[i] + v[i + 1]) for i in range(15)]

    xb = x_ref[...]
    r = jnp.full(xb.shape, v[0], dtype=jnp.float32)
    for k in range(15):
        r = jnp.where(xb > m[k], v[k + 1], r)
    o_ref[...] = r


def _tc_quantize(x2d, kmvalue):
    return pl.pallas_call(
        _tc_body,
        out_shape=jax.ShapeDtypeStruct((TC_ROWS, COLS), jnp.float32),
        grid=(TC_GRID,),
        in_specs=[
            pl.BlockSpec(memory_space=pltpu.SMEM),
            pl.BlockSpec((TC_BR, COLS),
                         lambda i: (i + NSC_ROWS // TC_BR, 0)),
        ],
        out_specs=pl.BlockSpec((TC_BR, COLS), lambda i: (i, 0)),
    )(kmvalue, x2d)


@jax.jit
def _quantize(x2d, kmvalue):
    sc_out = _sc_quantize(x2d, kmvalue)
    tc_out = _tc_quantize(x2d, kmvalue)
    return jnp.concatenate([sc_out, tc_out], axis=0)


def kernel(x, kmvalue):
    out = _quantize(x.reshape(ROWS, COLS), kmvalue)
    return out.reshape(x.shape)

# --- scband reference (transcript-rebuilt; emitter-appended) ---
"""Pipeline reference for scband-claqquantizer-29953101922803 (READ-ONLY COPY).

The authoritative reference and input builder live on the scoring server;
editing this copy changes nothing except your own understanding.
"""

import jax, jax.numpy as jnp
import numpy as np


def power_quant(x, value_s):
    # Faithful translation of the torch power_quant:
    #   xhard = x.view(-1)
    #   idxs = (xhard.unsqueeze(0) - value_s.reshape(-1,1)).abs().min(dim=0)[1]
    #   xhard = value_s[idxs].view(shape)
    shape = x.shape
    xhard = x.reshape(-1)
    diffs = jnp.abs(xhard[None, :] - value_s.reshape(-1, 1))  # [K, N]
    idxs = jnp.argmin(diffs, axis=0)                          # [N]
    xhard = jnp.take(value_s, idxs, axis=0).reshape(shape)
    return xhard


def setup_inputs(seed: int = 0) -> dict:
    key = jax.random.key(seed)
    k1, k2 = jax.random.split(key)
    x = jax.random.normal(k1, (8, 1024, 384), dtype=jnp.float32)
    # kmvalue: the 16-entry scalar codebook buffer (nonzero so quantization is active)
    kmvalue = jax.random.normal(k2, (16,), dtype=jnp.float32)
    return {"x": x, "kmvalue": kmvalue}


def reference(x, kmvalue):
    # CLAQQuantizer.quantize(x) -> quantize(x, bit, q_value) -> power_quant(x, q_value)
    # using the k-means codebook kmvalue; result cast to float32 (q.float()).
    q = power_quant(x, kmvalue)
    return q.astype(jnp.float32)

if __name__ == "__main__":
    import jax
    _d = setup_inputs()
    print(jax.jit(kernel)(*tuple(_d.values())))

</pallas_src>

<mosaic_0001>
#map = affine_map<(d0, d1) -> (0, 0)>
#map1 = affine_map<(d0, d1) -> (0)>
module attributes {stable_mosaic.version = 14 : i64} {
  func.func @_sc_body(%arg0: i32, %arg1: i32, %arg2: memref<8192x384xf32, #tpu.memory_space<hbm>>, %arg3: memref<16xf32, #tpu.memory_space<hbm>>, %arg4: memref<3072x384xf32, #tpu.memory_space<hbm>>, %arg5: memref<16xf32, #tpu.memory_space<vmem>>, %arg6: memref<48x384xf32, #tpu.memory_space<vmem>>, %arg7: memref<48x384xf32, #tpu.memory_space<vmem>>, %arg8: memref<!tpu.dma_semaphore, #tpu.memory_space<semaphore_mem>>, %arg9: memref<!tpu.dma_semaphore, #tpu.memory_space<semaphore_mem>>, %arg10: memref<!tpu.dma_semaphore, #tpu.memory_space<semaphore_mem>>, %arg11: memref<!tpu.dma_semaphore, #tpu.memory_space<semaphore_mem>>) attributes {dimension_semantics = [#tpu.dimension_semantics<core_parallel>, #tpu.dimension_semantics<subcore_parallel>], iteration_bounds = array<i64: 2, 16>, scalar_prefetch = 0 : i64, scratch_operands = 7 : i64, tpu.core_type = #tpu.core_type<sc_vector_subcore>, window_params = [{transform_indices = #map}, {transform_indices = #map1}, {transform_indices = #map}]} {
    %mul3A = arith.constant 2 : i32
    %mul3A_0 = arith.muli %arg1, %mul3A : i32
    %add3A = arith.addi %mul3A_0, %arg0 : i32
    %mul3A_1 = arith.constant 96 : i32
    %mul3A_2 = arith.muli %add3A, %mul3A_1 : i32
    %add3A_3 = arith.constant 0 : i32
    %add3A_4 = arith.addi %mul3A_2, %add3A_3 : i32
    %dma_start3A = arith.constant 0 : i32
    %dma_start3A_5 = tpu.memref_slice %arg2[%add3A_4, %dma_start3A] : memref<8192x384xf32, #tpu.memory_space<hbm>> -> memref<48x384xf32, #tpu.memory_space<hbm>>
    %dma_start3A_6 = arith.constant 0 : i32
    %dma_start3A_7 = tpu.memref_slice %arg2[%add3A_4, %dma_start3A_6] : memref<8192x384xf32, #tpu.memory_space<hbm>> -> memref<48x384xf32, #tpu.memory_space<hbm>>
    tpu.enqueue_dma source(%dma_start3A_7 : memref<48x384xf32, #tpu.memory_space<hbm>>) target(%arg6 : memref<48x384xf32, #tpu.memory_space<vmem>>) target_semaphore(%arg8 : memref<!tpu.dma_semaphore, #tpu.memory_space<semaphore_mem>>)
    %add3A_8 = arith.constant 48 : i32
    %add3A_9 = arith.addi %mul3A_2, %add3A_8 : i32
    %dma_start3A_10 = arith.constant 0 : i32
    %dma_start3A_11 = tpu.memref_slice %arg2[%add3A_9, %dma_start3A_10] : memref<8192x384xf32, #tpu.memory_space<hbm>> -> memref<48x384xf32, #tpu.memory_space<hbm>>
    %dma_start3A_12 = arith.constant 0 : i32
    %dma_start3A_13 = tpu.memref_slice %arg2[%add3A_9, %dma_start3A_12] : memref<8192x384xf32, #tpu.memory_space<hbm>> -> memref<48x384xf32, #tpu.memory_space<hbm>>
    tpu.enqueue_dma source(%dma_start3A_13 : memref<48x384xf32, #tpu.memory_space<hbm>>) target(%arg7 : memref<48x384xf32, #tpu.memory_space<vmem>>) target_semaphore(%arg9 : memref<!tpu.dma_semaphore, #tpu.memory_space<semaphore_mem>>)
    "tpu.region"() ({
      %run_scoped3A = tpu.sem_alloc : memref<!tpu.dma_semaphore, #tpu.memory_space<semaphore_mem>>
      tpu.enqueue_dma source(%arg3 : memref<16xf32, #tpu.memory_space<hbm>>) target(%arg5 : memref<16xf32, #tpu.memory_space<vmem>>) target_semaphore(%run_scoped3A : memref<!tpu.dma_semaphore, #tpu.memory_space<semaphore_mem>>)
      tpu.wait_dma2 semaphore(%run_scoped3A : memref<!tpu.dma_semaphore, #tpu.memory_space<semaphore_mem>>) src(%arg3 : memref<16xf32, #tpu.memory_space<hbm>>) dst(%arg5 : memref<16xf32, #tpu.memory_space<vmem>>)
      tpu.yield
    }) : () -> ()
    %get3A = arith.constant 0 : index
    %get3A_14 = tpu.vector_load %arg5[%get3A] {strides = array<i32>} : memref<16xf32, #tpu.memory_space<vmem>>, vector<16xf32>,
    %iota3A = tpu.iota {dimensions = array<i32: 0>} : vector<16xi32>
    %masked_sort3A = arith.constant dense<true> : vector<16xi1>
    %masked_sort3A_15, %masked_sort3A_16, %masked_sort3A_17 = tpu.sort %get3A_14, %iota3A masked %masked_sort3A : (vector<16xf32>, vector<16xi32>, vector<16xi1>) -> (vector<16xi1>, vector<16xf32>, vector<16xi32>)
    %iota3A_18 = tpu.iota {dimensions = array<i32: 0>} : vector<16xi32>
    %add3A_19 = arith.constant 1 : i32
    %add3A_20 = vector.broadcast %add3A_19 : i32 to vector<16xi32>
    %add3A_21 = arith.addi %iota3A_18, %add3A_20 : vector<16xi32>
    %min3A = arith.constant 15 : i32
    %min3A_22 = vector.broadcast %min3A : i32 to vector<16xi32>
    %min3A_23 = arith.minsi %add3A_21, %min3A_22 : vector<16xi32>
    %lt3A = arith.constant 0 : i32
    %lt3A_24 = vector.broadcast %lt3A : i32 to vector<16xi32>
    %lt3A_25 = arith.cmpi slt, %min3A_23, %lt3A_24 : vector<16xi32>
    %add3A_26 = arith.constant 16 : i32
    %add3A_27 = vector.broadcast %add3A_26 : i32 to vector<16xi32>
    %add3A_28 = arith.addi %min3A_23, %add3A_27 : vector<16xi32>
    %select_n3A = arith.select %lt3A_25, %add3A_28, %min3A_23 : vector<16xi1>, vector<16xi32>
    %reshape3A = vector.shape_cast %select_n3A : vector<16xi32> to vector<16x1xi32>
    %gather3A = vector.shape_cast %reshape3A : vector<16x1xi32> to vector<16xi32>
    %gather3A_29 = tpu.dynamic_gather %masked_sort3A_16[%gather3A] in [0] : vector<16xf32>, vector<16xi32> -> vector<16xf32>
    %add3A_30 = arith.addf %masked_sort3A_16, %gather3A_29 : vector<16xf32>
    %mul3A_31 = arith.constant 5.000000e-01 : f32
    %mul3A_32 = vector.broadcast %mul3A_31 : f32 to vector<16xf32>
    %mul3A_33 = arith.mulf %mul3A_32, %add3A_30 : vector<16xf32>
    %slice3A = vector.extract_strided_slice %mul3A_33 {offsets = [7], sizes = [1], strides = [1]} : vector<16xf32> to vector<1xf32>
    %squeeze3A = vector.extract %slice3A[0] : f32 from vector<1xf32>
    %broadcast_in_dim3A = vector.broadcast %squeeze3A : f32 to vector<16xf32>
    %slice3A_34 = vector.extract_strided_slice %mul3A_33 {offsets = [3], sizes = [1], strides = [1]} : vector<16xf32> to vector<1xf32>
    %squeeze3A_35 = vector.extract %slice3A_34[0] : f32 from vector<1xf32>
    %broadcast_in_dim3A_36 = vector.broadcast %squeeze3A_35 : f32 to vector<16xf32>
    %slice3A_37 = vector.extract_strided_slice %mul3A_33 {offsets = [11], sizes = [1], strides = [1]} : vector<16xf32> to vector<1xf32>
    %squeeze3A_38 = vector.extract %slice3A_37[0] : f32 from vector<1xf32>
    %broadcast_in_dim3A_39 = vector.broadcast %squeeze3A_38 : f32 to vector<16xf32>
    %broadcast_in_dim3A_40 = arith.constant 11 : i32
    %broadcast_in_dim3A_41 = vector.broadcast %broadcast_in_dim3A_40 : i32 to vector<16xi32>
    %broadcast_in_dim3A_42 = arith.constant 3 : i32
    %broadcast_in_dim3A_43 = vector.broadcast %broadcast_in_dim3A_42 : i32 to vector<16xi32>
    %broadcast_in_dim3A_44 = arith.constant 2 : i32
    %broadcast_in_dim3A_45 = vector.broadcast %broadcast_in_dim3A_44 : i32 to vector<16xi32>
    %broadcast_in_dim3A_46 = arith.constant -2 : i32
    %broadcast_in_dim3A_47 = vector.broadcast %broadcast_in_dim3A_46 : i32 to vector<16xi32>
    %broadcast_in_dim3A_48 = arith.constant 1 : i32
    %broadcast_in_dim3A_49 = vector.broadcast %broadcast_in_dim3A_48 : i32 to vector<16xi32>
    %broadcast_in_dim3A_50 = arith.constant -1 : i32
    %broadcast_in_dim3A_51 = vector.broadcast %broadcast_in_dim3A_50 : i32 to vector<16xi32>
    %broadcast_in_dim3A_52 = arith.constant 0 : i32
    %broadcast_in_dim3A_53 = vector.broadcast %broadcast_in_dim3A_52 : i32 to vector<16xi32>
    %dma_wait3A = arith.constant 0 : i32
    %dma_wait3A_54 = tpu.memref_slice %arg2[%add3A_4, %dma_wait3A] : memref<8192x384xf32, #tpu.memory_space<hbm>> -> memref<48x384xf32, #tpu.memory_space<hbm>>
    %dma_wait3A_55 = arith.constant 0 : i32
    %dma_wait3A_56 = tpu.memref_slice %arg2[%add3A_4, %dma_wait3A_55] : memref<8192x384xf32, #tpu.memory_space<hbm>> -> memref<48x384xf32, #tpu.memory_space<hbm>>
    tpu.wait_dma2 semaphore(%arg8 : memref<!tpu.dma_semaphore, #tpu.memory_space<semaphore_mem>>) src(%dma_wait3A_56 : memref<48x384xf32, #tpu.memory_space<hbm>>) dst(%arg6 : memref<48x384xf32, #tpu.memory_space<vmem>>)
    %parallel_loop3A = arith.constant 0 : i32
    %parallel_loop3A_57 = arith.constant 48 : i32
    %parallel_loop3A_58 = arith.constant 1 : i32
    scf.for %parallel_loop3A_86 = %parallel_loop3A to %parallel_loop3A_57 step %parallel_loop3A_58  : i32 {
      %parallel_loop3A_87 = arith.index_cast %parallel_loop3A_86 : i32 to index
      %parallel_loop3A_88 = arith.constant 0 : index
      %parallel_loop3A_89 = tpu.vector_load %arg6[%parallel_loop3A_87, %parallel_loop3A_88] {strides = array<i32>} : memref<48x384xf32, #tpu.memory_space<vmem>>, vector<16xf32>,
      %parallel_loop3A_90 = arith.cmpf ogt, %parallel_loop3A_89, %broadcast_in_dim3A : vector<16xf32>
      %parallel_loop3A_91 = arith.select %parallel_loop3A_90, %broadcast_in_dim3A_39, %broadcast_in_dim3A_36 : vector<16xi1>, vector<16xf32>
      %parallel_loop3A_92 = arith.cmpf ogt, %parallel_loop3A_89, %parallel_loop3A_91 : vector<16xf32>
      %parallel_loop3A_93 = arith.select %parallel_loop3A_90, %broadcast_in_dim3A_41, %broadcast_in_dim3A_43 : vector<16xi1>, vector<16xi32>
      %parallel_loop3A_94 = arith.select %parallel_loop3A_92, %broadcast_in_dim3A_45, %broadcast_in_dim3A_47 : vector<16xi1>, vector<16xi32>
      %parallel_loop3A_95 = arith.addi %parallel_loop3A_93, %parallel_loop3A_94 : vector<16xi32>
      %parallel_loop3A_96 = arith.constant 0 : i32
      %parallel_loop3A_97 = vector.broadcast %parallel_loop3A_96 : i32 to vector<16xi32>
      %parallel_loop3A_98 = arith.cmpi slt, %parallel_loop3A_95, %parallel_loop3A_97 : vector<16xi32>
      %parallel_loop3A_99 = arith.constant 16 : i32
      %parallel_loop3A_100 = vector.broadcast %parallel_loop3A_99 : i32 to vector<16xi32>
      %parallel_loop3A_101 = arith.addi %parallel_loop3A_95, %parallel_loop3A_100 : vector<16xi32>
      %parallel_loop3A_102 = arith.select %parallel_loop3A_98, %parallel_loop3A_101, %parallel_loop3A_95 : vector<16xi1>, vector<16xi32>
      %parallel_loop3A_103 = vector.shape_cast %parallel_loop3A_102 : vector<16xi32> to vector<16x1xi32>
      %parallel_loop3A_104 = vector.shape_cast %parallel_loop3A_103 : vector<16x1xi32> to vector<16xi32>
      %parallel_loop3A_105 = tpu.dynamic_gather %mul3A_33[%parallel_loop3A_104] in [0] : vector<16xf32>, vector<16xi32> -> vector<16xf32>
      %parallel_loop3A_106 = arith.cmpf ogt, %parallel_loop3A_89, %parallel_loop3A_105 : vector<16xf32>
      %parallel_loop3A_107 = arith.select %parallel_loop3A_106, %broadcast_in_dim3A_49, %broadcast_in_dim3A_51 : vector<16xi1>, vector<16xi32>
      %parallel_loop3A_108 = arith.addi %parallel_loop3A_95, %parallel_loop3A_107 : vector<16xi32>
      %parallel_loop3A_109 = arith.constant 0 : i32
      %parallel_loop3A_110 = vector.broadcast %parallel_loop3A_109 : i32 to vector<16xi32>
      %parallel_loop3A_111 = arith.cmpi slt, %parallel_loop3A_108, %parallel_loop3A_110 : vector<16xi32>
      %parallel_loop3A_112 = arith.constant 16 : i32
      %parallel_loop3A_113 = vector.broadcast %parallel_loop3A_112 : i32 to vector<16xi32>
      %parallel_loop3A_114 = arith.addi %parallel_loop3A_108, %parallel_loop3A_113 : vector<16xi32>
      %parallel_loop3A_115 = arith.select %parallel_loop3A_111, %parallel_loop3A_114, %parallel_loop3A_108 : vector<16xi1>, vector<16xi32>
      %parallel_loop3A_116 = vector.shape_cast %parallel_loop3A_115 : vector<16xi32> to vector<16x1xi32>
      %parallel_loop3A_117 = vector.shape_cast %parallel_loop3A_116 : vector<16x1xi32> to vector<16xi32>
      %parallel_loop3A_118 = tpu.dynamic_gather %mul3A_33[%parallel_loop3A_117] in [0] : vector<16xf32>, vector<16xi32> -> vector<16xf32>
      %parallel_loop3A_119 = arith.cmpf ogt, %parallel_loop3A_89, %parallel_loop3A_118 : vector<16xf32>
      %parallel_loop3A_120 = arith.select %parallel_loop3A_119, %broadcast_in_dim3A_49, %broadcast_in_dim3A_53 : vector<16xi1>, vector<16xi32>
      %parallel_loop3A_121 = arith.addi %parallel_loop3A_108, %parallel_loop3A_120 : vector<16xi32>
      %parallel_loop3A_122 = arith.constant 0 : i32
      %parallel_loop3A_123 = vector.broadcast %parallel_loop3A_122 : i32 to vector<16xi32>
      %parallel_loop3A_124 = arith.cmpi slt, %parallel_loop3A_121, %parallel_loop3A_123 : vector<16xi32>
      %parallel_loop3A_125 = arith.constant 16 : i32
      %parallel_loop3A_126 = vector.broadcast %parallel_loop3A_125 : i32 to vector<16xi32>
      %parallel_loop3A_127 = arith.addi %parallel_loop3A_121, %parallel_loop3A_126 : vector<16xi32>
      %parallel_loop3A_128 = arith.select %parallel_loop3A_124, %parallel_loop3A_127, %parallel_loop3A_121 : vector<16xi1>, vector<16xi32>
      %parallel_loop3A_129 = vector.shape_cast %parallel_loop3A_128 : vector<16xi32> to vector<16x1xi32>
      %parallel_loop3A_130 = vector.shape_cast %parallel_loop3A_129 : vector<16x1xi32> to vector<16xi32>
      %parallel_loop3A_131 = tpu.dynamic_gather %masked_sort3A_16[%parallel_loop3A_130] in [0] : vector<16xf32>, vector<16xi32> -> vector<16xf32>
      %parallel_loop3A_132 = arith.index_cast %parallel_loop3A_86 : i32 to index
      %parallel_loop3A_133 = arith.constant 0 : index
      %parallel_loop3A_134 = tpu.vector_load %arg6[%parallel_loop3A_132, %parallel_loop3A_133] {strides = array<i32>} : memref<48x384xf32, #tpu.memory_space<vmem>>, vector<16xf32>,
      tpu.vector_store %arg6[%parallel_loop3A_132, %parallel_loop3A_133], %parallel_loop3A_131 {strides = array<i32>} : memref<48x384xf32, #tpu.memory_space<vmem>>, vector<16xf32>,
      %parallel_loop3A_135 = arith.index_cast %parallel_loop3A_86 : i32 to index
      %parallel_loop3A_136 = arith.constant 16 : index
      %parallel_loop3A_137 = tpu.vector_load %arg6[%parallel_loop3A_135, %parallel_loop3A_136] {strides = array<i32>} : memref<48x384xf32, #tpu.memory_space<vmem>>, vector<16xf32>,
      %parallel_loop3A_138 = arith.cmpf ogt, %parallel_loop3A_137, %broadcast_in_dim3A : vector<16xf32>
      %parallel_loop3A_139 = arith.select %parallel_loop3A_138, %broadcast_in_dim3A_39, %broadcast_in_dim3A_36 : vector<16xi1>, vector<16xf32>
      %parallel_loop3A_140 = arith.cmpf ogt, %parallel_loop3A_137, %parallel_loop3A_139 : vector<16xf32>
      %parallel_loop3A_141 = arith.select %parallel_loop3A_138, %broadcast_in_dim3A_41, %broadcast_in_dim3A_43 : vector<16xi1>, vector<16xi32>
      %parallel_loop3A_142 = arith.select %parallel_loop3A_140, %broadcast_in_dim3A_45, %broadcast_in_dim3A_47 : vector<16xi1>, vector<16xi32>
      %parallel_loop3A_143 = arith.addi %parallel_loop3A_141, %parallel_loop3A_142 : vector<16xi32>
      %parallel_loop3A_144 = arith.constant 0 : i32
      %parallel_loop3A_145 = vector.broadcast %parallel_loop3A_144 : i32 to vector<16xi32>
      %parallel_loop3A_146 = arith.cmpi slt, %parallel_loop3A_143, %parallel_loop3A_145 : vector<16xi32>
      %parallel_loop3A_147 = arith.constant 16 : i32
      %parallel_loop3A_148 = vector.broadcast %parallel_loop3A_147 : i32 to vector<16xi32>
      %parallel_loop3A_149 = arith.addi %parallel_loop3A_143, %parallel_loop3A_148 : vector<16xi32>
      %parallel_loop3A_150 = arith.select %parallel_loop3A_146, %parallel_loop3A_149, %parallel_loop3A_143 : vector<16xi1>, vector<16xi32>
      %parallel_loop3A_151 = vector.shape_cast %parallel_loop3A_150 : vector<16xi32> to vector<16x1xi32>
      %parallel_loop3A_152 = vector.shape_cast %parallel_loop3A_151 : vector<16x1xi32> to vector<16xi32>
      %parallel_loop3A_153 = tpu.dynamic_gather %mul3A_33[%parallel_loop3A_152] in [0] : vector<16xf32>, vector<16xi32> -> vector<16xf32>
      %parallel_loop3A_154 = arith.cmpf ogt, %parallel_loop3A_137, %parallel_loop3A_153 : vector<16xf32>
      %parallel_loop3A_155 = arith.select %parallel_loop3A_154, %broadcast_in_dim3A_49, %broadcast_in_dim3A_51 : vector<16xi1>, vector<16xi32>
      %parallel_loop3A_156 = arith.addi %parallel_loop3A_143, %parallel_loop3A_155 : vector<16xi32>
      %parallel_loop3A_157 = arith.constant 0 : i32
      %parallel_loop3A_158 = vector.broadcast %parallel_loop3A_157 : i32 to vector<16xi32>
      %parallel_loop3A_159 = arith.cmpi slt, %parallel_loop3A_156, %parallel_loop3A_158 : vector<16xi32>
      %parallel_loop3A_160 = arith.constant 16 : i32
      %parallel_loop3A_161 = vector.broadcast %parallel_loop3A_160 : i32 to vector<16xi32>
      %parallel_loop3A_162 = arith.addi %parallel_loop3A_156, %parallel_loop3A_161 : vector<16xi32>
      %parallel_loop3A_163 = arith.select %parallel_loop3A_159, %parallel_loop3A_162, %parallel_loop3A_156 : vector<16xi1>, vector<16xi32>
      %parallel_loop3A_164 = vector.shape_cast %parallel_loop3A_163 : vector<16xi32> to vector<16x1xi32>
      %parallel_loop3A_165 = vector.shape_cast %parallel_loop3A_164 : vector<16x1xi32> to vector<16xi32>
      %parallel_loop3A_166 = tpu.dynamic_gather %mul3A_33[%parallel_loop3A_165] in [0] : vector<16xf32>, vector<16xi32> -> vector<16xf32>
      %parallel_loop3A_167 = arith.cmpf ogt, %parallel_loop3A_137, %parallel_loop3A_166 : vector<16xf32>
      %parallel_loop3A_168 = arith.select %parallel_loop3A_167, %broadcast_in_dim3A_49, %broadcast_in_dim3A_53 : vector<16xi1>, vector<16xi32>
      %parallel_loop3A_169 = arith.addi %parallel_loop3A_156, %parallel_loop3A_168 : vector<16xi32>
      %parallel_loop3A_170 = arith.constant 0 : i32
      %parallel_loop3A_171 = vector.broadcast %parallel_loop3A_170 : i32 to vector<16xi32>
      %parallel_loop3A_172 = arith.cmpi slt, %parallel_loop3A_169, %parallel_loop3A_171 : vector<16xi32>
      %parallel_loop3A_173 = arith.constant 16 : i32
      %parallel_loop3A_174 = vector.broadcast %parallel_loop3A_173 : i32 to vector<16xi32>
      %parallel_loop3A_175 = arith.addi %parallel_loop3A_169, %parallel_loop3A_174 : vector<16xi32>
      %parallel_loop3A_176 = arith.select %parallel_loop3A_172, %parallel_loop3A_175, %parallel_loop3A_169 : vector<16xi1>, vector<16xi32>
      %parallel_loop3A_177 = vector.shape_cast %parallel_loop3A_176 : vector<16xi32> to vector<16x1xi32>
      %parallel_loop3A_178 = vector.shape_cast %parallel_loop3A_177 : vector<16x1xi32> to vector<16xi32>
      %parallel_loop3A_179 = tpu.dynamic_gather %masked_sort3A_16[%parallel_loop3A_178] in [0] : vector<16xf32>, vector<16xi32> -> vector<16xf32>
      %parallel_loop3A_180 = arith.index_cast %parallel_loop3A_86 : i32 to index
      %parallel_loop3A_181 = arith.constant 16 : index
      %parallel_loop3A_182 = tpu.vector_load %arg6[%parallel_loop3A_180, %parallel_loop3A_181] {strides = array<i32>} : memref<48x384xf32, #tpu.memory_space<vmem>>, vector<16xf32>,
      tpu.vector_store %arg6[%parallel_loop3A_180, %parallel_loop3A_181], %parallel_loop3A_179 {strides = array<i32>} : memref<48x384xf32, #tpu.memory_space<vmem>>, vector<16xf32>,
      %parallel_loop3A_183 = arith.index_cast %parallel_loop3A_86 : i32 to index
      %parallel_loop3A_184 = arith.constant 32 : index
      %parallel_loop3A_185 = tpu.vector_load %arg6[%parallel_loop3A_183, %parallel_loop3A_184] {strides = array<i32>} : memref<48x384xf32, #tpu.memory_space<vmem>>, vector<16xf32>,
      %parallel_loop3A_186 = arith.cmpf ogt, %parallel_loop3A_185, %broadcast_in_dim3A : vector<16xf32>
      %parallel_loop3A_187 = arith.select %parallel_loop3A_186, %broadcast_in_dim3A_39, %broadcast_in_dim3A_36 : vector<16xi1>, vector<16xf32>
      %parallel_loop3A_188 = arith.cmpf ogt, %parallel_loop3A_185, %parallel_loop3A_187 : vector<16xf32>
      %parallel_loop3A_189 = arith.select %parallel_loop3A_186, %broadcast_in_dim3A_41, %broadcast_in_dim3A_43 : vector<16xi1>, vector<16xi32>
      %parallel_loop3A_190 = arith.select %parallel_loop3A_188, %broadcast_in_dim3A_45, %broadcast_in_dim3A_47 : vector<16xi1>, vector<16xi32>
      %parallel_loop3A_191 = arith.addi %parallel_loop3A_189, %parallel_loop3A_190 : vector<16xi32>
      %parallel_loop3A_192 = arith.constant 0 : i32
      %parallel_loop3A_193 = vector.broadcast %parallel_loop3A_192 : i32 to vector<16xi32>
      %parallel_loop3A_194 = arith.cmpi slt, %parallel_loop3A_191, %parallel_loop3A_193 : vector<16xi32>
      %parallel_loop3A_195 = arith.constant 16 : i32
      %parallel_loop3A_196 = vector.broadcast %parallel_loop3A_195 : i32 to vector<16xi32>
      %parallel_loop3A_197 = arith.addi %parallel_loop3A_191, %parallel_loop3A_196 : vector<16xi32>
      %parallel_loop3A_198 = arith.select %parallel_loop3A_194, %parallel_loop3A_197, %parallel_loop3A_191 : vector<16xi1>, vector<16xi32>
      %parallel_loop3A_199 = vector.shape_cast %parallel_loop3A_198 : vector<16xi32> to vector<16x1xi32>
      %parallel_loop3A_200 = vector.shape_cast %parallel_loop3A_199 : vector<16x1xi32> to vector<16xi32>
      %parallel_loop3A_201 = tpu.dynamic_gather %mul3A_33[%parallel_loop3A_200] in [0] : vector<16xf32>, vector<16xi32> -> vector<16xf32>
      %parallel_loop3A_202 = arith.cmpf ogt, %parallel_loop3A_185, %parallel_loop3A_201 : vector<16xf32>
      %parallel_loop3A_203 = arith.select %parallel_loop3A_202, %broadcast_in_dim3A_49, %broadcast_in_dim3A_51 : vector<16xi1>, vector<16xi32>
      %parallel_loop3A_204 = arith.addi %parallel_loop3A_191, %parallel_loop3A_203 : vector<16xi32>
      %parallel_loop3A_205 = arith.constant 0 : i32
      %parallel_loop3A_206 = vector.broadcast %parallel_loop3A_205 : i32 to vector<16xi32>
      %parallel_loop3A_207 = arith.cmpi slt, %parallel_loop3A_204, %parallel_loop3A_206 : vector<16xi32>
      %parallel_loop3A_208 = arith.constant 16 : i32
      %parallel_loop3A_209 = vector.broadcast %parallel_loop3A_208 : i32 to vector<16xi32>
      %parallel_loop3A_210 = arith.addi %parallel_loop3A_204, %parallel_loop3A_209 : vector<16xi32>
      %parallel_loop3A_211 = arith.select %parallel_loop3A_207, %parallel_loop3A_210, %parallel_loop3A_204 : vector<16xi1>, vector<16xi32>
      %parallel_loop3A_212 = vector.shape_cast %parallel_loop3A_211 : vector<16xi32> to vector<16x1xi32>
      %parallel_loop3A_213 = vector.shape_cast %parallel_loop3A_212 : vector<16x1xi32> to vector<16xi32>
      %parallel_loop3A_214 = tpu.dynamic_gather %mul3A_33[%parallel_loop3A_213] in [0] : vector<16xf32>, vector<16xi32> -> vector<16xf32>
      %parallel_loop3A_215 = arith.cmpf ogt, %parallel_loop3A_185, %parallel_loop3A_214 : vector<16xf32>
      %parallel_loop3A_216 = arith.select %parallel_loop3A_215, %broadcast_in_dim3A_49, %broadcast_in_dim3A_53 : vector<16xi1>, vector<16xi32>
      %parallel_loop3A_217 = arith.addi %parallel_loop3A_204, %parallel_loop3A_216 : vector<16xi32>
      %parallel_loop3A_218 = arith.constant 0 : i32
      %parallel_loop3A_219 = vector.broadcast %parallel_loop3A_218 : i32 to vector<16xi32>
      %parallel_loop3A_220 = arith.cmpi slt, %parallel_loop3A_217, %parallel_loop3A_219 : vector<16xi32>
      %parallel_loop3A_221 = arith.constant 16 : i32
      %parallel_loop3A_222 = vector.broadcast %parallel_loop3A_221 : i32 to vector<16xi32>
      %parallel_loop3A_223 = arith.addi %parallel_loop3A_217, %parallel_loop3A_222 : vector<16xi32>
      %parallel_loop3A_224 = arith.select %parallel_loop3A_220, %parallel_loop3A_223, %parallel_loop3A_217 : vector<16xi1>, vector<16xi32>
      %parallel_loop3A_225 = vector.shape_cast %parallel_loop3A_224 : vector<16xi32> to vector<16x1xi32>
      %parallel_loop3A_226 = vector.shape_cast %parallel_loop3A_225 : vector<16x1xi32> to vector<16xi32>
      %parallel_loop3A_227 = tpu.dynamic_gather %masked_sort3A_16[%parallel_loop3A_226] in [0] : vector<16xf32>, vector<16xi32> -> vector<16xf32>
      %parallel_loop3A_228 = arith.index_cast %parallel_loop3A_86 : i32 to index
      %parallel_loop3A_229 = arith.constant 32 : index
      %parallel_loop3A_230 = tpu.vector_load %arg6[%parallel_loop3A_228, %parallel_loop3A_229] {strides = array<i32>} : memref<48x384xf32, #tpu.memory_space<vmem>>, vector<16xf32>,
      tpu.vector_store %arg6[%parallel_loop3A_228, %parallel_loop3A_229], %parallel_loop3A_227 {strides = array<i32>} : memref<48x384xf32, #tpu.memory_space<vmem>>, vector<16xf32>,
      %parallel_loop3A_231 = arith.index_cast %parallel_loop3A_86 : i32 to index
      %parallel_loop3A_232 = arith.constant 48 : index
      %parallel_loop3A_233 = tpu.vector_load %arg6[%parallel_loop3A_231, %parallel_loop3A_232] {strides = array<i32>} : memref<48x384xf32, #tpu.memory_space<vmem>>, vector<16xf32>,
      %parallel_loop3A_234 = arith.cmpf ogt, %parallel_loop3A_233, %broadcast_in_dim3A : vector<16xf32>
      %parallel_loop3A_235 = arith.select %parallel_loop3A_234, %broadcast_in_dim3A_39, %broadcast_in_dim3A_36 : vector<16xi1>, vector<16xf32>
      %parallel_loop3A_236 = arith.cmpf ogt, %parallel_loop3A_233, %parallel_loop3A_235 : vector<16xf32>
      %parallel_loop3A_237 = arith.select %parallel_loop3A_234, %broadcast_in_dim3A_41, %broadcast_in_dim3A_43 : vector<16xi1>, vector<16xi32>
      %parallel_loop3A_238 = arith.select %parallel_loop3A_236, %broadcast_in_dim3A_45, %broadcast_in_dim3A_47 : vector<16xi1>, vector<16xi32>
      %parallel_loop3A_239 = arith.addi %parallel_loop3A_237, %parallel_loop3A_238 : vector<16xi32>
      %parallel_loop3A_240 = arith.constant 0 : i32
      %parallel_loop3A_241 = vector.broadcast %parallel_loop3A_240 : i32 to vector<16xi32>
      %parallel_loop3A_242 = arith.cmpi slt, %parallel_loop3A_239, %parallel_loop3A_241 : vector<16xi32>
      %parallel_loop3A_243 = arith.constant 16 : i32
      %parallel_loop3A_244 = vector.broadcast %parallel_loop3A_243 : i32 to vector<16xi32>
      %parallel_loop3A_245 = arith.addi %parallel_loop3A_239, %parallel_loop3A_244 : vector<16xi32>
      %parallel_loop3A_246 = arith.select %parallel_loop3A_242, %parallel_loop3A_245, %parallel_loop3A_239 : vector<16xi1>, vector<16xi32>
      %parallel_loop3A_247 = vector.shape_cast %parallel_loop3A_246 : vector<16xi32> to vector<16x1xi32>
      %parallel_loop3A_248 = vector.shape_cast %parallel_loop3A_247 : vector<16x1xi32> to vector<16xi32>
      %parallel_loop3A_249 = tpu.dynamic_gather %mul3A_33[%parallel_loop3A_248] in [0] : vector<16xf32>, vector<16xi32> -> vector<16xf32>
      %parallel_loop3A_250 = arith.cmpf ogt, %parallel_loop3A_233, %parallel_loop3A_249 : vector<16xf32>
      %parallel_loop3A_251 = arith.select %parallel_loop3A_250, %broadcast_in_dim3A_49, %broadcast_in_dim3A_51 : vector<16xi1>, vector<16xi32>
      %parallel_loop3A_252 = arith.addi %parallel_loop3A_239, %parallel_loop3A_251 : vector<16xi32>
      %parallel_loop3A_253 = arith.constant 0 : i32
      %parallel_loop3A_254 = vector.broadcast %parallel_loop3A_253 : i32 to vector<16xi32>
      %parallel_loop3A_255 = arith.cmpi slt, %parallel_loop3A_252, %parallel_loop3A_254 : vector<16xi32>
      %parallel_loop3A_256 = arith.constant 16 : i32
      %parallel_loop3A_257 = vector.broadcast %parallel_loop3A_256 : i32 to vector<16xi32>
      %parallel_loop3A_258 = arith.addi %parallel_loop3A_252, %parallel_loop3A_257 : vector<16xi32>
      %parallel_loop3A_259 = arith.select %parallel_loop3A_255, %parallel_loop3A_258, %parallel_loop3A_252 : vector<16xi1>, vector<16xi32>
      %parallel_loop3A_260 = vector.shape_cast %parallel_loop3A_259 : vector<16xi32> to vector<16x1xi32>
      %parallel_loop3A_261 = vector.shape_cast %parallel_loop3A_260 : vector<16x1xi32> to vector<16xi32>
      %parallel_loop3A_262 = tpu.dynamic_gather %mul3A_33[%parallel_loop3A_261] in [0] : vector<16xf32>, vector<16xi32> -> vector<16xf32>
      %parallel_loop3A_263 = arith.cmpf ogt, %parallel_loop3A_233, %parallel_loop3A_262 : vector<16xf32>
      %parallel_loop3A_264 = arith.select %parallel_loop3A_263, %broadcast_in_dim3A_49, %broadcast_in_dim3A_53 : vector<16xi1>, vector<16xi32>
      %parallel_loop3A_265 = arith.addi %parallel_loop3A_252, %parallel_loop3A_264 : vector<16xi32>
      %parallel_loop3A_266 = arith.constant 0 : i32
      %parallel_loop3A_267 = vector.broadcast %parallel_loop3A_266 : i32 to vector<16xi32>
      %parallel_loop3A_268 = arith.cmpi slt, %parallel_loop3A_265, %parallel_loop3A_267 : vector<16xi32>
      %parallel_loop3A_269 = arith.constant 16 : i32
      %parallel_loop3A_270 = vector.broadcast %parallel_loop3A_269 : i32 to vector<16xi32>
      %parallel_loop3A_271 = arith.addi %parallel_loop3A_265, %parallel_loop3A_270 : vector<16xi32>
      %parallel_loop3A_272 = arith.select %parallel_loop3A_268, %parallel_loop3A_271, %parallel_loop3A_265 : vector<16xi1>, vector<16xi32>
      %parallel_loop3A_273 = vector.shape_cast %parallel_loop3A_272 : vector<16xi32> to vector<16x1xi32>
      %parallel_loop3A_274 = vector.shape_cast %parallel_loop3A_273 : vector<16x1xi32> to vector<16xi32>
      %parallel_loop3A_275 = tpu.dynamic_gather %masked_sort3A_16[%parallel_loop3A_274] in [0] : vector<16xf32>, vector<16xi32> -> vector<16xf32>
      %parallel_loop3A_276 = arith.index_cast %parallel_loop3A_86 : i32 to index
      %parallel_loop3A_277 = arith.constant 48 : index
      %parallel_loop3A_278 = tpu.vector_load %arg6[%parallel_loop3A_276, %parallel_loop3A_277] {strides = array<i32>} : memref<48x384xf32, #tpu.memory_space<vmem>>, vector<16xf32>,
      tpu.vector_store %arg6[%parallel_loop3A_276, %parallel_loop3A_277], %parallel_loop3A_275 {strides = array<i32>} : memref<48x384xf32, #tpu.memory_space<vmem>>, vector<16xf32>,
      %parallel_loop3A_279 = arith.index_cast %parallel_loop3A_86 : i32 to index
      %parallel_loop3A_280 = arith.constant 64 : index
      %parallel_loop3A_281 = tpu.vector_load %arg6[%parallel_loop3A_279, %parallel_loop3A_280] {strides = array<i32>} : memref<48x384xf32, #tpu.memory_space<vmem>>, vector<16xf32>,
      %parallel_loop3A_282 = arith.cmpf ogt, %parallel_loop3A_281, %broadcast_in_dim3A : vector<16xf32>
      %parallel_loop3A_283 = arith.select %parallel_loop3A_282, %broadcast_in_dim3A_39, %broadcast_in_dim3A_36 : vector<16xi1>, vector<16xf32>
      %parallel_loop3A_284 = arith.cmpf ogt, %parallel_loop3A_281, %parallel_loop3A_283 : vector<16xf32>
      %parallel_loop3A_285 = arith.select %parallel_loop3A_282, %broadcast_in_dim3A_41, %broadcast_in_dim3A_43 : vector<16xi1>, vector<16xi32>
      %parallel_loop3A_286 = arith.select %parallel_loop3A_284, %broadcast_in_dim3A_45, %broadcast_in_dim3A_47 : vector<16xi1>, vector<16xi32>
      %parallel_loop3A_287 = arith.addi %parallel_loop3A_285, %parallel_loop3A_286 : vector<16xi32>
      %parallel_loop3A_288 = arith.constant 0 : i32
      %parallel_loop3A_289 = vector.broadcast %parallel_loop3A_288 : i32 to vector<16xi32>
      %parallel_loop3A_290 = arith.cmpi slt, %parallel_loop3A_287, %parallel_loop3A_289 : vector<16xi32>
      %parallel_loop3A_291 = arith.constant 16 : i32
      %parallel_loop3A_292 = vector.broadcast %parallel_loop3A_291 : i32 to vector<16xi32>
      %parallel_loop3A_293 = arith.addi %parallel_loop3A_287, %parallel_loop3A_292 : vector<16xi32>
      %parallel_loop3A_294 = arith.select %parallel_loop3A_290, %parallel_loop3A_293, %parallel_loop3A_287 : vector<16xi1>, vector<16xi32>
      %parallel_loop3A_295 = vector.shape_cast %parallel_loop3A_294 : vector<16xi32> to vector<16x1xi32>
      %parallel_loop3A_296 = vector.shape_cast %parallel_loop3A_295 : vector<16x1xi32> to vector<16xi32>
      %parallel_loop3A_297 = tpu.dynamic_gather %mul3A_33[%parallel_loop3A_296] in [0] : vector<16xf32>, vector<16xi32> -> vector<16xf32>
      %parallel_loop3A_298 = arith.cmpf ogt, %parallel_loop3A_281, %parallel_loop3A_297 : vector<16xf32>
      %parallel_loop3A_299 = arith.select %parallel_loop3A_298, %broadcast_in_dim3A_49, %broadcast_in_dim3A_51 : vector<16xi1>, vector<16xi32>
      %parallel_loop3A_300 = arith.addi %parallel_loop3A_287, %parallel_loop3A_299 : vector<16xi32>
      %parallel_loop3A_301 = arith.constant 0 : i32
      %parallel_loop3A_302 = vector.broadcast %parallel_loop3A_301 : i32 to vector<16xi32>
      %parallel_loop3A_303 = arith.cmpi slt, %parallel_loop3A_300, %parallel_loop3A_302 : vector<16xi32>
      %parallel_loop3A_304 = arith.constant 16 : i32
      %parallel_loop3A_305 = vector.broadcast %parallel_loop3A_304 : i32 to vector<16xi32>
      %parallel_loop3A_306 = arith.addi %parallel_loop3A_300, %parallel_loop3A_305 : vector<16xi32>
      %parallel_loop3A_307 = arith.select %parallel_loop3A_303, %parallel_loop3A_306, %parallel_loop3A_300 : vector<16xi1>, vector<16xi32>
      %parallel_loop3A_308 = vector.shape_cast %parallel_loop3A_307 : vector<16xi32> to vector<16x1xi32>
      %parallel_loop3A_309 = vector.shape_cast %parallel_loop3A_308 : vector<16x1xi32> to vector<16xi32>
      %parallel_loop3A_310 = tpu.dynamic_gather %mul3A_33[%parallel_loop3A_309] in [0] : vector<16xf32>, vector<16xi32> -> vector<16xf32>
      %parallel_loop3A_311 = arith.cmpf ogt, %parallel_loop3A_281, %parallel_loop3A_310 : vector<16xf32>
      %parallel_loop3A_312 = arith.select %parallel_loop3A_311, %broadcast_in_dim3A_49, %broadcast_in_dim3A_53 : vector<16xi1>, vector<16xi32>
      %parallel_loop3A_313 = arith.addi %parallel_loop3A_300, %parallel_loop3A_312 : vector<16xi32>
      %parallel_loop3A_314 = arith.constant 0 : i32
      %parallel_loop3A_315 = vector.broadcast %parallel_loop3A_314 : i32 to vector<16xi32>
      %parallel_loop3A_316 = arith.cmpi slt, %parallel_loop3A_313, %parallel_loop3A_315 : vector<16xi32>
      %parallel_loop3A_317 = arith.constant 16 : i32
      %parallel_loop3A_318 = vector.broadcast %parallel_loop3A_317 : i32 to vector<16xi32>
      %parallel_loop3A_319 = arith.addi %parallel_loop3A_313, %parallel_loop3A_318 : vector<16xi32>
      %parallel_loop3A_320 = arith.select %parallel_loop3A_316, %parallel_loop3A_319, %parallel_loop3A_313 : vector<16xi1>, vector<16xi32>
      %parallel_loop3A_321 = vector.shape_cast %parallel_loop3A_320 : vector<16xi32> to vector<16x1xi32>
      %parallel_loop3A_322 = vector.shape_cast %parallel_loop3A_321 : vector<16x1xi32> to vector<16xi32>
      %parallel_loop3A_323 = tpu.dynamic_gather %masked_sort3A_16[%parallel_loop3A_322] in [0] : vector<16xf32>, vector<16xi32> -> vector<16xf32>
      %parallel_loop3A_324 = arith.index_cast %parallel_loop3A_86 : i32 to index
      %parallel_loop3A_325 = arith.constant 64 : index
      %parallel_loop3A_326 = tpu.vector_load %arg6[%parallel_loop3A_324, %parallel_loop3A_325] {strides = array<i32>} : memref<48x384xf32, #tpu.memory_space<vmem>>, vector<16xf32>,
      tpu.vector_store %arg6[%parallel_loop3A_324, %parallel_loop3A_325], %parallel_loop3A_323 {strides = array<i32>} : memref<48x384xf32, #tpu.memory_space<vmem>>, vector<16xf32>,
      %parallel_loop3A_327 = arith.index_cast %parallel_loop3A_86 : i32 to index
      %parallel_loop3A_328 = arith.constant 80 : index
      %parallel_loop3A_329 = tpu.vector_load %arg6[%parallel_loop3A_327, %parallel_loop3A_328] {strides = array<i32>} : memref<48x384xf32, #tpu.memory_space<vmem>>, vector<16xf32>,
      %parallel_loop3A_330 = arith.cmpf ogt, %parallel_loop3A_329, %broadcast_in_dim3A : vector<16xf32>
      %parallel_loop3A_331 = arith.select %parallel_loop3A_330, %broadcast_in_dim3A_39, %broadcast_in_dim3A_36 : vector<16xi1>, vector<16xf32>
      %parallel_loop3A_332 = arith.cmpf ogt, %parallel_loop3A_329, %parallel_loop3A_331 : vector<16xf32>
      %parallel_loop3A_333 = arith.select %parallel_loop3A_330, %broadcast_in_dim3A_41, %broadcast_in_dim3A_43 : vector<16xi1>, vector<16xi32>
      %parallel_loop3A_334 = arith.select %parallel_loop3A_332, %broadcast_in_dim3A_45, %broadcast_in_dim3A_47 : vector<16xi1>, vector<16xi32>
      %parallel_loop3A_335 = arith.addi %parallel_loop3A_333, %parallel_loop3A_334 : vector<16xi32>
      %parallel_loop3A_336 = arith.constant 0 : i32
      %parallel_loop3A_337 = vector.broadcast %parallel_loop3A_336 : i32 to vector<16xi32>
      %parallel_loop3A_338 = arith.cmpi slt, %parallel_loop3A_335, %parallel_loop3A_337 : vector<16xi32>
      %parallel_loop3A_339 = arith.constant 16 : i32
      %parallel_loop3A_340 = vector.broadcast %parallel_loop3A_339 : i32 to vector<16xi32>
      %parallel_loop3A_341 = arith.addi %parallel_loop3A_335, %parallel_loop3A_340 : vector<16xi32>
      %parallel_loop3A_342 = arith.select %parallel_loop3A_338, %parallel_loop3A_341, %parallel_loop3A_335 : vector<16xi1>, vector<16xi32>
      %parallel_loop3A_343 = vector.shape_cast %parallel_loop3A_342 : vector<16xi32> to vector<16x1xi32>
      %parallel_loop3A_344 = vector.shape_cast %parallel_loop3A_343 : vector<16x1xi32> to vector<16xi32>
      %parallel_loop3A_345 = tpu.dynamic_gather %mul3A_33[%parallel_loop3A_344] in [0] : vector<16xf32>, vector<16xi32> -> vector<16xf32>
      %parallel_loop3A_346 = arith.cmpf ogt, %parallel_loop3A_329, %parallel_loop3A_345 : vector<16xf32>
      %parallel_loop3A_347 = arith.select %parallel_loop3A_346, %broadcast_in_dim3A_49, %broadcast_in_dim3A_51 : vector<16xi1>, vector<16xi32>
      %parallel_loop3A_348 = arith.addi %parallel_loop3A_335, %parallel_loop3A_347 : vector<16xi32>
      %parallel_loop3A_349 = arith.constant 0 : i32
      %parallel_loop3A_350 = vector.broadcast %parallel_loop3A_349 : i32 to vector<16xi32>
      %parallel_loop3A_351 = arith.cmpi slt, %parallel_loop3A_348, %parallel_loop3A_350 : vector<16xi32>
      %parallel_loop3A_352 = arith.constant 16 : i32
      %parallel_loop3A_353 = vector.broadcast %parallel_loop3A_352 : i32 to vector<16xi32>
      %parallel_loop3A_354 = arith.addi %parallel_loop3A_348, %parallel_loop3A_353 : vector<16xi32>
      %parallel_loop3A_355 = arith.select %parallel_loop3A_351, %parallel_loop3A_354, %parallel_loop3A_348 : vector<16xi1>, vector<16xi32>
      %parallel_loop3A_356 = vector.shape_cast %parallel_loop3A_355 : vector<16xi32> to vector<16x1xi32>
      %parallel_loop3A_357 = vector.shape_cast %parallel_loop3A_356 : vector<16x1xi32> to vector<16xi32>
      %parallel_loop3A_358 = tpu.dynamic_gather %mul3A_33[%parallel_loop3A_357] in [0] : vector<16xf32>, vector<16xi32> -> vector<16xf32>
      %parallel_loop3A_359 = arith.cmpf ogt, %parallel_loop3A_329, %parallel_loop3A_358 : vector<16xf32>
      %parallel_loop3A_360 = arith.select %parallel_loop3A_359, %broadcast_in_dim3A_49, %broadcast_in_dim3A_53 : vector<16xi1>, vector<16xi32>
      %parallel_loop3A_361 = arith.addi %parallel_loop3A_348, %parallel_loop3A_360 : vector<16xi32>
      %parallel_loop3A_362 = arith.constant 0 : i32
      %parallel_loop3A_363 = vector.broadcast %parallel_loop3A_362 : i32 to vector<16xi32>
      %parallel_loop3A_364 = arith.cmpi slt, %parallel_loop3A_361, %parallel_loop3A_363 : vector<16xi32>
      %parallel_loop3A_365 = arith.constant 16 : i32
      %parallel_loop3A_366 = vector.broadcast %parallel_loop3A_365 : i32 to vector<16xi32>
      %parallel_loop3A_367 = arith.addi %parallel_loop3A_361, %parallel_loop3A_366 : vector<16xi32>
      %parallel_loop3A_368 = arith.select %parallel_loop3A_364, %parallel_loop3A_367, %parallel_loop3A_361 : vector<16xi1>, vector<16xi32>
      %parallel_loop3A_369 = vector.shape_cast %parallel_loop3A_368 : vector<16xi32> to vector<16x1xi32>
      %parallel_loop3A_370 = vector.shape_cast %parallel_loop3A_369 : vector<16x1xi32> to vector<16xi32>
      %parallel_loop3A_371 = tpu.dynamic_gather %masked_sort3A_16[%parallel_loop3A_370] in [0] : vector<16xf32>, vector<16xi32> -> vector<16xf32>
      %parallel_loop3A_372 = arith.index_cast %parallel_loop3A_86 : i32 to index
      %parallel_loop3A_373 = arith.constant 80 : index
      %parallel_loop3A_374 = tpu.vector_load %arg6[%parallel_loop3A_372, %parallel_loop3A_373] {strides = array<i32>} : memref<48x384xf32, #tpu.memory_space<vmem>>, vector<16xf32>,
      tpu.vector_store %arg6[%parallel_loop3A_372, %parallel_loop3A_373], %parallel_loop3A_371 {strides = array<i32>} : memref<48x384xf32, #tpu.memory_space<vmem>>, vector<16xf32>,
      %parallel_loop3A_375 = arith.index_cast %parallel_loop3A_86 : i32 to index
      %parallel_loop3A_376 = arith.constant 96 : index
      %parallel_loop3A_377 = tpu.vector_load %arg6[%parallel_loop3A_375, %parallel_loop3A_376] {strides = array<i32>} : memref<48x384xf32, #tpu.memory_space<vmem>>, vector<16xf32>,
      %parallel_loop3A_378 = arith.cmpf ogt, %parallel_loop3A_377, %broadcast_in_dim3A : vector<16xf32>
      %parallel_loop3A_379 = arith.select %parallel_loop3A_378, %broadcast_in_dim3A_39, %broadcast_in_dim3A_36 : vector<16xi1>, vector<16xf32>
      %parallel_loop3A_380 = arith.cmpf ogt, %parallel_loop3A_377, %parallel_loop3A_379 : vector<16xf32>
      %parallel_loop3A_381 = arith.select %parallel_loop3A_378, %broadcast_in_dim3A_41, %broadcast_in_dim3A_43 : vector<16xi1>, vector<16xi32>
      %parallel_loop3A_382 = arith.select %parallel_loop3A_380, %broadcast_in_dim3A_45, %broadcast_in_dim3A_47 : vector<16xi1>, vector<16xi32>
      %parallel_loop3A_383 = arith.addi %parallel_loop3A_381, %parallel_loop3A_382 : vector<16xi32>
      %parallel_loop3A_384 = arith.constant 0 : i32
      %parallel_loop3A_385 = vector.broadcast %parallel_loop3A_384 : i32 to vector<16xi32>
      %parallel_loop3A_386 = arith.cmpi slt, %parallel_loop3A_383, %parallel_loop3A_385 : vector<16xi32>
      %parallel_loop3A_387 = arith.constant 16 : i32
      %parallel_loop3A_388 = vector.broadcast %parallel_loop3A_387 : i32 to vector<16xi32>
      %parallel_loop3A_389 = arith.addi %parallel_loop3A_383, %parallel_loop3A_388 : vector<16xi32>
      %parallel_loop3A_390 = arith.select %parallel_loop3A_386, %parallel_loop3A_389, %parallel_loop3A_383 : vector<16xi1>, vector<16xi32>
      %parallel_loop3A_391 = vector.shape_cast %parallel_loop3A_390 : vector<16xi32> to vector<16x1xi32>
      %parallel_loop3A_392 = vector.shape_cast %parallel_loop3A_391 : vector<16x1xi32> to vector<16xi32>
      %parallel_loop3A_393 = tpu.dynamic_gather %mul3A_33[%parallel_loop3A_392] in [0] : vector<16xf32>, vector<16xi32> -> vector<16xf32>
      %parallel_loop3A_394 = arith.cmpf ogt, %parallel_loop3A_377, %parallel_loop3A_393 : vector<16xf32>
      %parallel_loop3A_395 = arith.select %parallel_loop3A_394, %broadcast_in_dim3A_49, %broadcast_in_dim3A_51 : vector<16xi1>, vector<16xi32>
      %parallel_loop3A_396 = arith.addi %parallel_loop3A_383, %parallel_loop3A_395 : vector<16xi32>
      %parallel_loop3A_397 = arith.constant 0 : i32
      %parallel_loop3A_398 = vector.broadcast %parallel_loop3A_397 : i32 to vector<16xi32>
      %parallel_loop3A_399 = arith.cmpi slt, %parallel_loop3A_396, %parallel_loop3A_398 : vector<16xi32>
      %parallel_loop3A_400 = arith.constant 16 : i32
      %parallel_loop3A_401 = vector.broadcast %parallel_loop3A_400 : i32 to vector<16xi32>
      %parallel_loop3A_402 = arith.addi %parallel_loop3A_396, %parallel_loop3A_401 : vector<16xi32>
      %parallel_loop3A_403 = arith.select %parallel_loop3A_399, %parallel_loop3A_402, %parallel_loop3A_396 : vector<16xi1>, vector<16xi32>
      %parallel_loop3A_404 = vector.shape_cast %parallel_loop3A_403 : vector<16xi32> to vector<16x1xi32>
      %parallel_loop3A_405 = vector.shape_cast %parallel_loop3A_404 : vector<16x1xi32> to vector<16xi32>
      %parallel_loop3A_406 = tpu.dynamic_gather %mul3A_33[%parallel_loop3A_405] in [0] : vector<16xf32>, vector<16xi32> -> vector<16xf32>
      %parallel_loop3A_407 = arith.cmpf ogt, %parallel_loop3A_377, %parallel_loop3A_406 : vector<16xf32>
      %parallel_loop3A_408 = arith.select %parallel_loop3A_407, %broadcast_in_dim3A_49, %broadcast_in_dim3A_53 : vector<16xi1>, vector<16xi32>
      %parallel_loop3A_409 = arith.addi %parallel_loop3A_396, %parallel_loop3A_408 : vector<16xi32>
      %parallel_loop3A_410 = arith.constant 0 : i32
      %parallel_loop3A_411 = vector.broadcast %parallel_loop3A_410 : i32 to vector<16xi32>
      %parallel_loop3A_412 = arith.cmpi slt, %parallel_loop3A_409, %parallel_loop3A_411 : vector<16xi32>
      %parallel_loop3A_413 = arith.constant 16 : i32
      %parallel_loop3A_414 = vector.broadcast %parallel_loop3A_413 : i32 to vector<16xi32>
      %parallel_loop3A_415 = arith.addi %parallel_loop3A_409, %parallel_loop3A_414 : vector<16xi32>
      %parallel_loop3A_416 = arith.select %parallel_loop3A_412, %parallel_loop3A_415, %parallel_loop3A_409 : vector<16xi1>, vector<16xi32>
      %parallel_loop3A_417 = vector.shape_cast %parallel_loop3A_416 : vector<16xi32> to vector<16x1xi32>
      %parallel_loop3A_418 = vector.shape_cast %parallel_loop3A_417 : vector<16x1xi32> to vector<16xi32>
      %parallel_loop3A_419 = tpu.dynamic_gather %masked_sort3A_16[%parallel_loop3A_418] in [0] : vector<16xf32>, vector<16xi32> -> vector<16xf32>
      %parallel_loop3A_420 = arith.index_cast %parallel_loop3A_86 : i32 to index
      %parallel_loop3A_421 = arith.constant 96 : index
      %parallel_loop3A_422 = tpu.vector_load %arg6[%parallel_loop3A_420, %parallel_loop3A_421] {strides = array<i32>} : memref<48x384xf32, #tpu.memory_space<vmem>>, vector<16xf32>,
      tpu.vector_store %arg6[%parallel_loop3A_420, %parallel_loop3A_421], %parallel_loop3A_419 {strides = array<i32>} : memref<48x384xf32, #tpu.memory_space<vmem>>, vector<16xf32>,
      %parallel_loop3A_423 = arith.index_cast %parallel_loop3A_86 : i32 to index
      %parallel_loop3A_424 = arith.constant 112 : index
      %parallel_loop3A_425 = tpu.vector_load %arg6[%parallel_loop3A_423, %parallel_loop3A_424] {strides = array<i32>} : memref<48x384xf32, #tpu.memory_space<vmem>>, vector<16xf32>,
      %parallel_loop3A_426 = arith.cmpf ogt, %parallel_loop3A_425, %broadcast_in_dim3A : vector<16xf32>
      %parallel_loop3A_427 = arith.select %parallel_loop3A_426, %broadcast_in_dim3A_39, %broadcast_in_dim3A_36 : vector<16xi1>, vector<16xf32>
      %parallel_loop3A_428 = arith.cmpf ogt, %parallel_loop3A_425, %parallel_loop3A_427 : vector<16xf32>
      %parallel_loop3A_429 = arith.select %parallel_loop3A_426, %broadcast_in_dim3A_41, %broadcast_in_dim3A_43 : vector<16xi1>, vector<16xi32>
      %parallel_loop3A_430 = arith.select %parallel_loop3A_428, %broadcast_in_dim3A_45, %broadcast_in_dim3A_47 : vector<16xi1>, vector<16xi32>
      %parallel_loop3A_431 = arith.addi %parallel_loop3A_429, %parallel_loop3A_430 : vector<16xi32>
      %parallel_loop3A_432 = arith.constant 0 : i32
      %parallel_loop3A_433 = vector.broadcast %parallel_loop3A_432 : i32 to vector<16xi32>
      %parallel_loop3A_434 = arith.cmpi slt, %parallel_loop3A_431, %parallel_loop3A_433 : vector<16xi32>
      %parallel_loop3A_435 = arith.constant 16 : i32
      %parallel_loop3A_436 = vector.broadcast %parallel_loop3A_435 : i32 to vector<16xi32>
      %parallel_loop3A_437 = arith.addi %parallel_loop3A_431, %parallel_loop3A_436 : vector<16xi32>
      %parallel_loop3A_438 = arith.select %parallel_loop3A_434, %parallel_loop3A_437, %parallel_loop3A_431 : vector<16xi1>, vector<16xi32>
      %parallel_loop3A_439 = vector.shape_cast %parallel_loop3A_438 : vector<16xi32> to vector<16x1xi32>
      %parallel_loop3A_440 = vector.shape_cast %parallel_loop3A_439 : vector<16x1xi32> to vector<16xi32>
      %parallel_loop3A_441 = tpu.dynamic_gather %mul3A_33[%parallel_loop3A_440] in [0] : vector<16xf32>, vector<16xi32> -> vector<16xf32>
      %parallel_loop3A_442 = arith.cmpf ogt, %parallel_loop3A_425, %parallel_loop3A_441 : vector<16xf32>
      %parallel_loop3A_443 = arith.select %parallel_loop3A_442, %broadcast_in_dim3A_49, %broadcast_in_dim3A_51 : vector<16xi1>, vector<16xi32>
      %parallel_loop3A_444 = arith.addi %parallel_loop3A_431, %parallel_loop3A_443 : vector<16xi32>
      %parallel_loop3A_445 = arith.constant 0 : i32
      %parallel_loop3A_446 = vector.broadcast %parallel_loop3A_445 : i32 to vector<16xi32>
      %parallel_loop3A_447 = arith.cmpi slt, %parallel_loop3A_444, %parallel_loop3A_446 : vector<16xi32>
      %parallel_loop3A_448 = arith.constant 16 : i32
      %parallel_loop3A_449 = vector.broadcast %parallel_loop3A_448 : i32 to vector<16xi32>
      %parallel_loop3A_450 = arith.addi %parallel_loop3A_444, %parallel_loop3A_449 : vector<16xi32>
      %parallel_loop3A_451 = arith.select %parallel_loop3A_447, %parallel_loop3A_450, %parallel_loop3A_444 : vector<16xi1>, vector<16xi32>
      %parallel_loop3A_452 = vector.shape_cast %parallel_loop3A_451 : vector<16xi32> to vector<16x1xi32>
      %parallel_loop3A_453 = vector.shape_cast %parallel_loop3A_452 : vector<16x1xi32> to vector<16xi32>
      %parallel_loop3A_454 = tpu.dynamic_gather %mul3A_33[%parallel_loop3A_453] in [0] : vector<16xf32>, vector<16xi32> -> vector<16xf32>
      %parallel_loop3A_455 = arith.cmpf ogt, %parallel_loop3A_425, %parallel_loop3A_454 : vector<16xf32>
      %parallel_loop3A_456 = arith.select %parallel_loop3A_455, %broadcast_in_dim3A_49, %broadcast_in_dim3A_53 : vector<16xi1>, vector<16xi32>
      %parallel_loop3A_457 = arith.addi %parallel_loop3A_444, %parallel_loop3A_456 : vector<16xi32>
      %parallel_loop3A_458 = arith.constant 0 : i32
      %parallel_loop3A_459 = vector.broadcast %parallel_loop3A_458 : i32 to vector<16xi32>
      %parallel_loop3A_460 = arith.cmpi slt, %parallel_loop3A_457, %parallel_loop3A_459 : vector<16xi32>
      %parallel_loop3A_461 = arith.constant 16 : i32
      %parallel_loop3A_462 = vector.broadcast %parallel_loop3A_461 : i32 to vector<16xi32>
      %parallel_loop3A_463 = arith.addi %parallel_loop3A_457, %parallel_loop3A_462 : vector<16xi32>
      %parallel_loop3A_464 = arith.select %parallel_loop3A_460, %parallel_loop3A_463, %parallel_loop3A_457 : vector<16xi1>, vector<16xi32>
      %parallel_loop3A_465 = vector.shape_cast %parallel_loop3A_464 : vector<16xi32> to vector<16x1xi32>
      %parallel_loop3A_466 = vector.shape_cast %parallel_loop3A_465 : vector<16x1xi32> to vector<16xi32>
      %parallel_loop3A_467 = tpu.dynamic_gather %masked_sort3A_16[%parallel_loop3A_466] in [0] : vector<16xf32>, vector<16xi32> -> vector<16xf32>
      %parallel_loop3A_468 = arith.index_cast %parallel_loop3A_86 : i32 to index
      %parallel_loop3A_469 = arith.constant 112 : index
      %parallel_loop3A_470 = tpu.vector_load %arg6[%parallel_loop3A_468, %parallel_loop3A_469] {strides = array<i32>} : memref<48x384xf32, #tpu.memory_space<vmem>>, vector<16xf32>,
      tpu.vector_store %arg6[%parallel_loop3A_468, %parallel_loop3A_469], %parallel_loop3A_467 {strides = array<i32>} : memref<48x384xf32, #tpu.memory_space<vmem>>, vector<16xf32>,
      %parallel_loop3A_471 = arith.index_cast %parallel_loop3A_86 : i32 to index
      %parallel_loop3A_472 = arith.constant 128 : index
      %parallel_loop3A_473 = tpu.vector_load %arg6[%parallel_loop3A_471, %parallel_loop3A_472] {strides = array<i32>} : memref<48x384xf32, #tpu.memory_space<vmem>>, vector<16xf32>,
      %parallel_loop3A_474 = arith.cmpf ogt, %parallel_loop3A_473, %broadcast_in_dim3A : vector<16xf32>
      %parallel_loop3A_475 = arith.select %parallel_loop3A_474, %broadcast_in_dim3A_39, %broadcast_in_dim3A_36 : vector<16xi1>, vector<16xf32>
      %parallel_loop3A_476 = arith.cmpf ogt, %parallel_loop3A_473, %parallel_loop3A_475 : vector<16xf32>
      %parallel_loop3A_477 = arith.select %parallel_loop3A_474, %broadcast_in_dim3A_41, %broadcast_in_dim3A_43 : vector<16xi1>, vector<16xi32>
      %parallel_loop3A_478 = arith.select %parallel_loop3A_476, %broadcast_in_dim3A_45, %broadcast_in_dim3A_47 : vector<16xi1>, vector<16xi32>
      %parallel_loop3A_479 = arith.addi %parallel_loop3A_477, %parallel_loop3A_478 : vector<16xi32>
      %parallel_loop3A_480 = arith.constant 0 : i32
      %parallel_loop3A_481 = vector.broadcast %parallel_loop3A_480 : i32 to vector<16xi32>
      %parallel_loop3A_482 = arith.cmpi slt, %parallel_loop3A_479, %parallel_loop3A_481 : vector<16xi32>
      %parallel_loop3A_483 = arith.constant 16 : i32
      %parallel_loop3A_484 = vector.broadcast %parallel_loop3A_483 : i32 to vector<16xi32>
      %parallel_loop3A_485 = arith.addi %parallel_loop3A_479, %parallel_loop3A_484 : vector<16xi32>
      %parallel_loop3A_486 = arith.select %parallel_loop3A_482, %parallel_loop3A_485, %parallel_loop3A_479 : vector<16xi1>, vector<16xi32>
      %parallel_loop3A_487 = vector.shape_cast %parallel_loop3A_486 : vector<16xi32> to vector<16x1xi32>
      %parallel_loop3A_488 = vector.shape_cast %parallel_loop3A_487 : vector<16x1xi32> to vector<16xi32>
      %parallel_loop3A_489 = tpu.dynamic_gather %mul3A_33[%parallel_loop3A_488] in [0] : vector<16xf32>, vector<16xi32> -> vector<16xf32>
      %parallel_loop3A_490 = arith.cmpf ogt, %parallel_loop3A_473, %parallel_loop3A_489 : vector<16xf32>
      %parallel_loop3A_491 = arith.select %parallel_loop3A_490, %broadcast_in_dim3A_49, %broadcast_in_dim3A_51 : vector<16xi1>, vector<16xi32>
      %parallel_loop3A_492 = arith.addi %parallel_loop3A_479, %parallel_loop3A_491 : vector<16xi32>
      %parallel_loop3A_493 = arith.constant 0 : i32
      %parallel_loop3A_494 = vector.broadcast %parallel_loop3A_493 : i32 to vector<16xi32>
      %parallel_loop3A_495 = arith.cmpi slt, %parallel_loop3A_492, %parallel_loop3A_494 : vector<16xi32>
      %parallel_loop3A_496 = arith.constant 16 : i32
      %parallel_loop3A_497 = vector.broadcast %parallel_loop3A_496 : i32 to vector<16xi32>
      %parallel_loop3A_498 = arith.addi %parallel_loop3A_492, %parallel_loop3A_497 : vector<16xi32>
      %parallel_loop3A_499 = arith.select %parallel_loop3A_495, %parallel_loop3A_498, %parallel_loop3A_492 : vector<16xi1>, vector<16xi32>
      %parallel_loop3A_500 = vector.shape_cast %parallel_loop3A_499 : vector<16xi32> to vector<16x1xi32>
      %parallel_loop3A_501 = vector.shape_cast %parallel_loop3A_500 : vector<16x1xi32> to vector<16xi32>
      %parallel_loop3A_502 = tpu.dynamic_gather %mul3A_33[%parallel_loop3A_501] in [0] : vector<16xf32>, vector<16xi32> -> vector<16xf32>
      %parallel_loop3A_503 = arith.cmpf ogt, %parallel_loop3A_473, %parallel_loop3A_502 : vector<16xf32>
      %parallel_loop3A_504 = arith.select %parallel_loop3A_503, %broadcast_in_dim3A_49, %broadcast_in_dim3A_53 : vector<16xi1>, vector<16xi32>
      %parallel_loop3A_505 = arith.addi %parallel_loop3A_492, %parallel_loop3A_504 : vector<16xi32>
      %parallel_loop3A_506 = arith.constant 0 : i32
      %parallel_loop3A_507 = vector.broadcast %parallel_loop3A_506 : i32 to vector<16xi32>
      %parallel_loop3A_508 = arith.cmpi slt, %parallel_loop3A_505, %parallel_loop3A_507 : vector<16xi32>
      %parallel_loop3A_509 = arith.constant 16 : i32
      %parallel_loop3A_510 = vector.broadcast %parallel_loop3A_509 : i32 to vector<16xi32>
      %parallel_loop3A_511 = arith.addi %parallel_loop3A_505, %parallel_loop3A_510 : vector<16xi32>
      %parallel_loop3A_512 = arith.select %parallel_loop3A_508, %parallel_loop3A_511, %parallel_loop3A_505 : vector<16xi1>, vector<16xi32>
      %parallel_loop3A_513 = vector.shape_cast %parallel_loop3A_512 : vector<16xi32> to vector<16x1xi32>
      %parallel_loop3A_514 = vector.shape_cast %parallel_loop3A_513 : vector<16x1xi32> to vector<16xi32>
      %parallel_loop3A_515 = tpu.dynamic_gather %masked_sort3A_16[%parallel_loop3A_514] in [0] : vector<16xf32>, vector<16xi32> -> vector<16xf32>
      %parallel_loop3A_516 = arith.index_cast %parallel_loop3A_86 : i32 to index
      %parallel_loop3A_517 = arith.constant 128 : index
      %parallel_loop3A_518 = tpu.vector_load %arg6[%parallel_loop3A_516, %parallel_loop3A_517] {strides = array<i32>} : memref<48x384xf32, #tpu.memory_space<vmem>>, vector<16xf32>,
      tpu.vector_store %arg6[%parallel_loop3A_516, %parallel_loop3A_517], %parallel_loop3A_515 {strides = array<i32>} : memref<48x384xf32, #tpu.memory_space<vmem>>, vector<16xf32>,
      %parallel_loop3A_519 = arith.index_cast %parallel_loop3A_86 : i32 to index
      %parallel_loop3A_520 = arith.constant 144 : index
      %parallel_loop3A_521 = tpu.vector_load %arg6[%parallel_loop3A_519, %parallel_loop3A_520] {strides = array<i32>} : memref<48x384xf32, #tpu.memory_space<vmem>>, vector<16xf32>,
      %parallel_loop3A_522 = arith.cmpf ogt, %parallel_loop3A_521, %broadcast_in_dim3A : vector<16xf32>
      %parallel_loop3A_523 = arith.select %parallel_loop3A_522, %broadcast_in_dim3A_39, %broadcast_in_dim3A_36 : vector<16xi1>, vector<16xf32>
      %parallel_loop3A_524 = arith.cmpf ogt, %parallel_loop3A_521, %parallel_loop3A_523 : vector<16xf32>
      %parallel_loop3A_525 = arith.select %parallel_loop3A_522, %broadcast_in_dim3A_41, %broadcast_in_dim3A_43 : vector<16xi1>, vector<16xi32>
      %parallel_loop3A_526 = arith.select %parallel_loop3A_524, %broadcast_in_dim3A_45, %broadcast_in_dim3A_47 : vector<16xi1>, vector<16xi32>
      %parallel_loop3A_527 = arith.addi %parallel_loop3A_525, %parallel_loop3A_526 : vector<16xi32>
      %parallel_loop3A_528 = arith.constant 0 : i32
      %parallel_loop3A_529 = vector.broadcast %parallel_loop3A_528 : i32 to vector<16xi32>
      %parallel_loop3A_530 = arith.cmpi slt, %parallel_loop3A_527, %parallel_loop3A_529 : vector<16xi32>
      %parallel_loop3A_531 = arith.constant 16 : i32
      %parallel_loop3A_532 = vector.broadcast %parallel_loop3A_531 : i32 to vector<16xi32>
      %parallel_loop3A_533 = arith.addi %parallel_loop3A_527, %parallel_loop3A_532 : vector<16xi32>
      %parallel_loop3A_534 = arith.select %parallel_loop3A_530, %parallel_loop3A_533, %parallel_loop3A_527 : vector<16xi1>, vector<16xi32>
      %parallel_loop3A_535 = vector.shape_cast %parallel_loop3A_534 : vector<16xi32> to vector<16x1xi32>
      %parallel_loop3A_536 = vector.shape_cast %parallel_loop3A_535 : vector<16x1xi32> to vector<16xi32>
      %parallel_loop3A_537 = tpu.dynamic_gather %mul3A_33[%parallel_loop3A_536] in [0] : vector<16xf32>, vector<16xi32> -> vector<16xf32>
      %parallel_loop3A_538 = arith.cmpf ogt, %parallel_loop3A_521, %parallel_loop3A_537 : vector<16xf32>
      %parallel_loop3A_539 = arith.select %parallel_loop3A_538, %broadcast_in_dim3A_49, %broadcast_in_dim3A_51 : vector<16xi1>, vector<16xi32>
      %parallel_loop3A_540 = arith.addi %parallel_loop3A_527, %parallel_loop3A_539 : vector<16xi32>
      %parallel_loop3A_541 = arith.constant 0 : i32
      %parallel_loop3A_542 = vector.broadcast %parallel_loop3A_541 : i32 to vector<16xi32>
      %parallel_loop3A_543 = arith.cmpi slt, %parallel_loop3A_540, %parallel_loop3A_542 : vector<16xi32>
      %parallel_loop3A_544 = arith.constant 16 : i32
      %parallel_loop3A_545 = vector.broadcast %parallel_loop3A_544 : i32 to vector<16xi32>
      %parallel_loop3A_546 = arith.addi %parallel_loop3A_540, %parallel_loop3A_545 : vector<16xi32>
      %parallel_loop3A_547 = arith.select %parallel_loop3A_543, %parallel_loop3A_546, %parallel_loop3A_540 : vector<16xi1>, vector<16xi32>
      %parallel_loop3A_548 = vector.shape_cast %parallel_loop3A_547 : vector<16xi32> to vector<16x1xi32>
      %parallel_loop3A_549 = vector.shape_cast %parallel_loop3A_548 : vector<16x1xi32> to vector<16xi32>
      %parallel_loop3A_550 = tpu.dynamic_gather %mul3A_33[%parallel_loop3A_549] in [0] : vector<16xf32>, vector<16xi32> -> vector<16xf32>
      %parallel_loop3A_551 = arith.cmpf ogt, %parallel_loop3A_521, %parallel_loop3A_550 : vector<16xf32>
      %parallel_loop3A_552 = arith.select %parallel_loop3A_551, %broadcast_in_dim3A_49, %broadcast_in_dim3A_53 : vector<16xi1>, vector<16xi32>
      %parallel_loop3A_553 = arith.addi %parallel_loop3A_540, %parallel_loop3A_552 : vector<16xi32>
      %parallel_loop3A_554 = arith.constant 0 : i32
      %parallel_loop3A_555 = vector.broadcast %parallel_loop3A_554 : i32 to vector<16xi32>
      %parallel_loop3A_556 = arith.cmpi slt, %parallel_loop3A_553, %parallel_loop3A_555 : vector<16xi32>
      %parallel_loop3A_557 = arith.constant 16 : i32
      %parallel_loop3A_558 = vector.broadcast %parallel_loop3A_557 : i32 to vector<16xi32>
      %parallel_loop3A_559 = arith.addi %parallel_loop3A_553, %parallel_loop3A_558 : vector<16xi32>
      %parallel_loop3A_560 = arith.select %parallel_loop3A_556, %parallel_loop3A_559, %parallel_loop3A_553 : vector<16xi1>, vector<16xi32>
      %parallel_loop3A_561 = vector.shape_cast %parallel_loop3A_560 : vector<16xi32> to vector<16x1xi32>
      %parallel_loop3A_562 = vector.shape_cast %parallel_loop3A_561 : vector<16x1xi32> to vector<16xi32>
      %parallel_loop3A_563 = tpu.dynamic_gather %masked_sort3A_16[%parallel_loop3A_562] in [0] : vector<16xf32>, vector<16xi32> -> vector<16xf32>
      %parallel_loop3A_564 = arith.index_cast %parallel_loop3A_86 : i32 to index
      %parallel_loop3A_565 = arith.constant 144 : index
      %parallel_loop3A_566 = tpu.vector_load %arg6[%parallel_loop3A_564, %parallel_loop3A_565] {strides = array<i32>} : memref<48x384xf32, #tpu.memory_space<vmem>>, vector<16xf32>,
      tpu.vector_store %arg6[%parallel_loop3A_564, %parallel_loop3A_565], %parallel_loop3A_563 {strides = array<i32>} : memref<48x384xf32, #tpu.memory_space<vmem>>, vector<16xf32>,
      %parallel_loop3A_567 = arith.index_cast %parallel_loop3A_86 : i32 to index
      %parallel_loop3A_568 = arith.constant 160 : index
      %parallel_loop3A_569 = tpu.vector_load %arg6[%parallel_loop3A_567, %parallel_loop3A_568] {strides = array<i32>} : memref<48x384xf32, #tpu.memory_space<vmem>>, vector<16xf32>,
      %parallel_loop3A_570 = arith.cmpf ogt, %parallel_loop3A_569, %broadcast_in_dim3A : vector<16xf32>
      %parallel_loop3A_571 = arith.select %parallel_loop3A_570, %broadcast_in_dim3A_39, %broadcast_in_dim3A_36 : vector<16xi1>, vector<16xf32>
      %parallel_loop3A_572 = arith.cmpf ogt, %parallel_loop3A_569, %parallel_loop3A_571 : vector<16xf32>
      %parallel_loop3A_573 = arith.select %parallel_loop3A_570, %broadcast_in_dim3A_41, %broadcast_in_dim3A_43 : vector<16xi1>, vector<16xi32>
      %parallel_loop3A_574 = arith.select %parallel_loop3A_572, %broadcast_in_dim3A_45, %broadcast_in_dim3A_47 : vector<16xi1>, vector<16xi32>
      %parallel_loop3A_575 = arith.addi %parallel_loop3A_573, %parallel_loop3A_574 : vector<16xi32>
      %parallel_loop3A_576 = arith.constant 0 : i32
      %parallel_loop3A_577 = vector.broadcast %parallel_loop3A_576 : i32 to vector<16xi32>
      %parallel_loop3A_578 = arith.cmpi slt, %parallel_loop3A_575, %parallel_loop3A_577 : vector<16xi32>
      %parallel_loop3A_579 = arith.constant 16 : i32
      %parallel_loop3A_580 = vector.broadcast %parallel_loop3A_579 : i32 to vector<16xi32>
      %parallel_loop3A_581 = arith.addi %parallel_loop3A_575, %parallel_loop3A_580 : vector<16xi32>
      %parallel_loop3A_582 = arith.select %parallel_loop3A_578, %parallel_loop3A_581, %parallel_loop3A_575 : vector<16xi1>, vector<16xi32>
      %parallel_loop3A_583 = vector.shape_cast %parallel_loop3A_582 : vector<16xi32> to vector<16x1xi32>
      %parallel_loop3A_584 = vector.shape_cast %parallel_loop3A_583 : vector<16x1xi32> to vector<16xi32>
      %parallel_loop3A_585 = tpu.dynamic_gather %mul3A_33[%parallel_loop3A_584] in [0] : vector<16xf32>, vector<16xi32> -> vector<16xf32>
      %parallel_loop3A_586 = arith.cmpf ogt, %parallel_loop3A_569, %parallel_loop3A_585 : vector<16xf32>
      %parallel_loop3A_587 = arith.select %parallel_loop3A_586, %broadcast_in_dim3A_49, %broadcast_in_dim3A_51 : vector<16xi1>, vector<16xi32>
      %parallel_loop3A_588 = arith.addi %parallel_loop3A_575, %parallel_loop3A_587 : vector<16xi32>
      %parallel_loop3A_589 = arith.constant 0 : i32
      %parallel_loop3A_590 = vector.broadcast %parallel_loop3A_589 : i32 to vector<16xi32>
      %parallel_loop3A_591 = arith.cmpi slt, %parallel_loop3A_588, %parallel_loop3A_590 : vector<16xi32>
      %parallel_loop3A_592 = arith.constant 16 : i32
      %parallel_loop3A_593 = vector.broadcast %parallel_loop3A_592 : i32 to vector<16xi32>
      %parallel_loop3A_594 = arith.addi %parallel_loop3A_588, %parallel_loop3A_593 : vector<16xi32>
      %parallel_loop3A_595 = arith.select %parallel_loop3A_591, %parallel_loop3A_594, %parallel_loop3A_588 : vector<16xi1>, vector<16xi32>
      %parallel_loop3A_596 = vector.shape_cast %parallel_loop3A_595 : vector<16xi32> to vector<16x1xi32>
      %parallel_loop3A_597 = vector.shape_cast %parallel_loop3A_596 : vector<16x1xi32> to vector<16xi32>
      %parallel_loop3A_598 = tpu.dynamic_gather %mul3A_33[%parallel_loop3A_597] in [0] : vector<16xf32>, vector<16xi32> -> vector<16xf32>
      %parallel_loop3A_599 = arith.cmpf ogt, %parallel_loop3A_569, %parallel_loop3A_598 : vector<16xf32>
      %parallel_loop3A_600 = arith.select %parallel_loop3A_599, %broadcast_in_dim3A_49, %broadcast_in_dim3A_53 : vector<16xi1>, vector<16xi32>
      %parallel_loop3A_601 = arith.addi %parallel_loop3A_588, %parallel_loop3A_600 : vector<16xi32>
      %parallel_loop3A_602 = arith.constant 0 : i32
      %parallel_loop3A_603 = vector.broadcast %parallel_loop3A_602 : i32 to vector<16xi32>
      %parallel_loop3A_604 = arith.cmpi slt, %parallel_loop3A_601, %parallel_loop3A_603 : vector<16xi32>
      %parallel_loop3A_605 = arith.constant 16 : i32
      %parallel_loop3A_606 = vector.broadcast %parallel_loop3A_605 : i32 to vector<16xi32>
      %parallel_loop3A_607 = arith.addi %parallel_loop3A_601, %parallel_loop3A_606 : vector<16xi32>
      %parallel_loop3A_608 = arith.select %parallel_loop3A_604, %parallel_loop3A_607, %parallel_loop3A_601 : vector<16xi1>, vector<16xi32>
      %parallel_loop3A_609 = vector.shape_cast %parallel_loop3A_608 : vector<16xi32> to vector<16x1xi32>
      %parallel_loop3A_610 = vector.shape_cast %parallel_loop3A_609 : vector<16x1xi32> to vector<16xi32>
      %parallel_loop3A_611 = tpu.dynamic_gather %masked_sort3A_16[%parallel_loop3A_610] in [0] : vector<16xf32>, vector<16xi32> -> vector<16xf32>
      %parallel_loop3A_612 = arith.index_cast %parallel_loop3A_86 : i32 to index
      %parallel_loop3A_613 = arith.constant 160 : index
      %parallel_loop3A_614 = tpu.vector_load %arg6[%parallel_loop3A_612, %parallel_loop3A_613] {strides = array<i32>} : memref<48x384xf32, #tpu.memory_space<vmem>>, vector<16xf32>,
      tpu.vector_store %arg6[%parallel_loop3A_612, %parallel_loop3A_613], %parallel_loop3A_611 {strides = array<i32>} : memref<48x384xf32, #tpu.memory_space<vmem>>, vector<16xf32>,
      %parallel_loop3A_615 = arith.index_cast %parallel_loop3A_86 : i32 to index
      %parallel_loop3A_616 = arith.constant 176 : index
      %parallel_loop3A_617 = tpu.vector_load %arg6[%parallel_loop3A_615, %parallel_loop3A_616] {strides = array<i32>} : memref<48x384xf32, #tpu.memory_space<vmem>>, vector<16xf32>,
      %parallel_loop3A_618 = arith.cmpf ogt, %parallel_loop3A_617, %broadcast_in_dim3A : vector<16xf32>
      %parallel_loop3A_619 = arith.select %parallel_loop3A_618, %broadcast_in_dim3A_39, %broadcast_in_dim3A_36 : vector<16xi1>, vector<16xf32>
      %parallel_loop3A_620 = arith.cmpf ogt, %parallel_loop3A_617, %parallel_loop3A_619 : vector<16xf32>
      %parallel_loop3A_621 = arith.select %parallel_loop3A_618, %broadcast_in_dim3A_41, %broadcast_in_dim3A_43 : vector<16xi1>, vector<16xi32>
      %parallel_loop3A_622 = arith.select %parallel_loop3A_620, %broadcast_in_dim3A_45, %broadcast_in_dim3A_47 : vector<16xi1>, vector<16xi32>
      %parallel_loop3A_623 = arith.addi %parallel_loop3A_621, %parallel_loop3A_622 : vector<16xi32>
      %parallel_loop3A_624 = arith.constant 0 : i32
      %parallel_loop3A_625 = vector.broadcast %parallel_loop3A_624 : i32 to vector<16xi32>
      %parallel_loop3A_626 = arith.cmpi slt, %parallel_loop3A_623, %parallel_loop3A_625 : vector<16xi32>
      %parallel_loop3A_627 = arith.constant 16 : i32
      %parallel_loop3A_628 = vector.broadcast %parallel_loop3A_627 : i32 to vector<16xi32>
      %parallel_loop3A_629 = arith.addi %parallel_loop3A_623, %parallel_loop3A_628 : vector<16xi32>
      %parallel_loop3A_630 = arith.select %parallel_loop3A_626, %parallel_loop3A_629, %parallel_loop3A_623 : vector<16xi1>, vector<16xi32>
      %parallel_loop3A_631 = vector.shape_cast %parallel_loop3A_630 : vector<16xi32> to vector<16x1xi32>
      %parallel_loop3A_632 = vector.shape_cast %parallel_loop3A_631 : vector<16x1xi32> to vector<16xi32>
      %parallel_loop3A_633 = tpu.dynamic_gather %mul3A_33[%parallel_loop3A_632] in [0] : vector<16xf32>, vector<16xi32> -> vector<16xf32>
      %parallel_loop3A_634 = arith.cmpf ogt, %parallel_loop3A_617, %parallel_loop3A_633 : vector<16xf32>
      %parallel_loop3A_635 = arith.select %parallel_loop3A_634, %broadcast_in_dim3A_49, %broadcast_in_dim3A_51 : vector<16xi1>, vector<16xi32>
      %parallel_loop3A_636 = arith.addi %parallel_loop3A_623, %parallel_loop3A_635 : vector<16xi32>
      %parallel_loop3A_637 = arith.constant 0 : i32
      %parallel_loop3A_638 = vector.broadcast %parallel_loop3A_637 : i32 to vector<16xi32>
      %parallel_loop3A_639 = arith.cmpi slt, %parallel_loop3A_636, %parallel_loop3A_638 : vector<16xi32>
      %parallel_loop3A_640 = arith.constant 16 : i32
      %parallel_loop3A_641 = vector.broadcast %parallel_loop3A_640 : i32 to vector<16xi32>
      %parallel_loop3A_642 = arith.addi %parallel_loop3A_636, %parallel_loop3A_641 : vector<16xi32>
      %parallel_loop3A_643 = arith.select %parallel_loop3A_639, %parallel_loop3A_642, %parallel_loop3A_636 : vector<16xi1>, vector<16xi32>
      %parallel_loop3A_644 = vector.shape_cast %parallel_loop3A_643 : vector<16xi32> to vector<16x1xi32>
      %parallel_loop3A_645 = vector.shape_cast %parallel_loop3A_644 : vector<16x1xi32> to vector<16xi32>
      %parallel_loop3A_646 = tpu.dynamic_gather %mul3A_33[%parallel_loop3A_645] in [0] : vector<16xf32>, vector<16xi32> -> vector<16xf32>
      %parallel_loop3A_647 = arith.cmpf ogt, %parallel_loop3A_617, %parallel_loop3A_646 : vector<16xf32>
      %parallel_loop3A_648 = arith.select %parallel_loop3A_647, %broadcast_in_dim3A_49, %broadcast_in_dim3A_53 : vector<16xi1>, vector<16xi32>
      %parallel_loop3A_649 = arith.addi %parallel_loop3A_636, %parallel_loop3A_648 : vector<16xi32>
      %parallel_loop3A_650 = arith.constant 0 : i32
      %parallel_loop3A_651 = vector.broadcast %parallel_loop3A_650 : i32 to vector<16xi32>
      %parallel_loop3A_652 = arith.cmpi slt, %parallel_loop3A_649, %parallel_loop3A_651 : vector<16xi32>
      %parallel_loop3A_653 = arith.constant 16 : i32
      %parallel_loop3A_654 = vector.broadcast %parallel_loop3A_653 : i32 to vector<16xi32>
      %parallel_loop3A_655 = arith.addi %parallel_loop3A_649, %parallel_loop3A_654 : vector<16xi32>
      %parallel_loop3A_656 = arith.select %parallel_loop3A_652, %parallel_loop3A_655, %parallel_loop3A_649 : vector<16xi1>, vector<16xi32>
      %parallel_loop3A_657 = vector.shape_cast %parallel_loop3A_656 : vector<16xi32> to vector<16x1xi32>
      %parallel_loop3A_658 = vector.shape_cast %parallel_loop3A_657 : vector<16x1xi32> to vector<16xi32>
      %parallel_loop3A_659 = tpu.dynamic_gather %masked_sort3A_16[%parallel_loop3A_658] in [0] : vector<16xf32>, vector<16xi32> -> vector<16xf32>
      %parallel_loop3A_660 = arith.index_cast %parallel_loop3A_86 : i32 to index
      %parallel_loop3A_661 = arith.constant 176 : index
      %parallel_loop3A_662 = tpu.vector_load %arg6[%parallel_loop3A_660, %parallel_loop3A_661] {strides = array<i32>} : memref<48x384xf32, #tpu.memory_space<vmem>>, vector<16xf32>,
      tpu.vector_store %arg6[%parallel_loop3A_660, %parallel_loop3A_661], %parallel_loop3A_659 {strides = array<i32>} : memref<48x384xf32, #tpu.memory_space<vmem>>, vector<16xf32>,
      %parallel_loop3A_663 = arith.index_cast %parallel_loop3A_86 : i32 to index
      %parallel_loop3A_664 = arith.constant 192 : index
      %parallel_loop3A_665 = tpu.vector_load %arg6[%parallel_loop3A_663, %parallel_loop3A_664] {strides = array<i32>} : memref<48x384xf32, #tpu.memory_space<vmem>>, vector<16xf32>,
      %parallel_loop3A_666 = arith.cmpf ogt, %parallel_loop3A_665, %broadcast_in_dim3A : vector<16xf32>
      %parallel_loop3A_667 = arith.select %parallel_loop3A_666, %broadcast_in_dim3A_39, %broadcast_in_dim3A_36 : vector<16xi1>, vector<16xf32>
      %parallel_loop3A_668 = arith.cmpf ogt, %parallel_loop3A_665, %parallel_loop3A_667 : vector<16xf32>
      %parallel_loop3A_669 = arith.select %parallel_loop3A_666, %broadcast_in_dim3A_41, %broadcast_in_dim3A_43 : vector<16xi1>, vector<16xi32>
      %parallel_loop3A_670 = arith.select %parallel_loop3A_668, %broadcast_in_dim3A_45, %broadcast_in_dim3A_47 : vector<16xi1>, vector<16xi32>
      %parallel_loop3A_671 = arith.addi %parallel_loop3A_669, %parallel_loop3A_670 : vector<16xi32>
      %parallel_loop3A_672 = arith.constant 0 : i32
      %parallel_loop3A_673 = vector.broadcast %parallel_loop3A_672 : i32 to vector<16xi32>
      %parallel_loop3A_674 = arith.cmpi slt, %parallel_loop3A_671, %parallel_loop3A_673 : vector<16xi32>
      %parallel_loop3A_675 = arith.constant 16 : i32
      %parallel_loop3A_676 = vector.broadcast %parallel_loop3A_675 : i32 to vector<16xi32>
      %parallel_loop3A_677 = arith.addi %parallel_loop3A_671, %parallel_loop3A_676 : vector<16xi32>
      %parallel_loop3A_678 = arith.select %parallel_loop3A_674, %parallel_loop3A_677, %parallel_loop3A_671 : vector<16xi1>, vector<16xi32>
      %parallel_loop3A_679 = vector.shape_cast %parallel_loop3A_678 : vector<16xi32> to vector<16x1xi32>
      %parallel_loop3A_680 = vector.shape_cast %parallel_loop3A_679 : vector<16x1xi32> to vector<16xi32>
      %parallel_loop3A_681 = tpu.dynamic_gather %mul3A_33[%parallel_loop3A_680] in [0] : vector<16xf32>, vector<16xi32> -> vector<16xf32>
      %parallel_loop3A_682 = arith.cmpf ogt, %parallel_loop3A_665, %parallel_loop3A_681 : vector<16xf32>
      %parallel_loop3A_683 = arith.select %parallel_loop3A_682, %broadcast_in_dim3A_49, %broadcast_in_dim3A_51 : vector<16xi1>, vector<16xi32>
      %parallel_loop3A_684 = arith.addi %parallel_loop3A_671, %parallel_loop3A_683 : vector<16xi32>
      %parallel_loop3A_685 = arith.constant 0 : i32
      %parallel_loop3A_686 = vector.broadcast %parallel_loop3A_685 : i32 to vector<16xi32>
      %parallel_loop3A_687 = arith.cmpi slt, %parallel_loop3A_684, %parallel_loop3A_686 : vector<16xi32>
      %parallel_loop3A_688 = arith.constant 16 : i32
      %parallel_loop3A_689 = vector.broadcast %parallel_loop3A_688 : i32 to vector<16xi32>
      %parallel_loop3A_690 = arith.addi %parallel_loop3A_684, %parallel_loop3A_689 : vector<16xi32>
      %parallel_loop3A_691 = arith.select %parallel_loop3A_687, %parallel_loop3A_690, %parallel_loop3A_684 : vector<16xi1>, vector<16xi32>
      %parallel_loop3A_692 = vector.shape_cast %parallel_loop3A_691 : vector<16xi32> to vector<16x1xi32>
      %parallel_loop3A_693 = vector.shape_cast %parallel_loop3A_692 : vector<16x1xi32> to vector<16xi32>
      %parallel_loop3A_694 = tpu.dynamic_gather %mul3A_33[%parallel_loop3A_693] in [0] : vector<16xf32>, vector<16xi32> -> vector<16xf32>
      %parallel_loop3A_695 = arith.cmpf ogt, %parallel_loop3A_665, %parallel_loop3A_694 : vector<16xf32>
      %parallel_loop3A_696 = arith.select %parallel_loop3A_695, %broadcast_in_dim3A_49, %broadcast_in_dim3A_53 : vector<16xi1>, vector<16xi32>
      %parallel_loop3A_697 = arith.addi %parallel_loop3A_684, %parallel_loop3A_696 : vector<16xi32>
      %parallel_loop3A_698 = arith.constant 0 : i32
      %parallel_loop3A_699 = vector.broadcast %parallel_loop3A_698 : i32 to vector<16xi32>
      %parallel_loop3A_700 = arith.cmpi slt, %parallel_loop3A_697, %parallel_loop3A_699 : vector<16xi32>
      %parallel_loop3A_701 = arith.constant 16 : i32
      %parallel_loop3A_702 = vector.broadcast %parallel_loop3A_701 : i32 to vector<16xi32>
      %parallel_loop3A_703 = arith.addi %parallel_loop3A_697, %parallel_loop3A_702 : vector<16xi32>
      %parallel_loop3A_704 = arith.select %parallel_loop3A_700, %parallel_loop3A_703, %parallel_loop3A_697 : vector<16xi1>, vector<16xi32>
      %parallel_loop3A_705 = vector.shape_cast %parallel_loop3A_704 : vector<16xi32> to vector<16x1xi32>
      %parallel_loop3A_706 = vector.shape_cast %parallel_loop3A_705 : vector<16x1xi32> to vector<16xi32>
      %parallel_loop3A_707 = tpu.dynamic_gather %masked_sort3A_16[%parallel_loop3A_706] in [0] : vector<16xf32>, vector<16xi32> -> vector<16xf32>
      %parallel_loop3A_708 = arith.index_cast %parallel_loop3A_86 : i32 to index
      %parallel_loop3A_709 = arith.constant 192 : index
      %parallel_loop3A_710 = tpu.vector_load %arg6[%parallel_loop3A_708, %parallel_loop3A_709] {strides = array<i32>} : memref<48x384xf32, #tpu.memory_space<vmem>>, vector<16xf32>,
      tpu.vector_store %arg6[%parallel_loop3A_708, %parallel_loop3A_709], %parallel_loop3A_707 {strides = array<i32>} : memref<48x384xf32, #tpu.memory_space<vmem>>, vector<16xf32>,
      %parallel_loop3A_711 = arith.index_cast %parallel_loop3A_86 : i32 to index
      %parallel_loop3A_712 = arith.constant 208 : index
      %parallel_loop3A_713 = tpu.vector_load %arg6[%parallel_loop3A_711, %parallel_loop3A_712] {strides = array<i32>} : memref<48x384xf32, #tpu.memory_space<vmem>>, vector<16xf32>,
      %parallel_loop3A_714 = arith.cmpf ogt, %parallel_loop3A_713, %broadcast_in_dim3A : vector<16xf32>
      %parallel_loop3A_715 = arith.select %parallel_loop3A_714, %broadcast_in_dim3A_39, %broadcast_in_dim3A_36 : vector<16xi1>, vector<16xf32>
      %parallel_loop3A_716 = arith.cmpf ogt, %parallel_loop3A_713, %parallel_loop3A_715 : vector<16xf32>
      %parallel_loop3A_717 = arith.select %parallel_loop3A_714, %broadcast_in_dim3A_41, %broadcast_in_dim3A_43 : vector<16xi1>, vector<16xi32>
      %parallel_loop3A_718 = arith.select %parallel_loop3A_716, %broadcast_in_dim3A_45, %broadcast_in_dim3A_47 : vector<16xi1>, vector<16xi32>
      %parallel_loop3A_719 = arith.addi %parallel_loop3A_717, %parallel_loop3A_718 : vector<16xi32>
      %parallel_loop3A_720 = arith.constant 0 : i32
      %parallel_loop3A_721 = vector.broadcast %parallel_loop3A_720 : i32 to vector<16xi32>
      %parallel_loop3A_722 = arith.cmpi slt, %parallel_loop3A_719, %parallel_loop3A_721 : vector<16xi32>
      %parallel_loop3A_723 = arith.constant 16 : i32
      %parallel_loop3A_724 = vector.broadcast %parallel_loop3A_723 : i32 to vector<16xi32>
      %parallel_loop3A_725 = arith.addi %parallel_loop3A_719, %parallel_loop3A_724 : vector<16xi32>
      %parallel_loop3A_726 = arith.select %parallel_loop3A_722, %parallel_loop3A_725, %parallel_loop3A_719 : vector<16xi1>, vector<16xi32>
      %parallel_loop3A_727 = vector.shape_cast %parallel_loop3A_726 : vector<16xi32> to vector<16x1xi32>
      %parallel_loop3A_728 = vector.shape_cast %parallel_loop3A_727 : vector<16x1xi32> to vector<16xi32>
      %parallel_loop3A_729 = tpu.dynamic_gather %mul3A_33[%parallel_loop3A_728] in [0] : vector<16xf32>, vector<16xi32> -> vector<16xf32>
      %parallel_loop3A_730 = arith.cmpf ogt, %parallel_loop3A_713, %parallel_loop3A_729 : vector<16xf32>
      %parallel_loop3A_731 = arith.select %parallel_loop3A_730, %broadcast_in_dim3A_49, %broadcast_in_dim3A_51 : vector<16xi1>, vector<16xi32>
      %parallel_loop3A_732 = arith.addi %parallel_loop3A_719, %parallel_loop3A_731 : vector<16xi32>
      %parallel_loop3A_733 = arith.constant 0 : i32
      %parallel_loop3A_734 = vector.broadcast %parallel_loop3A_733 : i32 to vector<16xi32>
      %parallel_loop3A_735 = arith.cmpi slt, %parallel_loop3A_732, %parallel_loop3A_734 : vector<16xi32>
      %parallel_loop3A_736 = arith.constant 16 : i32
      %parallel_loop3A_737 = vector.broadcast %parallel_loop3A_736 : i32 to vector<16xi32>
      %parallel_loop3A_738 = arith.addi %parallel_loop3A_732, %parallel_loop3A_737 : vector<16xi32>
      %parallel_loop3A_739 = arith.select %parallel_loop3A_735, %parallel_loop3A_738, %parallel_loop3A_732 : vector<16xi1>, vector<16xi32>
      %parallel_loop3A_740 = vector.shape_cast %parallel_loop3A_739 : vector<16xi32> to vector<16x1xi32>
      %parallel_loop3A_741 = vector.shape_cast %parallel_loop3A_740 : vector<16x1xi32> to vector<16xi32>
      %parallel_loop3A_742 = tpu.dynamic_gather %mul3A_33[%parallel_loop3A_741] in [0] : vector<16xf32>, vector<16xi32> -> vector<16xf32>
      %parallel_loop3A_743 = arith.cmpf ogt, %parallel_loop3A_713, %parallel_loop3A_742 : vector<16xf32>
      %parallel_loop3A_744 = arith.select %parallel_loop3A_743, %broadcast_in_dim3A_49, %broadcast_in_dim3A_53 : vector<16xi1>, vector<16xi32>
      %parallel_loop3A_745 = arith.addi %parallel_loop3A_732, %parallel_loop3A_744 : vector<16xi32>
      %parallel_loop3A_746 = arith.constant 0 : i32
      %parallel_loop3A_747 = vector.broadcast %parallel_loop3A_746 : i32 to vector<16xi32>
      %parallel_loop3A_748 = arith.cmpi slt, %parallel_loop3A_745, %parallel_loop3A_747 : vector<16xi32>
      %parallel_loop3A_749 = arith.constant 16 : i32
      %parallel_loop3A_750 = vector.broadcast %parallel_loop3A_749 : i32 to vector<16xi32>
      %parallel_loop3A_751 = arith.addi %parallel_loop3A_745, %parallel_loop3A_750 : vector<16xi32>
      %parallel_loop3A_752 = arith.select %parallel_loop3A_748, %parallel_loop3A_751, %parallel_loop3A_745 : vector<16xi1>, vector<16xi32>
      %parallel_loop3A_753 = vector.shape_cast %parallel_loop3A_752 : vector<16xi32> to vector<16x1xi32>
      %parallel_loop3A_754 = vector.shape_cast %parallel_loop3A_753 : vector<16x1xi32> to vector<16xi32>
      %parallel_loop3A_755 = tpu.dynamic_gather %masked_sort3A_16[%parallel_loop3A_754] in [0] : vector<16xf32>, vector<16xi32> -> vector<16xf32>
      %parallel_loop3A_756 = arith.index_cast %parallel_loop3A_86 : i32 to index
      %parallel_loop3A_757 = arith.constant 208 : index
      %parallel_loop3A_758 = tpu.vector_load %arg6[%parallel_loop3A_756, %parallel_loop3A_757] {strides = array<i32>} : memref<48x384xf32, #tpu.memory_space<vmem>>, vector<16xf32>,
      tpu.vector_store %arg6[%parallel_loop3A_756, %parallel_loop3A_757], %parallel_loop3A_755 {strides = array<i32>} : memref<48x384xf32, #tpu.memory_space<vmem>>, vector<16xf32>,
      %parallel_loop3A_759 = arith.index_cast %parallel_loop3A_86 : i32 to index
      %parallel_loop3A_760 = arith.constant 224 : index
      %parallel_loop3A_761 = tpu.vector_load %arg6[%parallel_loop3A_759, %parallel_loop3A_760] {strides = array<i32>} : memref<48x384xf32, #tpu.memory_space<vmem>>, vector<16xf32>,
      %parallel_loop3A_762 = arith.cmpf ogt, %parallel_loop3A_761, %broadcast_in_dim3A : vector<16xf32>
      %parallel_loop3A_763 = arith.select %parallel_loop3A_762, %broadcast_in_dim3A_39, %broadcast_in_dim3A_36 : vector<16xi1>, vector<16xf32>
      %parallel_loop3A_764 = arith.cmpf ogt, %parallel_loop3A_761, %parallel_loop3A_763 : vector<16xf32>
      %parallel_loop3A_765 = arith.select %parallel_loop3A_762, %broadcast_in_dim3A_41, %broadcast_in_dim3A_43 : vector<16xi1>, vector<16xi32>
      %parallel_loop3A_766 = arith.select %parallel_loop3A_764, %broadcast_in_dim3A_45, %broadcast_in_dim3A_47 : vector<16xi1>, vector<16xi32>
      %parallel_loop3A_767 = arith.addi %parallel_loop3A_765, %parallel_loop3A_766 : vector<16xi32>
      %parallel_loop3A_768 = arith.constant 0 : i32
      %parallel_loop3A_769 = vector.broadcast %parallel_loop3A_768 : i32 to vector<16xi32>
      %parallel_loop3A_770 = arith.cmpi slt, %parallel_loop3A_767, %parallel_loop3A_769 : vector<16xi32>
      %parallel_loop3A_771 = arith.constant 16 : i32
      %parallel_loop3A_772 = vector.broadcast %parallel_loop3A_771 : i32 to vector<16xi32>
      %parallel_loop3A_773 = arith.addi %parallel_loop3A_767, %parallel_loop3A_772 : vector<16xi32>
      %parallel_loop3A_774 = arith.select %parallel_loop3A_770, %parallel_loop3A_773, %parallel_loop3A_767 : vector<16xi1>, vector<16xi32>
      %parallel_loop3A_775 = vector.shape_cast %parallel_loop3A_774 : vector<16xi32> to vector<16x1xi32>
      %parallel_loop3A_776 = vector.shape_cast %parallel_loop3A_775 : vector<16x1xi32> to vector<16xi32>
      %parallel_loop3A_777 = tpu.dynamic_gather %mul3A_33[%parallel_loop3A_776] in [0] : vector<16xf32>, vector<16xi32> -> vector<16xf32>
      %parallel_loop3A_778 = arith.cmpf ogt, %parallel_loop3A_761, %parallel_loop3A_777 : vector<16xf32>
      %parallel_loop3A_779 = arith.select %parallel_loop3A_778, %broadcast_in_dim3A_49, %broadcast_in_dim3A_51 : vector<16xi1>, vector<16xi32>
      %parallel_loop3A_780 = arith.addi %parallel_loop3A_767, %parallel_loop3A_779 : vector<16xi32>
      %parallel_loop3A_781 = arith.constant 0 : i32
      %parallel_loop3A_782 = vector.broadcast %parallel_loop3A_781 : i32 to vector<16xi32>
      %parallel_loop3A_783 = arith.cmpi slt, %parallel_loop3A_780, %parallel_loop3A_782 : vector<16xi32>
      %parallel_loop3A_784 = arith.constant 16 : i32
      %parallel_loop3A_785 = vector.broadcast %parallel_loop3A_784 : i32 to vector<16xi32>
      %parallel_loop3A_786 = arith.addi %parallel_loop3A_780, %parallel_loop3A_785 : vector<16xi32>
      %parallel_loop3A_787 = arith.select %parallel_loop3A_783, %parallel_loop3A_786, %parallel_loop3A_780 : vector<16xi1>, vector<16xi32>
      %parallel_loop3A_788 = vector.shape_cast %parallel_loop3A_787 : vector<16xi32> to vector<16x1xi32>
      %parallel_loop3A_789 = vector.shape_cast %parallel_loop3A_788 : vector<16x1xi32> to vector<16xi32>
      %parallel_loop3A_790 = tpu.dynamic_gather %mul3A_33[%parallel_loop3A_789] in [0] : vector<16xf32>, vector<16xi32> -> vector<16xf32>
      %parallel_loop3A_791 = arith.cmpf ogt, %parallel_loop3A_761, %parallel_loop3A_790 : vector<16xf32>
      %parallel_loop3A_792 = arith.select %parallel_loop3A_791, %broadcast_in_dim3A_49, %broadcast_in_dim3A_53 : vector<16xi1>, vector<16xi32>
      %parallel_loop3A_793 = arith.addi %parallel_loop3A_780, %parallel_loop3A_792 : vector<16xi32>
      %parallel_loop3A_794 = arith.constant 0 : i32
      %parallel_loop3A_795 = vector.broadcast %parallel_loop3A_794 : i32 to vector<16xi32>
      %parallel_loop3A_796 = arith.cmpi slt, %parallel_loop3A_793, %parallel_loop3A_795 : vector<16xi32>
      %parallel_loop3A_797 = arith.constant 16 : i32
      %parallel_loop3A_798 = vector.broadcast %parallel_loop3A_797 : i32 to vector<16xi32>
      %parallel_loop3A_799 = arith.addi %parallel_loop3A_793, %parallel_loop3A_798 : vector<16xi32>
      %parallel_loop3A_800 = arith.select %parallel_loop3A_796, %parallel_loop3A_799, %parallel_loop3A_793 : vector<16xi1>, vector<16xi32>
      %parallel_loop3A_801 = vector.shape_cast %parallel_loop3A_800 : vector<16xi32> to vector<16x1xi32>
      %parallel_loop3A_802 = vector.shape_cast %parallel_loop3A_801 : vector<16x1xi32> to vector<16xi32>
      %parallel_loop3A_803 = tpu.dynamic_gather %masked_sort3A_16[%parallel_loop3A_802] in [0] : vector<16xf32>, vector<16xi32> -> vector<16xf32>
      %parallel_loop3A_804 = arith.index_cast %parallel_loop3A_86 : i32 to index
      %parallel_loop3A_805 = arith.constant 224 : index
      %parallel_loop3A_806 = tpu.vector_load %arg6[%parallel_loop3A_804, %parallel_loop3A_805] {strides = array<i32>} : memref<48x384xf32, #tpu.memory_space<vmem>>, vector<16xf32>,
      tpu.vector_store %arg6[%parallel_loop3A_804, %parallel_loop3A_805], %parallel_loop3A_803 {strides = array<i32>} : memref<48x384xf32, #tpu.memory_space<vmem>>, vector<16xf32>,
      %parallel_loop3A_807 = arith.index_cast %parallel_loop3A_86 : i32 to index
      %parallel_loop3A_808 = arith.constant 240 : index
      %parallel_loop3A_809 = tpu.vector_load %arg6[%parallel_loop3A_807, %parallel_loop3A_808] {strides = array<i32>} : memref<48x384xf32, #tpu.memory_space<vmem>>, vector<16xf32>,
      %parallel_loop3A_810 = arith.cmpf ogt, %parallel_loop3A_809, %broadcast_in_dim3A : vector<16xf32>
      %parallel_loop3A_811 = arith.select %parallel_loop3A_810, %broadcast_in_dim3A_39, %broadcast_in_dim3A_36 : vector<16xi1>, vector<16xf32>
      %parallel_loop3A_812 = arith.cmpf ogt, %parallel_loop3A_809, %parallel_loop3A_811 : vector<16xf32>
      %parallel_loop3A_813 = arith.select %parallel_loop3A_810, %broadcast_in_dim3A_41, %broadcast_in_dim3A_43 : vector<16xi1>, vector<16xi32>
      %parallel_loop3A_814 = arith.select %parallel_loop3A_812, %broadcast_in_dim3A_45, %broadcast_in_dim3A_47 : vector<16xi1>, vector<16xi32>
      %parallel_loop3A_815 = arith.addi %parallel_loop3A_813, %parallel_loop3A_814 : vector<16xi32>
      %parallel_loop3A_816 = arith.constant 0 : i32
      %parallel_loop3A_817 = vector.broadcast %parallel_loop3A_816 : i32 to vector<16xi32>
      %parallel_loop3A_818 = arith.cmpi slt, %parallel_loop3A_815, %parallel_loop3A_817 : vector<16xi32>
      %parallel_loop3A_819 = arith.constant 16 : i32
      %parallel_loop3A_820 = vector.broadcast %parallel_loop3A_819 : i32 to vector<16xi32>
      %parallel_loop3A_821 = arith.addi %parallel_loop3A_815, %parallel_loop3A_820 : vector<16xi32>
      %parallel_loop3A_822 = arith.select %parallel_loop3A_818, %parallel_loop3A_821, %parallel_loop3A_815 : vector<16xi1>, vector<16xi32>
      %parallel_loop3A_823 = vector.shape_cast %parallel_loop3A_822 : vector<16xi32> to vector<16x1xi32>
      %parallel_loop3A_824 = vector.shape_cast %parallel_loop3A_823 : vector<16x1xi32> to vector<16xi32>
      %parallel_loop3A_825 = tpu.dynamic_gather %mul3A_33[%parallel_loop3A_824] in [0] : vector<16xf32>, vector<16xi32> -> vector<16xf32>
      %parallel_loop3A_826 = arith.cmpf ogt, %parallel_loop3A_809, %parallel_loop3A_825 : vector<16xf32>
      %parallel_loop3A_827 = arith.select %parallel_loop3A_826, %broadcast_in_dim3A_49, %broadcast_in_dim3A_51 : vector<16xi1>, vector<16xi32>
      %parallel_loop3A_828 = arith.addi %parallel_loop3A_815, %parallel_loop3A_827 : vector<16xi32>
      %parallel_loop3A_829 = arith.constant 0 : i32
      %parallel_loop3A_830 = vector.broadcast %parallel_loop3A_829 : i32 to vector<16xi32>
      %parallel_loop3A_831 = arith.cmpi slt, %parallel_loop3A_828, %parallel_loop3A_830 : vector<16xi32>
      %parallel_loop3A_832 = arith.constant 16 : i32
      %parallel_loop3A_833 = vector.broadcast %parallel_loop3A_832 : i32 to vector<16xi32>
      %parallel_loop3A_834 = arith.addi %parallel_loop3A_828, %parallel_loop3A_833 : vector<16xi32>
      %parallel_loop3A_835 = arith.select %parallel_loop3A_831, %parallel_loop3A_834, %parallel_loop3A_828 : vector<16xi1>, vector<16xi32>
      %parallel_loop3A_836 = vector.shape_cast %parallel_loop3A_835 : vector<16xi32> to vector<16x1xi32>
      %parallel_loop3A_837 = vector.shape_cast %parallel_loop3A_836 : vector<16x1xi32> to vector<16xi32>
      %parallel_loop3A_838 = tpu.dynamic_gather %mul3A_33[%parallel_loop3A_837] in [0] : vector<16xf32>, vector<16xi32> -> vector<16xf32>
      %parallel_loop3A_839 = arith.cmpf ogt, %parallel_loop3A_809, %parallel_loop3A_838 : vector<16xf32>
      %parallel_loop3A_840 = arith.select %parallel_loop3A_839, %broadcast_in_dim3A_49, %broadcast_in_dim3A_53 : vector<16xi1>, vector<16xi32>
      %parallel_loop3A_841 = arith.addi %parallel_loop3A_828, %parallel_loop3A_840 : vector<16xi32>
      %parallel_loop3A_842 = arith.constant 0 : i32
      %parallel_loop3A_843 = vector.broadcast %parallel_loop3A_842 : i32 to vector<16xi32>
      %parallel_loop3A_844 = arith.cmpi slt, %parallel_loop3A_841, %parallel_loop3A_843 : vector<16xi32>
      %parallel_loop3A_845 = arith.constant 16 : i32
      %parallel_loop3A_846 = vector.broadcast %parallel_loop3A_845 : i32 to vector<16xi32>
      %parallel_loop3A_847 = arith.addi %parallel_loop3A_841, %parallel_loop3A_846 : vector<16xi32>
      %parallel_loop3A_848 = arith.select %parallel_loop3A_844, %parallel_loop3A_847, %parallel_loop3A_841 : vector<16xi1>, vector<16xi32>
      %parallel_loop3A_849 = vector.shape_cast %parallel_loop3A_848 : vector<16xi32> to vector<16x1xi32>
      %parallel_loop3A_850 = vector.shape_cast %parallel_loop3A_849 : vector<16x1xi32> to vector<16xi32>
      %parallel_loop3A_851 = tpu.dynamic_gather %masked_sort3A_16[%parallel_loop3A_850] in [0] : vector<16xf32>, vector<16xi32> -> vector<16xf32>
      %parallel_loop3A_852 = arith.index_cast %parallel_loop3A_86 : i32 to index
      %parallel_loop3A_853 = arith.constant 240 : index
      %parallel_loop3A_854 = tpu.vector_load %arg6[%parallel_loop3A_852, %parallel_loop3A_853] {strides = array<i32>} : memref<48x384xf32, #tpu.memory_space<vmem>>, vector<16xf32>,
      tpu.vector_store %arg6[%parallel_loop3A_852, %parallel_loop3A_853], %parallel_loop3A_851 {strides = array<i32>} : memref<48x384xf32, #tpu.memory_space<vmem>>, vector<16xf32>,
      %parallel_loop3A_855 = arith.index_cast %parallel_loop3A_86 : i32 to index
      %parallel_loop3A_856 = arith.constant 256 : index
      %parallel_loop3A_857 = tpu.vector_load %arg6[%parallel_loop3A_855, %parallel_loop3A_856] {strides = array<i32>} : memref<48x384xf32, #tpu.memory_space<vmem>>, vector<16xf32>,
      %parallel_loop3A_858 = arith.cmpf ogt, %parallel_loop3A_857, %broadcast_in_dim3A : vector<16xf32>
      %parallel_loop3A_859 = arith.select %parallel_loop3A_858, %broadcast_in_dim3A_39, %broadcast_in_dim3A_36 : vector<16xi1>, vector<16xf32>
      %parallel_loop3A_860 = arith.cmpf ogt, %parallel_loop3A_857, %parallel_loop3A_859 : vector<16xf32>
      %parallel_loop3A_861 = arith.select %parallel_loop3A_858, %broadcast_in_dim3A_41, %broadcast_in_dim3A_43 : vector<16xi1>, vector<16xi32>
      %parallel_loop3A_862 = arith.select %parallel_loop3A_860, %broadcast_in_dim3A_45, %broadcast_in_dim3A_47 : vector<16xi1>, vector<16xi32>
      %parallel_loop3A_863 = arith.addi %parallel_loop3A_861, %parallel_loop3A_862 : vector<16xi32>
      %parallel_loop3A_864 = arith.constant 0 : i32
      %parallel_loop3A_865 = vector.broadcast %parallel_loop3A_864 : i32 to vector<16xi32>
      %parallel_loop3A_866 = arith.cmpi slt, %parallel_loop3A_863, %parallel_loop3A_865 : vector<16xi32>
      %parallel_loop3A_867 = arith.constant 16 : i32
      %parallel_loop3A_868 = vector.broadcast %parallel_loop3A_867 : i32 to vector<16xi32>
      %parallel_loop3A_869 = arith.addi %parallel_loop3A_863, %parallel_loop3A_868 : vector<16xi32>
      %parallel_loop3A_870 = arith.select %parallel_loop3A_866, %parallel_loop3A_869, %parallel_loop3A_863 : vector<16xi1>, vector<16xi32>
      %parallel_loop3A_871 = vector.shape_cast %parallel_loop3A_870 : vector<16xi32> to vector<16x1xi32>
      %parallel_loop3A_872 = vector.shape_cast %parallel_loop3A_871 : vector<16x1xi32> to vector<16xi32>
      %parallel_loop3A_873 = tpu.dynamic_gather %mul3A_33[%parallel_loop3A_872] in [0] : vector<16xf32>, vector<16xi32> -> vector<16xf32>
      %parallel_loop3A_874 = arith.cmpf ogt, %parallel_loop3A_857, %parallel_loop3A_873 : vector<16xf32>
      %parallel_loop3A_875 = arith.select %parallel_loop3A_874, %broadcast_in_dim3A_49, %broadcast_in_dim3A_51 : vector<16xi1>, vector<16xi32>
      %parallel_loop3A_876 = arith.addi %parallel_loop3A_863, %parallel_loop3A_875 : vector<16xi32>
      %parallel_loop3A_877 = arith.constant 0 : i32
      %parallel_loop3A_878 = vector.broadcast %parallel_loop3A_877 : i32 to vector<16xi32>
      %parallel_loop3A_879 = arith.cmpi slt, %parallel_loop3A_876, %parallel_loop3A_878 : vector<16xi32>
      %parallel_loop3A_880 = arith.constant 16 : i32
      %parallel_loop3A_881 = vector.broadcast %parallel_loop3A_880 : i32 to vector<16xi32>
      %parallel_loop3A_882 = arith.addi %parallel_loop3A_876, %parallel_loop3A_881 : vector<16xi32>
      %parallel_loop3A_883 = arith.select %parallel_loop3A_879, %parallel_loop3A_882, %parallel_loop3A_876 : vector<16xi1>, vector<16xi32>
      %parallel_loop3A_884 = vector.shape_cast %parallel_loop3A_883 : vector<16xi32> to vector<16x1xi32>
      %parallel_loop3A_885 = vector.shape_cast %parallel_loop3A_884 : vector<16x1xi32> to vector<16xi32>
      %parallel_loop3A_886 = tpu.dynamic_gather %mul3A_33[%parallel_loop3A_885] in [0] : vector<16xf32>, vector<16xi32> -> vector<16xf32>
      %parallel_loop3A_887 = arith.cmpf ogt, %parallel_loop3A_857, %parallel_loop3A_886 : vector<16xf32>
      %parallel_loop3A_888 = arith.select %parallel_loop3A_887, %broadcast_in_dim3A_49, %broadcast_in_dim3A_53 : vector<16xi1>, vector<16xi32>
      %parallel_loop3A_889 = arith.addi %parallel_loop3A_876, %parallel_loop3A_888 : vector<16xi32>
      %parallel_loop3A_890 = arith.constant 0 : i32
      %parallel_loop3A_891 = vector.broadcast %parallel_loop3A_890 : i32 to vector<16xi32>
      %parallel_loop3A_892 = arith.cmpi slt, %parallel_loop3A_889, %parallel_loop3A_891 : vector<16xi32>
      %parallel_loop3A_893 = arith.constant 16 : i32
      %parallel_loop3A_894 = vector.broadcast %parallel_loop3A_893 : i32 to vector<16xi32>
      %parallel_loop3A_895 = arith.addi %parallel_loop3A_889, %parallel_loop3A_894 : vector<16xi32>
      %parallel_loop3A_896 = arith.select %parallel_loop3A_892, %parallel_loop3A_895, %parallel_loop3A_889 : vector<16xi1>, vector<16xi32>
      %parallel_loop3A_897 = vector.shape_cast %parallel_loop3A_896 : vector<16xi32> to vector<16x1xi32>
      %parallel_loop3A_898 = vector.shape_cast %parallel_loop3A_897 : vector<16x1xi32> to vector<16xi32>
      %parallel_loop3A_899 = tpu.dynamic_gather %masked_sort3A_16[%parallel_loop3A_898] in [0] : vector<16xf32>, vector<16xi32> -> vector<16xf32>
      %parallel_loop3A_900 = arith.index_cast %parallel_loop3A_86 : i32 to index
      %parallel_loop3A_901 = arith.constant 256 : index
      %parallel_loop3A_902 = tpu.vector_load %arg6[%parallel_loop3A_900, %parallel_loop3A_901] {strides = array<i32>} : memref<48x384xf32, #tpu.memory_space<vmem>>, vector<16xf32>,
      tpu.vector_store %arg6[%parallel_loop3A_900, %parallel_loop3A_901], %parallel_loop3A_899 {strides = array<i32>} : memref<48x384xf32, #tpu.memory_space<vmem>>, vector<16xf32>,
      %parallel_loop3A_903 = arith.index_cast %parallel_loop3A_86 : i32 to index
      %parallel_loop3A_904 = arith.constant 272 : index
      %parallel_loop3A_905 = tpu.vector_load %arg6[%parallel_loop3A_903, %parallel_loop3A_904] {strides = array<i32>} : memref<48x384xf32, #tpu.memory_space<vmem>>, vector<16xf32>,
      %parallel_loop3A_906 = arith.cmpf ogt, %parallel_loop3A_905, %broadcast_in_dim3A : vector<16xf32>
      %parallel_loop3A_907 = arith.select %parallel_loop3A_906, %broadcast_in_dim3A_39, %broadcast_in_dim3A_36 : vector<16xi1>, vector<16xf32>
      %parallel_loop3A_908 = arith.cmpf ogt, %parallel_loop3A_905, %parallel_loop3A_907 : vector<16xf32>
      %parallel_loop3A_909 = arith.select %parallel_loop3A_906, %broadcast_in_dim3A_41, %broadcast_in_dim3A_43 : vector<16xi1>, vector<16xi32>
      %parallel_loop3A_910 = arith.select %parallel_loop3A_908, %broadcast_in_dim3A_45, %broadcast_in_dim3A_47 : vector<16xi1>, vector<16xi32>
      %parallel_loop3A_911 = arith.addi %parallel_loop3A_909, %parallel_loop3A_910 : vector<16xi32>
      %parallel_loop3A_912 = arith.constant 0 : i32
      %parallel_loop3A_913 = vector.broadcast %parallel_loop3A_912 : i32 to vector<16xi32>
      %parallel_loop3A_914 = arith.cmpi slt, %parallel_loop3A_911, %parallel_loop3A_913 : vector<16xi32>
      %parallel_loop3A_915 = arith.constant 16 : i32
      %parallel_loop3A_916 = vector.broadcast %parallel_loop3A_915 : i32 to vector<16xi32>
      %parallel_loop3A_917 = arith.addi %parallel_loop3A_911, %parallel_loop3A_916 : vector<16xi32>
      %parallel_loop3A_918 = arith.select %parallel_loop3A_914, %parallel_loop3A_917, %parallel_loop3A_911 : vector<16xi1>, vector<16xi32>
      %parallel_loop3A_919 = vector.shape_cast %parallel_loop3A_918 : vector<16xi32> to vector<16x1xi32>
      %parallel_loop3A_920 = vector.shape_cast %parallel_loop3A_919 : vector<16x1xi32> to vector<16xi32>
      %parallel_loop3A_921 = tpu.dynamic_gather %mul3A_33[%parallel_loop3A_920] in [0] : vector<16xf32>, vector<16xi32> -> vector<16xf32>
      %parallel_loop3A_922 = arith.cmpf ogt, %parallel_loop3A_905, %parallel_loop3A_921 : vector<16xf32>
      %parallel_loop3A_923 = arith.select %parallel_loop3A_922, %broadcast_in_dim3A_49, %broadcast_in_dim3A_51 : vector<16xi1>, vector<16xi32>
      %parallel_loop3A_924 = arith.addi %parallel_loop3A_911, %parallel_loop3A_923 : vector<16xi32>
      %parallel_loop3A_925 = arith.constant 0 : i32
      %parallel_loop3A_926 = vector.broadcast %parallel_loop3A_925 : i32 to vector<16xi32>
      %parallel_loop3A_927 = arith.cmpi slt, %parallel_loop3A_924, %parallel_loop3A_926 : vector<16xi32>
      %parallel_loop3A_928 = arith.constant 16 : i32
      %parallel_loop3A_929 = vector.broadcast %parallel_loop3A_928 : i32 to vector<16xi32>
      %parallel_loop3A_930 = arith.addi %parallel_loop3A_924, %parallel_loop3A_929 : vector<16xi32>
      %parallel_loop3A_931 = arith.select %parallel_loop3A_927, %parallel_loop3A_930, %parallel_loop3A_924 : vector<16xi1>, vector<16xi32>
      %parallel_loop3A_932 = vector.shape_cast %parallel_loop3A_931 : vector<16xi32> to vector<16x1xi32>
      %parallel_loop3A_933 = vector.shape_cast %parallel_loop3A_932 : vector<16x1xi32> to vector<16xi32>
      %parallel_loop3A_934 = tpu.dynamic_gather %mul3A_33[%parallel_loop3A_933] in [0] : vector<16xf32>, vector<16xi32> -> vector<16xf32>
      %parallel_loop3A_935 = arith.cmpf ogt, %parallel_loop3A_905, %parallel_loop3A_934 : vector<16xf32>
      %parallel_loop3A_936 = arith.select %parallel_loop3A_935, %broadcast_in_dim3A_49, %broadcast_in_dim3A_53 : vector<16xi1>, vector<16xi32>
      %parallel_loop3A_937 = arith.addi %parallel_loop3A_924, %parallel_loop3A_936 : vector<16xi32>
      %parallel_loop3A_938 = arith.constant 0 : i32
      %parallel_loop3A_939 = vector.broadcast %parallel_loop3A_938 : i32 to vector<16xi32>
      %parallel_loop3A_940 = arith.cmpi slt, %parallel_loop3A_937, %parallel_loop3A_939 : vector<16xi32>
      %parallel_loop3A_941 = arith.constant 16 : i32
      %parallel_loop3A_942 = vector.broadcast %parallel_loop3A_941 : i32 to vector<16xi32>
      %parallel_loop3A_943 = arith.addi %parallel_loop3A_937, %parallel_loop3A_942 : vector<16xi32>
      %parallel_loop3A_944 = arith.select %parallel_loop3A_940, %parallel_loop3A_943, %parallel_loop3A_937 : vector<16xi1>, vector<16xi32>
      %parallel_loop3A_945 = vector.shape_cast %parallel_loop3A_944 : vector<16xi32> to vector<16x1xi32>
      %parallel_loop3A_946 = vector.shape_cast %parallel_loop3A_945 : vector<16x1xi32> to vector<16xi32>
      %parallel_loop3A_947 = tpu.dynamic_gather %masked_sort3A_16[%parallel_loop3A_946] in [0] : vector<16xf32>, vector<16xi32> -> vector<16xf32>
      %parallel_loop3A_948 = arith.index_cast %parallel_loop3A_86 : i32 to index
      %parallel_loop3A_949 = arith.constant 272 : index
      %parallel_loop3A_950 = tpu.vector_load %arg6[%parallel_loop3A_948, %parallel_loop3A_949] {strides = array<i32>} : memref<48x384xf32, #tpu.memory_space<vmem>>, vector<16xf32>,
      tpu.vector_store %arg6[%parallel_loop3A_948, %parallel_loop3A_949], %parallel_loop3A_947 {strides = array<i32>} : memref<48x384xf32, #tpu.memory_space<vmem>>, vector<16xf32>,
      %parallel_loop3A_951 = arith.index_cast %parallel_loop3A_86 : i32 to index
      %parallel_loop3A_952 = arith.constant 288 : index
      %parallel_loop3A_953 = tpu.vector_load %arg6[%parallel_loop3A_951, %parallel_loop3A_952] {strides = array<i32>} : memref<48x384xf32, #tpu.memory_space<vmem>>, vector<16xf32>,
      %parallel_loop3A_954 = arith.cmpf ogt, %parallel_loop3A_953, %broadcast_in_dim3A : vector<16xf32>
      %parallel_loop3A_955 = arith.select %parallel_loop3A_954, %broadcast_in_dim3A_39, %broadcast_in_dim3A_36 : vector<16xi1>, vector<16xf32>
      %parallel_loop3A_956 = arith.cmpf ogt, %parallel_loop3A_953, %parallel_loop3A_955 : vector<16xf32>
      %parallel_loop3A_957 = arith.select %parallel_loop3A_954, %broadcast_in_dim3A_41, %broadcast_in_dim3A_43 : vector<16xi1>, vector<16xi32>
      %parallel_loop3A_958 = arith.select %parallel_loop3A_956, %broadcast_in_dim3A_45, %broadcast_in_dim3A_47 : vector<16xi1>, vector<16xi32>
      %parallel_loop3A_959 = arith.addi %parallel_loop3A_957, %parallel_loop3A_958 : vector<16xi32>
      %parallel_loop3A_960 = arith.constant 0 : i32
      %parallel_loop3A_961 = vector.broadcast %parallel_loop3A_960 : i32 to vector<16xi32>
      %parallel_loop3A_962 = arith.cmpi slt, %parallel_loop3A_959, %parallel_loop3A_961 : vector<16xi32>
      %parallel_loop3A_963 = arith.constant 16 : i32
      %parallel_loop3A_964 = vector.broadcast %parallel_loop3A_963 : i32 to vector<16xi32>
      %parallel_loop3A_965 = arith.addi %parallel_loop3A_959, %parallel_loop3A_964 : vector<16xi32>
      %parallel_loop3A_966 = arith.select %parallel_loop3A_962, %parallel_loop3A_965, %parallel_loop3A_959 : vector<16xi1>, vector<16xi32>
      %parallel_loop3A_967 = vector.shape_cast %parallel_loop3A_966 : vector<16xi32> to vector<16x1xi32>
      %parallel_loop3A_968 = vector.shape_cast %parallel_loop3A_967 : vector<16x1xi32> to vector<16xi32>
      %parallel_loop3A_969 = tpu.dynamic_gather %mul3A_33[%parallel_loop3A_968] in [0] : vector<16xf32>, vector<16xi32> -> vector<16xf32>
      %parallel_loop3A_970 = arith.cmpf ogt, %parallel_loop3A_953, %parallel_loop3A_969 : vector<16xf32>
      %parallel_loop3A_971 = arith.select %parallel_loop3A_970, %broadcast_in_dim3A_49, %broadcast_in_dim3A_51 : vector<16xi1>, vector<16xi32>
      %parallel_loop3A_972 = arith.addi %parallel_loop3A_959, %parallel_loop3A_971 : vector<16xi32>
      %parallel_loop3A_973 = arith.constant 0 : i32
      %parallel_loop3A_974 = vector.broadcast %parallel_loop3A_973 : i32 to vector<16xi32>
      %parallel_loop3A_975 = arith.cmpi slt, %parallel_loop3A_972, %parallel_loop3A_974 : vector<16xi32>
      %parallel_loop3A_976 = arith.constant 16 : i32
      %parallel_loop3A_977 = vector.broadcast %parallel_loop3A_976 : i32 to vector<16xi32>
      %parallel_loop3A_978 = arith.addi %parallel_loop3A_972, %parallel_loop3A_977 : vector<16xi32>
      %parallel_loop3A_979 = arith.select %parallel_loop3A_975, %parallel_loop3A_978, %parallel_loop3A_972 : vector<16xi1>, vector<16xi32>
      %parallel_loop3A_980 = vector.shape_cast %parallel_loop3A_979 : vector<16xi32> to vector<16x1xi32>
      %parallel_loop3A_981 = vector.shape_cast %parallel_loop3A_980 : vector<16x1xi32> to vector<16xi32>
      %parallel_loop3A_982 = tpu.dynamic_gather %mul3A_33[%parallel_loop3A_981] in [0] : vector<16xf32>, vector<16xi32> -> vector<16xf32>
      %parallel_loop3A_983 = arith.cmpf ogt, %parallel_loop3A_953, %parallel_loop3A_982 : vector<16xf32>
      %parallel_loop3A_984 = arith.select %parallel_loop3A_983, %broadcast_in_dim3A_49, %broadcast_in_dim3A_53 : vector<16xi1>, vector<16xi32>
      %parallel_loop3A_985 = arith.addi %parallel_loop3A_972, %parallel_loop3A_984 : vector<16xi32>
      %parallel_loop3A_986 = arith.constant 0 : i32
      %parallel_loop3A_987 = vector.broadcast %parallel_loop3A_986 : i32 to vector<16xi32>
      %parallel_loop3A_988 = arith.cmpi slt, %parallel_loop3A_985, %parallel_loop3A_987 : vector<16xi32>
      %parallel_loop3A_989 = arith.constant 16 : i32
      %parallel_loop3A_990 = vector.broadcast %parallel_loop3A_989 : i32 to vector<16xi32>
      %parallel_loop3A_991 = arith.addi %parallel_loop3A_985, %parallel_loop3A_990 : vector<16xi32>
      %parallel_loop3A_992 = arith.select %parallel_loop3A_988, %parallel_loop3A_991, %parallel_loop3A_985 : vector<16xi1>, vector<16xi32>
      %parallel_loop3A_993 = vector.shape_cast %parallel_loop3A_992 : vector<16xi32> to vector<16x1xi32>
      %parallel_loop3A_994 = vector.shape_cast %parallel_loop3A_993 : vector<16x1xi32> to vector<16xi32>
      %parallel_loop3A_995 = tpu.dynamic_gather %masked_sort3A_16[%parallel_loop3A_994] in [0] : vector<16xf32>, vector<16xi32> -> vector<16xf32>
      %parallel_loop3A_996 = arith.index_cast %parallel_loop3A_86 : i32 to index
      %parallel_loop3A_997 = arith.constant 288 : index
      %parallel_loop3A_998 = tpu.vector_load %arg6[%parallel_loop3A_996, %parallel_loop3A_997] {strides = array<i32>} : memref<48x384xf32, #tpu.memory_space<vmem>>, vector<16xf32>,
      tpu.vector_store %arg6[%parallel_loop3A_996, %parallel_loop3A_997], %parallel_loop3A_995 {strides = array<i32>} : memref<48x384xf32, #tpu.memory_space<vmem>>, vector<16xf32>,
      %parallel_loop3A_999 = arith.index_cast %parallel_loop3A_86 : i32 to index
      %parallel_loop3A_1000 = arith.constant 304 : index
      %parallel_loop3A_1001 = tpu.vector_load %arg6[%parallel_loop3A_999, %parallel_loop3A_1000] {strides = array<i32>} : memref<48x384xf32, #tpu.memory_space<vmem>>, vector<16xf32>,
      %parallel_loop3A_1002 = arith.cmpf ogt, %parallel_loop3A_1001, %broadcast_in_dim3A : vector<16xf32>
      %parallel_loop3A_1003 = arith.select %parallel_loop3A_1002, %broadcast_in_dim3A_39, %broadcast_in_dim3A_36 : vector<16xi1>, vector<16xf32>
      %parallel_loop3A_1004 = arith.cmpf ogt, %parallel_loop3A_1001, %parallel_loop3A_1003 : vector<16xf32>
      %parallel_loop3A_1005 = arith.select %parallel_loop3A_1002, %broadcast_in_dim3A_41, %broadcast_in_dim3A_43 : vector<16xi1>, vector<16xi32>
      %parallel_loop3A_1006 = arith.select %parallel_loop3A_1004, %broadcast_in_dim3A_45, %broadcast_in_dim3A_47 : vector<16xi1>, vector<16xi32>
      %parallel_loop3A_1007 = arith.addi %parallel_loop3A_1005, %parallel_loop3A_1006 : vector<16xi32>
      %parallel_loop3A_1008 = arith.constant 0 : i32
      %parallel_loop3A_1009 = vector.broadcast %parallel_loop3A_1008 : i32 to vector<16xi32>
      %parallel_loop3A_1010 = arith.cmpi slt, %parallel_loop3A_1007, %parallel_loop3A_1009 : vector<16xi32>
      %parallel_loop3A_1011 = arith.constant 16 : i32
      %parallel_loop3A_1012 = vector.broadcast %parallel_loop3A_1011 : i32 to vector<16xi32>
      %parallel_loop3A_1013 = arith.addi %parallel_loop3A_1007, %parallel_loop3A_1012 : vector<16xi32>
      %parallel_loop3A_1014 = arith.select %parallel_loop3A_1010, %parallel_loop3A_1013, %parallel_loop3A_1007 : vector<16xi1>, vector<16xi32>
      %parallel_loop3A_1015 = vector.shape_cast %parallel_loop3A_1014 : vector<16xi32> to vector<16x1xi32>
      %parallel_loop3A_1016 = vector.shape_cast %parallel_loop3A_1015 : vector<16x1xi32> to vector<16xi32>
      %parallel_loop3A_1017 = tpu.dynamic_gather %mul3A_33[%parallel_loop3A_1016] in [0] : vector<16xf32>, vector<16xi32> -> vector<16xf32>
      %parallel_loop3A_1018 = arith.cmpf ogt, %parallel_loop3A_1001, %parallel_loop3A_1017 : vector<16xf32>
      %parallel_loop3A_1019 = arith.select %parallel_loop3A_1018, %broadcast_in_dim3A_49, %broadcast_in_dim3A_51 : vector<16xi1>, vector<16xi32>
      %parallel_loop3A_1020 = arith.addi %parallel_loop3A_1007, %parallel_loop3A_1019 : vector<16xi32>
      %parallel_loop3A_1021 = arith.constant 0 : i32
      %parallel_loop3A_1022 = vector.broadcast %parallel_loop3A_1021 : i32 to vector<16xi32>
      %parallel_loop3A_1023 = arith.cmpi slt, %parallel_loop3A_1020, %parallel_loop3A_1022 : vector<16xi32>
      %parallel_loop3A_1024 = arith.constant 16 : i32
      %parallel_loop3A_1025 = vector.broadcast %parallel_loop3A_1024 : i32 to vector<16xi32>
      %parallel_loop3A_1026 = arith.addi %parallel_loop3A_1020, %parallel_loop3A_1025 : vector<16xi32>
      %parallel_loop3A_1027 = arith.select %parallel_loop3A_1023, %parallel_loop3A_1026, %parallel_loop3A_1020 : vector<16xi1>, vector<16xi32>
      %parallel_loop3A_1028 = vector.shape_cast %parallel_loop3A_1027 : vector<16xi32> to vector<16x1xi32>
      %parallel_loop3A_1029 = vector.shape_cast %parallel_loop3A_1028 : vector<16x1xi32> to vector<16xi32>
      %parallel_loop3A_1030 = tpu.dynamic_gather %mul3A_33[%parallel_loop3A_1029] in [0] : vector<16xf32>, vector<16xi32> -> vector<16xf32>
      %parallel_loop3A_1031 = arith.cmpf ogt, %parallel_loop3A_1001, %parallel_loop3A_1030 : vector<16xf32>
      %parallel_loop3A_1032 = arith.select %parallel_loop3A_1031, %broadcast_in_dim3A_49, %broadcast_in_dim3A_53 : vector<16xi1>, vector<16xi32>
      %parallel_loop3A_1033 = arith.addi %parallel_loop3A_1020, %parallel_loop3A_1032 : vector<16xi32>
      %parallel_loop3A_1034 = arith.constant 0 : i32
      %parallel_loop3A_1035 = vector.broadcast %parallel_loop3A_1034 : i32 to vector<16xi32>
      %parallel_loop3A_1036 = arith.cmpi slt, %parallel_loop3A_1033, %parallel_loop3A_1035 : vector<16xi32>
      %parallel_loop3A_1037 = arith.constant 16 : i32
      %parallel_loop3A_1038 = vector.broadcast %parallel_loop3A_1037 : i32 to vector<16xi32>
      %parallel_loop3A_1039 = arith.addi %parallel_loop3A_1033, %parallel_loop3A_1038 : vector<16xi32>
      %parallel_loop3A_1040 = arith.select %parallel_loop3A_1036, %parallel_loop3A_1039, %parallel_loop3A_1033 : vector<16xi1>, vector<16xi32>
      %parallel_loop3A_1041 = vector.shape_cast %parallel_loop3A_1040 : vector<16xi32> to vector<16x1xi32>
      %parallel_loop3A_1042 = vector.shape_cast %parallel_loop3A_1041 : vector<16x1xi32> to vector<16xi32>
      %parallel_loop3A_1043 = tpu.dynamic_gather %masked_sort3A_16[%parallel_loop3A_1042] in [0] : vector<16xf32>, vector<16xi32> -> vector<16xf32>
      %parallel_loop3A_1044 = arith.index_cast %parallel_loop3A_86 : i32 to index
      %parallel_loop3A_1045 = arith.constant 304 : index
      %parallel_loop3A_1046 = tpu.vector_load %arg6[%parallel_loop3A_1044, %parallel_loop3A_1045] {strides = array<i32>} : memref<48x384xf32, #tpu.memory_space<vmem>>, vector<16xf32>,
      tpu.vector_store %arg6[%parallel_loop3A_1044, %parallel_loop3A_1045], %parallel_loop3A_1043 {strides = array<i32>} : memref<48x384xf32, #tpu.memory_space<vmem>>, vector<16xf32>,
      %parallel_loop3A_1047 = arith.index_cast %parallel_loop3A_86 : i32 to index
      %parallel_loop3A_1048 = arith.constant 320 : index
      %parallel_loop3A_1049 = tpu.vector_load %arg6[%parallel_loop3A_1047, %parallel_loop3A_1048] {strides = array<i32>} : memref<48x384xf32, #tpu.memory_space<vmem>>, vector<16xf32>,
      %parallel_loop3A_1050 = arith.cmpf ogt, %parallel_loop3A_1049, %broadcast_in_dim3A : vector<16xf32>
      %parallel_loop3A_1051 = arith.select %parallel_loop3A_1050, %broadcast_in_dim3A_39, %broadcast_in_dim3A_36 : vector<16xi1>, vector<16xf32>
      %parallel_loop3A_1052 = arith.cmpf ogt, %parallel_loop3A_1049, %parallel_loop3A_1051 : vector<16xf32>
      %parallel_loop3A_1053 = arith.select %parallel_loop3A_1050, %broadcast_in_dim3A_41, %broadcast_in_dim3A_43 : vector<16xi1>, vector<16xi32>
      %parallel_loop3A_1054 = arith.select %parallel_loop3A_1052, %broadcast_in_dim3A_45, %broadcast_in_dim3A_47 : vector<16xi1>, vector<16xi32>
      %parallel_loop3A_1055 = arith.addi %parallel_loop3A_1053, %parallel_loop3A_1054 : vector<16xi32>
      %parallel_loop3A_1056 = arith.constant 0 : i32
      %parallel_loop3A_1057 = vector.broadcast %parallel_loop3A_1056 : i32 to vector<16xi32>
      %parallel_loop3A_1058 = arith.cmpi slt, %parallel_loop3A_1055, %parallel_loop3A_1057 : vector<16xi32>
      %parallel_loop3A_1059 = arith.constant 16 : i32
      %parallel_loop3A_1060 = vector.broadcast %parallel_loop3A_1059 : i32 to vector<16xi32>
      %parallel_loop3A_1061 = arith.addi %parallel_loop3A_1055, %parallel_loop3A_1060 : vector<16xi32>
      %parallel_loop3A_1062 = arith.select %parallel_loop3A_1058, %parallel_loop3A_1061, %parallel_loop3A_1055 : vector<16xi1>, vector<16xi32>
      %parallel_loop3A_1063 = vector.shape_cast %parallel_loop3A_1062 : vector<16xi32> to vector<16x1xi32>
      %parallel_loop3A_1064 = vector.shape_cast %parallel_loop3A_1063 : vector<16x1xi32> to vector<16xi32>
      %parallel_loop3A_1065 = tpu.dynamic_gather %mul3A_33[%parallel_loop3A_1064] in [0] : vector<16xf32>, vector<16xi32> -> vector<16xf32>
      %parallel_loop3A_1066 = arith.cmpf ogt, %parallel_loop3A_1049, %parallel_loop3A_1065 : vector<16xf32>
      %parallel_loop3A_1067 = arith.select %parallel_loop3A_1066, %broadcast_in_dim3A_49, %broadcast_in_dim3A_51 : vector<16xi1>, vector<16xi32>
      %parallel_loop3A_1068 = arith.addi %parallel_loop3A_1055, %parallel_loop3A_1067 : vector<16xi32>
      %parallel_loop3A_1069 = arith.constant 0 : i32
      %parallel_loop3A_1070 = vector.broadcast %parallel_loop3A_1069 : i32 to vector<16xi32>
      %parallel_loop3A_1071 = arith.cmpi slt, %parallel_loop3A_1068, %parallel_loop3A_1070 : vector<16xi32>
      %parallel_loop3A_1072 = arith.constant 16 : i32
      %parallel_loop3A_1073 = vector.broadcast %parallel_loop3A_1072 : i32 to vector<16xi32>
      %parallel_loop3A_1074 = arith.addi %parallel_loop3A_1068, %parallel_loop3A_1073 : vector<16xi32>
      %parallel_loop3A_1075 = arith.select %parallel_loop3A_1071, %parallel_loop3A_1074, %parallel_loop3A_1068 : vector<16xi1>, vector<16xi32>
      %parallel_loop3A_1076 = vector.shape_cast %parallel_loop3A_1075 : vector<16xi32> to vector<16x1xi32>
      %parallel_loop3A_1077 = vector.shape_cast %parallel_loop3A_1076 : vector<16x1xi32> to vector<16xi32>
      %parallel_loop3A_1078 = tpu.dynamic_gather %mul3A_33[%parallel_loop3A_1077] in [0] : vector<16xf32>, vector<16xi32> -> vector<16xf32>
      %parallel_loop3A_1079 = arith.cmpf ogt, %parallel_loop3A_1049, %parallel_loop3A_1078 : vector<16xf32>
      %parallel_loop3A_1080 = arith.select %parallel_loop3A_1079, %broadcast_in_dim3A_49, %broadcast_in_dim3A_53 : vector<16xi1>, vector<16xi32>
      %parallel_loop3A_1081 = arith.addi %parallel_loop3A_1068, %parallel_loop3A_1080 : vector<16xi32>
      %parallel_loop3A_1082 = arith.constant 0 : i32
      %parallel_loop3A_1083 = vector.broadcast %parallel_loop3A_1082 : i32 to vector<16xi32>
      %parallel_loop3A_1084 = arith.cmpi slt, %parallel_loop3A_1081, %parallel_loop3A_1083 : vector<16xi32>
      %parallel_loop3A_1085 = arith.constant 16 : i32
      %parallel_loop3A_1086 = vector.broadcast %parallel_loop3A_1085 : i32 to vector<16xi32>
      %parallel_loop3A_1087 = arith.addi %parallel_loop3A_1081, %parallel_loop3A_1086 : vector<16xi32>
      %parallel_loop3A_1088 = arith.select %parallel_loop3A_1084, %parallel_loop3A_1087, %parallel_loop3A_1081 : vector<16xi1>, vector<16xi32>
      %parallel_loop3A_1089 = vector.shape_cast %parallel_loop3A_1088 : vector<16xi32> to vector<16x1xi32>
      %parallel_loop3A_1090 = vector.shape_cast %parallel_loop3A_1089 : vector<16x1xi32> to vector<16xi32>
      %parallel_loop3A_1091 = tpu.dynamic_gather %masked_sort3A_16[%parallel_loop3A_1090] in [0] : vector<16xf32>, vector<16xi32> -> vector<16xf32>
      %parallel_loop3A_1092 = arith.index_cast %parallel_loop3A_86 : i32 to index
      %parallel_loop3A_1093 = arith.constant 320 : index
      %parallel_loop3A_1094 = tpu.vector_load %arg6[%parallel_loop3A_1092, %parallel_loop3A_1093] {strides = array<i32>} : memref<48x384xf32, #tpu.memory_space<vmem>>, vector<16xf32>,
      tpu.vector_store %arg6[%parallel_loop3A_1092, %parallel_loop3A_1093], %parallel_loop3A_1091 {strides = array<i32>} : memref<48x384xf32, #tpu.memory_space<vmem>>, vector<16xf32>,
      %parallel_loop3A_1095 = arith.index_cast %parallel_loop3A_86 : i32 to index
      %parallel_loop3A_1096 = arith.constant 336 : index
      %parallel_loop3A_1097 = tpu.vector_load %arg6[%parallel_loop3A_1095, %parallel_loop3A_1096] {strides = array<i32>} : memref<48x384xf32, #tpu.memory_space<vmem>>, vector<16xf32>,
      %parallel_loop3A_1098 = arith.cmpf ogt, %parallel_loop3A_1097, %broadcast_in_dim3A : vector<16xf32>
      %parallel_loop3A_1099 = arith.select %parallel_loop3A_1098, %broadcast_in_dim3A_39, %broadcast_in_dim3A_36 : vector<16xi1>, vector<16xf32>
      %parallel_loop3A_1100 = arith.cmpf ogt, %parallel_loop3A_1097, %parallel_loop3A_1099 : vector<16xf32>
      %parallel_loop3A_1101 = arith.select %parallel_loop3A_1098, %broadcast_in_dim3A_41, %broadcast_in_dim3A_43 : vector<16xi1>, vector<16xi32>
      %parallel_loop3A_1102 = arith.select %parallel_loop3A_1100, %broadcast_in_dim3A_45, %broadcast_in_dim3A_47 : vector<16xi1>, vector<16xi32>
      %parallel_loop3A_1103 = arith.addi %parallel_loop3A_1101, %parallel_loop3A_1102 : vector<16xi32>
      %parallel_loop3A_1104 = arith.constant 0 : i32
      %parallel_loop3A_1105 = vector.broadcast %parallel_loop3A_1104 : i32 to vector<16xi32>
      %parallel_loop3A_1106 = arith.cmpi slt, %parallel_loop3A_1103, %parallel_loop3A_1105 : vector<16xi32>
      %parallel_loop3A_1107 = arith.constant 16 : i32
      %parallel_loop3A_1108 = vector.broadcast %parallel_loop3A_1107 : i32 to vector<16xi32>
      %parallel_loop3A_1109 = arith.addi %parallel_loop3A_1103, %parallel_loop3A_1108 : vector<16xi32>
      %parallel_loop3A_1110 = arith.select %parallel_loop3A_1106, %parallel_loop3A_1109, %parallel_loop3A_1103 : vector<16xi1>, vector<16xi32>
      %parallel_loop3A_1111 = vector.shape_cast %parallel_loop3A_1110 : vector<16xi32> to vector<16x1xi32>
      %parallel_loop3A_1112 = vector.shape_cast %parallel_loop3A_1111 : vector<16x1xi32> to vector<16xi32>
      %parallel_loop3A_1113 = tpu.dynamic_gather %mul3A_33[%parallel_loop3A_1112] in [0] : vector<16xf32>, vector<16xi32> -> vector<16xf32>
      %parallel_loop3A_1114 = arith.cmpf ogt, %parallel_loop3A_1097, %parallel_loop3A_1113 : vector<16xf32>
      %parallel_loop3A_1115 = arith.select %parallel_loop3A_1114, %broadcast_in_dim3A_49, %broadcast_in_dim3A_51 : vector<16xi1>, vector<16xi32>
      %parallel_loop3A_1116 = arith.addi %parallel_loop3A_1103, %parallel_loop3A_1115 : vector<16xi32>
      %parallel_loop3A_1117 = arith.constant 0 : i32
      %parallel_loop3A_1118 = vector.broadcast %parallel_loop3A_1117 : i32 to vector<16xi32>
      %parallel_loop3A_1119 = arith.cmpi slt, %parallel_loop3A_1116, %parallel_loop3A_1118 : vector<16xi32>
      %parallel_loop3A_1120 = arith.constant 16 : i32
      %parallel_loop3A_1121 = vector.broadcast %parallel_loop3A_1120 : i32 to vector<16xi32>
      %parallel_loop3A_1122 = arith.addi %parallel_loop3A_1116, %parallel_loop3A_1121 : vector<16xi32>
      %parallel_loop3A_1123 = arith.select %parallel_loop3A_1119, %parallel_loop3A_1122, %parallel_loop3A_1116 : vector<16xi1>, vector<16xi32>
      %parallel_loop3A_1124 = vector.shape_cast %parallel_loop3A_1123 : vector<16xi32> to vector<16x1xi32>
      %parallel_loop3A_1125 = vector.shape_cast %parallel_loop3A_1124 : vector<16x1xi32> to vector<16xi32>
      %parallel_loop3A_1126 = tpu.dynamic_gather %mul3A_33[%parallel_loop3A_1125] in [0] : vector<16xf32>, vector<16xi32> -> vector<16xf32>
      %parallel_loop3A_1127 = arith.cmpf ogt, %parallel_loop3A_1097, %parallel_loop3A_1126 : vector<16xf32>
      %parallel_loop3A_1128 = arith.select %parallel_loop3A_1127, %broadcast_in_dim3A_49, %broadcast_in_dim3A_53 : vector<16xi1>, vector<16xi32>
      %parallel_loop3A_1129 = arith.addi %parallel_loop3A_1116, %parallel_loop3A_1128 : vector<16xi32>
      %parallel_loop3A_1130 = arith.constant 0 : i32
      %parallel_loop3A_1131 = vector.broadcast %parallel_loop3A_1130 : i32 to vector<16xi32>
      %parallel_loop3A_1132 = arith.cmpi slt, %parallel_loop3A_1129, %parallel_loop3A_1131 : vector<16xi32>
      %parallel_loop3A_1133 = arith.constant 16 : i32
      %parallel_loop3A_1134 = vector.broadcast %parallel_loop3A_1133 : i32 to vector<16xi32>
      %parallel_loop3A_1135 = arith.addi %parallel_loop3A_1129, %parallel_loop3A_1134 : vector<16xi32>
      %parallel_loop3A_1136 = arith.select %parallel_loop3A_1132, %parallel_loop3A_1135, %parallel_loop3A_1129 : vector<16xi1>, vector<16xi32>
      %parallel_loop3A_1137 = vector.shape_cast %parallel_loop3A_1136 : vector<16xi32> to vector<16x1xi32>
      %parallel_loop3A_1138 = vector.shape_cast %parallel_loop3A_1137 : vector<16x1xi32> to vector<16xi32>
      %parallel_loop3A_1139 = tpu.dynamic_gather %masked_sort3A_16[%parallel_loop3A_1138] in [0] : vector<16xf32>, vector<16xi32> -> vector<16xf32>
      %parallel_loop3A_1140 = arith.index_cast %parallel_loop3A_86 : i32 to index
      %parallel_loop3A_1141 = arith.constant 336 : index
      %parallel_loop3A_1142 = tpu.vector_load %arg6[%parallel_loop3A_1140, %parallel_loop3A_1141] {strides = array<i32>} : memref<48x384xf32, #tpu.memory_space<vmem>>, vector<16xf32>,
      tpu.vector_store %arg6[%parallel_loop3A_1140, %parallel_loop3A_1141], %parallel_loop3A_1139 {strides = array<i32>} : memref<48x384xf32, #tpu.memory_space<vmem>>, vector<16xf32>,
      %parallel_loop3A_1143 = arith.index_cast %parallel_loop3A_86 : i32 to index
      %parallel_loop3A_1144 = arith.constant 352 : index
      %parallel_loop3A_1145 = tpu.vector_load %arg6[%parallel_loop3A_1143, %parallel_loop3A_1144] {strides = array<i32>} : memref<48x384xf32, #tpu.memory_space<vmem>>, vector<16xf32>,
      %parallel_loop3A_1146 = arith.cmpf ogt, %parallel_loop3A_1145, %broadcast_in_dim3A : vector<16xf32>
      %parallel_loop3A_1147 = arith.select %parallel_loop3A_1146, %broadcast_in_dim3A_39, %broadcast_in_dim3A_36 : vector<16xi1>, vector<16xf32>
      %parallel_loop3A_1148 = arith.cmpf ogt, %parallel_loop3A_1145, %parallel_loop3A_1147 : vector<16xf32>
      %parallel_loop3A_1149 = arith.select %parallel_loop3A_1146, %broadcast_in_dim3A_41, %broadcast_in_dim3A_43 : vector<16xi1>, vector<16xi32>
      %parallel_loop3A_1150 = arith.select %parallel_loop3A_1148, %broadcast_in_dim3A_45, %broadcast_in_dim3A_47 : vector<16xi1>, vector<16xi32>
      %parallel_loop3A_1151 = arith.addi %parallel_loop3A_1149, %parallel_loop3A_1150 : vector<16xi32>
      %parallel_loop3A_1152 = arith.constant 0 : i32
      %parallel_loop3A_1153 = vector.broadcast %parallel_loop3A_1152 : i32 to vector<16xi32>
      %parallel_loop3A_1154 = arith.cmpi slt, %parallel_loop3A_1151, %parallel_loop3A_1153 : vector<16xi32>
      %parallel_loop3A_1155 = arith.constant 16 : i32
      %parallel_loop3A_1156 = vector.broadcast %parallel_loop3A_1155 : i32 to vector<16xi32>
      %parallel_loop3A_1157 = arith.addi %parallel_loop3A_1151, %parallel_loop3A_1156 : vector<16xi32>
      %parallel_loop3A_1158 = arith.select %parallel_loop3A_1154, %parallel_loop3A_1157, %parallel_loop3A_1151 : vector<16xi1>, vector<16xi32>
      %parallel_loop3A_1159 = vector.shape_cast %parallel_loop3A_1158 : vector<16xi32> to vector<16x1xi32>
      %parallel_loop3A_1160 = vector.shape_cast %parallel_loop3A_1159 : vector<16x1xi32> to vector<16xi32>
      %parallel_loop3A_1161 = tpu.dynamic_gather %mul3A_33[%parallel_loop3A_1160] in [0] : vector<16xf32>, vector<16xi32> -> vector<16xf32>
      %parallel_loop3A_1162 = arith.cmpf ogt, %parallel_loop3A_1145, %parallel_loop3A_1161 : vector<16xf32>
      %parallel_loop3A_1163 = arith.select %parallel_loop3A_1162, %broadcast_in_dim3A_49, %broadcast_in_dim3A_51 : vector<16xi1>, vector<16xi32>
      %parallel_loop3A_1164 = arith.addi %parallel_loop3A_1151, %parallel_loop3A_1163 : vector<16xi32>
      %parallel_loop3A_1165 = arith.constant 0 : i32
      %parallel_loop3A_1166 = vector.broadcast %parallel_loop3A_1165 : i32 to vector<16xi32>
      %parallel_loop3A_1167 = arith.cmpi slt, %parallel_loop3A_1164, %parallel_loop3A_1166 : vector<16xi32>
      %parallel_loop3A_1168 = arith.constant 16 : i32
      %parallel_loop3A_1169 = vector.broadcast %parallel_loop3A_1168 : i32 to vector<16xi32>
      %parallel_loop3A_1170 = arith.addi %parallel_loop3A_1164, %parallel_loop3A_1169 : vector<16xi32>
      %parallel_loop3A_1171 = arith.select %parallel_loop3A_1167, %parallel_loop3A_1170, %parallel_loop3A_1164 : vector<16xi1>, vector<16xi32>
      %parallel_loop3A_1172 = vector.shape_cast %parallel_loop3A_1171 : vector<16xi32> to vector<16x1xi32>
      %parallel_loop3A_1173 = vector.shape_cast %parallel_loop3A_1172 : vector<16x1xi32> to vector<16xi32>
      %parallel_loop3A_1174 = tpu.dynamic_gather %mul3A_33[%parallel_loop3A_1173] in [0] : vector<16xf32>, vector<16xi32> -> vector<16xf32>
      %parallel_loop3A_1175 = arith.cmpf ogt, %parallel_loop3A_1145, %parallel_loop3A_1174 : vector<16xf32>
      %parallel_loop3A_1176 = arith.select %parallel_loop3A_1175, %broadcast_in_dim3A_49, %broadcast_in_dim3A_53 : vector<16xi1>, vector<16xi32>
      %parallel_loop3A_1177 = arith.addi %parallel_loop3A_1164, %parallel_loop3A_1176 : vector<16xi32>
      %parallel_loop3A_1178 = arith.constant 0 : i32
      %parallel_loop3A_1179 = vector.broadcast %parallel_loop3A_1178 : i32 to vector<16xi32>
      %parallel_loop3A_1180 = arith.cmpi slt, %parallel_loop3A_1177, %parallel_loop3A_1179 : vector<16xi32>
      %parallel_loop3A_1181 = arith.constant 16 : i32
      %parallel_loop3A_1182 = vector.broadcast %parallel_loop3A_1181 : i32 to vector<16xi32>
      %parallel_loop3A_1183 = arith.addi %parallel_loop3A_1177, %parallel_loop3A_1182 : vector<16xi32>
      %parallel_loop3A_1184 = arith.select %parallel_loop3A_1180, %parallel_loop3A_1183, %parallel_loop3A_1177 : vector<16xi1>, vector<16xi32>
      %parallel_loop3A_1185 = vector.shape_cast %parallel_loop3A_1184 : vector<16xi32> to vector<16x1xi32>
      %parallel_loop3A_1186 = vector.shape_cast %parallel_loop3A_1185 : vector<16x1xi32> to vector<16xi32>
      %parallel_loop3A_1187 = tpu.dynamic_gather %masked_sort3A_16[%parallel_loop3A_1186] in [0] : vector<16xf32>, vector<16xi32> -> vector<16xf32>
      %parallel_loop3A_1188 = arith.index_cast %parallel_loop3A_86 : i32 to index
      %parallel_loop3A_1189 = arith.constant 352 : index
      %parallel_loop3A_1190 = tpu.vector_load %arg6[%parallel_loop3A_1188, %parallel_loop3A_1189] {strides = array<i32>} : memref<48x384xf32, #tpu.memory_space<vmem>>, vector<16xf32>,
      tpu.vector_store %arg6[%parallel_loop3A_1188, %parallel_loop3A_1189], %parallel_loop3A_1187 {strides = array<i32>} : memref<48x384xf32, #tpu.memory_space<vmem>>, vector<16xf32>,
      %parallel_loop3A_1191 = arith.index_cast %parallel_loop3A_86 : i32 to index
      %parallel_loop3A_1192 = arith.constant 368 : index
      %parallel_loop3A_1193 = tpu.vector_load %arg6[%parallel_loop3A_1191, %parallel_loop3A_1192] {strides = array<i32>} : memref<48x384xf32, #tpu.memory_space<vmem>>, vector<16xf32>,
      %parallel_loop3A_1194 = arith.cmpf ogt, %parallel_loop3A_1193, %broadcast_in_dim3A : vector<16xf32>
      %parallel_loop3A_1195 = arith.select %parallel_loop3A_1194, %broadcast_in_dim3A_39, %broadcast_in_dim3A_36 : vector<16xi1>, vector<16xf32>
      %parallel_loop3A_1196 = arith.cmpf ogt, %parallel_loop3A_1193, %parallel_loop3A_1195 : vector<16xf32>
      %parallel_loop3A_1197 = arith.select %parallel_loop3A_1194, %broadcast_in_dim3A_41, %broadcast_in_dim3A_43 : vector<16xi1>, vector<16xi32>
      %parallel_loop3A_1198 = arith.select %parallel_loop3A_1196, %broadcast_in_dim3A_45, %broadcast_in_dim3A_47 : vector<16xi1>, vector<16xi32>
      %parallel_loop3A_1199 = arith.addi %parallel_loop3A_1197, %parallel_loop3A_1198 : vector<16xi32>
      %parallel_loop3A_1200 = arith.constant 0 : i32
      %parallel_loop3A_1201 = vector.broadcast %parallel_loop3A_1200 : i32 to vector<16xi32>
      %parallel_loop3A_1202 = arith.cmpi slt, %parallel_loop3A_1199, %parallel_loop3A_1201 : vector<16xi32>
      %parallel_loop3A_1203 = arith.constant 16 : i32
      %parallel_loop3A_1204 = vector.broadcast %parallel_loop3A_1203 : i32 to vector<16xi32>
      %parallel_loop3A_1205 = arith.addi %parallel_loop3A_1199, %parallel_loop3A_1204 : vector<16xi32>
      %parallel_loop3A_1206 = arith.select %parallel_loop3A_1202, %parallel_loop3A_1205, %parallel_loop3A_1199 : vector<16xi1>, vector<16xi32>
      %parallel_loop3A_1207 = vector.shape_cast %parallel_loop3A_1206 : vector<16xi32> to vector<16x1xi32>
      %parallel_loop3A_1208 = vector.shape_cast %parallel_loop3A_1207 : vector<16x1xi32> to vector<16xi32>
      %parallel_loop3A_1209 = tpu.dynamic_gather %mul3A_33[%parallel_loop3A_1208] in [0] : vector<16xf32>, vector<16xi32> -> vector<16xf32>
      %parallel_loop3A_1210 = arith.cmpf ogt, %parallel_loop3A_1193, %parallel_loop3A_1209 : vector<16xf32>
      %parallel_loop3A_1211 = arith.select %parallel_loop3A_1210, %broadcast_in_dim3A_49, %broadcast_in_dim3A_51 : vector<16xi1>, vector<16xi32>
      %parallel_loop3A_1212 = arith.addi %parallel_loop3A_1199, %parallel_loop3A_1211 : vector<16xi32>
      %parallel_loop3A_1213 = arith.constant 0 : i32
      %parallel_loop3A_1214 = vector.broadcast %parallel_loop3A_1213 : i32 to vector<16xi32>
      %parallel_loop3A_1215 = arith.cmpi slt, %parallel_loop3A_1212, %parallel_loop3A_1214 : vector<16xi32>
      %parallel_loop3A_1216 = arith.constant 16 : i32
      %parallel_loop3A_1217 = vector.broadcast %parallel_loop3A_1216 : i32 to vector<16xi32>
      %parallel_loop3A_1218 = arith.addi %parallel_loop3A_1212, %parallel_loop3A_1217 : vector<16xi32>
      %parallel_loop3A_1219 = arith.select %parallel_loop3A_1215, %parallel_loop3A_1218, %parallel_loop3A_1212 : vector<16xi1>, vector<16xi32>
      %parallel_loop3A_1220 = vector.shape_cast %parallel_loop3A_1219 : vector<16xi32> to vector<16x1xi32>
      %parallel_loop3A_1221 = vector.shape_cast %parallel_loop3A_1220 : vector<16x1xi32> to vector<16xi32>
      %parallel_loop3A_1222 = tpu.dynamic_gather %mul3A_33[%parallel_loop3A_1221] in [0] : vector<16xf32>, vector<16xi32> -> vector<16xf32>
      %parallel_loop3A_1223 = arith.cmpf ogt, %parallel_loop3A_1193, %parallel_loop3A_1222 : vector<16xf32>
      %parallel_loop3A_1224 = arith.select %parallel_loop3A_1223, %broadcast_in_dim3A_49, %broadcast_in_dim3A_53 : vector<16xi1>, vector<16xi32>
      %parallel_loop3A_1225 = arith.addi %parallel_loop3A_1212, %parallel_loop3A_1224 : vector<16xi32>
      %parallel_loop3A_1226 = arith.constant 0 : i32
      %parallel_loop3A_1227 = vector.broadcast %parallel_loop3A_1226 : i32 to vector<16xi32>
      %parallel_loop3A_1228 = arith.cmpi slt, %parallel_loop3A_1225, %parallel_loop3A_1227 : vector<16xi32>
      %parallel_loop3A_1229 = arith.constant 16 : i32
      %parallel_loop3A_1230 = vector.broadcast %parallel_loop3A_1229 : i32 to vector<16xi32>
      %parallel_loop3A_1231 = arith.addi %parallel_loop3A_1225, %parallel_loop3A_1230 : vector<16xi32>
      %parallel_loop3A_1232 = arith.select %parallel_loop3A_1228, %parallel_loop3A_1231, %parallel_loop3A_1225 : vector<16xi1>, vector<16xi32>
      %parallel_loop3A_1233 = vector.shape_cast %parallel_loop3A_1232 : vector<16xi32> to vector<16x1xi32>
      %parallel_loop3A_1234 = vector.shape_cast %parallel_loop3A_1233 : vector<16x1xi32> to vector<16xi32>
      %parallel_loop3A_1235 = tpu.dynamic_gather %masked_sort3A_16[%parallel_loop3A_1234] in [0] : vector<16xf32>, vector<16xi32> -> vector<16xf32>
      %parallel_loop3A_1236 = arith.index_cast %parallel_loop3A_86 : i32 to index
      %parallel_loop3A_1237 = arith.constant 368 : index
      %parallel_loop3A_1238 = tpu.vector_load %arg6[%parallel_loop3A_1236, %parallel_loop3A_1237] {strides = array<i32>} : memref<48x384xf32, #tpu.memory_space<vmem>>, vector<16xf32>,
      tpu.vector_store %arg6[%parallel_loop3A_1236, %parallel_loop3A_1237], %parallel_loop3A_1235 {strides = array<i32>} : memref<48x384xf32, #tpu.memory_space<vmem>>, vector<16xf32>,
    } {sc.loop_unroll_factor = 4 : i64, sc.parallel_access}
    %add3A_59 = arith.constant 0 : i32
    %add3A_60 = arith.addi %mul3A_2, %add3A_59 : i32
    %dma_start3A_61 = arith.constant 0 : i32
    %dma_start3A_62 = tpu.memref_slice %arg4[%add3A_60, %dma_start3A_61] : memref<3072x384xf32, #tpu.memory_space<hbm>> -> memref<48x384xf32, #tpu.memory_space<hbm>>
    %dma_start3A_63 = arith.constant 0 : i32
    %dma_start3A_64 = tpu.memref_slice %arg4[%add3A_60, %dma_start3A_63] : memref<3072x384xf32, #tpu.memory_space<hbm>> -> memref<48x384xf32, #tpu.memory_space<hbm>>
    tpu.enqueue_dma source(%arg6 : memref<48x384xf32, #tpu.memory_space<vmem>>) target(%dma_start3A_64 : memref<48x384xf32, #tpu.memory_space<hbm>>) target_semaphore(%arg10 : memref<!tpu.dma_semaphore, #tpu.memory_space<semaphore_mem>>)
    %dma_wait3A_65 = arith.constant 0 : i32
    %dma_wait3A_66 = tpu.memref_slice %arg2[%add3A_9, %dma_wait3A_65] : memref<8192x384xf32, #tpu.memory_space<hbm>> -> memref<48x384xf32, #tpu.memory_space<hbm>>
    %dma_wait3A_67 = arith.constant 0 : i32
    %dma_wait3A_68 = tpu.memref_slice %arg2[%add3A_9, %dma_wait3A_67] : memref<8192x384xf32, #tpu.memory_space<hbm>> -> memref<48x384xf32, #tpu.memory_space<hbm>>
    tpu.wait_dma2 semaphore(%arg9 : memref<!tpu.dma_semaphore, #tpu.memory_space<semaphore_mem>>) src(%dma_wait3A_68 : memref<48x384xf32, #tpu.memory_space<hbm>>) dst(%arg7 : memref<48x384xf32, #tpu.memory_space<vmem>>)
    %parallel_loop3A_69 = arith.constant 0 : i32
    %parallel_loop3A_70 = arith.constant 48 : i32
    %parallel_loop3A_71 = arith.constant 1 : i32
    scf.for %parallel_loop3A_86 = %parallel_loop3A_69 to %parallel_loop3A_70 step %parallel_loop3A_71  : i32 {
      %parallel_loop3A_87 = arith.index_cast %parallel_loop3A_86 : i32 to index
      %parallel_loop3A_88 = arith.constant 0 : index
      %parallel_loop3A_89 = tpu.vector_load %arg7[%parallel_loop3A_87, %parallel_loop3A_88] {strides = array<i32>} : memref<48x384xf32, #tpu.memory_space<vmem>>, vector<16xf32>,
      %parallel_loop3A_90 = arith.cmpf ogt, %parallel_loop3A_89, %broadcast_in_dim3A : vector<16xf32>
      %parallel_loop3A_91 = arith.select %parallel_loop3A_90, %broadcast_in_dim3A_39, %broadcast_in_dim3A_36 : vector<16xi1>, vector<16xf32>
      %parallel_loop3A_92 = arith.cmpf ogt, %parallel_loop3A_89, %parallel_loop3A_91 : vector<16xf32>
      %parallel_loop3A_93 = arith.select %parallel_loop3A_90, %broadcast_in_dim3A_41, %broadcast_in_dim3A_43 : vector<16xi1>, vector<16xi32>
      %parallel_loop3A_94 = arith.select %parallel_loop3A_92, %broadcast_in_dim3A_45, %broadcast_in_dim3A_47 : vector<16xi1>, vector<16xi32>
      %parallel_loop3A_95 = arith.addi %parallel_loop3A_93, %parallel_loop3A_94 : vector<16xi32>
      %parallel_loop3A_96 = arith.constant 0 : i32
      %parallel_loop3A_97 = vector.broadcast %parallel_loop3A_96 : i32 to vector<16xi32>
      %parallel_loop3A_98 = arith.cmpi slt, %parallel_loop3A_95, %parallel_loop3A_97 : vector<16xi32>
      %parallel_loop3A_99 = arith.constant 16 : i32
      %parallel_loop3A_100 = vector.broadcast %parallel_loop3A_99 : i32 to vector<16xi32>
      %parallel_loop3A_101 = arith.addi %parallel_loop3A_95, %parallel_loop3A_100 : vector<16xi32>
      %parallel_loop3A_102 = arith.select %parallel_loop3A_98, %parallel_loop3A_101, %parallel_loop3A_95 : vector<16xi1>, vector<16xi32>
      %parallel_loop3A_103 = vector.shape_cast %parallel_loop3A_102 : vector<16xi32> to vector<16x1xi32>
      %parallel_loop3A_104 = vector.shape_cast %parallel_loop3A_103 : vector<16x1xi32> to vector<16xi32>
      %parallel_loop3A_105 = tpu.dynamic_gather %mul3A_33[%parallel_loop3A_104] in [0] : vector<16xf32>, vector<16xi32> -> vector<16xf32>
      %parallel_loop3A_106 = arith.cmpf ogt, %parallel_loop3A_89, %parallel_loop3A_105 : vector<16xf32>
      %parallel_loop3A_107 = arith.select %parallel_loop3A_106, %broadcast_in_dim3A_49, %broadcast_in_dim3A_51 : vector<16xi1>, vector<16xi32>
      %parallel_loop3A_108 = arith.addi %parallel_loop3A_95, %parallel_loop3A_107 : vector<16xi32>
      %parallel_loop3A_109 = arith.constant 0 : i32
      %parallel_loop3A_110 = vector.broadcast %parallel_loop3A_109 : i32 to vector<16xi32>
      %parallel_loop3A_111 = arith.cmpi slt, %parallel_loop3A_108, %parallel_loop3A_110 : vector<16xi32>
      %parallel_loop3A_112 = arith.constant 16 : i32
      %parallel_loop3A_113 = vector.broadcast %parallel_loop3A_112 : i32 to vector<16xi32>
      %parallel_loop3A_114 = arith.addi %parallel_loop3A_108, %parallel_loop3A_113 : vector<16xi32>
      %parallel_loop3A_115 = arith.select %parallel_loop3A_111, %parallel_loop3A_114, %parallel_loop3A_108 : vector<16xi1>, vector<16xi32>
      %parallel_loop3A_116 = vector.shape_cast %parallel_loop3A_115 : vector<16xi32> to vector<16x1xi32>
      %parallel_loop3A_117 = vector.shape_cast %parallel_loop3A_116 : vector<16x1xi32> to vector<16xi32>
      %parallel_loop3A_118 = tpu.dynamic_gather %mul3A_33[%parallel_loop3A_117] in [0] : vector<16xf32>, vector<16xi32> -> vector<16xf32>
      %parallel_loop3A_119 = arith.cmpf ogt, %parallel_loop3A_89, %parallel_loop3A_118 : vector<16xf32>
      %parallel_loop3A_120 = arith.select %parallel_loop3A_119, %broadcast_in_dim3A_49, %broadcast_in_dim3A_53 : vector<16xi1>, vector<16xi32>
      %parallel_loop3A_121 = arith.addi %parallel_loop3A_108, %parallel_loop3A_120 : vector<16xi32>
      %parallel_loop3A_122 = arith.constant 0 : i32
      %parallel_loop3A_123 = vector.broadcast %parallel_loop3A_122 : i32 to vector<16xi32>
      %parallel_loop3A_124 = arith.cmpi slt, %parallel_loop3A_121, %parallel_loop3A_123 : vector<16xi32>
      %parallel_loop3A_125 = arith.constant 16 : i32
      %parallel_loop3A_126 = vector.broadcast %parallel_loop3A_125 : i32 to vector<16xi32>
      %parallel_loop3A_127 = arith.addi %parallel_loop3A_121, %parallel_loop3A_126 : vector<16xi32>
      %parallel_loop3A_128 = arith.select %parallel_loop3A_124, %parallel_loop3A_127, %parallel_loop3A_121 : vector<16xi1>, vector<16xi32>
      %parallel_loop3A_129 = vector.shape_cast %parallel_loop3A_128 : vector<16xi32> to vector<16x1xi32>
      %parallel_loop3A_130 = vector.shape_cast %parallel_loop3A_129 : vector<16x1xi32> to vector<16xi32>
      %parallel_loop3A_131 = tpu.dynamic_gather %masked_sort3A_16[%parallel_loop3A_130] in [0] : vector<16xf32>, vector<16xi32> -> vector<16xf32>
      %parallel_loop3A_132 = arith.index_cast %parallel_loop3A_86 : i32 to index
      %parallel_loop3A_133 = arith.constant 0 : index
      %parallel_loop3A_134 = tpu.vector_load %arg7[%parallel_loop3A_132, %parallel_loop3A_133] {strides = array<i32>} : memref<48x384xf32, #tpu.memory_space<vmem>>, vector<16xf32>,
      tpu.vector_store %arg7[%parallel_loop3A_132, %parallel_loop3A_133], %parallel_loop3A_131 {strides = array<i32>} : memref<48x384xf32, #tpu.memory_space<vmem>>, vector<16xf32>,
      %parallel_loop3A_135 = arith.index_cast %parallel_loop3A_86 : i32 to index
      %parallel_loop3A_136 = arith.constant 16 : index
      %parallel_loop3A_137 = tpu.vector_load %arg7[%parallel_loop3A_135, %parallel_loop3A_136] {strides = array<i32>} : memref<48x384xf32, #tpu.memory_space<vmem>>, vector<16xf32>,
      %parallel_loop3A_138 = arith.cmpf ogt, %parallel_loop3A_137, %broadcast_in_dim3A : vector<16xf32>
      %parallel_loop3A_139 = arith.select %parallel_loop3A_138, %broadcast_in_dim3A_39, %broadcast_in_dim3A_36 : vector<16xi1>, vector<16xf32>
      %parallel_loop3A_140 = arith.cmpf ogt, %parallel_loop3A_137, %parallel_loop3A_139 : vector<16xf32>
      %parallel_loop3A_141 = arith.select %parallel_loop3A_138, %broadcast_in_dim3A_41, %broadcast_in_dim3A_43 : vector<16xi1>, vector<16xi32>
      %parallel_loop3A_142 = arith.select %parallel_loop3A_140, %broadcast_in_dim3A_45, %broadcast_in_dim3A_47 : vector<16xi1>, vector<16xi32>
      %parallel_loop3A_143 = arith.addi %parallel_loop3A_141, %parallel_loop3A_142 : vector<16xi32>
      %parallel_loop3A_144 = arith.constant 0 : i32
      %parallel_loop3A_145 = vector.broadcast %parallel_loop3A_144 : i32 to vector<16xi32>
      %parallel_loop3A_146 = arith.cmpi slt, %parallel_loop3A_143, %parallel_loop3A_145 : vector<16xi32>
      %parallel_loop3A_147 = arith.constant 16 : i32
      %parallel_loop3A_148 = vector.broadcast %parallel_loop3A_147 : i32 to vector<16xi32>
      %parallel_loop3A_149 = arith.addi %parallel_loop3A_143, %parallel_loop3A_148 : vector<16xi32>
      %parallel_loop3A_150 = arith.select %parallel_loop3A_146, %parallel_loop3A_149, %parallel_loop3A_143 : vector<16xi1>, vector<16xi32>
      %parallel_loop3A_151 = vector.shape_cast %parallel_loop3A_150 : vector<16xi32> to vector<16x1xi32>
      %parallel_loop3A_152 = vector.shape_cast %parallel_loop3A_151 : vector<16x1xi32> to vector<16xi32>
      %parallel_loop3A_153 = tpu.dynamic_gather %mul3A_33[%parallel_loop3A_152] in [0] : vector<16xf32>, vector<16xi32> -> vector<16xf32>
      %parallel_loop3A_154 = arith.cmpf ogt, %parallel_loop3A_137, %parallel_loop3A_153 : vector<16xf32>
      %parallel_loop3A_155 = arith.select %parallel_loop3A_154, %broadcast_in_dim3A_49, %broadcast_in_dim3A_51 : vector<16xi1>, vector<16xi32>
      %parallel_loop3A_156 = arith.addi %parallel_loop3A_143, %parallel_loop3A_155 : vector<16xi32>
      %parallel_loop3A_157 = arith.constant 0 : i32
      %parallel_loop3A_158 = vector.broadcast %parallel_loop3A_157 : i32 to vector<16xi32>
      %parallel_loop3A_159 = arith.cmpi slt, %parallel_loop3A_156, %parallel_loop3A_158 : vector<16xi32>
      %parallel_loop3A_160 = arith.constant 16 : i32
      %parallel_loop3A_161 = vector.broadcast %parallel_loop3A_160 : i32 to vector<16xi32>
      %parallel_loop3A_162 = arith.addi %parallel_loop3A_156, %parallel_loop3A_161 : vector<16xi32>
      %parallel_loop3A_163 = arith.select %parallel_loop3A_159, %parallel_loop3A_162, %parallel_loop3A_156 : vector<16xi1>, vector<16xi32>
      %parallel_loop3A_164 = vector.shape_cast %parallel_loop3A_163 : vector<16xi32> to vector<16x1xi32>
      %parallel_loop3A_165 = vector.shape_cast %parallel_loop3A_164 : vector<16x1xi32> to vector<16xi32>
      %parallel_loop3A_166 = tpu.dynamic_gather %mul3A_33[%parallel_loop3A_165] in [0] : vector<16xf32>, vector<16xi32> -> vector<16xf32>
      %parallel_loop3A_167 = arith.cmpf ogt, %parallel_loop3A_137, %parallel_loop3A_166 : vector<16xf32>
      %parallel_loop3A_168 = arith.select %parallel_loop3A_167, %broadcast_in_dim3A_49, %broadcast_in_dim3A_53 : vector<16xi1>, vector<16xi32>
      %parallel_loop3A_169 = arith.addi %parallel_loop3A_156, %parallel_loop3A_168 : vector<16xi32>
      %parallel_loop3A_170 = arith.constant 0 : i32
      %parallel_loop3A_171 = vector.broadcast %parallel_loop3A_170 : i32 to vector<16xi32>
      %parallel_loop3A_172 = arith.cmpi slt, %parallel_loop3A_169, %parallel_loop3A_171 : vector<16xi32>
      %parallel_loop3A_173 = arith.constant 16 : i32
      %parallel_loop3A_174 = vector.broadcast %parallel_loop3A_173 : i32 to vector<16xi32>
      %parallel_loop3A_175 = arith.addi %parallel_loop3A_169, %parallel_loop3A_174 : vector<16xi32>
      %parallel_loop3A_176 = arith.select %parallel_loop3A_172, %parallel_loop3A_175, %parallel_loop3A_169 : vector<16xi1>, vector<16xi32>
      %parallel_loop3A_177 = vector.shape_cast %parallel_loop3A_176 : vector<16xi32> to vector<16x1xi32>
      %parallel_loop3A_178 = vector.shape_cast %parallel_loop3A_177 : vector<16x1xi32> to vector<16xi32>
      %parallel_loop3A_179 = tpu.dynamic_gather %masked_sort3A_16[%parallel_loop3A_178] in [0] : vector<16xf32>, vector<16xi32> -> vector<16xf32>
      %parallel_loop3A_180 = arith.index_cast %parallel_loop3A_86 : i32 to index
      %parallel_loop3A_181 = arith.constant 16 : index
      %parallel_loop3A_182 = tpu.vector_load %arg7[%parallel_loop3A_180, %parallel_loop3A_181] {strides = array<i32>} : memref<48x384xf32, #tpu.memory_space<vmem>>, vector<16xf32>,
      tpu.vector_store %arg7[%parallel_loop3A_180, %parallel_loop3A_181], %parallel_loop3A_179 {strides = array<i32>} : memref<48x384xf32, #tpu.memory_space<vmem>>, vector<16xf32>,
      %parallel_loop3A_183 = arith.index_cast %parallel_loop3A_86 : i32 to index
      %parallel_loop3A_184 = arith.constant 32 : index
      %parallel_loop3A_185 = tpu.vector_load %arg7[%parallel_loop3A_183, %parallel_loop3A_184] {strides = array<i32>} : memref<48x384xf32, #tpu.memory_space<vmem>>, vector<16xf32>,
      %parallel_loop3A_186 = arith.cmpf ogt, %parallel_loop3A_185, %broadcast_in_dim3A : vector<16xf32>
      %parallel_loop3A_187 = arith.select %parallel_loop3A_186, %broadcast_in_dim3A_39, %broadcast_in_dim3A_36 : vector<16xi1>, vector<16xf32>
      %parallel_loop3A_188 = arith.cmpf ogt, %parallel_loop3A_185, %parallel_loop3A_187 : vector<16xf32>
      %parallel_loop3A_189 = arith.select %parallel_loop3A_186, %broadcast_in_dim3A_41, %broadcast_in_dim3A_43 : vector<16xi1>, vector<16xi32>
      %parallel_loop3A_190 = arith.select %parallel_loop3A_188, %broadcast_in_dim3A_45, %broadcast_in_dim3A_47 : vector<16xi1>, vector<16xi32>
      %parallel_loop3A_191 = arith.addi %parallel_loop3A_189, %parallel_loop3A_190 : vector<16xi32>
      %parallel_loop3A_192 = arith.constant 0 : i32
      %parallel_loop3A_193 = vector.broadcast %parallel_loop3A_192 : i32 to vector<16xi32>
      %parallel_loop3A_194 = arith.cmpi slt, %parallel_loop3A_191, %parallel_loop3A_193 : vector<16xi32>
      %parallel_loop3A_195 = arith.constant 16 : i32
      %parallel_loop3A_196 = vector.broadcast %parallel_loop3A_195 : i32 to vector<16xi32>
      %parallel_loop3A_197 = arith.addi %parallel_loop3A_191, %parallel_loop3A_196 : vector<16xi32>
      %parallel_loop3A_198 = arith.select %parallel_loop3A_194, %parallel_loop3A_197, %parallel_loop3A_191 : vector<16xi1>, vector<16xi32>
      %parallel_loop3A_199 = vector.shape_cast %parallel_loop3A_198 : vector<16xi32> to vector<16x1xi32>
      %parallel_loop3A_200 = vector.shape_cast %parallel_loop3A_199 : vector<16x1xi32> to vector<16xi32>
      %parallel_loop3A_201 = tpu.dynamic_gather %mul3A_33[%parallel_loop3A_200] in [0] : vector<16xf32>, vector<16xi32> -> vector<16xf32>
      %parallel_loop3A_202 = arith.cmpf ogt, %parallel_loop3A_185, %parallel_loop3A_201 : vector<16xf32>
      %parallel_loop3A_203 = arith.select %parallel_loop3A_202, %broadcast_in_dim3A_49, %broadcast_in_dim3A_51 : vector<16xi1>, vector<16xi32>
      %parallel_loop3A_204 = arith.addi %parallel_loop3A_191, %parallel_loop3A_203 : vector<16xi32>
      %parallel_loop3A_205 = arith.constant 0 : i32
      %parallel_loop3A_206 = vector.broadcast %parallel_loop3A_205 : i32 to vector<16xi32>
      %parallel_loop3A_207 = arith.cmpi slt, %parallel_loop3A_204, %parallel_loop3A_206 : vector<16xi32>
      %parallel_loop3A_208 = arith.constant 16 : i32
      %parallel_loop3A_209 = vector.broadcast %parallel_loop3A_208 : i32 to vector<16xi32>
      %parallel_loop3A_210 = arith.addi %parallel_loop3A_204, %parallel_loop3A_209 : vector<16xi32>
      %parallel_loop3A_211 = arith.select %parallel_loop3A_207, %parallel_loop3A_210, %parallel_loop3A_204 : vector<16xi1>, vector<16xi32>
      %parallel_loop3A_212 = vector.shape_cast %parallel_loop3A_211 : vector<16xi32> to vector<16x1xi32>
      %parallel_loop3A_213 = vector.shape_cast %parallel_loop3A_212 : vector<16x1xi32> to vector<16xi32>
      %parallel_loop3A_214 = tpu.dynamic_gather %mul3A_33[%parallel_loop3A_213] in [0] : vector<16xf32>, vector<16xi32> -> vector<16xf32>
      %parallel_loop3A_215 = arith.cmpf ogt, %parallel_loop3A_185, %parallel_loop3A_214 : vector<16xf32>
      %parallel_loop3A_216 = arith.select %parallel_loop3A_215, %broadcast_in_dim3A_49, %broadcast_in_dim3A_53 : vector<16xi1>, vector<16xi32>
      %parallel_loop3A_217 = arith.addi %parallel_loop3A_204, %parallel_loop3A_216 : vector<16xi32>
      %parallel_loop3A_218 = arith.constant 0 : i32
      %parallel_loop3A_219 = vector.broadcast %parallel_loop3A_218 : i32 to vector<16xi32>
      %parallel_loop3A_220 = arith.cmpi slt, %parallel_loop3A_217, %parallel_loop3A_219 : vector<16xi32>
      %parallel_loop3A_221 = arith.constant 16 : i32
      %parallel_loop3A_222 = vector.broadcast %parallel_loop3A_221 : i32 to vector<16xi32>
      %parallel_loop3A_223 = arith.addi %parallel_loop3A_217, %parallel_loop3A_222 : vector<16xi32>
      %parallel_loop3A_224 = arith.select %parallel_loop3A_220, %parallel_loop3A_223, %parallel_loop3A_217 : vector<16xi1>, vector<16xi32>
      %parallel_loop3A_225 = vector.shape_cast %parallel_loop3A_224 : vector<16xi32> to vector<16x1xi32>
      %parallel_loop3A_226 = vector.shape_cast %parallel_loop3A_225 : vector<16x1xi32> to vector<16xi32>
      %parallel_loop3A_227 = tpu.dynamic_gather %masked_sort3A_16[%parallel_loop3A_226] in [0] : vector<16xf32>, vector<16xi32> -> vector<16xf32>
      %parallel_loop3A_228 = arith.index_cast %parallel_loop3A_86 : i32 to index
      %parallel_loop3A_229 = arith.constant 32 : index
      %parallel_loop3A_230 = tpu.vector_load %arg7[%parallel_loop3A_228, %parallel_loop3A_229] {strides = array<i32>} : memref<48x384xf32, #tpu.memory_space<vmem>>, vector<16xf32>,
      tpu.vector_store %arg7[%parallel_loop3A_228, %parallel_loop3A_229], %parallel_loop3A_227 {strides = array<i32>} : memref<48x384xf32, #tpu.memory_space<vmem>>, vector<16xf32>,
      %parallel_loop3A_231 = arith.index_cast %parallel_loop3A_86 : i32 to index
      %parallel_loop3A_232 = arith.constant 48 : index
      %parallel_loop3A_233 = tpu.vector_load %arg7[%parallel_loop3A_231, %parallel_loop3A_232] {strides = array<i32>} : memref<48x384xf32, #tpu.memory_space<vmem>>, vector<16xf32>,
      %parallel_loop3A_234 = arith.cmpf ogt, %parallel_loop3A_233, %broadcast_in_dim3A : vector<16xf32>
      %parallel_loop3A_235 = arith.select %parallel_loop3A_234, %broadcast_in_dim3A_39, %broadcast_in_dim3A_36 : vector<16xi1>, vector<16xf32>
      %parallel_loop3A_236 = arith.cmpf ogt, %parallel_loop3A_233, %parallel_loop3A_235 : vector<16xf32>
      %parallel_loop3A_237 = arith.select %parallel_loop3A_234, %broadcast_in_dim3A_41, %broadcast_in_dim3A_43 : vector<16xi1>, vector<16xi32>
      %parallel_loop3A_238 = arith.select %parallel_loop3A_236, %broadcast_in_dim3A_45, %broadcast_in_dim3A_47 : vector<16xi1>, vector<16xi32>
      %parallel_loop3A_239 = arith.addi %parallel_loop3A_237, %parallel_loop3A_238 : vector<16xi32>
      %parallel_loop3A_240 = arith.constant 0 : i32
      %parallel_loop3A_241 = vector.broadcast %parallel_loop3A_240 : i32 to vector<16xi32>
      %parallel_loop3A_242 = arith.cmpi slt, %parallel_loop3A_239, %parallel_loop3A_241 : vector<16xi32>
      %parallel_loop3A_243 = arith.constant 16 : i32
      %parallel_loop3A_244 = vector.broadcast %parallel_loop3A_243 : i32 to vector<16xi32>
      %parallel_loop3A_245 = arith.addi %parallel_loop3A_239, %parallel_loop3A_244 : vector<16xi32>
      %parallel_loop3A_246 = arith.select %parallel_loop3A_242, %parallel_loop3A_245, %parallel_loop3A_239 : vector<16xi1>, vector<16xi32>
      %parallel_loop3A_247 = vector.shape_cast %parallel_loop3A_246 : vector<16xi32> to vector<16x1xi32>
      %parallel_loop3A_248 = vector.shape_cast %parallel_loop3A_247 : vector<16x1xi32> to vector<16xi32>
      %parallel_loop3A_249 = tpu.dynamic_gather %mul3A_33[%parallel_loop3A_248] in [0] : vector<16xf32>, vector<16xi32> -> vector<16xf32>
      %parallel_loop3A_250 = arith.cmpf ogt, %parallel_loop3A_233, %parallel_loop3A_249 : vector<16xf32>
      %parallel_loop3A_251 = arith.select %parallel_loop3A_250, %broadcast_in_dim3A_49, %broadcast_in_dim3A_51 : vector<16xi1>, vector<16xi32>
      %parallel_loop3A_252 = arith.addi %parallel_loop3A_239, %parallel_loop3A_251 : vector<16xi32>
      %parallel_loop3A_253 = arith.constant 0 : i32
      %parallel_loop3A_254 = vector.broadcast %parallel_loop3A_253 : i32 to vector<16xi32>
      %parallel_loop3A_255 = arith.cmpi slt, %parallel_loop3A_252, %parallel_loop3A_254 : vector<16xi32>
      %parallel_loop3A_256 = arith.constant 16 : i32
      %parallel_loop3A_257 = vector.broadcast %parallel_loop3A_256 : i32 to vector<16xi32>
      %parallel_loop3A_258 = arith.addi %parallel_loop3A_252, %parallel_loop3A_257 : vector<16xi32>
      %parallel_loop3A_259 = arith.select %parallel_loop3A_255, %parallel_loop3A_258, %parallel_loop3A_252 : vector<16xi1>, vector<16xi32>
      %parallel_loop3A_260 = vector.shape_cast %parallel_loop3A_259 : vector<16xi32> to vector<16x1xi32>
      %parallel_loop3A_261 = vector.shape_cast %parallel_loop3A_260 : vector<16x1xi32> to vector<16xi32>
      %parallel_loop3A_262 = tpu.dynamic_gather %mul3A_33[%parallel_loop3A_261] in [0] : vector<16xf32>, vector<16xi32> -> vector<16xf32>
      %parallel_loop3A_263 = arith.cmpf ogt, %parallel_loop3A_233, %parallel_loop3A_262 : vector<16xf32>
      %parallel_loop3A_264 = arith.select %parallel_loop3A_263, %broadcast_in_dim3A_49, %broadcast_in_dim3A_53 : vector<16xi1>, vector<16xi32>
      %parallel_loop3A_265 = arith.addi %parallel_loop3A_252, %parallel_loop3A_264 : vector<16xi32>
      %parallel_loop3A_266 = arith.constant 0 : i32
      %parallel_loop3A_267 = vector.broadcast %parallel_loop3A_266 : i32 to vector<16xi32>
      %parallel_loop3A_268 = arith.cmpi slt, %parallel_loop3A_265, %parallel_loop3A_267 : vector<16xi32>
      %parallel_loop3A_269 = arith.constant 16 : i32
      %parallel_loop3A_270 = vector.broadcast %parallel_loop3A_269 : i32 to vector<16xi32>
      %parallel_loop3A_271 = arith.addi %parallel_loop3A_265, %parallel_loop3A_270 : vector<16xi32>
      %parallel_loop3A_272 = arith.select %parallel_loop3A_268, %parallel_loop3A_271, %parallel_loop3A_265 : vector<16xi1>, vector<16xi32>
      %parallel_loop3A_273 = vector.shape_cast %parallel_loop3A_272 : vector<16xi32> to vector<16x1xi32>
      %parallel_loop3A_274 = vector.shape_cast %parallel_loop3A_273 : vector<16x1xi32> to vector<16xi32>
      %parallel_loop3A_275 = tpu.dynamic_gather %masked_sort3A_16[%parallel_loop3A_274] in [0] : vector<16xf32>, vector<16xi32> -> vector<16xf32>
      %parallel_loop3A_276 = arith.index_cast %parallel_loop3A_86 : i32 to index
      %parallel_loop3A_277 = arith.constant 48 : index
      %parallel_loop3A_278 = tpu.vector_load %arg7[%parallel_loop3A_276, %parallel_loop3A_277] {strides = array<i32>} : memref<48x384xf32, #tpu.memory_space<vmem>>, vector<16xf32>,
      tpu.vector_store %arg7[%parallel_loop3A_276, %parallel_loop3A_277], %parallel_loop3A_275 {strides = array<i32>} : memref<48x384xf32, #tpu.memory_space<vmem>>, vector<16xf32>,
      %parallel_loop3A_279 = arith.index_cast %parallel_loop3A_86 : i32 to index
      %parallel_loop3A_280 = arith.constant 64 : index
      %parallel_loop3A_281 = tpu.vector_load %arg7[%parallel_loop3A_279, %parallel_loop3A_280] {strides = array<i32>} : memref<48x384xf32, #tpu.memory_space<vmem>>, vector<16xf32>,
      %parallel_loop3A_282 = arith.cmpf ogt, %parallel_loop3A_281, %broadcast_in_dim3A : vector<16xf32>
      %parallel_loop3A_283 = arith.select %parallel_loop3A_282, %broadcast_in_dim3A_39, %broadcast_in_dim3A_36 : vector<16xi1>, vector<16xf32>
      %parallel_loop3A_284 = arith.cmpf ogt, %parallel_loop3A_281, %parallel_loop3A_283 : vector<16xf32>
      %parallel_loop3A_285 = arith.select %parallel_loop3A_282, %broadcast_in_dim3A_41, %broadcast_in_dim3A_43 : vector<16xi1>, vector<16xi32>
      %parallel_loop3A_286 = arith.select %parallel_loop3A_284, %broadcast_in_dim3A_45, %broadcast_in_dim3A_47 : vector<16xi1>, vector<16xi32>
      %parallel_loop3A_287 = arith.addi %parallel_loop3A_285, %parallel_loop3A_286 : vector<16xi32>
      %parallel_loop3A_288 = arith.constant 0 : i32
      %parallel_loop3A_289 = vector.broadcast %parallel_loop3A_288 : i32 to vector<16xi32>
      %parallel_loop3A_290 = arith.cmpi slt, %parallel_loop3A_287, %parallel_loop3A_289 : vector<16xi32>
      %parallel_loop3A_291 = arith.constant 16 : i32
      %parallel_loop3A_292 = vector.broadcast %parallel_loop3A_291 : i32 to vector<16xi32>
      %parallel_loop3A_293 = arith.addi %parallel_loop3A_287, %parallel_loop3A_292 : vector<16xi32>
      %parallel_loop3A_294 = arith.select %parallel_loop3A_290, %parallel_loop3A_293, %parallel_loop3A_287 : vector<16xi1>, vector<16xi32>
      %parallel_loop3A_295 = vector.shape_cast %parallel_loop3A_294 : vector<16xi32> to vector<16x1xi32>
      %parallel_loop3A_296 = vector.shape_cast %parallel_loop3A_295 : vector<16x1xi32> to vector<16xi32>
      %parallel_loop3A_297 = tpu.dynamic_gather %mul3A_33[%parallel_loop3A_296] in [0] : vector<16xf32>, vector<16xi32> -> vector<16xf32>
      %parallel_loop3A_298 = arith.cmpf ogt, %parallel_loop3A_281, %parallel_loop3A_297 : vector<16xf32>
      %parallel_loop3A_299 = arith.select %parallel_loop3A_298, %broadcast_in_dim3A_49, %broadcast_in_dim3A_51 : vector<16xi1>, vector<16xi32>
      %parallel_loop3A_300 = arith.addi %parallel_loop3A_287, %parallel_loop3A_299 : vector<16xi32>
      %parallel_loop3A_301 = arith.constant 0 : i32
      %parallel_loop3A_302 = vector.broadcast %parallel_loop3A_301 : i32 to vector<16xi32>
      %parallel_loop3A_303 = arith.cmpi slt, %parallel_loop3A_300, %parallel_loop3A_302 : vector<16xi32>
      %parallel_loop3A_304 = arith.constant 16 : i32
      %parallel_loop3A_305 = vector.broadcast %parallel_loop3A_304 : i32 to vector<16xi32>
      %parallel_loop3A_306 = arith.addi %parallel_loop3A_300, %parallel_loop3A_305 : vector<16xi32>
      %parallel_loop3A_307 = arith.select %parallel_loop3A_303, %parallel_loop3A_306, %parallel_loop3A_300 : vector<16xi1>, vector<16xi32>
      %parallel_loop3A_308 = vector.shape_cast %parallel_loop3A_307 : vector<16xi32> to vector<16x1xi32>
      %parallel_loop3A_309 = vector.shape_cast %parallel_loop3A_308 : vector<16x1xi32> to vector<16xi32>
      %parallel_loop3A_310 = tpu.dynamic_gather %mul3A_33[%parallel_loop3A_309] in [0] : vector<16xf32>, vector<16xi32> -> vector<16xf32>
      %parallel_loop3A_311 = arith.cmpf ogt, %parallel_loop3A_281, %parallel_loop3A_310 : vector<16xf32>
      %parallel_loop3A_312 = arith.select %parallel_loop3A_311, %broadcast_in_dim3A_49, %broadcast_in_dim3A_53 : vector<16xi1>, vector<16xi32>
      %parallel_loop3A_313 = arith.addi %parallel_loop3A_300, %parallel_loop3A_312 : vector<16xi32>
      %parallel_loop3A_314 = arith.constant 0 : i32
      %parallel_loop3A_315 = vector.broadcast %parallel_loop3A_314 : i32 to vector<16xi32>
      %parallel_loop3A_316 = arith.cmpi slt, %parallel_loop3A_313, %parallel_loop3A_315 : vector<16xi32>
      %parallel_loop3A_317 = arith.constant 16 : i32
      %parallel_loop3A_318 = vector.broadcast %parallel_loop3A_317 : i32 to vector<16xi32>
      %parallel_loop3A_319 = arith.addi %parallel_loop3A_313, %parallel_loop3A_318 : vector<16xi32>
      %parallel_loop3A_320 = arith.select %parallel_loop3A_316, %parallel_loop3A_319, %parallel_loop3A_313 : vector<16xi1>, vector<16xi32>
      %parallel_loop3A_321 = vector.shape_cast %parallel_loop3A_320 : vector<16xi32> to vector<16x1xi32>
      %parallel_loop3A_322 = vector.shape_cast %parallel_loop3A_321 : vector<16x1xi32> to vector<16xi32>
      %parallel_loop3A_323 = tpu.dynamic_gather %masked_sort3A_16[%parallel_loop3A_322] in [0] : vector<16xf32>, vector<16xi32> -> vector<16xf32>
      %parallel_loop3A_324 = arith.index_cast %parallel_loop3A_86 : i32 to index
      %parallel_loop3A_325 = arith.constant 64 : index
      %parallel_loop3A_326 = tpu.vector_load %arg7[%parallel_loop3A_324, %parallel_loop3A_325] {strides = array<i32>} : memref<48x384xf32, #tpu.memory_space<vmem>>, vector<16xf32>,
      tpu.vector_store %arg7[%parallel_loop3A_324, %parallel_loop3A_325], %parallel_loop3A_323 {strides = array<i32>} : memref<48x384xf32, #tpu.memory_space<vmem>>, vector<16xf32>,
      %parallel_loop3A_327 = arith.index_cast %parallel_loop3A_86 : i32 to index
      %parallel_loop3A_328 = arith.constant 80 : index
      %parallel_loop3A_329 = tpu.vector_load %arg7[%parallel_loop3A_327, %parallel_loop3A_328] {strides = array<i32>} : memref<48x384xf32, #tpu.memory_space<vmem>>, vector<16xf32>,
      %parallel_loop3A_330 = arith.cmpf ogt, %parallel_loop3A_329, %broadcast_in_dim3A : vector<16xf32>
      %parallel_loop3A_331 = arith.select %parallel_loop3A_330, %broadcast_in_dim3A_39, %broadcast_in_dim3A_36 : vector<16xi1>, vector<16xf32>
      %parallel_loop3A_332 = arith.cmpf ogt, %parallel_loop3A_329, %parallel_loop3A_331 : vector<16xf32>
      %parallel_loop3A_333 = arith.select %parallel_loop3A_330, %broadcast_in_dim3A_41, %broadcast_in_dim3A_43 : vector<16xi1>, vector<16xi32>
      %parallel_loop3A_334 = arith.select %parallel_loop3A_332, %broadcast_in_dim3A_45, %broadcast_in_dim3A_47 : vector<16xi1>, vector<16xi32>
      %parallel_loop3A_335 = arith.addi %parallel_loop3A_333, %parallel_loop3A_334 : vector<16xi32>
      %parallel_loop3A_336 = arith.constant 0 : i32
      %parallel_loop3A_337 = vector.broadcast %parallel_loop3A_336 : i32 to vector<16xi32>
      %parallel_loop3A_338 = arith.cmpi slt, %parallel_loop3A_335, %parallel_loop3A_337 : vector<16xi32>
      %parallel_loop3A_339 = arith.constant 16 : i32
      %parallel_loop3A_340 = vector.broadcast %parallel_loop3A_339 : i32 to vector<16xi32>
      %parallel_loop3A_341 = arith.addi %parallel_loop3A_335, %parallel_loop3A_340 : vector<16xi32>
      %parallel_loop3A_342 = arith.select %parallel_loop3A_338, %parallel_loop3A_341, %parallel_loop3A_335 : vector<16xi1>, vector<16xi32>
      %parallel_loop3A_343 = vector.shape_cast %parallel_loop3A_342 : vector<16xi32> to vector<16x1xi32>
      %parallel_loop3A_344 = vector.shape_cast %parallel_loop3A_343 : vector<16x1xi32> to vector<16xi32>
      %parallel_loop3A_345 = tpu.dynamic_gather %mul3A_33[%parallel_loop3A_344] in [0] : vector<16xf32>, vector<16xi32> -> vector<16xf32>
      %parallel_loop3A_346 = arith.cmpf ogt, %parallel_loop3A_329, %parallel_loop3A_345 : vector<16xf32>
      %parallel_loop3A_347 = arith.select %parallel_loop3A_346, %broadcast_in_dim3A_49, %broadcast_in_dim3A_51 : vector<16xi1>, vector<16xi32>
      %parallel_loop3A_348 = arith.addi %parallel_loop3A_335, %parallel_loop3A_347 : vector<16xi32>
      %parallel_loop3A_349 = arith.constant 0 : i32
      %parallel_loop3A_350 = vector.broadcast %parallel_loop3A_349 : i32 to vector<16xi32>
      %parallel_loop3A_351 = arith.cmpi slt, %parallel_loop3A_348, %parallel_loop3A_350 : vector<16xi32>
      %parallel_loop3A_352 = arith.constant 16 : i32
      %parallel_loop3A_353 = vector.broadcast %parallel_loop3A_352 : i32 to vector<16xi32>
      %parallel_loop3A_354 = arith.addi %parallel_loop3A_348, %parallel_loop3A_353 : vector<16xi32>
      %parallel_loop3A_355 = arith.select %parallel_loop3A_351, %parallel_loop3A_354, %parallel_loop3A_348 : vector<16xi1>, vector<16xi32>
      %parallel_loop3A_356 = vector.shape_cast %parallel_loop3A_355 : vector<16xi32> to vector<16x1xi32>
      %parallel_loop3A_357 = vector.shape_cast %parallel_loop3A_356 : vector<16x1xi32> to vector<16xi32>
      %parallel_loop3A_358 = tpu.dynamic_gather %mul3A_33[%parallel_loop3A_357] in [0] : vector<16xf32>, vector<16xi32> -> vector<16xf32>
      %parallel_loop3A_359 = arith.cmpf ogt, %parallel_loop3A_329, %parallel_loop3A_358 : vector<16xf32>
      %parallel_loop3A_360 = arith.select %parallel_loop3A_359, %broadcast_in_dim3A_49, %broadcast_in_dim3A_53 : vector<16xi1>, vector<16xi32>
      %parallel_loop3A_361 = arith.addi %parallel_loop3A_348, %parallel_loop3A_360 : vector<16xi32>
      %parallel_loop3A_362 = arith.constant 0 : i32
      %parallel_loop3A_363 = vector.broadcast %parallel_loop3A_362 : i32 to vector<16xi32>
      %parallel_loop3A_364 = arith.cmpi slt, %parallel_loop3A_361, %parallel_loop3A_363 : vector<16xi32>
      %parallel_loop3A_365 = arith.constant 16 : i32
      %parallel_loop3A_366 = vector.broadcast %parallel_loop3A_365 : i32 to vector<16xi32>
      %parallel_loop3A_367 = arith.addi %parallel_loop3A_361, %parallel_loop3A_366 : vector<16xi32>
      %parallel_loop3A_368 = arith.select %parallel_loop3A_364, %parallel_loop3A_367, %parallel_loop3A_361 : vector<16xi1>, vector<16xi32>
      %parallel_loop3A_369 = vector.shape_cast %parallel_loop3A_368 : vector<16xi32> to vector<16x1xi32>
      %parallel_loop3A_370 = vector.shape_cast %parallel_loop3A_369 : vector<16x1xi32> to vector<16xi32>
      %parallel_loop3A_371 = tpu.dynamic_gather %masked_sort3A_16[%parallel_loop3A_370] in [0] : vector<16xf32>, vector<16xi32> -> vector<16xf32>
      %parallel_loop3A_372 = arith.index_cast %parallel_loop3A_86 : i32 to index
      %parallel_loop3A_373 = arith.constant 80 : index
      %parallel_loop3A_374 = tpu.vector_load %arg7[%parallel_loop3A_372, %parallel_loop3A_373] {strides = array<i32>} : memref<48x384xf32, #tpu.memory_space<vmem>>, vector<16xf32>,
      tpu.vector_store %arg7[%parallel_loop3A_372, %parallel_loop3A_373], %parallel_loop3A_371 {strides = array<i32>} : memref<48x384xf32, #tpu.memory_space<vmem>>, vector<16xf32>,
      %parallel_loop3A_375 = arith.index_cast %parallel_loop3A_86 : i32 to index
      %parallel_loop3A_376 = arith.constant 96 : index
      %parallel_loop3A_377 = tpu.vector_load %arg7[%parallel_loop3A_375, %parallel_loop3A_376] {strides = array<i32>} : memref<48x384xf32, #tpu.memory_space<vmem>>, vector<16xf32>,
      %parallel_loop3A_378 = arith.cmpf ogt, %parallel_loop3A_377, %broadcast_in_dim3A : vector<16xf32>
      %parallel_loop3A_379 = arith.select %parallel_loop3A_378, %broadcast_in_dim3A_39, %broadcast_in_dim3A_36 : vector<16xi1>, vector<16xf32>
      %parallel_loop3A_380 = arith.cmpf ogt, %parallel_loop3A_377, %parallel_loop3A_379 : vector<16xf32>
      %parallel_loop3A_381 = arith.select %parallel_loop3A_378, %broadcast_in_dim3A_41, %broadcast_in_dim3A_43 : vector<16xi1>, vector<16xi32>
      %parallel_loop3A_382 = arith.select %parallel_loop3A_380, %broadcast_in_dim3A_45, %broadcast_in_dim3A_47 : vector<16xi1>, vector<16xi32>
      %parallel_loop3A_383 = arith.addi %parallel_loop3A_381, %parallel_loop3A_382 : vector<16xi32>
      %parallel_loop3A_384 = arith.constant 0 : i32
      %parallel_loop3A_385 = vector.broadcast %parallel_loop3A_384 : i32 to vector<16xi32>
      %parallel_loop3A_386 = arith.cmpi slt, %parallel_loop3A_383, %parallel_loop3A_385 : vector<16xi32>
      %parallel_loop3A_387 = arith.constant 16 : i32
      %parallel_loop3A_388 = vector.broadcast %parallel_loop3A_387 : i32 to vector<16xi32>
      %parallel_loop3A_389 = arith.addi %parallel_loop3A_383, %parallel_loop3A_388 : vector<16xi32>
      %parallel_loop3A_390 = arith.select %parallel_loop3A_386, %parallel_loop3A_389, %parallel_loop3A_383 : vector<16xi1>, vector<16xi32>
      %parallel_loop3A_391 = vector.shape_cast %parallel_loop3A_390 : vector<16xi32> to vector<16x1xi32>
      %parallel_loop3A_392 = vector.shape_cast %parallel_loop3A_391 : vector<16x1xi32> to vector<16xi32>
      %parallel_loop3A_393 = tpu.dynamic_gather %mul3A_33[%parallel_loop3A_392] in [0] : vector<16xf32>, vector<16xi32> -> vector<16xf32>
      %parallel_loop3A_394 = arith.cmpf ogt, %parallel_loop3A_377, %parallel_loop3A_393 : vector<16xf32>
      %parallel_loop3A_395 = arith.select %parallel_loop3A_394, %broadcast_in_dim3A_49, %broadcast_in_dim3A_51 : vector<16xi1>, vector<16xi32>
      %parallel_loop3A_396 = arith.addi %parallel_loop3A_383, %parallel_loop3A_395 : vector<16xi32>
      %parallel_loop3A_397 = arith.constant 0 : i32
      %parallel_loop3A_398 = vector.broadcast %parallel_loop3A_397 : i32 to vector<16xi32>
      %parallel_loop3A_399 = arith.cmpi slt, %parallel_loop3A_396, %parallel_loop3A_398 : vector<16xi32>
      %parallel_loop3A_400 = arith.constant 16 : i32
      %parallel_loop3A_401 = vector.broadcast %parallel_loop3A_400 : i32 to vector<16xi32>
      %parallel_loop3A_402 = arith.addi %parallel_loop3A_396, %parallel_loop3A_401 : vector<16xi32>
      %parallel_loop3A_403 = arith.select %parallel_loop3A_399, %parallel_loop3A_402, %parallel_loop3A_396 : vector<16xi1>, vector<16xi32>
      %parallel_loop3A_404 = vector.shape_cast %parallel_loop3A_403 : vector<16xi32> to vector<16x1xi32>
      %parallel_loop3A_405 = vector.shape_cast %parallel_loop3A_404 : vector<16x1xi32> to vector<16xi32>
      %parallel_loop3A_406 = tpu.dynamic_gather %mul3A_33[%parallel_loop3A_405] in [0] : vector<16xf32>, vector<16xi32> -> vector<16xf32>
      %parallel_loop3A_407 = arith.cmpf ogt, %parallel_loop3A_377, %parallel_loop3A_406 : vector<16xf32>
      %parallel_loop3A_408 = arith.select %parallel_loop3A_407, %broadcast_in_dim3A_49, %broadcast_in_dim3A_53 : vector<16xi1>, vector<16xi32>
      %parallel_loop3A_409 = arith.addi %parallel_loop3A_396, %parallel_loop3A_408 : vector<16xi32>
      %parallel_loop3A_410 = arith.constant 0 : i32
      %parallel_loop3A_411 = vector.broadcast %parallel_loop3A_410 : i32 to vector<16xi32>
      %parallel_loop3A_412 = arith.cmpi slt, %parallel_loop3A_409, %parallel_loop3A_411 : vector<16xi32>
      %parallel_loop3A_413 = arith.constant 16 : i32
      %parallel_loop3A_414 = vector.broadcast %parallel_loop3A_413 : i32 to vector<16xi32>
      %parallel_loop3A_415 = arith.addi %parallel_loop3A_409, %parallel_loop3A_414 : vector<16xi32>
      %parallel_loop3A_416 = arith.select %parallel_loop3A_412, %parallel_loop3A_415, %parallel_loop3A_409 : vector<16xi1>, vector<16xi32>
      %parallel_loop3A_417 = vector.shape_cast %parallel_loop3A_416 : vector<16xi32> to vector<16x1xi32>
      %parallel_loop3A_418 = vector.shape_cast %parallel_loop3A_417 : vector<16x1xi32> to vector<16xi32>
      %parallel_loop3A_419 = tpu.dynamic_gather %masked_sort3A_16[%parallel_loop3A_418] in [0] : vector<16xf32>, vector<16xi32> -> vector<16xf32>
      %parallel_loop3A_420 = arith.index_cast %parallel_loop3A_86 : i32 to index
      %parallel_loop3A_421 = arith.constant 96 : index
      %parallel_loop3A_422 = tpu.vector_load %arg7[%parallel_loop3A_420, %parallel_loop3A_421] {strides = array<i32>} : memref<48x384xf32, #tpu.memory_space<vmem>>, vector<16xf32>,
      tpu.vector_store %arg7[%parallel_loop3A_420, %parallel_loop3A_421], %parallel_loop3A_419 {strides = array<i32>} : memref<48x384xf32, #tpu.memory_space<vmem>>, vector<16xf32>,
      %parallel_loop3A_423 = arith.index_cast %parallel_loop3A_86 : i32 to index
      %parallel_loop3A_424 = arith.constant 112 : index
      %parallel_loop3A_425 = tpu.vector_load %arg7[%parallel_loop3A_423, %parallel_loop3A_424] {strides = array<i32>} : memref<48x384xf32, #tpu.memory_space<vmem>>, vector<16xf32>,
      %parallel_loop3A_426 = arith.cmpf ogt, %parallel_loop3A_425, %broadcast_in_dim3A : vector<16xf32>
      %parallel_loop3A_427 = arith.select %parallel_loop3A_426, %broadcast_in_dim3A_39, %broadcast_in_dim3A_36 : vector<16xi1>, vector<16xf32>
      %parallel_loop3A_428 = arith.cmpf ogt, %parallel_loop3A_425, %parallel_loop3A_427 : vector<16xf32>
      %parallel_loop3A_429 = arith.select %parallel_loop3A_426, %broadcast_in_dim3A_41, %broadcast_in_dim3A_43 : vector<16xi1>, vector<16xi32>
      %parallel_loop3A_430 = arith.select %parallel_loop3A_428, %broadcast_in_dim3A_45, %broadcast_in_dim3A_47 : vector<16xi1>, vector<16xi32>
      %parallel_loop3A_431 = arith.addi %parallel_loop3A_429, %parallel_loop3A_430 : vector<16xi32>
      %parallel_loop3A_432 = arith.constant 0 : i32
      %parallel_loop3A_433 = vector.broadcast %parallel_loop3A_432 : i32 to vector<16xi32>
      %parallel_loop3A_434 = arith.cmpi slt, %parallel_loop3A_431, %parallel_loop3A_433 : vector<16xi32>
      %parallel_loop3A_435 = arith.constant 16 : i32
      %parallel_loop3A_436 = vector.broadcast %parallel_loop3A_435 : i32 to vector<16xi32>
      %parallel_loop3A_437 = arith.addi %parallel_loop3A_431, %parallel_loop3A_436 : vector<16xi32>
      %parallel_loop3A_438 = arith.select %parallel_loop3A_434, %parallel_loop3A_437, %parallel_loop3A_431 : vector<16xi1>, vector<16xi32>
      %parallel_loop3A_439 = vector.shape_cast %parallel_loop3A_438 : vector<16xi32> to vector<16x1xi32>
      %parallel_loop3A_440 = vector.shape_cast %parallel_loop3A_439 : vector<16x1xi32> to vector<16xi32>
      %parallel_loop3A_441 = tpu.dynamic_gather %mul3A_33[%parallel_loop3A_440] in [0] : vector<16xf32>, vector<16xi32> -> vector<16xf32>
      %parallel_loop3A_442 = arith.cmpf ogt, %parallel_loop3A_425, %parallel_loop3A_441 : vector<16xf32>
      %parallel_loop3A_443 = arith.select %parallel_loop3A_442, %broadcast_in_dim3A_49, %broadcast_in_dim3A_51 : vector<16xi1>, vector<16xi32>
      %parallel_loop3A_444 = arith.addi %parallel_loop3A_431, %parallel_loop3A_443 : vector<16xi32>
      %parallel_loop3A_445 = arith.constant 0 : i32
      %parallel_loop3A_446 = vector.broadcast %parallel_loop3A_445 : i32 to vector<16xi32>
      %parallel_loop3A_447 = arith.cmpi slt, %parallel_loop3A_444, %parallel_loop3A_446 : vector<16xi32>
      %parallel_loop3A_448 = arith.constant 16 : i32
      %parallel_loop3A_449 = vector.broadcast %parallel_loop3A_448 : i32 to vector<16xi32>
      %parallel_loop3A_450 = arith.addi %parallel_loop3A_444, %parallel_loop3A_449 : vector<16xi32>
      %parallel_loop3A_451 = arith.select %parallel_loop3A_447, %parallel_loop3A_450, %parallel_loop3A_444 : vector<16xi1>, vector<16xi32>
      %parallel_loop3A_452 = vector.shape_cast %parallel_loop3A_451 : vector<16xi32> to vector<16x1xi32>
      %parallel_loop3A_453 = vector.shape_cast %parallel_loop3A_452 : vector<16x1xi32> to vector<16xi32>
      %parallel_loop3A_454 = tpu.dynamic_gather %mul3A_33[%parallel_loop3A_453] in [0] : vector<16xf32>, vector<16xi32> -> vector<16xf32>
      %parallel_loop3A_455 = arith.cmpf ogt, %parallel_loop3A_425, %parallel_loop3A_454 : vector<16xf32>
      %parallel_loop3A_456 = arith.select %parallel_loop3A_455, %broadcast_in_dim3A_49, %broadcast_in_dim3A_53 : vector<16xi1>, vector<16xi32>
      %parallel_loop3A_457 = arith.addi %parallel_loop3A_444, %parallel_loop3A_456 : vector<16xi32>
      %parallel_loop3A_458 = arith.constant 0 : i32
      %parallel_loop3A_459 = vector.broadcast %parallel_loop3A_458 : i32 to vector<16xi32>
      %parallel_loop3A_460 = arith.cmpi slt, %parallel_loop3A_457, %parallel_loop3A_459 : vector<16xi32>
      %parallel_loop3A_461 = arith.constant 16 : i32
      %parallel_loop3A_462 = vector.broadcast %parallel_loop3A_461 : i32 to vector<16xi32>
      %parallel_loop3A_463 = arith.addi %parallel_loop3A_457, %parallel_loop3A_462 : vector<16xi32>
      %parallel_loop3A_464 = arith.select %parallel_loop3A_460, %parallel_loop3A_463, %parallel_loop3A_457 : vector<16xi1>, vector<16xi32>
      %parallel_loop3A_465 = vector.shape_cast %parallel_loop3A_464 : vector<16xi32> to vector<16x1xi32>
      %parallel_loop3A_466 = vector.shape_cast %parallel_loop3A_465 : vector<16x1xi32> to vector<16xi32>
      %parallel_loop3A_467 = tpu.dynamic_gather %masked_sort3A_16[%parallel_loop3A_466] in [0] : vector<16xf32>, vector<16xi32> -> vector<16xf32>
      %parallel_loop3A_468 = arith.index_cast %parallel_loop3A_86 : i32 to index
      %parallel_loop3A_469 = arith.constant 112 : index
      %parallel_loop3A_470 = tpu.vector_load %arg7[%parallel_loop3A_468, %parallel_loop3A_469] {strides = array<i32>} : memref<48x384xf32, #tpu.memory_space<vmem>>, vector<16xf32>,
      tpu.vector_store %arg7[%parallel_loop3A_468, %parallel_loop3A_469], %parallel_loop3A_467 {strides = array<i32>} : memref<48x384xf32, #tpu.memory_space<vmem>>, vector<16xf32>,
      %parallel_loop3A_471 = arith.index_cast %parallel_loop3A_86 : i32 to index
      %parallel_loop3A_472 = arith.constant 128 : index
      %parallel_loop3A_473 = tpu.vector_load %arg7[%parallel_loop3A_471, %parallel_loop3A_472] {strides = array<i32>} : memref<48x384xf32, #tpu.memory_space<vmem>>, vector<16xf32>,
      %parallel_loop3A_474 = arith.cmpf ogt, %parallel_loop3A_473, %broadcast_in_dim3A : vector<16xf32>
      %parallel_loop3A_475 = arith.select %parallel_loop3A_474, %broadcast_in_dim3A_39, %broadcast_in_dim3A_36 : vector<16xi1>, vector<16xf32>
      %parallel_loop3A_476 = arith.cmpf ogt, %parallel_loop3A_473, %parallel_loop3A_475 : vector<16xf32>
      %parallel_loop3A_477 = arith.select %parallel_loop3A_474, %broadcast_in_dim3A_41, %broadcast_in_dim3A_43 : vector<16xi1>, vector<16xi32>
      %parallel_loop3A_478 = arith.select %parallel_loop3A_476, %broadcast_in_dim3A_45, %broadcast_in_dim3A_47 : vector<16xi1>, vector<16xi32>
      %parallel_loop3A_479 = arith.addi %parallel_loop3A_477, %parallel_loop3A_478 : vector<16xi32>
      %parallel_loop3A_480 = arith.constant 0 : i32
      %parallel_loop3A_481 = vector.broadcast %parallel_loop3A_480 : i32 to vector<16xi32>
      %parallel_loop3A_482 = arith.cmpi slt, %parallel_loop3A_479, %parallel_loop3A_481 : vector<16xi32>
      %parallel_loop3A_483 = arith.constant 16 : i32
      %parallel_loop3A_484 = vector.broadcast %parallel_loop3A_483 : i32 to vector<16xi32>
      %parallel_loop3A_485 = arith.addi %parallel_loop3A_479, %parallel_loop3A_484 : vector<16xi32>
      %parallel_loop3A_486 = arith.select %parallel_loop3A_482, %parallel_loop3A_485, %parallel_loop3A_479 : vector<16xi1>, vector<16xi32>
      %parallel_loop3A_487 = vector.shape_cast %parallel_loop3A_486 : vector<16xi32> to vector<16x1xi32>
      %parallel_loop3A_488 = vector.shape_cast %parallel_loop3A_487 : vector<16x1xi32> to vector<16xi32>
      %parallel_loop3A_489 = tpu.dynamic_gather %mul3A_33[%parallel_loop3A_488] in [0] : vector<16xf32>, vector<16xi32> -> vector<16xf32>
      %parallel_loop3A_490 = arith.cmpf ogt, %parallel_loop3A_473, %parallel_loop3A_489 : vector<16xf32>
      %parallel_loop3A_491 = arith.select %parallel_loop3A_490, %broadcast_in_dim3A_49, %broadcast_in_dim3A_51 : vector<16xi1>, vector<16xi32>
      %parallel_loop3A_492 = arith.addi %parallel_loop3A_479, %parallel_loop3A_491 : vector<16xi32>
      %parallel_loop3A_493 = arith.constant 0 : i32
      %parallel_loop3A_494 = vector.broadcast %parallel_loop3A_493 : i32 to vector<16xi32>
      %parallel_loop3A_495 = arith.cmpi slt, %parallel_loop3A_492, %parallel_loop3A_494 : vector<16xi32>
      %parallel_loop3A_496 = arith.constant 16 : i32
      %parallel_loop3A_497 = vector.broadcast %parallel_loop3A_496 : i32 to vector<16xi32>
      %parallel_loop3A_498 = arith.addi %parallel_loop3A_492, %parallel_loop3A_497 : vector<16xi32>
      %parallel_loop3A_499 = arith.select %parallel_loop3A_495, %parallel_loop3A_498, %parallel_loop3A_492 : vector<16xi1>, vector<16xi32>
      %parallel_loop3A_500 = vector.shape_cast %parallel_loop3A_499 : vector<16xi32> to vector<16x1xi32>
      %parallel_loop3A_501 = vector.shape_cast %parallel_loop3A_500 : vector<16x1xi32> to vector<16xi32>
      %parallel_loop3A_502 = tpu.dynamic_gather %mul3A_33[%parallel_loop3A_501] in [0] : vector<16xf32>, vector<16xi32> -> vector<16xf32>
      %parallel_loop3A_503 = arith.cmpf ogt, %parallel_loop3A_473, %parallel_loop3A_502 : vector<16xf32>
      %parallel_loop3A_504 = arith.select %parallel_loop3A_503, %broadcast_in_dim3A_49, %broadcast_in_dim3A_53 : vector<16xi1>, vector<16xi32>
      %parallel_loop3A_505 = arith.addi %parallel_loop3A_492, %parallel_loop3A_504 : vector<16xi32>
      %parallel_loop3A_506 = arith.constant 0 : i32
      %parallel_loop3A_507 = vector.broadcast %parallel_loop3A_506 : i32 to vector<16xi32>
      %parallel_loop3A_508 = arith.cmpi slt, %parallel_loop3A_505, %parallel_loop3A_507 : vector<16xi32>
      %parallel_loop3A_509 = arith.constant 16 : i32
      %parallel_loop3A_510 = vector.broadcast %parallel_loop3A_509 : i32 to vector<16xi32>
      %parallel_loop3A_511 = arith.addi %parallel_loop3A_505, %parallel_loop3A_510 : vector<16xi32>
      %parallel_loop3A_512 = arith.select %parallel_loop3A_508, %parallel_loop3A_511, %parallel_loop3A_505 : vector<16xi1>, vector<16xi32>
      %parallel_loop3A_513 = vector.shape_cast %parallel_loop3A_512 : vector<16xi32> to vector<16x1xi32>
      %parallel_loop3A_514 = vector.shape_cast %parallel_loop3A_513 : vector<16x1xi32> to vector<16xi32>
      %parallel_loop3A_515 = tpu.dynamic_gather %masked_sort3A_16[%parallel_loop3A_514] in [0] : vector<16xf32>, vector<16xi32> -> vector<16xf32>
      %parallel_loop3A_516 = arith.index_cast %parallel_loop3A_86 : i32 to index
      %parallel_loop3A_517 = arith.constant 128 : index
      %parallel_loop3A_518 = tpu.vector_load %arg7[%parallel_loop3A_516, %parallel_loop3A_517] {strides = array<i32>} : memref<48x384xf32, #tpu.memory_space<vmem>>, vector<16xf32>,
      tpu.vector_store %arg7[%parallel_loop3A_516, %parallel_loop3A_517], %parallel_loop3A_515 {strides = array<i32>} : memref<48x384xf32, #tpu.memory_space<vmem>>, vector<16xf32>,
      %parallel_loop3A_519 = arith.index_cast %parallel_loop3A_86 : i32 to index
      %parallel_loop3A_520 = arith.constant 144 : index
      %parallel_loop3A_521 = tpu.vector_load %arg7[%parallel_loop3A_519, %parallel_loop3A_520] {strides = array<i32>} : memref<48x384xf32, #tpu.memory_space<vmem>>, vector<16xf32>,
      %parallel_loop3A_522 = arith.cmpf ogt, %parallel_loop3A_521, %broadcast_in_dim3A : vector<16xf32>
      %parallel_loop3A_523 = arith.select %parallel_loop3A_522, %broadcast_in_dim3A_39, %broadcast_in_dim3A_36 : vector<16xi1>, vector<16xf32>
      %parallel_loop3A_524 = arith.cmpf ogt, %parallel_loop3A_521, %parallel_loop3A_523 : vector<16xf32>
      %parallel_loop3A_525 = arith.select %parallel_loop3A_522, %broadcast_in_dim3A_41, %broadcast_in_dim3A_43 : vector<16xi1>, vector<16xi32>
      %parallel_loop3A_526 = arith.select %parallel_loop3A_524, %broadcast_in_dim3A_45, %broadcast_in_dim3A_47 : vector<16xi1>, vector<16xi32>
      %parallel_loop3A_527 = arith.addi %parallel_loop3A_525, %parallel_loop3A_526 : vector<16xi32>
      %parallel_loop3A_528 = arith.constant 0 : i32
      %parallel_loop3A_529 = vector.broadcast %parallel_loop3A_528 : i32 to vector<16xi32>
      %parallel_loop3A_530 = arith.cmpi slt, %parallel_loop3A_527, %parallel_loop3A_529 : vector<16xi32>
      %parallel_loop3A_531 = arith.constant 16 : i32
      %parallel_loop3A_532 = vector.broadcast %parallel_loop3A_531 : i32 to vector<16xi32>
      %parallel_loop3A_533 = arith.addi %parallel_loop3A_527, %parallel_loop3A_532 : vector<16xi32>
      %parallel_loop3A_534 = arith.select %parallel_loop3A_530, %parallel_loop3A_533, %parallel_loop3A_527 : vector<16xi1>, vector<16xi32>
      %parallel_loop3A_535 = vector.shape_cast %parallel_loop3A_534 : vector<16xi32> to vector<16x1xi32>
      %parallel_loop3A_536 = vector.shape_cast %parallel_loop3A_535 : vector<16x1xi32> to vector<16xi32>
      %parallel_loop3A_537 = tpu.dynamic_gather %mul3A_33[%parallel_loop3A_536] in [0] : vector<16xf32>, vector<16xi32> -> vector<16xf32>
      %parallel_loop3A_538 = arith.cmpf ogt, %parallel_loop3A_521, %parallel_loop3A_537 : vector<16xf32>
      %parallel_loop3A_539 = arith.select %parallel_loop3A_538, %broadcast_in_dim3A_49, %broadcast_in_dim3A_51 : vector<16xi1>, vector<16xi32>
      %parallel_loop3A_540 = arith.addi %parallel_loop3A_527, %parallel_loop3A_539 : vector<16xi32>
      %parallel_loop3A_541 = arith.constant 0 : i32
      %parallel_loop3A_542 = vector.broadcast %parallel_loop3A_541 : i32 to vector<16xi32>
      %parallel_loop3A_543 = arith.cmpi slt, %parallel_loop3A_540, %parallel_loop3A_542 : vector<16xi32>
      %parallel_loop3A_544 = arith.constant 16 : i32
      %parallel_loop3A_545 = vector.broadcast %parallel_loop3A_544 : i32 to vector<16xi32>
      %parallel_loop3A_546 = arith.addi %parallel_loop3A_540, %parallel_loop3A_545 : vector<16xi32>
      %parallel_loop3A_547 = arith.select %parallel_loop3A_543, %parallel_loop3A_546, %parallel_loop3A_540 : vector<16xi1>, vector<16xi32>
      %parallel_loop3A_548 = vector.shape_cast %parallel_loop3A_547 : vector<16xi32> to vector<16x1xi32>
      %parallel_loop3A_549 = vector.shape_cast %parallel_loop3A_548 : vector<16x1xi32> to vector<16xi32>
      %parallel_loop3A_550 = tpu.dynamic_gather %mul3A_33[%parallel_loop3A_549] in [0] : vector<16xf32>, vector<16xi32> -> vector<16xf32>
      %parallel_loop3A_551 = arith.cmpf ogt, %parallel_loop3A_521, %parallel_loop3A_550 : vector<16xf32>
      %parallel_loop3A_552 = arith.select %parallel_loop3A_551, %broadcast_in_dim3A_49, %broadcast_in_dim3A_53 : vector<16xi1>, vector<16xi32>
      %parallel_loop3A_553 = arith.addi %parallel_loop3A_540, %parallel_loop3A_552 : vector<16xi32>
      %parallel_loop3A_554 = arith.constant 0 : i32
      %parallel_loop3A_555 = vector.broadcast %parallel_loop3A_554 : i32 to vector<16xi32>
      %parallel_loop3A_556 = arith.cmpi slt, %parallel_loop3A_553, %parallel_loop3A_555 : vector<16xi32>
      %parallel_loop3A_557 = arith.constant 16 : i32
      %parallel_loop3A_558 = vector.broadcast %parallel_loop3A_557 : i32 to vector<16xi32>
      %parallel_loop3A_559 = arith.addi %parallel_loop3A_553, %parallel_loop3A_558 : vector<16xi32>
      %parallel_loop3A_560 = arith.select %parallel_loop3A_556, %parallel_loop3A_559, %parallel_loop3A_553 : vector<16xi1>, vector<16xi32>
      %parallel_loop3A_561 = vector.shape_cast %parallel_loop3A_560 : vector<16xi32> to vector<16x1xi32>
      %parallel_loop3A_562 = vector.shape_cast %parallel_loop3A_561 : vector<16x1xi32> to vector<16xi32>
      %parallel_loop3A_563 = tpu.dynamic_gather %masked_sort3A_16[%parallel_loop3A_562] in [0] : vector<16xf32>, vector<16xi32> -> vector<16xf32>
      %parallel_loop3A_564 = arith.index_cast %parallel_loop3A_86 : i32 to index
      %parallel_loop3A_565 = arith.constant 144 : index
      %parallel_loop3A_566 = tpu.vector_load %arg7[%parallel_loop3A_564, %parallel_loop3A_565] {strides = array<i32>} : memref<48x384xf32, #tpu.memory_space<vmem>>, vector<16xf32>,
      tpu.vector_store %arg7[%parallel_loop3A_564, %parallel_loop3A_565], %parallel_loop3A_563 {strides = array<i32>} : memref<48x384xf32, #tpu.memory_space<vmem>>, vector<16xf32>,
      %parallel_loop3A_567 = arith.index_cast %parallel_loop3A_86 : i32 to index
      %parallel_loop3A_568 = arith.constant 160 : index
      %parallel_loop3A_569 = tpu.vector_load %arg7[%parallel_loop3A_567, %parallel_loop3A_568] {strides = array<i32>} : memref<48x384xf32, #tpu.memory_space<vmem>>, vector<16xf32>,
      %parallel_loop3A_570 = arith.cmpf ogt, %parallel_loop3A_569, %broadcast_in_dim3A : vector<16xf32>
      %parallel_loop3A_571 = arith.select %parallel_loop3A_570, %broadcast_in_dim3A_39, %broadcast_in_dim3A_36 : vector<16xi1>, vector<16xf32>
      %parallel_loop3A_572 = arith.cmpf ogt, %parallel_loop3A_569, %parallel_loop3A_571 : vector<16xf32>
      %parallel_loop3A_573 = arith.select %parallel_loop3A_570, %broadcast_in_dim3A_41, %broadcast_in_dim3A_43 : vector<16xi1>, vector<16xi32>
      %parallel_loop3A_574 = arith.select %parallel_loop3A_572, %broadcast_in_dim3A_45, %broadcast_in_dim3A_47 : vector<16xi1>, vector<16xi32>
      %parallel_loop3A_575 = arith.addi %parallel_loop3A_573, %parallel_loop3A_574 : vector<16xi32>
      %parallel_loop3A_576 = arith.constant 0 : i32
      %parallel_loop3A_577 = vector.broadcast %parallel_loop3A_576 : i32 to vector<16xi32>
      %parallel_loop3A_578 = arith.cmpi slt, %parallel_loop3A_575, %parallel_loop3A_577 : vector<16xi32>
      %parallel_loop3A_579 = arith.constant 16 : i32
      %parallel_loop3A_580 = vector.broadcast %parallel_loop3A_579 : i32 to vector<16xi32>
      %parallel_loop3A_581 = arith.addi %parallel_loop3A_575, %parallel_loop3A_580 : vector<16xi32>
      %parallel_loop3A_582 = arith.select %parallel_loop3A_578, %parallel_loop3A_581, %parallel_loop3A_575 : vector<16xi1>, vector<16xi32>
      %parallel_loop3A_583 = vector.shape_cast %parallel_loop3A_582 : vector<16xi32> to vector<16x1xi32>
      %parallel_loop3A_584 = vector.shape_cast %parallel_loop3A_583 : vector<16x1xi32> to vector<16xi32>
      %parallel_loop3A_585 = tpu.dynamic_gather %mul3A_33[%parallel_loop3A_584] in [0] : vector<16xf32>, vector<16xi32> -> vector<16xf32>
      %parallel_loop3A_586 = arith.cmpf ogt, %parallel_loop3A_569, %parallel_loop3A_585 : vector<16xf32>
      %parallel_loop3A_587 = arith.select %parallel_loop3A_586, %broadcast_in_dim3A_49, %broadcast_in_dim3A_51 : vector<16xi1>, vector<16xi32>
      %parallel_loop3A_588 = arith.addi %parallel_loop3A_575, %parallel_loop3A_587 : vector<16xi32>
      %parallel_loop3A_589 = arith.constant 0 : i32
      %parallel_loop3A_590 = vector.broadcast %parallel_loop3A_589 : i32 to vector<16xi32>
      %parallel_loop3A_591 = arith.cmpi slt, %parallel_loop3A_588, %parallel_loop3A_590 : vector<16xi32>
      %parallel_loop3A_592 = arith.constant 16 : i32
      %parallel_loop3A_593 = vector.broadcast %parallel_loop3A_592 : i32 to vector<16xi32>
      %parallel_loop3A_594 = arith.addi %parallel_loop3A_588, %parallel_loop3A_593 : vector<16xi32>
      %parallel_loop3A_595 = arith.select %parallel_loop3A_591, %parallel_loop3A_594, %parallel_loop3A_588 : vector<16xi1>, vector<16xi32>
      %parallel_loop3A_596 = vector.shape_cast %parallel_loop3A_595 : vector<16xi32> to vector<16x1xi32>
      %parallel_loop3A_597 = vector.shape_cast %parallel_loop3A_596 : vector<16x1xi32> to vector<16xi32>
      %parallel_loop3A_598 = tpu.dynamic_gather %mul3A_33[%parallel_loop3A_597] in [0] : vector<16xf32>, vector<16xi32> -> vector<16xf32>
      %parallel_loop3A_599 = arith.cmpf ogt, %parallel_loop3A_569, %parallel_loop3A_598 : vector<16xf32>
      %parallel_loop3A_600 = arith.select %parallel_loop3A_599, %broadcast_in_dim3A_49, %broadcast_in_dim3A_53 : vector<16xi1>, vector<16xi32>
      %parallel_loop3A_601 = arith.addi %parallel_loop3A_588, %parallel_loop3A_600 : vector<16xi32>
      %parallel_loop3A_602 = arith.constant 0 : i32
      %parallel_loop3A_603 = vector.broadcast %parallel_loop3A_602 : i32 to vector<16xi32>
      %parallel_loop3A_604 = arith.cmpi slt, %parallel_loop3A_601, %parallel_loop3A_603 : vector<16xi32>
      %parallel_loop3A_605 = arith.constant 16 : i32
      %parallel_loop3A_606 = vector.broadcast %parallel_loop3A_605 : i32 to vector<16xi32>
      %parallel_loop3A_607 = arith.addi %parallel_loop3A_601, %parallel_loop3A_606 : vector<16xi32>
      %parallel_loop3A_608 = arith.select %parallel_loop3A_604, %parallel_loop3A_607, %parallel_loop3A_601 : vector<16xi1>, vector<16xi32>
      %parallel_loop3A_609 = vector.shape_cast %parallel_loop3A_608 : vector<16xi32> to vector<16x1xi32>
      %parallel_loop3A_610 = vector.shape_cast %parallel_loop3A_609 : vector<16x1xi32> to vector<16xi32>
      %parallel_loop3A_611 = tpu.dynamic_gather %masked_sort3A_16[%parallel_loop3A_610] in [0] : vector<16xf32>, vector<16xi32> -> vector<16xf32>
      %parallel_loop3A_612 = arith.index_cast %parallel_loop3A_86 : i32 to index
      %parallel_loop3A_613 = arith.constant 160 : index
      %parallel_loop3A_614 = tpu.vector_load %arg7[%parallel_loop3A_612, %parallel_loop3A_613] {strides = array<i32>} : memref<48x384xf32, #tpu.memory_space<vmem>>, vector<16xf32>,
      tpu.vector_store %arg7[%parallel_loop3A_612, %parallel_loop3A_613], %parallel_loop3A_611 {strides = array<i32>} : memref<48x384xf32, #tpu.memory_space<vmem>>, vector<16xf32>,
      %parallel_loop3A_615 = arith.index_cast %parallel_loop3A_86 : i32 to index
      %parallel_loop3A_616 = arith.constant 176 : index
      %parallel_loop3A_617 = tpu.vector_load %arg7[%parallel_loop3A_615, %parallel_loop3A_616] {strides = array<i32>} : memref<48x384xf32, #tpu.memory_space<vmem>>, vector<16xf32>,
      %parallel_loop3A_618 = arith.cmpf ogt, %parallel_loop3A_617, %broadcast_in_dim3A : vector<16xf32>
      %parallel_loop3A_619 = arith.select %parallel_loop3A_618, %broadcast_in_dim3A_39, %broadcast_in_dim3A_36 : vector<16xi1>, vector<16xf32>
      %parallel_loop3A_620 = arith.cmpf ogt, %parallel_loop3A_617, %parallel_loop3A_619 : vector<16xf32>
      %parallel_loop3A_621 = arith.select %parallel_loop3A_618, %broadcast_in_dim3A_41, %broadcast_in_dim3A_43 : vector<16xi1>, vector<16xi32>
      %parallel_loop3A_622 = arith.select %parallel_loop3A_620, %broadcast_in_dim3A_45, %broadcast_in_dim3A_47 : vector<16xi1>, vector<16xi32>
      %parallel_loop3A_623 = arith.addi %parallel_loop3A_621, %parallel_loop3A_622 : vector<16xi32>
      %parallel_loop3A_624 = arith.constant 0 : i32
      %parallel_loop3A_625 = vector.broadcast %parallel_loop3A_624 : i32 to vector<16xi32>
      %parallel_loop3A_626 = arith.cmpi slt, %parallel_loop3A_623, %parallel_loop3A_625 : vector<16xi32>
      %parallel_loop3A_627 = arith.constant 16 : i32
      %parallel_loop3A_628 = vector.broadcast %parallel_loop3A_627 : i32 to vector<16xi32>
      %parallel_loop3A_629 = arith.addi %parallel_loop3A_623, %parallel_loop3A_628 : vector<16xi32>
      %parallel_loop3A_630 = arith.select %parallel_loop3A_626, %parallel_loop3A_629, %parallel_loop3A_623 : vector<16xi1>, vector<16xi32>
      %parallel_loop3A_631 = vector.shape_cast %parallel_loop3A_630 : vector<16xi32> to vector<16x1xi32>
      %parallel_loop3A_632 = vector.shape_cast %parallel_loop3A_631 : vector<16x1xi32> to vector<16xi32>
      %parallel_loop3A_633 = tpu.dynamic_gather %mul3A_33[%parallel_loop3A_632] in [0] : vector<16xf32>, vector<16xi32> -> vector<16xf32>
      %parallel_loop3A_634 = arith.cmpf ogt, %parallel_loop3A_617, %parallel_loop3A_633 : vector<16xf32>
      %parallel_loop3A_635 = arith.select %parallel_loop3A_634, %broadcast_in_dim3A_49, %broadcast_in_dim3A_51 : vector<16xi1>, vector<16xi32>
      %parallel_loop3A_636 = arith.addi %parallel_loop3A_623, %parallel_loop3A_635 : vector<16xi32>
      %parallel_loop3A_637 = arith.constant 0 : i32
      %parallel_loop3A_638 = vector.broadcast %parallel_loop3A_637 : i32 to vector<16xi32>
      %parallel_loop3A_639 = arith.cmpi slt, %parallel_loop3A_636, %parallel_loop3A_638 : vector<16xi32>
      %parallel_loop3A_640 = arith.constant 16 : i32
      %parallel_loop3A_641 = vector.broadcast %parallel_loop3A_640 : i32 to vector<16xi32>
      %parallel_loop3A_642 = arith.addi %parallel_loop3A_636, %parallel_loop3A_641 : vector<16xi32>
      %parallel_loop3A_643 = arith.select %parallel_loop3A_639, %parallel_loop3A_642, %parallel_loop3A_636 : vector<16xi1>, vector<16xi32>
      %parallel_loop3A_644 = vector.shape_cast %parallel_loop3A_643 : vector<16xi32> to vector<16x1xi32>
      %parallel_loop3A_645 = vector.shape_cast %parallel_loop3A_644 : vector<16x1xi32> to vector<16xi32>
      %parallel_loop3A_646 = tpu.dynamic_gather %mul3A_33[%parallel_loop3A_645] in [0] : vector<16xf32>, vector<16xi32> -> vector<16xf32>
      %parallel_loop3A_647 = arith.cmpf ogt, %parallel_loop3A_617, %parallel_loop3A_646 : vector<16xf32>
      %parallel_loop3A_648 = arith.select %parallel_loop3A_647, %broadcast_in_dim3A_49, %broadcast_in_dim3A_53 : vector<16xi1>, vector<16xi32>
      %parallel_loop3A_649 = arith.addi %parallel_loop3A_636, %parallel_loop3A_648 : vector<16xi32>
      %parallel_loop3A_650 = arith.constant 0 : i32
      %parallel_loop3A_651 = vector.broadcast %parallel_loop3A_650 : i32 to vector<16xi32>
      %parallel_loop3A_652 = arith.cmpi slt, %parallel_loop3A_649, %parallel_loop3A_651 : vector<16xi32>
      %parallel_loop3A_653 = arith.constant 16 : i32
      %parallel_loop3A_654 = vector.broadcast %parallel_loop3A_653 : i32 to vector<16xi32>
      %parallel_loop3A_655 = arith.addi %parallel_loop3A_649, %parallel_loop3A_654 : vector<16xi32>
      %parallel_loop3A_656 = arith.select %parallel_loop3A_652, %parallel_loop3A_655, %parallel_loop3A_649 : vector<16xi1>, vector<16xi32>
      %parallel_loop3A_657 = vector.shape_cast %parallel_loop3A_656 : vector<16xi32> to vector<16x1xi32>
      %parallel_loop3A_658 = vector.shape_cast %parallel_loop3A_657 : vector<16x1xi32> to vector<16xi32>
      %parallel_loop3A_659 = tpu.dynamic_gather %masked_sort3A_16[%parallel_loop3A_658] in [0] : vector<16xf32>, vector<16xi32> -> vector<16xf32>
      %parallel_loop3A_660 = arith.index_cast %parallel_loop3A_86 : i32 to index
      %parallel_loop3A_661 = arith.constant 176 : index
      %parallel_loop3A_662 = tpu.vector_load %arg7[%parallel_loop3A_660, %parallel_loop3A_661] {strides = array<i32>} : memref<48x384xf32, #tpu.memory_space<vmem>>, vector<16xf32>,
      tpu.vector_store %arg7[%parallel_loop3A_660, %parallel_loop3A_661], %parallel_loop3A_659 {strides = array<i32>} : memref<48x384xf32, #tpu.memory_space<vmem>>, vector<16xf32>,
      %parallel_loop3A_663 = arith.index_cast %parallel_loop3A_86 : i32 to index
      %parallel_loop3A_664 = arith.constant 192 : index
      %parallel_loop3A_665 = tpu.vector_load %arg7[%parallel_loop3A_663, %parallel_loop3A_664] {strides = array<i32>} : memref<48x384xf32, #tpu.memory_space<vmem>>, vector<16xf32>,
      %parallel_loop3A_666 = arith.cmpf ogt, %parallel_loop3A_665, %broadcast_in_dim3A : vector<16xf32>
      %parallel_loop3A_667 = arith.select %parallel_loop3A_666, %broadcast_in_dim3A_39, %broadcast_in_dim3A_36 : vector<16xi1>, vector<16xf32>
      %parallel_loop3A_668 = arith.cmpf ogt, %parallel_loop3A_665, %parallel_loop3A_667 : vector<16xf32>
      %parallel_loop3A_669 = arith.select %parallel_loop3A_666, %broadcast_in_dim3A_41, %broadcast_in_dim3A_43 : vector<16xi1>, vector<16xi32>
      %parallel_loop3A_670 = arith.select %parallel_loop3A_668, %broadcast_in_dim3A_45, %broadcast_in_dim3A_47 : vector<16xi1>, vector<16xi32>
      %parallel_loop3A_671 = arith.addi %parallel_loop3A_669, %parallel_loop3A_670 : vector<16xi32>
      %parallel_loop3A_672 = arith.constant 0 : i32
      %parallel_loop3A_673 = vector.broadcast %parallel_loop3A_672 : i32 to vector<16xi32>
      %parallel_loop3A_674 = arith.cmpi slt, %parallel_loop3A_671, %parallel_loop3A_673 : vector<16xi32>
      %parallel_loop3A_675 = arith.constant 16 : i32
      %parallel_loop3A_676 = vector.broadcast %parallel_loop3A_675 : i32 to vector<16xi32>
      %parallel_loop3A_677 = arith.addi %parallel_loop3A_671, %parallel_loop3A_676 : vector<16xi32>
      %parallel_loop3A_678 = arith.select %parallel_loop3A_674, %parallel_loop3A_677, %parallel_loop3A_671 : vector<16xi1>, vector<16xi32>
      %parallel_loop3A_679 = vector.shape_cast %parallel_loop3A_678 : vector<16xi32> to vector<16x1xi32>
      %parallel_loop3A_680 = vector.shape_cast %parallel_loop3A_679 : vector<16x1xi32> to vector<16xi32>
      %parallel_loop3A_681 = tpu.dynamic_gather %mul3A_33[%parallel_loop3A_680] in [0] : vector<16xf32>, vector<16xi32> -> vector<16xf32>
      %parallel_loop3A_682 = arith.cmpf ogt, %parallel_loop3A_665, %parallel_loop3A_681 : vector<16xf32>
      %parallel_loop3A_683 = arith.select %parallel_loop3A_682, %broadcast_in_dim3A_49, %broadcast_in_dim3A_51 : vector<16xi1>, vector<16xi32>
      %parallel_loop3A_684 = arith.addi %parallel_loop3A_671, %parallel_loop3A_683 : vector<16xi32>
      %parallel_loop3A_685 = arith.constant 0 : i32
      %parallel_loop3A_686 = vector.broadcast %parallel_loop3A_685 : i32 to vector<16xi32>
      %parallel_loop3A_687 = arith.cmpi slt, %parallel_loop3A_684, %parallel_loop3A_686 : vector<16xi32>
      %parallel_loop3A_688 = arith.constant 16 : i32
      %parallel_loop3A_689 = vector.broadcast %parallel_loop3A_688 : i32 to vector<16xi32>
      %parallel_loop3A_690 = arith.addi %parallel_loop3A_684, %parallel_loop3A_689 : vector<16xi32>
      %parallel_loop3A_691 = arith.select %parallel_loop3A_687, %parallel_loop3A_690, %parallel_loop3A_684 : vector<16xi1>, vector<16xi32>
      %parallel_loop3A_692 = vector.shape_cast %parallel_loop3A_691 : vector<16xi32> to vector<16x1xi32>
      %parallel_loop3A_693 = vector.shape_cast %parallel_loop3A_692 : vector<16x1xi32> to vector<16xi32>
      %parallel_loop3A_694 = tpu.dynamic_gather %mul3A_33[%parallel_loop3A_693] in [0] : vector<16xf32>, vector<16xi32> -> vector<16xf32>
      %parallel_loop3A_695 = arith.cmpf ogt, %parallel_loop3A_665, %parallel_loop3A_694 : vector<16xf32>
      %parallel_loop3A_696 = arith.select %parallel_loop3A_695, %broadcast_in_dim3A_49, %broadcast_in_dim3A_53 : vector<16xi1>, vector<16xi32>
      %parallel_loop3A_697 = arith.addi %parallel_loop3A_684, %parallel_loop3A_696 : vector<16xi32>
      %parallel_loop3A_698 = arith.constant 0 : i32
      %parallel_loop3A_699 = vector.broadcast %parallel_loop3A_698 : i32 to vector<16xi32>
      %parallel_loop3A_700 = arith.cmpi slt, %parallel_loop3A_697, %parallel_loop3A_699 : vector<16xi32>
      %parallel_loop3A_701 = arith.constant 16 : i32
      %parallel_loop3A_702 = vector.broadcast %parallel_loop3A_701 : i32 to vector<16xi32>
      %parallel_loop3A_703 = arith.addi %parallel_loop3A_697, %parallel_loop3A_702 : vector<16xi32>
      %parallel_loop3A_704 = arith.select %parallel_loop3A_700, %parallel_loop3A_703, %parallel_loop3A_697 : vector<16xi1>, vector<16xi32>
      %parallel_loop3A_705 = vector.shape_cast %parallel_loop3A_704 : vector<16xi32> to vector<16x1xi32>
      %parallel_loop3A_706 = vector.shape_cast %parallel_loop3A_705 : vector<16x1xi32> to vector<16xi32>
      %parallel_loop3A_707 = tpu.dynamic_gather %masked_sort3A_16[%parallel_loop3A_706] in [0] : vector<16xf32>, vector<16xi32> -> vector<16xf32>
      %parallel_loop3A_708 = arith.index_cast %parallel_loop3A_86 : i32 to index
      %parallel_loop3A_709 = arith.constant 192 : index
      %parallel_loop3A_710 = tpu.vector_load %arg7[%parallel_loop3A_708, %parallel_loop3A_709] {strides = array<i32>} : memref<48x384xf32, #tpu.memory_space<vmem>>, vector<16xf32>,
      tpu.vector_store %arg7[%parallel_loop3A_708, %parallel_loop3A_709], %parallel_loop3A_707 {strides = array<i32>} : memref<48x384xf32, #tpu.memory_space<vmem>>, vector<16xf32>,
      %parallel_loop3A_711 = arith.index_cast %parallel_loop3A_86 : i32 to index
      %parallel_loop3A_712 = arith.constant 208 : index
      %parallel_loop3A_713 = tpu.vector_load %arg7[%parallel_loop3A_711, %parallel_loop3A_712] {strides = array<i32>} : memref<48x384xf32, #tpu.memory_space<vmem>>, vector<16xf32>,
      %parallel_loop3A_714 = arith.cmpf ogt, %parallel_loop3A_713, %broadcast_in_dim3A : vector<16xf32>
      %parallel_loop3A_715 = arith.select %parallel_loop3A_714, %broadcast_in_dim3A_39, %broadcast_in_dim3A_36 : vector<16xi1>, vector<16xf32>
      %parallel_loop3A_716 = arith.cmpf ogt, %parallel_loop3A_713, %parallel_loop3A_715 : vector<16xf32>
      %parallel_loop3A_717 = arith.select %parallel_loop3A_714, %broadcast_in_dim3A_41, %broadcast_in_dim3A_43 : vector<16xi1>, vector<16xi32>
      %parallel_loop3A_718 = arith.select %parallel_loop3A_716, %broadcast_in_dim3A_45, %broadcast_in_dim3A_47 : vector<16xi1>, vector<16xi32>
      %parallel_loop3A_719 = arith.addi %parallel_loop3A_717, %parallel_loop3A_718 : vector<16xi32>
      %parallel_loop3A_720 = arith.constant 0 : i32
      %parallel_loop3A_721 = vector.broadcast %parallel_loop3A_720 : i32 to vector<16xi32>
      %parallel_loop3A_722 = arith.cmpi slt, %parallel_loop3A_719, %parallel_loop3A_721 : vector<16xi32>
      %parallel_loop3A_723 = arith.constant 16 : i32
      %parallel_loop3A_724 = vector.broadcast %parallel_loop3A_723 : i32 to vector<16xi32>
      %parallel_loop3A_725 = arith.addi %parallel_loop3A_719, %parallel_loop3A_724 : vector<16xi32>
      %parallel_loop3A_726 = arith.select %parallel_loop3A_722, %parallel_loop3A_725, %parallel_loop3A_719 : vector<16xi1>, vector<16xi32>
      %parallel_loop3A_727 = vector.shape_cast %parallel_loop3A_726 : vector<16xi32> to vector<16x1xi32>
      %parallel_loop3A_728 = vector.shape_cast %parallel_loop3A_727 : vector<16x1xi32> to vector<16xi32>
      %parallel_loop3A_729 = tpu.dynamic_gather %mul3A_33[%parallel_loop3A_728] in [0] : vector<16xf32>, vector<16xi32> -> vector<16xf32>
      %parallel_loop3A_730 = arith.cmpf ogt, %parallel_loop3A_713, %parallel_loop3A_729 : vector<16xf32>
      %parallel_loop3A_731 = arith.select %parallel_loop3A_730, %broadcast_in_dim3A_49, %broadcast_in_dim3A_51 : vector<16xi1>, vector<16xi32>
      %parallel_loop3A_732 = arith.addi %parallel_loop3A_719, %parallel_loop3A_731 : vector<16xi32>
      %parallel_loop3A_733 = arith.constant 0 : i32
      %parallel_loop3A_734 = vector.broadcast %parallel_loop3A_733 : i32 to vector<16xi32>
      %parallel_loop3A_735 = arith.cmpi slt, %parallel_loop3A_732, %parallel_loop3A_734 : vector<16xi32>
      %parallel_loop3A_736 = arith.constant 16 : i32
      %parallel_loop3A_737 = vector.broadcast %parallel_loop3A_736 : i32 to vector<16xi32>
      %parallel_loop3A_738 = arith.addi %parallel_loop3A_732, %parallel_loop3A_737 : vector<16xi32>
      %parallel_loop3A_739 = arith.select %parallel_loop3A_735, %parallel_loop3A_738, %parallel_loop3A_732 : vector<16xi1>, vector<16xi32>
      %parallel_loop3A_740 = vector.shape_cast %parallel_loop3A_739 : vector<16xi32> to vector<16x1xi32>
      %parallel_loop3A_741 = vector.shape_cast %parallel_loop3A_740 : vector<16x1xi32> to vector<16xi32>
      %parallel_loop3A_742 = tpu.dynamic_gather %mul3A_33[%parallel_loop3A_741] in [0] : vector<16xf32>, vector<16xi32> -> vector<16xf32>
      %parallel_loop3A_743 = arith.cmpf ogt, %parallel_loop3A_713, %parallel_loop3A_742 : vector<16xf32>
      %parallel_loop3A_744 = arith.select %parallel_loop3A_743, %broadcast_in_dim3A_49, %broadcast_in_dim3A_53 : vector<16xi1>, vector<16xi32>
      %parallel_loop3A_745 = arith.addi %parallel_loop3A_732, %parallel_loop3A_744 : vector<16xi32>
      %parallel_loop3A_746 = arith.constant 0 : i32
      %parallel_loop3A_747 = vector.broadcast %parallel_loop3A_746 : i32 to vector<16xi32>
      %parallel_loop3A_748 = arith.cmpi slt, %parallel_loop3A_745, %parallel_loop3A_747 : vector<16xi32>
      %parallel_loop3A_749 = arith.constant 16 : i32
      %parallel_loop3A_750 = vector.broadcast %parallel_loop3A_749 : i32 to vector<16xi32>
      %parallel_loop3A_751 = arith.addi %parallel_loop3A_745, %parallel_loop3A_750 : vector<16xi32>
      %parallel_loop3A_752 = arith.select %parallel_loop3A_748, %parallel_loop3A_751, %parallel_loop3A_745 : vector<16xi1>, vector<16xi32>
      %parallel_loop3A_753 = vector.shape_cast %parallel_loop3A_752 : vector<16xi32> to vector<16x1xi32>
      %parallel_loop3A_754 = vector.shape_cast %parallel_loop3A_753 : vector<16x1xi32> to vector<16xi32>
      %parallel_loop3A_755 = tpu.dynamic_gather %masked_sort3A_16[%parallel_loop3A_754] in [0] : vector<16xf32>, vector<16xi32> -> vector<16xf32>
      %parallel_loop3A_756 = arith.index_cast %parallel_loop3A_86 : i32 to index
      %parallel_loop3A_757 = arith.constant 208 : index
      %parallel_loop3A_758 = tpu.vector_load %arg7[%parallel_loop3A_756, %parallel_loop3A_757] {strides = array<i32>} : memref<48x384xf32, #tpu.memory_space<vmem>>, vector<16xf32>,
      tpu.vector_store %arg7[%parallel_loop3A_756, %parallel_loop3A_757], %parallel_loop3A_755 {strides = array<i32>} : memref<48x384xf32, #tpu.memory_space<vmem>>, vector<16xf32>,
      %parallel_loop3A_759 = arith.index_cast %parallel_loop3A_86 : i32 to index
      %parallel_loop3A_760 = arith.constant 224 : index
      %parallel_loop3A_761 = tpu.vector_load %arg7[%parallel_loop3A_759, %parallel_loop3A_760] {strides = array<i32>} : memref<48x384xf32, #tpu.memory_space<vmem>>, vector<16xf32>,
      %parallel_loop3A_762 = arith.cmpf ogt, %parallel_loop3A_761, %broadcast_in_dim3A : vector<16xf32>
      %parallel_loop3A_763 = arith.select %parallel_loop3A_762, %broadcast_in_dim3A_39, %broadcast_in_dim3A_36 : vector<16xi1>, vector<16xf32>
      %parallel_loop3A_764 = arith.cmpf ogt, %parallel_loop3A_761, %parallel_loop3A_763 : vector<16xf32>
      %parallel_loop3A_765 = arith.select %parallel_loop3A_762, %broadcast_in_dim3A_41, %broadcast_in_dim3A_43 : vector<16xi1>, vector<16xi32>
      %parallel_loop3A_766 = arith.select %parallel_loop3A_764, %broadcast_in_dim3A_45, %broadcast_in_dim3A_47 : vector<16xi1>, vector<16xi32>
      %parallel_loop3A_767 = arith.addi %parallel_loop3A_765, %parallel_loop3A_766 : vector<16xi32>
      %parallel_loop3A_768 = arith.constant 0 : i32
      %parallel_loop3A_769 = vector.broadcast %parallel_loop3A_768 : i32 to vector<16xi32>
      %parallel_loop3A_770 = arith.cmpi slt, %parallel_loop3A_767, %parallel_loop3A_769 : vector<16xi32>
      %parallel_loop3A_771 = arith.constant 16 : i32
      %parallel_loop3A_772 = vector.broadcast %parallel_loop3A_771 : i32 to vector<16xi32>
      %parallel_loop3A_773 = arith.addi %parallel_loop3A_767, %parallel_loop3A_772 : vector<16xi32>
      %parallel_loop3A_774 = arith.select %parallel_loop3A_770, %parallel_loop3A_773, %parallel_loop3A_767 : vector<16xi1>, vector<16xi32>
      %parallel_loop3A_775 = vector.shape_cast %parallel_loop3A_774 : vector<16xi32> to vector<16x1xi32>
      %parallel_loop3A_776 = vector.shape_cast %parallel_loop3A_775 : vector<16x1xi32> to vector<16xi32>
      %parallel_loop3A_777 = tpu.dynamic_gather %mul3A_33[%parallel_loop3A_776] in [0] : vector<16xf32>, vector<16xi32> -> vector<16xf32>
      %parallel_loop3A_778 = arith.cmpf ogt, %parallel_loop3A_761, %parallel_loop3A_777 : vector<16xf32>
      %parallel_loop3A_779 = arith.select %parallel_loop3A_778, %broadcast_in_dim3A_49, %broadcast_in_dim3A_51 : vector<16xi1>, vector<16xi32>
      %parallel_loop3A_780 = arith.addi %parallel_loop3A_767, %parallel_loop3A_779 : vector<16xi32>
      %parallel_loop3A_781 = arith.constant 0 : i32
      %parallel_loop3A_782 = vector.broadcast %parallel_loop3A_781 : i32 to vector<16xi32>
      %parallel_loop3A_783 = arith.cmpi slt, %parallel_loop3A_780, %parallel_loop3A_782 : vector<16xi32>
      %parallel_loop3A_784 = arith.constant 16 : i32
      %parallel_loop3A_785 = vector.broadcast %parallel_loop3A_784 : i32 to vector<16xi32>
      %parallel_loop3A_786 = arith.addi %parallel_loop3A_780, %parallel_loop3A_785 : vector<16xi32>
      %parallel_loop3A_787 = arith.select %parallel_loop3A_783, %parallel_loop3A_786, %parallel_loop3A_780 : vector<16xi1>, vector<16xi32>
      %parallel_loop3A_788 = vector.shape_cast %parallel_loop3A_787 : vector<16xi32> to vector<16x1xi32>
      %parallel_loop3A_789 = vector.shape_cast %parallel_loop3A_788 : vector<16x1xi32> to vector<16xi32>
      %parallel_loop3A_790 = tpu.dynamic_gather %mul3A_33[%parallel_loop3A_789] in [0] : vector<16xf32>, vector<16xi32> -> vector<16xf32>
      %parallel_loop3A_791 = arith.cmpf ogt, %parallel_loop3A_761, %parallel_loop3A_790 : vector<16xf32>
      %parallel_loop3A_792 = arith.select %parallel_loop3A_791, %broadcast_in_dim3A_49, %broadcast_in_dim3A_53 : vector<16xi1>, vector<16xi32>
      %parallel_loop3A_793 = arith.addi %parallel_loop3A_780, %parallel_loop3A_792 : vector<16xi32>
      %parallel_loop3A_794 = arith.constant 0 : i32
      %parallel_loop3A_795 = vector.broadcast %parallel_loop3A_794 : i32 to vector<16xi32>
      %parallel_loop3A_796 = arith.cmpi slt, %parallel_loop3A_793, %parallel_loop3A_795 : vector<16xi32>
      %parallel_loop3A_797 = arith.constant 16 : i32
      %parallel_loop3A_798 = vector.broadcast %parallel_loop3A_797 : i32 to vector<16xi32>
      %parallel_loop3A_799 = arith.addi %parallel_loop3A_793, %parallel_loop3A_798 : vector<16xi32>
      %parallel_loop3A_800 = arith.select %parallel_loop3A_796, %parallel_loop3A_799, %parallel_loop3A_793 : vector<16xi1>, vector<16xi32>
      %parallel_loop3A_801 = vector.shape_cast %parallel_loop3A_800 : vector<16xi32> to vector<16x1xi32>
      %parallel_loop3A_802 = vector.shape_cast %parallel_loop3A_801 : vector<16x1xi32> to vector<16xi32>
      %parallel_loop3A_803 = tpu.dynamic_gather %masked_sort3A_16[%parallel_loop3A_802] in [0] : vector<16xf32>, vector<16xi32> -> vector<16xf32>
      %parallel_loop3A_804 = arith.index_cast %parallel_loop3A_86 : i32 to index
      %parallel_loop3A_805 = arith.constant 224 : index
      %parallel_loop3A_806 = tpu.vector_load %arg7[%parallel_loop3A_804, %parallel_loop3A_805] {strides = array<i32>} : memref<48x384xf32, #tpu.memory_space<vmem>>, vector<16xf32>,
      tpu.vector_store %arg7[%parallel_loop3A_804, %parallel_loop3A_805], %parallel_loop3A_803 {strides = array<i32>} : memref<48x384xf32, #tpu.memory_space<vmem>>, vector<16xf32>,
      %parallel_loop3A_807 = arith.index_cast %parallel_loop3A_86 : i32 to index
      %parallel_loop3A_808 = arith.constant 240 : index
      %parallel_loop3A_809 = tpu.vector_load %arg7[%parallel_loop3A_807, %parallel_loop3A_808] {strides = array<i32>} : memref<48x384xf32, #tpu.memory_space<vmem>>, vector<16xf32>,
      %parallel_loop3A_810 = arith.cmpf ogt, %parallel_loop3A_809, %broadcast_in_dim3A : vector<16xf32>
      %parallel_loop3A_811 = arith.select %parallel_loop3A_810, %broadcast_in_dim3A_39, %broadcast_in_dim3A_36 : vector<16xi1>, vector<16xf32>
      %parallel_loop3A_812 = arith.cmpf ogt, %parallel_loop3A_809, %parallel_loop3A_811 : vector<16xf32>
      %parallel_loop3A_813 = arith.select %parallel_loop3A_810, %broadcast_in_dim3A_41, %broadcast_in_dim3A_43 : vector<16xi1>, vector<16xi32>
      %parallel_loop3A_814 = arith.select %parallel_loop3A_812, %broadcast_in_dim3A_45, %broadcast_in_dim3A_47 : vector<16xi1>, vector<16xi32>
      %parallel_loop3A_815 = arith.addi %parallel_loop3A_813, %parallel_loop3A_814 : vector<16xi32>
      %parallel_loop3A_816 = arith.constant 0 : i32
      %parallel_loop3A_817 = vector.broadcast %parallel_loop3A_816 : i32 to vector<16xi32>
      %parallel_loop3A_818 = arith.cmpi slt, %parallel_loop3A_815, %parallel_loop3A_817 : vector<16xi32>
      %parallel_loop3A_819 = arith.constant 16 : i32
      %parallel_loop3A_820 = vector.broadcast %parallel_loop3A_819 : i32 to vector<16xi32>
      %parallel_loop3A_821 = arith.addi %parallel_loop3A_815, %parallel_loop3A_820 : vector<16xi32>
      %parallel_loop3A_822 = arith.select %parallel_loop3A_818, %parallel_loop3A_821, %parallel_loop3A_815 : vector<16xi1>, vector<16xi32>
      %parallel_loop3A_823 = vector.shape_cast %parallel_loop3A_822 : vector<16xi32> to vector<16x1xi32>
      %parallel_loop3A_824 = vector.shape_cast %parallel_loop3A_823 : vector<16x1xi32> to vector<16xi32>
      %parallel_loop3A_825 = tpu.dynamic_gather %mul3A_33[%parallel_loop3A_824] in [0] : vector<16xf32>, vector<16xi32> -> vector<16xf32>
      %parallel_loop3A_826 = arith.cmpf ogt, %parallel_loop3A_809, %parallel_loop3A_825 : vector<16xf32>
      %parallel_loop3A_827 = arith.select %parallel_loop3A_826, %broadcast_in_dim3A_49, %broadcast_in_dim3A_51 : vector<16xi1>, vector<16xi32>
      %parallel_loop3A_828 = arith.addi %parallel_loop3A_815, %parallel_loop3A_827 : vector<16xi32>
      %parallel_loop3A_829 = arith.constant 0 : i32
      %parallel_loop3A_830 = vector.broadcast %parallel_loop3A_829 : i32 to vector<16xi32>
      %parallel_loop3A_831 = arith.cmpi slt, %parallel_loop3A_828, %parallel_loop3A_830 : vector<16xi32>
      %parallel_loop3A_832 = arith.constant 16 : i32
      %parallel_loop3A_833 = vector.broadcast %parallel_loop3A_832 : i32 to vector<16xi32>
      %parallel_loop3A_834 = arith.addi %parallel_loop3A_828, %parallel_loop3A_833 : vector<16xi32>
      %parallel_loop3A_835 = arith.select %parallel_loop3A_831, %parallel_loop3A_834, %parallel_loop3A_828 : vector<16xi1>, vector<16xi32>
      %parallel_loop3A_836 = vector.shape_cast %parallel_loop3A_835 : vector<16xi32> to vector<16x1xi32>
      %parallel_loop3A_837 = vector.shape_cast %parallel_loop3A_836 : vector<16x1xi32> to vector<16xi32>
      %parallel_loop3A_838 = tpu.dynamic_gather %mul3A_33[%parallel_loop3A_837] in [0] : vector<16xf32>, vector<16xi32> -> vector<16xf32>
      %parallel_loop3A_839 = arith.cmpf ogt, %parallel_loop3A_809, %parallel_loop3A_838 : vector<16xf32>
      %parallel_loop3A_840 = arith.select %parallel_loop3A_839, %broadcast_in_dim3A_49, %broadcast_in_dim3A_53 : vector<16xi1>, vector<16xi32>
      %parallel_loop3A_841 = arith.addi %parallel_loop3A_828, %parallel_loop3A_840 : vector<16xi32>
      %parallel_loop3A_842 = arith.constant 0 : i32
      %parallel_loop3A_843 = vector.broadcast %parallel_loop3A_842 : i32 to vector<16xi32>
      %parallel_loop3A_844 = arith.cmpi slt, %parallel_loop3A_841, %parallel_loop3A_843 : vector<16xi32>
      %parallel_loop3A_845 = arith.constant 16 : i32
      %parallel_loop3A_846 = vector.broadcast %parallel_loop3A_845 : i32 to vector<16xi32>
      %parallel_loop3A_847 = arith.addi %parallel_loop3A_841, %parallel_loop3A_846 : vector<16xi32>
      %parallel_loop3A_848 = arith.select %parallel_loop3A_844, %parallel_loop3A_847, %parallel_loop3A_841 : vector<16xi1>, vector<16xi32>
      %parallel_loop3A_849 = vector.shape_cast %parallel_loop3A_848 : vector<16xi32> to vector<16x1xi32>
      %parallel_loop3A_850 = vector.shape_cast %parallel_loop3A_849 : vector<16x1xi32> to vector<16xi32>
      %parallel_loop3A_851 = tpu.dynamic_gather %masked_sort3A_16[%parallel_loop3A_850] in [0] : vector<16xf32>, vector<16xi32> -> vector<16xf32>
      %parallel_loop3A_852 = arith.index_cast %parallel_loop3A_86 : i32 to index
      %parallel_loop3A_853 = arith.constant 240 : index
      %parallel_loop3A_854 = tpu.vector_load %arg7[%parallel_loop3A_852, %parallel_loop3A_853] {strides = array<i32>} : memref<48x384xf32, #tpu.memory_space<vmem>>, vector<16xf32>,
      tpu.vector_store %arg7[%parallel_loop3A_852, %parallel_loop3A_853], %parallel_loop3A_851 {strides = array<i32>} : memref<48x384xf32, #tpu.memory_space<vmem>>, vector<16xf32>,
      %parallel_loop3A_855 = arith.index_cast %parallel_loop3A_86 : i32 to index
      %parallel_loop3A_856 = arith.constant 256 : index
      %parallel_loop3A_857 = tpu.vector_load %arg7[%parallel_loop3A_855, %parallel_loop3A_856] {strides = array<i32>} : memref<48x384xf32, #tpu.memory_space<vmem>>, vector<16xf32>,
      %parallel_loop3A_858 = arith.cmpf ogt, %parallel_loop3A_857, %broadcast_in_dim3A : vector<16xf32>
      %parallel_loop3A_859 = arith.select %parallel_loop3A_858, %broadcast_in_dim3A_39, %broadcast_in_dim3A_36 : vector<16xi1>, vector<16xf32>
      %parallel_loop3A_860 = arith.cmpf ogt, %parallel_loop3A_857, %parallel_loop3A_859 : vector<16xf32>
      %parallel_loop3A_861 = arith.select %parallel_loop3A_858, %broadcast_in_dim3A_41, %broadcast_in_dim3A_43 : vector<16xi1>, vector<16xi32>
      %parallel_loop3A_862 = arith.select %parallel_loop3A_860, %broadcast_in_dim3A_45, %broadcast_in_dim3A_47 : vector<16xi1>, vector<16xi32>
      %parallel_loop3A_863 = arith.addi %parallel_loop3A_861, %parallel_loop3A_862 : vector<16xi32>
      %parallel_loop3A_864 = arith.constant 0 : i32
      %parallel_loop3A_865 = vector.broadcast %parallel_loop3A_864 : i32 to vector<16xi32>
      %parallel_loop3A_866 = arith.cmpi slt, %parallel_loop3A_863, %parallel_loop3A_865 : vector<16xi32>
      %parallel_loop3A_867 = arith.constant 16 : i32
      %parallel_loop3A_868 = vector.broadcast %parallel_loop3A_867 : i32 to vector<16xi32>
      %parallel_loop3A_869 = arith.addi %parallel_loop3A_863, %parallel_loop3A_868 : vector<16xi32>
      %parallel_loop3A_870 = arith.select %parallel_loop3A_866, %parallel_loop3A_869, %parallel_loop3A_863 : vector<16xi1>, vector<16xi32>
      %parallel_loop3A_871 = vector.shape_cast %parallel_loop3A_870 : vector<16xi32> to vector<16x1xi32>
      %parallel_loop3A_872 = vector.shape_cast %parallel_loop3A_871 : vector<16x1xi32> to vector<16xi32>
      %parallel_loop3A_873 = tpu.dynamic_gather %mul3A_33[%parallel_loop3A_872] in [0] : vector<16xf32>, vector<16xi32> -> vector<16xf32>
      %parallel_loop3A_874 = arith.cmpf ogt, %parallel_loop3A_857, %parallel_loop3A_873 : vector<16xf32>
      %parallel_loop3A_875 = arith.select %parallel_loop3A_874, %broadcast_in_dim3A_49, %broadcast_in_dim3A_51 : vector<16xi1>, vector<16xi32>
      %parallel_loop3A_876 = arith.addi %parallel_loop3A_863, %parallel_loop3A_875 : vector<16xi32>
      %parallel_loop3A_877 = arith.constant 0 : i32
      %parallel_loop3A_878 = vector.broadcast %parallel_loop3A_877 : i32 to vector<16xi32>
      %parallel_loop3A_879 = arith.cmpi slt, %parallel_loop3A_876, %parallel_loop3A_878 : vector<16xi32>
      %parallel_loop3A_880 = arith.constant 16 : i32
      %parallel_loop3A_881 = vector.broadcast %parallel_loop3A_880 : i32 to vector<16xi32>
      %parallel_loop3A_882 = arith.addi %parallel_loop3A_876, %parallel_loop3A_881 : vector<16xi32>
      %parallel_loop3A_883 = arith.select %parallel_loop3A_879, %parallel_loop3A_882, %parallel_loop3A_876 : vector<16xi1>, vector<16xi32>
      %parallel_loop3A_884 = vector.shape_cast %parallel_loop3A_883 : vector<16xi32> to vector<16x1xi32>
      %parallel_loop3A_885 = vector.shape_cast %parallel_loop3A_884 : vector<16x1xi32> to vector<16xi32>
      %parallel_loop3A_886 = tpu.dynamic_gather %mul3A_33[%parallel_loop3A_885] in [0] : vector<16xf32>, vector<16xi32> -> vector<16xf32>
      %parallel_loop3A_887 = arith.cmpf ogt, %parallel_loop3A_857, %parallel_loop3A_886 : vector<16xf32>
      %parallel_loop3A_888 = arith.select %parallel_loop3A_887, %broadcast_in_dim3A_49, %broadcast_in_dim3A_53 : vector<16xi1>, vector<16xi32>
      %parallel_loop3A_889 = arith.addi %parallel_loop3A_876, %parallel_loop3A_888 : vector<16xi32>
      %parallel_loop3A_890 = arith.constant 0 : i32
      %parallel_loop3A_891 = vector.broadcast %parallel_loop3A_890 : i32 to vector<16xi32>
      %parallel_loop3A_892 = arith.cmpi slt, %parallel_loop3A_889, %parallel_loop3A_891 : vector<16xi32>
      %parallel_loop3A_893 = arith.constant 16 : i32
      %parallel_loop3A_894 = vector.broadcast %parallel_loop3A_893 : i32 to vector<16xi32>
      %parallel_loop3A_895 = arith.addi %parallel_loop3A_889, %parallel_loop3A_894 : vector<16xi32>
      %parallel_loop3A_896 = arith.select %parallel_loop3A_892, %parallel_loop3A_895, %parallel_loop3A_889 : vector<16xi1>, vector<16xi32>
      %parallel_loop3A_897 = vector.shape_cast %parallel_loop3A_896 : vector<16xi32> to vector<16x1xi32>
      %parallel_loop3A_898 = vector.shape_cast %parallel_loop3A_897 : vector<16x1xi32> to vector<16xi32>
      %parallel_loop3A_899 = tpu.dynamic_gather %masked_sort3A_16[%parallel_loop3A_898] in [0] : vector<16xf32>, vector<16xi32> -> vector<16xf32>
      %parallel_loop3A_900 = arith.index_cast %parallel_loop3A_86 : i32 to index
      %parallel_loop3A_901 = arith.constant 256 : index
      %parallel_loop3A_902 = tpu.vector_load %arg7[%parallel_loop3A_900, %parallel_loop3A_901] {strides = array<i32>} : memref<48x384xf32, #tpu.memory_space<vmem>>, vector<16xf32>,
      tpu.vector_store %arg7[%parallel_loop3A_900, %parallel_loop3A_901], %parallel_loop3A_899 {strides = array<i32>} : memref<48x384xf32, #tpu.memory_space<vmem>>, vector<16xf32>,
      %parallel_loop3A_903 = arith.index_cast %parallel_loop3A_86 : i32 to index
      %parallel_loop3A_904 = arith.constant 272 : index
      %parallel_loop3A_905 = tpu.vector_load %arg7[%parallel_loop3A_903, %parallel_loop3A_904] {strides = array<i32>} : memref<48x384xf32, #tpu.memory_space<vmem>>, vector<16xf32>,
      %parallel_loop3A_906 = arith.cmpf ogt, %parallel_loop3A_905, %broadcast_in_dim3A : vector<16xf32>
      %parallel_loop3A_907 = arith.select %parallel_loop3A_906, %broadcast_in_dim3A_39, %broadcast_in_dim3A_36 : vector<16xi1>, vector<16xf32>
      %parallel_loop3A_908 = arith.cmpf ogt, %parallel_loop3A_905, %parallel_loop3A_907 : vector<16xf32>
      %parallel_loop3A_909 = arith.select %parallel_loop3A_906, %broadcast_in_dim3A_41, %broadcast_in_dim3A_43 : vector<16xi1>, vector<16xi32>
      %parallel_loop3A_910 = arith.select %parallel_loop3A_908, %broadcast_in_dim3A_45, %broadcast_in_dim3A_47 : vector<16xi1>, vector<16xi32>
      %parallel_loop3A_911 = arith.addi %parallel_loop3A_909, %parallel_loop3A_910 : vector<16xi32>
      %parallel_loop3A_912 = arith.constant 0 : i32
      %parallel_loop3A_913 = vector.broadcast %parallel_loop3A_912 : i32 to vector<16xi32>
      %parallel_loop3A_914 = arith.cmpi slt, %parallel_loop3A_911, %parallel_loop3A_913 : vector<16xi32>
      %parallel_loop3A_915 = arith.constant 16 : i32
      %parallel_loop3A_916 = vector.broadcast %parallel_loop3A_915 : i32 to vector<16xi32>
      %parallel_loop3A_917 = arith.addi %parallel_loop3A_911, %parallel_loop3A_916 : vector<16xi32>
      %parallel_loop3A_918 = arith.select %parallel_loop3A_914, %parallel_loop3A_917, %parallel_loop3A_911 : vector<16xi1>, vector<16xi32>
      %parallel_loop3A_919 = vector.shape_cast %parallel_loop3A_918 : vector<16xi32> to vector<16x1xi32>
      %parallel_loop3A_920 = vector.shape_cast %parallel_loop3A_919 : vector<16x1xi32> to vector<16xi32>
      %parallel_loop3A_921 = tpu.dynamic_gather %mul3A_33[%parallel_loop3A_920] in [0] : vector<16xf32>, vector<16xi32> -> vector<16xf32>
      %parallel_loop3A_922 = arith.cmpf ogt, %parallel_loop3A_905, %parallel_loop3A_921 : vector<16xf32>
      %parallel_loop3A_923 = arith.select %parallel_loop3A_922, %broadcast_in_dim3A_49, %broadcast_in_dim3A_51 : vector<16xi1>, vector<16xi32>
      %parallel_loop3A_924 = arith.addi %parallel_loop3A_911, %parallel_loop3A_923 : vector<16xi32>
      %parallel_loop3A_925 = arith.constant 0 : i32
      %parallel_loop3A_926 = vector.broadcast %parallel_loop3A_925 : i32 to vector<16xi32>
      %parallel_loop3A_927 = arith.cmpi slt, %parallel_loop3A_924, %parallel_loop3A_926 : vector<16xi32>
      %parallel_loop3A_928 = arith.constant 16 : i32
      %parallel_loop3A_929 = vector.broadcast %parallel_loop3A_928 : i32 to vector<16xi32>
      %parallel_loop3A_930 = arith.addi %parallel_loop3A_924, %parallel_loop3A_929 : vector<16xi32>
      %parallel_loop3A_931 = arith.select %parallel_loop3A_927, %parallel_loop3A_930, %parallel_loop3A_924 : vector<16xi1>, vector<16xi32>
      %parallel_loop3A_932 = vector.shape_cast %parallel_loop3A_931 : vector<16xi32> to vector<16x1xi32>
      %parallel_loop3A_933 = vector.shape_cast %parallel_loop3A_932 : vector<16x1xi32> to vector<16xi32>
      %parallel_loop3A_934 = tpu.dynamic_gather %mul3A_33[%parallel_loop3A_933] in [0] : vector<16xf32>, vector<16xi32> -> vector<16xf32>
      %parallel_loop3A_935 = arith.cmpf ogt, %parallel_loop3A_905, %parallel_loop3A_934 : vector<16xf32>
      %parallel_loop3A_936 = arith.select %parallel_loop3A_935, %broadcast_in_dim3A_49, %broadcast_in_dim3A_53 : vector<16xi1>, vector<16xi32>
      %parallel_loop3A_937 = arith.addi %parallel_loop3A_924, %parallel_loop3A_936 : vector<16xi32>
      %parallel_loop3A_938 = arith.constant 0 : i32
      %parallel_loop3A_939 = vector.broadcast %parallel_loop3A_938 : i32 to vector<16xi32>
      %parallel_loop3A_940 = arith.cmpi slt, %parallel_loop3A_937, %parallel_loop3A_939 : vector<16xi32>
      %parallel_loop3A_941 = arith.constant 16 : i32
      %parallel_loop3A_942 = vector.broadcast %parallel_loop3A_941 : i32 to vector<16xi32>
      %parallel_loop3A_943 = arith.addi %parallel_loop3A_937, %parallel_loop3A_942 : vector<16xi32>
      %parallel_loop3A_944 = arith.select %parallel_loop3A_940, %parallel_loop3A_943, %parallel_loop3A_937 : vector<16xi1>, vector<16xi32>
      %parallel_loop3A_945 = vector.shape_cast %parallel_loop3A_944 : vector<16xi32> to vector<16x1xi32>
      %parallel_loop3A_946 = vector.shape_cast %parallel_loop3A_945 : vector<16x1xi32> to vector<16xi32>
      %parallel_loop3A_947 = tpu.dynamic_gather %masked_sort3A_16[%parallel_loop3A_946] in [0] : vector<16xf32>, vector<16xi32> -> vector<16xf32>
      %parallel_loop3A_948 = arith.index_cast %parallel_loop3A_86 : i32 to index
      %parallel_loop3A_949 = arith.constant 272 : index
      %parallel_loop3A_950 = tpu.vector_load %arg7[%parallel_loop3A_948, %parallel_loop3A_949] {strides = array<i32>} : memref<48x384xf32, #tpu.memory_space<vmem>>, vector<16xf32>,
      tpu.vector_store %arg7[%parallel_loop3A_948, %parallel_loop3A_949], %parallel_loop3A_947 {strides = array<i32>} : memref<48x384xf32, #tpu.memory_space<vmem>>, vector<16xf32>,
      %parallel_loop3A_951 = arith.index_cast %parallel_loop3A_86 : i32 to index
      %parallel_loop3A_952 = arith.constant 288 : index
      %parallel_loop3A_953 = tpu.vector_load %arg7[%parallel_loop3A_951, %parallel_loop3A_952] {strides = array<i32>} : memref<48x384xf32, #tpu.memory_space<vmem>>, vector<16xf32>,
      %parallel_loop3A_954 = arith.cmpf ogt, %parallel_loop3A_953, %broadcast_in_dim3A : vector<16xf32>
      %parallel_loop3A_955 = arith.select %parallel_loop3A_954, %broadcast_in_dim3A_39, %broadcast_in_dim3A_36 : vector<16xi1>, vector<16xf32>
      %parallel_loop3A_956 = arith.cmpf ogt, %parallel_loop3A_953, %parallel_loop3A_955 : vector<16xf32>
      %parallel_loop3A_957 = arith.select %parallel_loop3A_954, %broadcast_in_dim3A_41, %broadcast_in_dim3A_43 : vector<16xi1>, vector<16xi32>
      %parallel_loop3A_958 = arith.select %parallel_loop3A_956, %broadcast_in_dim3A_45, %broadcast_in_dim3A_47 : vector<16xi1>, vector<16xi32>
      %parallel_loop3A_959 = arith.addi %parallel_loop3A_957, %parallel_loop3A_958 : vector<16xi32>
      %parallel_loop3A_960 = arith.constant 0 : i32
      %parallel_loop3A_961 = vector.broadcast %parallel_loop3A_960 : i32 to vector<16xi32>
      %parallel_loop3A_962 = arith.cmpi slt, %parallel_loop3A_959, %parallel_loop3A_961 : vector<16xi32>
      %parallel_loop3A_963 = arith.constant 16 : i32
      %parallel_loop3A_964 = vector.broadcast %parallel_loop3A_963 : i32 to vector<16xi32>
      %parallel_loop3A_965 = arith.addi %parallel_loop3A_959, %parallel_loop3A_964 : vector<16xi32>
      %parallel_loop3A_966 = arith.select %parallel_loop3A_962, %parallel_loop3A_965, %parallel_loop3A_959 : vector<16xi1>, vector<16xi32>
      %parallel_loop3A_967 = vector.shape_cast %parallel_loop3A_966 : vector<16xi32> to vector<16x1xi32>
      %parallel_loop3A_968 = vector.shape_cast %parallel_loop3A_967 : vector<16x1xi32> to vector<16xi32>
      %parallel_loop3A_969 = tpu.dynamic_gather %mul3A_33[%parallel_loop3A_968] in [0] : vector<16xf32>, vector<16xi32> -> vector<16xf32>
      %parallel_loop3A_970 = arith.cmpf ogt, %parallel_loop3A_953, %parallel_loop3A_969 : vector<16xf32>
      %parallel_loop3A_971 = arith.select %parallel_loop3A_970, %broadcast_in_dim3A_49, %broadcast_in_dim3A_51 : vector<16xi1>, vector<16xi32>
      %parallel_loop3A_972 = arith.addi %parallel_loop3A_959, %parallel_loop3A_971 : vector<16xi32>
      %parallel_loop3A_973 = arith.constant 0 : i32
      %parallel_loop3A_974 = vector.broadcast %parallel_loop3A_973 : i32 to vector<16xi32>
      %parallel_loop3A_975 = arith.cmpi slt, %parallel_loop3A_972, %parallel_loop3A_974 : vector<16xi32>
      %parallel_loop3A_976 = arith.constant 16 : i32
      %parallel_loop3A_977 = vector.broadcast %parallel_loop3A_976 : i32 to vector<16xi32>
      %parallel_loop3A_978 = arith.addi %parallel_loop3A_972, %parallel_loop3A_977 : vector<16xi32>
      %parallel_loop3A_979 = arith.select %parallel_loop3A_975, %parallel_loop3A_978, %parallel_loop3A_972 : vector<16xi1>, vector<16xi32>
      %parallel_loop3A_980 = vector.shape_cast %parallel_loop3A_979 : vector<16xi32> to vector<16x1xi32>
      %parallel_loop3A_981 = vector.shape_cast %parallel_loop3A_980 : vector<16x1xi32> to vector<16xi32>
      %parallel_loop3A_982 = tpu.dynamic_gather %mul3A_33[%parallel_loop3A_981] in [0] : vector<16xf32>, vector<16xi32> -> vector<16xf32>
      %parallel_loop3A_983 = arith.cmpf ogt, %parallel_loop3A_953, %parallel_loop3A_982 : vector<16xf32>
      %parallel_loop3A_984 = arith.select %parallel_loop3A_983, %broadcast_in_dim3A_49, %broadcast_in_dim3A_53 : vector<16xi1>, vector<16xi32>
      %parallel_loop3A_985 = arith.addi %parallel_loop3A_972, %parallel_loop3A_984 : vector<16xi32>
      %parallel_loop3A_986 = arith.constant 0 : i32
      %parallel_loop3A_987 = vector.broadcast %parallel_loop3A_986 : i32 to vector<16xi32>
      %parallel_loop3A_988 = arith.cmpi slt, %parallel_loop3A_985, %parallel_loop3A_987 : vector<16xi32>
      %parallel_loop3A_989 = arith.constant 16 : i32
      %parallel_loop3A_990 = vector.broadcast %parallel_loop3A_989 : i32 to vector<16xi32>
      %parallel_loop3A_991 = arith.addi %parallel_loop3A_985, %parallel_loop3A_990 : vector<16xi32>
      %parallel_loop3A_992 = arith.select %parallel_loop3A_988, %parallel_loop3A_991, %parallel_loop3A_985 : vector<16xi1>, vector<16xi32>
      %parallel_loop3A_993 = vector.shape_cast %parallel_loop3A_992 : vector<16xi32> to vector<16x1xi32>
      %parallel_loop3A_994 = vector.shape_cast %parallel_loop3A_993 : vector<16x1xi32> to vector<16xi32>
      %parallel_loop3A_995 = tpu.dynamic_gather %masked_sort3A_16[%parallel_loop3A_994] in [0] : vector<16xf32>, vector<16xi32> -> vector<16xf32>
      %parallel_loop3A_996 = arith.index_cast %parallel_loop3A_86 : i32 to index
      %parallel_loop3A_997 = arith.constant 288 : index
      %parallel_loop3A_998 = tpu.vector_load %arg7[%parallel_loop3A_996, %parallel_loop3A_997] {strides = array<i32>} : memref<48x384xf32, #tpu.memory_space<vmem>>, vector<16xf32>,
      tpu.vector_store %arg7[%parallel_loop3A_996, %parallel_loop3A_997], %parallel_loop3A_995 {strides = array<i32>} : memref<48x384xf32, #tpu.memory_space<vmem>>, vector<16xf32>,
      %parallel_loop3A_999 = arith.index_cast %parallel_loop3A_86 : i32 to index
      %parallel_loop3A_1000 = arith.constant 304 : index
      %parallel_loop3A_1001 = tpu.vector_load %arg7[%parallel_loop3A_999, %parallel_loop3A_1000] {strides = array<i32>} : memref<48x384xf32, #tpu.memory_space<vmem>>, vector<16xf32>,
      %parallel_loop3A_1002 = arith.cmpf ogt, %parallel_loop3A_1001, %broadcast_in_dim3A : vector<16xf32>
      %parallel_loop3A_1003 = arith.select %parallel_loop3A_1002, %broadcast_in_dim3A_39, %broadcast_in_dim3A_36 : vector<16xi1>, vector<16xf32>
      %parallel_loop3A_1004 = arith.cmpf ogt, %parallel_loop3A_1001, %parallel_loop3A_1003 : vector<16xf32>
      %parallel_loop3A_1005 = arith.select %parallel_loop3A_1002, %broadcast_in_dim3A_41, %broadcast_in_dim3A_43 : vector<16xi1>, vector<16xi32>
      %parallel_loop3A_1006 = arith.select %parallel_loop3A_1004, %broadcast_in_dim3A_45, %broadcast_in_dim3A_47 : vector<16xi1>, vector<16xi32>
      %parallel_loop3A_1007 = arith.addi %parallel_loop3A_1005, %parallel_loop3A_1006 : vector<16xi32>
      %parallel_loop3A_1008 = arith.constant 0 : i32
      %parallel_loop3A_1009 = vector.broadcast %parallel_loop3A_1008 : i32 to vector<16xi32>
      %parallel_loop3A_1010 = arith.cmpi slt, %parallel_loop3A_1007, %parallel_loop3A_1009 : vector<16xi32>
      %parallel_loop3A_1011 = arith.constant 16 : i32
      %parallel_loop3A_1012 = vector.broadcast %parallel_loop3A_1011 : i32 to vector<16xi32>
      %parallel_loop3A_1013 = arith.addi %parallel_loop3A_1007, %parallel_loop3A_1012 : vector<16xi32>
      %parallel_loop3A_1014 = arith.select %parallel_loop3A_1010, %parallel_loop3A_1013, %parallel_loop3A_1007 : vector<16xi1>, vector<16xi32>
      %parallel_loop3A_1015 = vector.shape_cast %parallel_loop3A_1014 : vector<16xi32> to vector<16x1xi32>
      %parallel_loop3A_1016 = vector.shape_cast %parallel_loop3A_1015 : vector<16x1xi32> to vector<16xi32>
      %parallel_loop3A_1017 = tpu.dynamic_gather %mul3A_33[%parallel_loop3A_1016] in [0] : vector<16xf32>, vector<16xi32> -> vector<16xf32>
      %parallel_loop3A_1018 = arith.cmpf ogt, %parallel_loop3A_1001, %parallel_loop3A_1017 : vector<16xf32>
      %parallel_loop3A_1019 = arith.select %parallel_loop3A_1018, %broadcast_in_dim3A_49, %broadcast_in_dim3A_51 : vector<16xi1>, vector<16xi32>
      %parallel_loop3A_1020 = arith.addi %parallel_loop3A_1007, %parallel_loop3A_1019 : vector<16xi32>
      %parallel_loop3A_1021 = arith.constant 0 : i32
      %parallel_loop3A_1022 = vector.broadcast %parallel_loop3A_1021 : i32 to vector<16xi32>
      %parallel_loop3A_1023 = arith.cmpi slt, %parallel_loop3A_1020, %parallel_loop3A_1022 : vector<16xi32>
      %parallel_loop3A_1024 = arith.constant 16 : i32
      %parallel_loop3A_1025 = vector.broadcast %parallel_loop3A_1024 : i32 to vector<16xi32>
      %parallel_loop3A_1026 = arith.addi %parallel_loop3A_1020, %parallel_loop3A_1025 : vector<16xi32>
      %parallel_loop3A_1027 = arith.select %parallel_loop3A_1023, %parallel_loop3A_1026, %parallel_loop3A_1020 : vector<16xi1>, vector<16xi32>
      %parallel_loop3A_1028 = vector.shape_cast %parallel_loop3A_1027 : vector<16xi32> to vector<16x1xi32>
      %parallel_loop3A_1029 = vector.shape_cast %parallel_loop3A_1028 : vector<16x1xi32> to vector<16xi32>
      %parallel_loop3A_1030 = tpu.dynamic_gather %mul3A_33[%parallel_loop3A_1029] in [0] : vector<16xf32>, vector<16xi32> -> vector<16xf32>
      %parallel_loop3A_1031 = arith.cmpf ogt, %parallel_loop3A_1001, %parallel_loop3A_1030 : vector<16xf32>
      %parallel_loop3A_1032 = arith.select %parallel_loop3A_1031, %broadcast_in_dim3A_49, %broadcast_in_dim3A_53 : vector<16xi1>, vector<16xi32>
      %parallel_loop3A_1033 = arith.addi %parallel_loop3A_1020, %parallel_loop3A_1032 : vector<16xi32>
      %parallel_loop3A_1034 = arith.constant 0 : i32
      %parallel_loop3A_1035 = vector.broadcast %parallel_loop3A_1034 : i32 to vector<16xi32>
      %parallel_loop3A_1036 = arith.cmpi slt, %parallel_loop3A_1033, %parallel_loop3A_1035 : vector<16xi32>
      %parallel_loop3A_1037 = arith.constant 16 : i32
      %parallel_loop3A_1038 = vector.broadcast %parallel_loop3A_1037 : i32 to vector<16xi32>
      %parallel_loop3A_1039 = arith.addi %parallel_loop3A_1033, %parallel_loop3A_1038 : vector<16xi32>
      %parallel_loop3A_1040 = arith.select %parallel_loop3A_1036, %parallel_loop3A_1039, %parallel_loop3A_1033 : vector<16xi1>, vector<16xi32>
      %parallel_loop3A_1041 = vector.shape_cast %parallel_loop3A_1040 : vector<16xi32> to vector<16x1xi32>
      %parallel_loop3A_1042 = vector.shape_cast %parallel_loop3A_1041 : vector<16x1xi32> to vector<16xi32>
      %parallel_loop3A_1043 = tpu.dynamic_gather %masked_sort3A_16[%parallel_loop3A_1042] in [0] : vector<16xf32>, vector<16xi32> -> vector<16xf32>
      %parallel_loop3A_1044 = arith.index_cast %parallel_loop3A_86 : i32 to index
      %parallel_loop3A_1045 = arith.constant 304 : index
      %parallel_loop3A_1046 = tpu.vector_load %arg7[%parallel_loop3A_1044, %parallel_loop3A_1045] {strides = array<i32>} : memref<48x384xf32, #tpu.memory_space<vmem>>, vector<16xf32>,
      tpu.vector_store %arg7[%parallel_loop3A_1044, %parallel_loop3A_1045], %parallel_loop3A_1043 {strides = array<i32>} : memref<48x384xf32, #tpu.memory_space<vmem>>, vector<16xf32>,
      %parallel_loop3A_1047 = arith.index_cast %parallel_loop3A_86 : i32 to index
      %parallel_loop3A_1048 = arith.constant 320 : index
      %parallel_loop3A_1049 = tpu.vector_load %arg7[%parallel_loop3A_1047, %parallel_loop3A_1048] {strides = array<i32>} : memref<48x384xf32, #tpu.memory_space<vmem>>, vector<16xf32>,
      %parallel_loop3A_1050 = arith.cmpf ogt, %parallel_loop3A_1049, %broadcast_in_dim3A : vector<16xf32>
      %parallel_loop3A_1051 = arith.select %parallel_loop3A_1050, %broadcast_in_dim3A_39, %broadcast_in_dim3A_36 : vector<16xi1>, vector<16xf32>
      %parallel_loop3A_1052 = arith.cmpf ogt, %parallel_loop3A_1049, %parallel_loop3A_1051 : vector<16xf32>
      %parallel_loop3A_1053 = arith.select %parallel_loop3A_1050, %broadcast_in_dim3A_41, %broadcast_in_dim3A_43 : vector<16xi1>, vector<16xi32>
      %parallel_loop3A_1054 = arith.select %parallel_loop3A_1052, %broadcast_in_dim3A_45, %broadcast_in_dim3A_47 : vector<16xi1>, vector<16xi32>
      %parallel_loop3A_1055 = arith.addi %parallel_loop3A_1053, %parallel_loop3A_1054 : vector<16xi32>
      %parallel_loop3A_1056 = arith.constant 0 : i32
      %parallel_loop3A_1057 = vector.broadcast %parallel_loop3A_1056 : i32 to vector<16xi32>
      %parallel_loop3A_1058 = arith.cmpi slt, %parallel_loop3A_1055, %parallel_loop3A_1057 : vector<16xi32>
      %parallel_loop3A_1059 = arith.constant 16 : i32
      %parallel_loop3A_1060 = vector.broadcast %parallel_loop3A_1059 : i32 to vector<16xi32>
      %parallel_loop3A_1061 = arith.addi %parallel_loop3A_1055, %parallel_loop3A_1060 : vector<16xi32>
      %parallel_loop3A_1062 = arith.select %parallel_loop3A_1058, %parallel_loop3A_1061, %parallel_loop3A_1055 : vector<16xi1>, vector<16xi32>
      %parallel_loop3A_1063 = vector.shape_cast %parallel_loop3A_1062 : vector<16xi32> to vector<16x1xi32>
      %parallel_loop3A_1064 = vector.shape_cast %parallel_loop3A_1063 : vector<16x1xi32> to vector<16xi32>
      %parallel_loop3A_1065 = tpu.dynamic_gather %mul3A_33[%parallel_loop3A_1064] in [0] : vector<16xf32>, vector<16xi32> -> vector<16xf32>
      %parallel_loop3A_1066 = arith.cmpf ogt, %parallel_loop3A_1049, %parallel_loop3A_1065 : vector<16xf32>
      %parallel_loop3A_1067 = arith.select %parallel_loop3A_1066, %broadcast_in_dim3A_49, %broadcast_in_dim3A_51 : vector<16xi1>, vector<16xi32>
      %parallel_loop3A_1068 = arith.addi %parallel_loop3A_1055, %parallel_loop3A_1067 : vector<16xi32>
      %parallel_loop3A_1069 = arith.constant 0 : i32
      %parallel_loop3A_1070 = vector.broadcast %parallel_loop3A_1069 : i32 to vector<16xi32>
      %parallel_loop3A_1071 = arith.cmpi slt, %parallel_loop3A_1068, %parallel_loop3A_1070 : vector<16xi32>
      %parallel_loop3A_1072 = arith.constant 16 : i32
      %parallel_loop3A_1073 = vector.broadcast %parallel_loop3A_1072 : i32 to vector<16xi32>
      %parallel_loop3A_1074 = arith.addi %parallel_loop3A_1068, %parallel_loop3A_1073 : vector<16xi32>
      %parallel_loop3A_1075 = arith.select %parallel_loop3A_1071, %parallel_loop3A_1074, %parallel_loop3A_1068 : vector<16xi1>, vector<16xi32>
      %parallel_loop3A_1076 = vector.shape_cast %parallel_loop3A_1075 : vector<16xi32> to vector<16x1xi32>
      %parallel_loop3A_1077 = vector.shape_cast %parallel_loop3A_1076 : vector<16x1xi32> to vector<16xi32>
      %parallel_loop3A_1078 = tpu.dynamic_gather %mul3A_33[%parallel_loop3A_1077] in [0] : vector<16xf32>, vector<16xi32> -> vector<16xf32>
      %parallel_loop3A_1079 = arith.cmpf ogt, %parallel_loop3A_1049, %parallel_loop3A_1078 : vector<16xf32>
      %parallel_loop3A_1080 = arith.select %parallel_loop3A_1079, %broadcast_in_dim3A_49, %broadcast_in_dim3A_53 : vector<16xi1>, vector<16xi32>
      %parallel_loop3A_1081 = arith.addi %parallel_loop3A_1068, %parallel_loop3A_1080 : vector<16xi32>
      %parallel_loop3A_1082 = arith.constant 0 : i32
      %parallel_loop3A_1083 = vector.broadcast %parallel_loop3A_1082 : i32 to vector<16xi32>
      %parallel_loop3A_1084 = arith.cmpi slt, %parallel_loop3A_1081, %parallel_loop3A_1083 : vector<16xi32>
      %parallel_loop3A_1085 = arith.constant 16 : i32
      %parallel_loop3A_1086 = vector.broadcast %parallel_loop3A_1085 : i32 to vector<16xi32>
      %parallel_loop3A_1087 = arith.addi %parallel_loop3A_1081, %parallel_loop3A_1086 : vector<16xi32>
      %parallel_loop3A_1088 = arith.select %parallel_loop3A_1084, %parallel_loop3A_1087, %parallel_loop3A_1081 : vector<16xi1>, vector<16xi32>
      %parallel_loop3A_1089 = vector.shape_cast %parallel_loop3A_1088 : vector<16xi32> to vector<16x1xi32>
      %parallel_loop3A_1090 = vector.shape_cast %parallel_loop3A_1089 : vector<16x1xi32> to vector<16xi32>
      %parallel_loop3A_1091 = tpu.dynamic_gather %masked_sort3A_16[%parallel_loop3A_1090] in [0] : vector<16xf32>, vector<16xi32> -> vector<16xf32>
      %parallel_loop3A_1092 = arith.index_cast %parallel_loop3A_86 : i32 to index
      %parallel_loop3A_1093 = arith.constant 320 : index
      %parallel_loop3A_1094 = tpu.vector_load %arg7[%parallel_loop3A_1092, %parallel_loop3A_1093] {strides = array<i32>} : memref<48x384xf32, #tpu.memory_space<vmem>>, vector<16xf32>,
      tpu.vector_store %arg7[%parallel_loop3A_1092, %parallel_loop3A_1093], %parallel_loop3A_1091 {strides = array<i32>} : memref<48x384xf32, #tpu.memory_space<vmem>>, vector<16xf32>,
      %parallel_loop3A_1095 = arith.index_cast %parallel_loop3A_86 : i32 to index
      %parallel_loop3A_1096 = arith.constant 336 : index
      %parallel_loop3A_1097 = tpu.vector_load %arg7[%parallel_loop3A_1095, %parallel_loop3A_1096] {strides = array<i32>} : memref<48x384xf32, #tpu.memory_space<vmem>>, vector<16xf32>,
      %parallel_loop3A_1098 = arith.cmpf ogt, %parallel_loop3A_1097, %broadcast_in_dim3A : vector<16xf32>
      %parallel_loop3A_1099 = arith.select %parallel_loop3A_1098, %broadcast_in_dim3A_39, %broadcast_in_dim3A_36 : vector<16xi1>, vector<16xf32>
      %parallel_loop3A_1100 = arith.cmpf ogt, %parallel_loop3A_1097, %parallel_loop3A_1099 : vector<16xf32>
      %parallel_loop3A_1101 = arith.select %parallel_loop3A_1098, %broadcast_in_dim3A_41, %broadcast_in_dim3A_43 : vector<16xi1>, vector<16xi32>
      %parallel_loop3A_1102 = arith.select %parallel_loop3A_1100, %broadcast_in_dim3A_45, %broadcast_in_dim3A_47 : vector<16xi1>, vector<16xi32>
      %parallel_loop3A_1103 = arith.addi %parallel_loop3A_1101, %parallel_loop3A_1102 : vector<16xi32>
      %parallel_loop3A_1104 = arith.constant 0 : i32
      %parallel_loop3A_1105 = vector.broadcast %parallel_loop3A_1104 : i32 to vector<16xi32>
      %parallel_loop3A_1106 = arith.cmpi slt, %parallel_loop3A_1103, %parallel_loop3A_1105 : vector<16xi32>
      %parallel_loop3A_1107 = arith.constant 16 : i32
      %parallel_loop3A_1108 = vector.broadcast %parallel_loop3A_1107 : i32 to vector<16xi32>
      %parallel_loop3A_1109 = arith.addi %parallel_loop3A_1103, %parallel_loop3A_1108 : vector<16xi32>
      %parallel_loop3A_1110 = arith.select %parallel_loop3A_1106, %parallel_loop3A_1109, %parallel_loop3A_1103 : vector<16xi1>, vector<16xi32>
      %parallel_loop3A_1111 = vector.shape_cast %parallel_loop3A_1110 : vector<16xi32> to vector<16x1xi32>
      %parallel_loop3A_1112 = vector.shape_cast %parallel_loop3A_1111 : vector<16x1xi32> to vector<16xi32>
      %parallel_loop3A_1113 = tpu.dynamic_gather %mul3A_33[%parallel_loop3A_1112] in [0] : vector<16xf32>, vector<16xi32> -> vector<16xf32>
      %parallel_loop3A_1114 = arith.cmpf ogt, %parallel_loop3A_1097, %parallel_loop3A_1113 : vector<16xf32>
      %parallel_loop3A_1115 = arith.select %parallel_loop3A_1114, %broadcast_in_dim3A_49, %broadcast_in_dim3A_51 : vector<16xi1>, vector<16xi32>
      %parallel_loop3A_1116 = arith.addi %parallel_loop3A_1103, %parallel_loop3A_1115 : vector<16xi32>
      %parallel_loop3A_1117 = arith.constant 0 : i32
      %parallel_loop3A_1118 = vector.broadcast %parallel_loop3A_1117 : i32 to vector<16xi32>
      %parallel_loop3A_1119 = arith.cmpi slt, %parallel_loop3A_1116, %parallel_loop3A_1118 : vector<16xi32>
      %parallel_loop3A_1120 = arith.constant 16 : i32
      %parallel_loop3A_1121 = vector.broadcast %parallel_loop3A_1120 : i32 to vector<16xi32>
      %parallel_loop3A_1122 = arith.addi %parallel_loop3A_1116, %parallel_loop3A_1121 : vector<16xi32>
      %parallel_loop3A_1123 = arith.select %parallel_loop3A_1119, %parallel_loop3A_1122, %parallel_loop3A_1116 : vector<16xi1>, vector<16xi32>
      %parallel_loop3A_1124 = vector.shape_cast %parallel_loop3A_1123 : vector<16xi32> to vector<16x1xi32>
      %parallel_loop3A_1125 = vector.shape_cast %parallel_loop3A_1124 : vector<16x1xi32> to vector<16xi32>
      %parallel_loop3A_1126 = tpu.dynamic_gather %mul3A_33[%parallel_loop3A_1125] in [0] : vector<16xf32>, vector<16xi32> -> vector<16xf32>
      %parallel_loop3A_1127 = arith.cmpf ogt, %parallel_loop3A_1097, %parallel_loop3A_1126 : vector<16xf32>
      %parallel_loop3A_1128 = arith.select %parallel_loop3A_1127, %broadcast_in_dim3A_49, %broadcast_in_dim3A_53 : vector<16xi1>, vector<16xi32>
      %parallel_loop3A_1129 = arith.addi %parallel_loop3A_1116, %parallel_loop3A_1128 : vector<16xi32>
      %parallel_loop3A_1130 = arith.constant 0 : i32
      %parallel_loop3A_1131 = vector.broadcast %parallel_loop3A_1130 : i32 to vector<16xi32>
      %parallel_loop3A_1132 = arith.cmpi slt, %parallel_loop3A_1129, %parallel_loop3A_1131 : vector<16xi32>
      %parallel_loop3A_1133 = arith.constant 16 : i32
      %parallel_loop3A_1134 = vector.broadcast %parallel_loop3A_1133 : i32 to vector<16xi32>
      %parallel_loop3A_1135 = arith.addi %parallel_loop3A_1129, %parallel_loop3A_1134 : vector<16xi32>
      %parallel_loop3A_1136 = arith.select %parallel_loop3A_1132, %parallel_loop3A_1135, %parallel_loop3A_1129 : vector<16xi1>, vector<16xi32>
      %parallel_loop3A_1137 = vector.shape_cast %parallel_loop3A_1136 : vector<16xi32> to vector<16x1xi32>
      %parallel_loop3A_1138 = vector.shape_cast %parallel_loop3A_1137 : vector<16x1xi32> to vector<16xi32>
      %parallel_loop3A_1139 = tpu.dynamic_gather %masked_sort3A_16[%parallel_loop3A_1138] in [0] : vector<16xf32>, vector<16xi32> -> vector<16xf32>
      %parallel_loop3A_1140 = arith.index_cast %parallel_loop3A_86 : i32 to index
      %parallel_loop3A_1141 = arith.constant 336 : index
      %parallel_loop3A_1142 = tpu.vector_load %arg7[%parallel_loop3A_1140, %parallel_loop3A_1141] {strides = array<i32>} : memref<48x384xf32, #tpu.memory_space<vmem>>, vector<16xf32>,
      tpu.vector_store %arg7[%parallel_loop3A_1140, %parallel_loop3A_1141], %parallel_loop3A_1139 {strides = array<i32>} : memref<48x384xf32, #tpu.memory_space<vmem>>, vector<16xf32>,
      %parallel_loop3A_1143 = arith.index_cast %parallel_loop3A_86 : i32 to index
      %parallel_loop3A_1144 = arith.constant 352 : index
      %parallel_loop3A_1145 = tpu.vector_load %arg7[%parallel_loop3A_1143, %parallel_loop3A_1144] {strides = array<i32>} : memref<48x384xf32, #tpu.memory_space<vmem>>, vector<16xf32>,
      %parallel_loop3A_1146 = arith.cmpf ogt, %parallel_loop3A_1145, %broadcast_in_dim3A : vector<16xf32>
      %parallel_loop3A_1147 = arith.select %parallel_loop3A_1146, %broadcast_in_dim3A_39, %broadcast_in_dim3A_36 : vector<16xi1>, vector<16xf32>
      %parallel_loop3A_1148 = arith.cmpf ogt, %parallel_loop3A_1145, %parallel_loop3A_1147 : vector<16xf32>
      %parallel_loop3A_1149 = arith.select %parallel_loop3A_1146, %broadcast_in_dim3A_41, %broadcast_in_dim3A_43 : vector<16xi1>, vector<16xi32>
      %parallel_loop3A_1150 = arith.select %parallel_loop3A_1148, %broadcast_in_dim3A_45, %broadcast_in_dim3A_47 : vector<16xi1>, vector<16xi32>
      %parallel_loop3A_1151 = arith.addi %parallel_loop3A_1149, %parallel_loop3A_1150 : vector<16xi32>
      %parallel_loop3A_1152 = arith.constant 0 : i32
      %parallel_loop3A_1153 = vector.broadcast %parallel_loop3A_1152 : i32 to vector<16xi32>
      %parallel_loop3A_1154 = arith.cmpi slt, %parallel_loop3A_1151, %parallel_loop3A_1153 : vector<16xi32>
      %parallel_loop3A_1155 = arith.constant 16 : i32
      %parallel_loop3A_1156 = vector.broadcast %parallel_loop3A_1155 : i32 to vector<16xi32>
      %parallel_loop3A_1157 = arith.addi %parallel_loop3A_1151, %parallel_loop3A_1156 : vector<16xi32>
      %parallel_loop3A_1158 = arith.select %parallel_loop3A_1154, %parallel_loop3A_1157, %parallel_loop3A_1151 : vector<16xi1>, vector<16xi32>
      %parallel_loop3A_1159 = vector.shape_cast %parallel_loop3A_1158 : vector<16xi32> to vector<16x1xi32>
      %parallel_loop3A_1160 = vector.shape_cast %parallel_loop3A_1159 : vector<16x1xi32> to vector<16xi32>
      %parallel_loop3A_1161 = tpu.dynamic_gather %mul3A_33[%parallel_loop3A_1160] in [0] : vector<16xf32>, vector<16xi32> -> vector<16xf32>
      %parallel_loop3A_1162 = arith.cmpf ogt, %parallel_loop3A_1145, %parallel_loop3A_1161 : vector<16xf32>
      %parallel_loop3A_1163 = arith.select %parallel_loop3A_1162, %broadcast_in_dim3A_49, %broadcast_in_dim3A_51 : vector<16xi1>, vector<16xi32>
      %parallel_loop3A_1164 = arith.addi %parallel_loop3A_1151, %parallel_loop3A_1163 : vector<16xi32>
      %parallel_loop3A_1165 = arith.constant 0 : i32
      %parallel_loop3A_1166 = vector.broadcast %parallel_loop3A_1165 : i32 to vector<16xi32>
      %parallel_loop3A_1167 = arith.cmpi slt, %parallel_loop3A_1164, %parallel_loop3A_1166 : vector<16xi32>
      %parallel_loop3A_1168 = arith.constant 16 : i32
      %parallel_loop3A_1169 = vector.broadcast %parallel_loop3A_1168 : i32 to vector<16xi32>
      %parallel_loop3A_1170 = arith.addi %parallel_loop3A_1164, %parallel_loop3A_1169 : vector<16xi32>
      %parallel_loop3A_1171 = arith.select %parallel_loop3A_1167, %parallel_loop3A_1170, %parallel_loop3A_1164 : vector<16xi1>, vector<16xi32>
      %parallel_loop3A_1172 = vector.shape_cast %parallel_loop3A_1171 : vector<16xi32> to vector<16x1xi32>
      %parallel_loop3A_1173 = vector.shape_cast %parallel_loop3A_1172 : vector<16x1xi32> to vector<16xi32>
      %parallel_loop3A_1174 = tpu.dynamic_gather %mul3A_33[%parallel_loop3A_1173] in [0] : vector<16xf32>, vector<16xi32> -> vector<16xf32>
      %parallel_loop3A_1175 = arith.cmpf ogt, %parallel_loop3A_1145, %parallel_loop3A_1174 : vector<16xf32>
      %parallel_loop3A_1176 = arith.select %parallel_loop3A_1175, %broadcast_in_dim3A_49, %broadcast_in_dim3A_53 : vector<16xi1>, vector<16xi32>
      %parallel_loop3A_1177 = arith.addi %parallel_loop3A_1164, %parallel_loop3A_1176 : vector<16xi32>
      %parallel_loop3A_1178 = arith.constant 0 : i32
      %parallel_loop3A_1179 = vector.broadcast %parallel_loop3A_1178 : i32 to vector<16xi32>
      %parallel_loop3A_1180 = arith.cmpi slt, %parallel_loop3A_1177, %parallel_loop3A_1179 : vector<16xi32>
      %parallel_loop3A_1181 = arith.constant 16 : i32
      %parallel_loop3A_1182 = vector.broadcast %parallel_loop3A_1181 : i32 to vector<16xi32>
      %parallel_loop3A_1183 = arith.addi %parallel_loop3A_1177, %parallel_loop3A_1182 : vector<16xi32>
      %parallel_loop3A_1184 = arith.select %parallel_loop3A_1180, %parallel_loop3A_1183, %parallel_loop3A_1177 : vector<16xi1>, vector<16xi32>
      %parallel_loop3A_1185 = vector.shape_cast %parallel_loop3A_1184 : vector<16xi32> to vector<16x1xi32>
      %parallel_loop3A_1186 = vector.shape_cast %parallel_loop3A_1185 : vector<16x1xi32> to vector<16xi32>
      %parallel_loop3A_1187 = tpu.dynamic_gather %masked_sort3A_16[%parallel_loop3A_1186] in [0] : vector<16xf32>, vector<16xi32> -> vector<16xf32>
      %parallel_loop3A_1188 = arith.index_cast %parallel_loop3A_86 : i32 to index
      %parallel_loop3A_1189 = arith.constant 352 : index
      %parallel_loop3A_1190 = tpu.vector_load %arg7[%parallel_loop3A_1188, %parallel_loop3A_1189] {strides = array<i32>} : memref<48x384xf32, #tpu.memory_space<vmem>>, vector<16xf32>,
      tpu.vector_store %arg7[%parallel_loop3A_1188, %parallel_loop3A_1189], %parallel_loop3A_1187 {strides = array<i32>} : memref<48x384xf32, #tpu.memory_space<vmem>>, vector<16xf32>,
      %parallel_loop3A_1191 = arith.index_cast %parallel_loop3A_86 : i32 to index
      %parallel_loop3A_1192 = arith.constant 368 : index
      %parallel_loop3A_1193 = tpu.vector_load %arg7[%parallel_loop3A_1191, %parallel_loop3A_1192] {strides = array<i32>} : memref<48x384xf32, #tpu.memory_space<vmem>>, vector<16xf32>,
      %parallel_loop3A_1194 = arith.cmpf ogt, %parallel_loop3A_1193, %broadcast_in_dim3A : vector<16xf32>
      %parallel_loop3A_1195 = arith.select %parallel_loop3A_1194, %broadcast_in_dim3A_39, %broadcast_in_dim3A_36 : vector<16xi1>, vector<16xf32>
      %parallel_loop3A_1196 = arith.cmpf ogt, %parallel_loop3A_1193, %parallel_loop3A_1195 : vector<16xf32>
      %parallel_loop3A_1197 = arith.select %parallel_loop3A_1194, %broadcast_in_dim3A_41, %broadcast_in_dim3A_43 : vector<16xi1>, vector<16xi32>
      %parallel_loop3A_1198 = arith.select %parallel_loop3A_1196, %broadcast_in_dim3A_45, %broadcast_in_dim3A_47 : vector<16xi1>, vector<16xi32>
      %parallel_loop3A_1199 = arith.addi %parallel_loop3A_1197, %parallel_loop3A_1198 : vector<16xi32>
      %parallel_loop3A_1200 = arith.constant 0 : i32
      %parallel_loop3A_1201 = vector.broadcast %parallel_loop3A_1200 : i32 to vector<16xi32>
      %parallel_loop3A_1202 = arith.cmpi slt, %parallel_loop3A_1199, %parallel_loop3A_1201 : vector<16xi32>
      %parallel_loop3A_1203 = arith.constant 16 : i32
      %parallel_loop3A_1204 = vector.broadcast %parallel_loop3A_1203 : i32 to vector<16xi32>
      %parallel_loop3A_1205 = arith.addi %parallel_loop3A_1199, %parallel_loop3A_1204 : vector<16xi32>
      %parallel_loop3A_1206 = arith.select %parallel_loop3A_1202, %parallel_loop3A_1205, %parallel_loop3A_1199 : vector<16xi1>, vector<16xi32>
      %parallel_loop3A_1207 = vector.shape_cast %parallel_loop3A_1206 : vector<16xi32> to vector<16x1xi32>
      %parallel_loop3A_1208 = vector.shape_cast %parallel_loop3A_1207 : vector<16x1xi32> to vector<16xi32>
      %parallel_loop3A_1209 = tpu.dynamic_gather %mul3A_33[%parallel_loop3A_1208] in [0] : vector<16xf32>, vector<16xi32> -> vector<16xf32>
      %parallel_loop3A_1210 = arith.cmpf ogt, %parallel_loop3A_1193, %parallel_loop3A_1209 : vector<16xf32>
      %parallel_loop3A_1211 = arith.select %parallel_loop3A_1210, %broadcast_in_dim3A_49, %broadcast_in_dim3A_51 : vector<16xi1>, vector<16xi32>
      %parallel_loop3A_1212 = arith.addi %parallel_loop3A_1199, %parallel_loop3A_1211 : vector<16xi32>
      %parallel_loop3A_1213 = arith.constant 0 : i32
      %parallel_loop3A_1214 = vector.broadcast %parallel_loop3A_1213 : i32 to vector<16xi32>
      %parallel_loop3A_1215 = arith.cmpi slt, %parallel_loop3A_1212, %parallel_loop3A_1214 : vector<16xi32>
      %parallel_loop3A_1216 = arith.constant 16 : i32
      %parallel_loop3A_1217 = vector.broadcast %parallel_loop3A_1216 : i32 to vector<16xi32>
      %parallel_loop3A_1218 = arith.addi %parallel_loop3A_1212, %parallel_loop3A_1217 : vector<16xi32>
      %parallel_loop3A_1219 = arith.select %parallel_loop3A_1215, %parallel_loop3A_1218, %parallel_loop3A_1212 : vector<16xi1>, vector<16xi32>
      %parallel_loop3A_1220 = vector.shape_cast %parallel_loop3A_1219 : vector<16xi32> to vector<16x1xi32>
      %parallel_loop3A_1221 = vector.shape_cast %parallel_loop3A_1220 : vector<16x1xi32> to vector<16xi32>
      %parallel_loop3A_1222 = tpu.dynamic_gather %mul3A_33[%parallel_loop3A_1221] in [0] : vector<16xf32>, vector<16xi32> -> vector<16xf32>
      %parallel_loop3A_1223 = arith.cmpf ogt, %parallel_loop3A_1193, %parallel_loop3A_1222 : vector<16xf32>
      %parallel_loop3A_1224 = arith.select %parallel_loop3A_1223, %broadcast_in_dim3A_49, %broadcast_in_dim3A_53 : vector<16xi1>, vector<16xi32>
      %parallel_loop3A_1225 = arith.addi %parallel_loop3A_1212, %parallel_loop3A_1224 : vector<16xi32>
      %parallel_loop3A_1226 = arith.constant 0 : i32
      %parallel_loop3A_1227 = vector.broadcast %parallel_loop3A_1226 : i32 to vector<16xi32>
      %parallel_loop3A_1228 = arith.cmpi slt, %parallel_loop3A_1225, %parallel_loop3A_1227 : vector<16xi32>
      %parallel_loop3A_1229 = arith.constant 16 : i32
      %parallel_loop3A_1230 = vector.broadcast %parallel_loop3A_1229 : i32 to vector<16xi32>
      %parallel_loop3A_1231 = arith.addi %parallel_loop3A_1225, %parallel_loop3A_1230 : vector<16xi32>
      %parallel_loop3A_1232 = arith.select %parallel_loop3A_1228, %parallel_loop3A_1231, %parallel_loop3A_1225 : vector<16xi1>, vector<16xi32>
      %parallel_loop3A_1233 = vector.shape_cast %parallel_loop3A_1232 : vector<16xi32> to vector<16x1xi32>
      %parallel_loop3A_1234 = vector.shape_cast %parallel_loop3A_1233 : vector<16x1xi32> to vector<16xi32>
      %parallel_loop3A_1235 = tpu.dynamic_gather %masked_sort3A_16[%parallel_loop3A_1234] in [0] : vector<16xf32>, vector<16xi32> -> vector<16xf32>
      %parallel_loop3A_1236 = arith.index_cast %parallel_loop3A_86 : i32 to index
      %parallel_loop3A_1237 = arith.constant 368 : index
      %parallel_loop3A_1238 = tpu.vector_load %arg7[%parallel_loop3A_1236, %parallel_loop3A_1237] {strides = array<i32>} : memref<48x384xf32, #tpu.memory_space<vmem>>, vector<16xf32>,
      tpu.vector_store %arg7[%parallel_loop3A_1236, %parallel_loop3A_1237], %parallel_loop3A_1235 {strides = array<i32>} : memref<48x384xf32, #tpu.memory_space<vmem>>, vector<16xf32>,
    } {sc.loop_unroll_factor = 4 : i64, sc.parallel_access}
    %add3A_72 = arith.constant 48 : i32
    %add3A_73 = arith.addi %mul3A_2, %add3A_72 : i32
    %dma_start3A_74 = arith.constant 0 : i32
    %dma_start3A_75 = tpu.memref_slice %arg4[%add3A_73, %dma_start3A_74] : memref<3072x384xf32, #tpu.memory_space<hbm>> -> memref<48x384xf32, #tpu.memory_space<hbm>>
    %dma_start3A_76 = arith.constant 0 : i32
    %dma_start3A_77 = tpu.memref_slice %arg4[%add3A_73, %dma_start3A_76] : memref<3072x384xf32, #tpu.memory_space<hbm>> -> memref<48x384xf32, #tpu.memory_space<hbm>>
    tpu.enqueue_dma source(%arg7 : memref<48x384xf32, #tpu.memory_space<vmem>>) target(%dma_start3A_77 : memref<48x384xf32, #tpu.memory_space<hbm>>) target_semaphore(%arg11 : memref<!tpu.dma_semaphore, #tpu.memory_space<semaphore_mem>>)
    %dma_wait3A_78 = arith.constant 0 : i32
    %dma_wait3A_79 = tpu.memref_slice %arg4[%add3A_60, %dma_wait3A_78] : memref<3072x384xf32, #tpu.memory_space<hbm>> -> memref<48x384xf32, #tpu.memory_space<hbm>>
    %dma_wait3A_80 = arith.constant 0 : i32
    %dma_wait3A_81 = tpu.memref_slice %arg4[%add3A_60, %dma_wait3A_80] : memref<3072x384xf32, #tpu.memory_space<hbm>> -> memref<48x384xf32, #tpu.memory_space<hbm>>
    tpu.wait_dma2 semaphore(%arg10 : memref<!tpu.dma_semaphore, #tpu.memory_space<semaphore_mem>>) src(%arg6 : memref<48x384xf32, #tpu.memory_space<vmem>>) dst(%dma_wait3A_81 : memref<48x384xf32, #tpu.memory_space<hbm>>)
    %dma_wait3A_82 = arith.constant 0 : i32
    %dma_wait3A_83 = tpu.memref_slice %arg4[%add3A_73, %dma_wait3A_82] : memref<3072x384xf32, #tpu.memory_space<hbm>> -> memref<48x384xf32, #tpu.memory_space<hbm>>
    %dma_wait3A_84 = arith.constant 0 : i32
    %dma_wait3A_85 = tpu.memref_slice %arg4[%add3A_73, %dma_wait3A_84] : memref<3072x384xf32, #tpu.memory_space<hbm>> -> memref<48x384xf32, #tpu.memory_space<hbm>>
    tpu.wait_dma2 semaphore(%arg11 : memref<!tpu.dma_semaphore, #tpu.memory_space<semaphore_mem>>) src(%arg7 : memref<48x384xf32, #tpu.memory_space<vmem>>) dst(%dma_wait3A_85 : memref<48x384xf32, #tpu.memory_space<hbm>>)
    return
  }
}

module attributes {stable_mosaic.version = 14 : i64} {
  func.func @_tc_body(%arg0: i32, %arg1: memref<16xf32, #tpu.memory_space<smem>>, %arg2: memref<256x384xf32, #tpu.memory_space<vmem>>, %arg3: memref<256x384xf32, #tpu.memory_space<vmem>>) attributes {dimension_semantics = [#tpu.dimension_semantics<arbitrary>], iteration_bounds = array<i64: 20>, scalar_prefetch = 0 : i64, scratch_operands = 0 : i64, tpu.core_type = #tpu.core_type<tc>, window_params = [{transform_indices = @transform_0, window_bounds = array<i64: 16>}, {transform_indices = @transform_1, window_bounds = array<i64: 256, 384>}, {transform_indices = @transform_2, window_bounds = array<i64: 256, 384>}]} {
    %get3A = arith.constant 0 : index
    %get3A_0 = memref.load %arg1[%get3A] : memref<16xf32, #tpu.memory_space<smem>>
    %get3A_1 = arith.constant 1 : index
    %get3A_2 = memref.load %arg1[%get3A_1] : memref<16xf32, #tpu.memory_space<smem>>
    %get3A_3 = arith.constant 2 : index
    %get3A_4 = memref.load %arg1[%get3A_3] : memref<16xf32, #tpu.memory_space<smem>>
    %get3A_5 = arith.constant 3 : index
    %get3A_6 = memref.load %arg1[%get3A_5] : memref<16xf32, #tpu.memory_space<smem>>
    %get3A_7 = arith.constant 4 : index
    %get3A_8 = memref.load %arg1[%get3A_7] : memref<16xf32, #tpu.memory_space<smem>>
    %get3A_9 = arith.constant 5 : index
    %get3A_10 = memref.load %arg1[%get3A_9] : memref<16xf32, #tpu.memory_space<smem>>
    %get3A_11 = arith.constant 6 : index
    %get3A_12 = memref.load %arg1[%get3A_11] : memref<16xf32, #tpu.memory_space<smem>>
    %get3A_13 = arith.constant 7 : index
    %get3A_14 = memref.load %arg1[%get3A_13] : memref<16xf32, #tpu.memory_space<smem>>
    %get3A_15 = arith.constant 8 : index
    %get3A_16 = memref.load %arg1[%get3A_15] : memref<16xf32, #tpu.memory_space<smem>>
    %get3A_17 = arith.constant 9 : index
    %get3A_18 = memref.load %arg1[%get3A_17] : memref<16xf32, #tpu.memory_space<smem>>
    %get3A_19 = arith.constant 10 : index
    %get3A_20 = memref.load %arg1[%get3A_19] : memref<16xf32, #tpu.memory_space<smem>>
    %get3A_21 = arith.constant 11 : index
    %get3A_22 = memref.load %arg1[%get3A_21] : memref<16xf32, #tpu.memory_space<smem>>
    %get3A_23 = arith.constant 12 : index
    %get3A_24 = memref.load %arg1[%get3A_23] : memref<16xf32, #tpu.memory_space<smem>>
    %get3A_25 = arith.constant 13 : index
    %get3A_26 = memref.load %arg1[%get3A_25] : memref<16xf32, #tpu.memory_space<smem>>
    %get3A_27 = arith.constant 14 : index
    %get3A_28 = memref.load %arg1[%get3A_27] : memref<16xf32, #tpu.memory_space<smem>>
    %get3A_29 = arith.constant 15 : index
    %get3A_30 = memref.load %arg1[%get3A_29] : memref<16xf32, #tpu.memory_space<smem>>
    %min3A = arith.minimumf %get3A_0, %get3A_2 : f32
    %max3A = arith.maximumf %get3A_0, %get3A_2 : f32
    %min3A_31 = arith.minimumf %get3A_4, %get3A_6 : f32
    %max3A_32 = arith.maximumf %get3A_4, %get3A_6 : f32
    %min3A_33 = arith.minimumf %min3A, %min3A_31 : f32
    %max3A_34 = arith.maximumf %min3A, %min3A_31 : f32
    %min3A_35 = arith.minimumf %max3A, %max3A_32 : f32
    %max3A_36 = arith.maximumf %max3A, %max3A_32 : f32
    %min3A_37 = arith.minimumf %min3A_35, %max3A_34 : f32
    %max3A_38 = arith.maximumf %min3A_35, %max3A_34 : f32
    %min3A_39 = arith.minimumf %get3A_8, %get3A_10 : f32
    %max3A_40 = arith.maximumf %get3A_8, %get3A_10 : f32
    %min3A_41 = arith.minimumf %get3A_12, %get3A_14 : f32
    %max3A_42 = arith.maximumf %get3A_12, %get3A_14 : f32
    %min3A_43 = arith.minimumf %min3A_39, %min3A_41 : f32
    %max3A_44 = arith.maximumf %min3A_39, %min3A_41 : f32
    %min3A_45 = arith.minimumf %max3A_40, %max3A_42 : f32
    %max3A_46 = arith.maximumf %max3A_40, %max3A_42 : f32
    %min3A_47 = arith.minimumf %min3A_45, %max3A_44 : f32
    %max3A_48 = arith.maximumf %min3A_45, %max3A_44 : f32
    %min3A_49 = arith.minimumf %min3A_33, %min3A_43 : f32
    %max3A_50 = arith.maximumf %min3A_33, %min3A_43 : f32
    %min3A_51 = arith.minimumf %max3A_38, %max3A_48 : f32
    %max3A_52 = arith.maximumf %max3A_38, %max3A_48 : f32
    %min3A_53 = arith.minimumf %min3A_51, %max3A_50 : f32
    %max3A_54 = arith.maximumf %min3A_51, %max3A_50 : f32
    %min3A_55 = arith.minimumf %min3A_37, %min3A_47 : f32
    %max3A_56 = arith.maximumf %min3A_37, %min3A_47 : f32
    %min3A_57 = arith.minimumf %max3A_36, %max3A_46 : f32
    %max3A_58 = arith.maximumf %max3A_36, %max3A_46 : f32
    %min3A_59 = arith.minimumf %min3A_57, %max3A_56 : f32
    %max3A_60 = arith.maximumf %min3A_57, %max3A_56 : f32
    %min3A_61 = arith.minimumf %min3A_55, %min3A_53 : f32
    %max3A_62 = arith.maximumf %min3A_55, %min3A_53 : f32
    %min3A_63 = arith.minimumf %min3A_59, %max3A_54 : f32
    %max3A_64 = arith.maximumf %min3A_59, %max3A_54 : f32
    %min3A_65 = arith.minimumf %max3A_60, %max3A_52 : f32
    %max3A_66 = arith.maximumf %max3A_60, %max3A_52 : f32
    %min3A_67 = arith.minimumf %get3A_16, %get3A_18 : f32
    %max3A_68 = arith.maximumf %get3A_16, %get3A_18 : f32
    %min3A_69 = arith.minimumf %get3A_20, %get3A_22 : f32
    %max3A_70 = arith.maximumf %get3A_20, %get3A_22 : f32
    %min3A_71 = arith.minimumf %min3A_67, %min3A_69 : f32
    %max3A_72 = arith.maximumf %min3A_67, %min3A_69 : f32
    %min3A_73 = arith.minimumf %max3A_68, %max3A_70 : f32
    %max3A_74 = arith.maximumf %max3A_68, %max3A_70 : f32
    %min3A_75 = arith.minimumf %min3A_73, %max3A_72 : f32
    %max3A_76 = arith.maximumf %min3A_73, %max3A_72 : f32
    %min3A_77 = arith.minimumf %get3A_24, %get3A_26 : f32
    %max3A_78 = arith.maximumf %get3A_24, %get3A_26 : f32
    %min3A_79 = arith.minimumf %get3A_28, %get3A_30 : f32
    %max3A_80 = arith.maximumf %get3A_28, %get3A_30 : f32
    %min3A_81 = arith.minimumf %min3A_77, %min3A_79 : f32
    %max3A_82 = arith.maximumf %min3A_77, %min3A_79 : f32
    %min3A_83 = arith.minimumf %max3A_78, %max3A_80 : f32
    %max3A_84 = arith.maximumf %max3A_78, %max3A_80 : f32
    %min3A_85 = arith.minimumf %min3A_83, %max3A_82 : f32
    %max3A_86 = arith.maximumf %min3A_83, %max3A_82 : f32
    %min3A_87 = arith.minimumf %min3A_71, %min3A_81 : f32
    %max3A_88 = arith.maximumf %min3A_71, %min3A_81 : f32
    %min3A_89 = arith.minimumf %max3A_76, %max3A_86 : f32
    %max3A_90 = arith.maximumf %max3A_76, %max3A_86 : f32
    %min3A_91 = arith.minimumf %min3A_89, %max3A_88 : f32
    %max3A_92 = arith.maximumf %min3A_89, %max3A_88 : f32
    %min3A_93 = arith.minimumf %min3A_75, %min3A_85 : f32
    %max3A_94 = arith.maximumf %min3A_75, %min3A_85 : f32
    %min3A_95 = arith.minimumf %max3A_74, %max3A_84 : f32
    %max3A_96 = arith.maximumf %max3A_74, %max3A_84 : f32
    %min3A_97 = arith.minimumf %min3A_95, %max3A_94 : f32
    %max3A_98 = arith.maximumf %min3A_95, %max3A_94 : f32
    %min3A_99 = arith.minimumf %min3A_93, %min3A_91 : f32
    %max3A_100 = arith.maximumf %min3A_93, %min3A_91 : f32
    %min3A_101 = arith.minimumf %min3A_97, %max3A_92 : f32
    %max3A_102 = arith.maximumf %min3A_97, %max3A_92 : f32
    %min3A_103 = arith.minimumf %max3A_98, %max3A_90 : f32
    %max3A_104 = arith.maximumf %max3A_98, %max3A_90 : f32
    %min3A_105 = arith.minimumf %min3A_49, %min3A_87 : f32
    %max3A_106 = arith.maximumf %min3A_49, %min3A_87 : f32
    %min3A_107 = arith.minimumf %max3A_64, %max3A_102 : f32
    %max3A_108 = arith.maximumf %max3A_64, %max3A_102 : f32
    %min3A_109 = arith.minimumf %min3A_107, %max3A_106 : f32
    %max3A_110 = arith.maximumf %min3A_107, %max3A_106 : f32
    %min3A_111 = arith.minimumf %max3A_62, %max3A_100 : f32
    %max3A_112 = arith.maximumf %max3A_62, %max3A_100 : f32
    %min3A_113 = arith.minimumf %max3A_66, %max3A_104 : f32
    %max3A_114 = arith.maximumf %max3A_66, %max3A_104 : f32
    %min3A_115 = arith.minimumf %min3A_113, %max3A_112 : f32
    %max3A_116 = arith.maximumf %min3A_113, %max3A_112 : f32
    %min3A_117 = arith.minimumf %min3A_111, %min3A_109 : f32
    %max3A_118 = arith.maximumf %min3A_111, %min3A_109 : f32
    %min3A_119 = arith.minimumf %min3A_115, %max3A_110 : f32
    %max3A_120 = arith.maximumf %min3A_115, %max3A_110 : f32
    %min3A_121 = arith.minimumf %max3A_116, %max3A_108 : f32
    %max3A_122 = arith.maximumf %max3A_116, %max3A_108 : f32
    %min3A_123 = arith.minimumf %min3A_61, %min3A_99 : f32
    %max3A_124 = arith.maximumf %min3A_61, %min3A_99 : f32
    %min3A_125 = arith.minimumf %min3A_65, %min3A_103 : f32
    %max3A_126 = arith.maximumf %min3A_65, %min3A_103 : f32
    %min3A_127 = arith.minimumf %min3A_125, %max3A_124 : f32
    %max3A_128 = arith.maximumf %min3A_125, %max3A_124 : f32
    %min3A_129 = arith.minimumf %min3A_63, %min3A_101 : f32
    %max3A_130 = arith.maximumf %min3A_63, %min3A_101 : f32
    %min3A_131 = arith.minimumf %max3A_58, %max3A_96 : f32
    %max3A_132 = arith.maximumf %max3A_58, %max3A_96 : f32
    %min3A_133 = arith.minimumf %min3A_131, %max3A_130 : f32
    %max3A_134 = arith.maximumf %min3A_131, %max3A_130 : f32
    %min3A_135 = arith.minimumf %min3A_129, %min3A_127 : f32
    %max3A_136 = arith.maximumf %min3A_129, %min3A_127 : f32
    %min3A_137 = arith.minimumf %min3A_133, %max3A_128 : f32
    %max3A_138 = arith.maximumf %min3A_133, %max3A_128 : f32
    %min3A_139 = arith.minimumf %max3A_134, %max3A_126 : f32
    %max3A_140 = arith.maximumf %max3A_134, %max3A_126 : f32
    %min3A_141 = arith.minimumf %min3A_123, %min3A_117 : f32
    %max3A_142 = arith.maximumf %min3A_123, %min3A_117 : f32
    %min3A_143 = arith.minimumf %min3A_135, %max3A_118 : f32
    %max3A_144 = arith.maximumf %min3A_135, %max3A_118 : f32
    %min3A_145 = arith.minimumf %max3A_136, %min3A_119 : f32
    %max3A_146 = arith.maximumf %max3A_136, %min3A_119 : f32
    %min3A_147 = arith.minimumf %min3A_137, %max3A_120 : f32
    %max3A_148 = arith.maximumf %min3A_137, %max3A_120 : f32
    %min3A_149 = arith.minimumf %max3A_138, %min3A_121 : f32
    %max3A_150 = arith.maximumf %max3A_138, %min3A_121 : f32
    %min3A_151 = arith.minimumf %min3A_139, %max3A_122 : f32
    %max3A_152 = arith.maximumf %min3A_139, %max3A_122 : f32
    %min3A_153 = arith.minimumf %max3A_140, %max3A_114 : f32
    %max3A_154 = arith.maximumf %max3A_140, %max3A_114 : f32
    %add3A = arith.addf %min3A_105, %min3A_141 : f32
    %mul3A = arith.constant 5.000000e-01 : f32
    %mul3A_155 = arith.mulf %mul3A, %add3A : f32
    %add3A_156 = arith.addf %min3A_141, %max3A_142 : f32
    %mul3A_157 = arith.constant 5.000000e-01 : f32
    %mul3A_158 = arith.mulf %mul3A_157, %add3A_156 : f32
    %add3A_159 = arith.addf %max3A_142, %min3A_143 : f32
    %mul3A_160 = arith.constant 5.000000e-01 : f32
    %mul3A_161 = arith.mulf %mul3A_160, %add3A_159 : f32
    %add3A_162 = arith.addf %min3A_143, %max3A_144 : f32
    %mul3A_163 = arith.constant 5.000000e-01 : f32
    %mul3A_164 = arith.mulf %mul3A_163, %add3A_162 : f32
    %add3A_165 = arith.addf %max3A_144, %min3A_145 : f32
    %mul3A_166 = arith.constant 5.000000e-01 : f32
    %mul3A_167 = arith.mulf %mul3A_166, %add3A_165 : f32
    %add3A_168 = arith.addf %min3A_145, %max3A_146 : f32
    %mul3A_169 = arith.constant 5.000000e-01 : f32
    %mul3A_170 = arith.mulf %mul3A_169, %add3A_168 : f32
    %add3A_171 = arith.addf %max3A_146, %min3A_147 : f32
    %mul3A_172 = arith.constant 5.000000e-01 : f32
    %mul3A_173 = arith.mulf %mul3A_172, %add3A_171 : f32
    %add3A_174 = arith.addf %min3A_147, %max3A_148 : f32
    %mul3A_175 = arith.constant 5.000000e-01 : f32
    %mul3A_176 = arith.mulf %mul3A_175, %add3A_174 : f32
    %add3A_177 = arith.addf %max3A_148, %min3A_149 : f32
    %mul3A_178 = arith.constant 5.000000e-01 : f32
    %mul3A_179 = arith.mulf %mul3A_178, %add3A_177 : f32
    %add3A_180 = arith.addf %min3A_149, %max3A_150 : f32
    %mul3A_181 = arith.constant 5.000000e-01 : f32
    %mul3A_182 = arith.mulf %mul3A_181, %add3A_180 : f32
    %add3A_183 = arith.addf %max3A_150, %min3A_151 : f32
    %mul3A_184 = arith.constant 5.000000e-01 : f32
    %mul3A_185 = arith.mulf %mul3A_184, %add3A_183 : f32
    %add3A_186 = arith.addf %min3A_151, %max3A_152 : f32
    %mul3A_187 = arith.constant 5.000000e-01 : f32
    %mul3A_188 = arith.mulf %mul3A_187, %add3A_186 : f32
    %add3A_189 = arith.addf %max3A_152, %min3A_153 : f32
    %mul3A_190 = arith.constant 5.000000e-01 : f32
    %mul3A_191 = arith.mulf %mul3A_190, %add3A_189 : f32
    %add3A_192 = arith.addf %min3A_153, %max3A_154 : f32
    %mul3A_193 = arith.constant 5.000000e-01 : f32
    %mul3A_194 = arith.mulf %mul3A_193, %add3A_192 : f32
    %add3A_195 = arith.addf %max3A_154, %max3A_132 : f32
    %mul3A_196 = arith.constant 5.000000e-01 : f32
    %mul3A_197 = arith.mulf %mul3A_196, %add3A_195 : f32
    %get3A_198 = arith.constant 0 : index
    %get3A_199 = arith.constant 0 : index
    %get3A_200 = vector.load %arg2[%get3A_198, %get3A_199] : memref<256x384xf32, #tpu.memory_space<vmem>>, vector<256x384xf32>
    %broadcast_in_dim3A = vector.broadcast %min3A_105 : f32 to vector<256x384xf32>
    %gt3A = vector.broadcast %mul3A_155 : f32 to vector<256x384xf32>
    %gt3A_201 = arith.cmpf ogt, %get3A_200, %gt3A : vector<256x384xf32>
    %broadcast_in_dim3A_202 = vector.broadcast %min3A_141 : f32 to vector<256x384xf32>
    %select_n3A = arith.select %gt3A_201, %broadcast_in_dim3A_202, %broadcast_in_dim3A : vector<256x384xi1>, vector<256x384xf32>
    %gt3A_203 = vector.broadcast %mul3A_158 : f32 to vector<256x384xf32>
    %gt3A_204 = arith.cmpf ogt, %get3A_200, %gt3A_203 : vector<256x384xf32>
    %broadcast_in_dim3A_205 = vector.broadcast %max3A_142 : f32 to vector<256x384xf32>
    %select_n3A_206 = arith.select %gt3A_204, %broadcast_in_dim3A_205, %select_n3A : vector<256x384xi1>, vector<256x384xf32>
    %gt3A_207 = vector.broadcast %mul3A_161 : f32 to vector<256x384xf32>
    %gt3A_208 = arith.cmpf ogt, %get3A_200, %gt3A_207 : vector<256x384xf32>
    %broadcast_in_dim3A_209 = vector.broadcast %min3A_143 : f32 to vector<256x384xf32>
    %select_n3A_210 = arith.select %gt3A_208, %broadcast_in_dim3A_209, %select_n3A_206 : vector<256x384xi1>, vector<256x384xf32>
    %gt3A_211 = vector.broadcast %mul3A_164 : f32 to vector<256x384xf32>
    %gt3A_212 = arith.cmpf ogt, %get3A_200, %gt3A_211 : vector<256x384xf32>
    %broadcast_in_dim3A_213 = vector.broadcast %max3A_144 : f32 to vector<256x384xf32>
    %select_n3A_214 = arith.select %gt3A_212, %broadcast_in_dim3A_213, %select_n3A_210 : vector<256x384xi1>, vector<256x384xf32>
    %gt3A_215 = vector.broadcast %mul3A_167 : f32 to vector<256x384xf32>
    %gt3A_216 = arith.cmpf ogt, %get3A_200, %gt3A_215 : vector<256x384xf32>
    %broadcast_in_dim3A_217 = vector.broadcast %min3A_145 : f32 to vector<256x384xf32>
    %select_n3A_218 = arith.select %gt3A_216, %broadcast_in_dim3A_217, %select_n3A_214 : vector<256x384xi1>, vector<256x384xf32>
    %gt3A_219 = vector.broadcast %mul3A_170 : f32 to vector<256x384xf32>
    %gt3A_220 = arith.cmpf ogt, %get3A_200, %gt3A_219 : vector<256x384xf32>
    %broadcast_in_dim3A_221 = vector.broadcast %max3A_146 : f32 to vector<256x384xf32>
    %select_n3A_222 = arith.select %gt3A_220, %broadcast_in_dim3A_221, %select_n3A_218 : vector<256x384xi1>, vector<256x384xf32>
    %gt3A_223 = vector.broadcast %mul3A_173 : f32 to vector<256x384xf32>
    %gt3A_224 = arith.cmpf ogt, %get3A_200, %gt3A_223 : vector<256x384xf32>
    %broadcast_in_dim3A_225 = vector.broadcast %min3A_147 : f32 to vector<256x384xf32>
    %select_n3A_226 = arith.select %gt3A_224, %broadcast_in_dim3A_225, %select_n3A_222 : vector<256x384xi1>, vector<256x384xf32>
    %gt3A_227 = vector.broadcast %mul3A_176 : f32 to vector<256x384xf32>
    %gt3A_228 = arith.cmpf ogt, %get3A_200, %gt3A_227 : vector<256x384xf32>
    %broadcast_in_dim3A_229 = vector.broadcast %max3A_148 : f32 to vector<256x384xf32>
    %select_n3A_230 = arith.select %gt3A_228, %broadcast_in_dim3A_229, %select_n3A_226 : vector<256x384xi1>, vector<256x384xf32>
    %gt3A_231 = vector.broadcast %mul3A_179 : f32 to vector<256x384xf32>
    %gt3A_232 = arith.cmpf ogt, %get3A_200, %gt3A_231 : vector<256x384xf32>
    %broadcast_in_dim3A_233 = vector.broadcast %min3A_149 : f32 to vector<256x384xf32>
    %select_n3A_234 = arith.select %gt3A_232, %broadcast_in_dim3A_233, %select_n3A_230 : vector<256x384xi1>, vector<256x384xf32>
    %gt3A_235 = vector.broadcast %mul3A_182 : f32 to vector<256x384xf32>
    %gt3A_236 = arith.cmpf ogt, %get3A_200, %gt3A_235 : vector<256x384xf32>
    %broadcast_in_dim3A_237 = vector.broadcast %max3A_150 : f32 to vector<256x384xf32>
    %select_n3A_238 = arith.select %gt3A_236, %broadcast_in_dim3A_237, %select_n3A_234 : vector<256x384xi1>, vector<256x384xf32>
    %gt3A_239 = vector.broadcast %mul3A_185 : f32 to vector<256x384xf32>
    %gt3A_240 = arith.cmpf ogt, %get3A_200, %gt3A_239 : vector<256x384xf32>
    %broadcast_in_dim3A_241 = vector.broadcast %min3A_151 : f32 to vector<256x384xf32>
    %select_n3A_242 = arith.select %gt3A_240, %broadcast_in_dim3A_241, %select_n3A_238 : vector<256x384xi1>, vector<256x384xf32>
    %gt3A_243 = vector.broadcast %mul3A_188 : f32 to vector<256x384xf32>
    %gt3A_244 = arith.cmpf ogt, %get3A_200, %gt3A_243 : vector<256x384xf32>
    %broadcast_in_dim3A_245 = vector.broadcast %max3A_152 : f32 to vector<256x384xf32>
    %select_n3A_246 = arith.select %gt3A_244, %broadcast_in_dim3A_245, %select_n3A_242 : vector<256x384xi1>, vector<256x384xf32>
    %gt3A_247 = vector.broadcast %mul3A_191 : f32 to vector<256x384xf32>
    %gt3A_248 = arith.cmpf ogt, %get3A_200, %gt3A_247 : vector<256x384xf32>
    %broadcast_in_dim3A_249 = vector.broadcast %min3A_153 : f32 to vector<256x384xf32>
    %select_n3A_250 = arith.select %gt3A_248, %broadcast_in_dim3A_249, %select_n3A_246 : vector<256x384xi1>, vector<256x384xf32>
    %gt3A_251 = vector.broadcast %mul3A_194 : f32 to vector<256x384xf32>
    %gt3A_252 = arith.cmpf ogt, %get3A_200, %gt3A_251 : vector<256x384xf32>
    %broadcast_in_dim3A_253 = vector.broadcast %max3A_154 : f32 to vector<256x384xf32>
    %select_n3A_254 = arith.select %gt3A_252, %broadcast_in_dim3A_253, %select_n3A_250 : vector<256x384xi1>, vector<256x384xf32>
    %gt3A_255 = vector.broadcast %mul3A_197 : f32 to vector<256x384xf32>
    %gt3A_256 = arith.cmpf ogt, %get3A_200, %gt3A_255 : vector<256x384xf32>
    %broadcast_in_dim3A_257 = vector.broadcast %max3A_132 : f32 to vector<256x384xf32>
    %select_n3A_258 = arith.select %gt3A_256, %broadcast_in_dim3A_257, %select_n3A_254 : vector<256x384xi1>, vector<256x384xf32>
    %swap3A = arith.constant 0 : index
    %swap3A_259 = arith.constant 0 : index
    %swap3A_260 = vector.load %arg3[%swap3A, %swap3A_259] : memref<256x384xf32, #tpu.memory_space<vmem>>, vector<256x384xf32>
    tpu.vector_store %arg3[%swap3A, %swap3A_259], %select_n3A_258 {strides = array<i32>} : memref<256x384xf32, #tpu.memory_space<vmem>>, vector<256x384xf32>,
    return
  }
  func.func @transform_0(%arg0: i32) -> i32 {
    %c0_i32 = arith.constant 0 : i32
    %c0_i32_0 = arith.constant 0 : i32
    return %c0_i32 : i32
  }
  func.func @transform_1(%arg0: i32) -> (i32, i32) {
    %add3A = arith.constant 12 : i32
    %add3A_0 = arith.addi %arg0, %add3A : i32
    %c0_i32 = arith.constant 0 : i32
    %c0_i32_1 = arith.constant 0 : i32
    return %add3A_0, %c0_i32 : i32, i32
  }
  func.func @transform_2(%arg0: i32) -> (i32, i32) {
    %c0_i32 = arith.constant 0 : i32
    %c0_i32_0 = arith.constant 0 : i32
    return %arg0, %c0_i32 : i32, i32
  }
}

</mosaic_0001>

<sc_bundles>
// kernel: _quantize.4.cloned.1.call-start
scs
__scs_entry_jumppad:
0x0: {  	(pc) =	sbr.rel $0x88, $3  }
0x1: {  	(tag) =	ssettag $0x0;
	lr =	simm.s32 $0x1  }
0x2: {  	[smem:$0x3F9F] =	sst lr;
	_ =	strace $0xD0000000  }
0x3: {  	_ = 	snop  }
0x4: {  	_ = 	snop  }
0x5: {  	_ = 	snop  }
0x6: {  	_ = 	snop  }
0x7: {  	_ = 	snop  }
__scs_overlays_trampoline_lowered:
0x8: {  	[smem:$0x3FAE] =	sst s0  }
0x9: {  	[smem:$0x3FAF] =	sst s1  }
0xa: {  	[smem:$0x3FB0] =	sst s2  }
0xb: {  	[smem:$0x3FB1] =	sst s3  }
0xc: {  	[smem:$0x3FB2] =	sst s4  }
0xd: {  	[smem:$0x3FB3] =	sst s5  }
0xe: {  	[smem:$0x3FB4] =	sst s6  }
0xf: {  	[smem:$0x3FB5] =	sst s7  }
0x10: {  	[smem:$0x3FB6] =	sst s8  }
0x11: {  	[smem:$0x3FB7] =	sst s9;
	s0 =	simm.s32 @!p0 $0x0  }
0x12: {  	s1 =	sld [smem:$0x3F9D];
	s0 =	simm.s32 @p0 $0x1  }
0x13: {  	[smem:$0x3FB8] =	sst s0;
	s0 =	simm.s32 @!p1 $0x0  }
0x14: {  	s2 =	sld [smem:$0x3F9C];
	s0 =	simm.s32 @p1 $0x1  }
0x15: {  	[smem:$0x3FB9] =	sst s0;
	s0 =	simm.s32 @!p2 $0x0  }
0x16: {  	s3 =	sld [smem:$0x3FDB];
	s0 =	simm.s32 @p2 $0x1  }
0x17: {  	s4 =	simm.s32 $0x1BF5;
	[smem:$0x3FBB] =	sst s0  }
0x18: {  	s0 =	sld [smem:$0x3F9E];
	_ =	swait.ge [sflag:s4], $0x0  }
0x19: {  	s7 =	sld [smem:$0x3F9F]  }
0x1a: {  	s8 =	sadd.s32 $0xFFFFE003, lr  }
0x1b: {  	s9 =	sadd.s32 $0xFFFFFEF7, lr;
	s5 =	simm.s32 $0xFFFFFFFF;
	p2 =	slt.u32 s8, $0xFFFFF086  }
0x1c: {  	p1 =	slt.u32 s9, $0xF7A;
	s5 =	simm.s32 @!p2 $0x0  }
0x1d: {  	s5 =	simm.s32 @p1 $0x1;
	p0 =	seq.s32 s7, s2  }
0x1e: {  	s7 =	smul.u32 @!p0 $0xF7A, s2;
	p2 =	seq.s32 @!p0 s5, $0x0  }
0x1f: {  	s9 =	smul.u32 $0xF7A, s1;
	s8 =	simm.s32 @!p0 $0x1BF5;
	p2 =	por !p2, p0  }
0x20: {  	[sflag:s8] =	ssyncset.s32 @!p0 $0xFFFFF086;
	s6 =	sadd.s32 @!p0 s3, s7;
	s7 =	simm.s32 @!p0 $0x108  }
0x21: {  	s3 =	sadd.s32 s3, s9;
	s6 =	sadd.s32 @!p0 $0x88, s6;
	s7 =	simm.s32 @p2 $0x1082  }
0x22: {  	[simem:s7], [sflag:s8] =	dma.local @!p0 [hbm:s6], $0xF7A  }
0x23: {  	s9 =	sor.u32 $0xD0000000, s2;
	s6 =	simm.s32 $0x108;
	_ =	swait.ge @!p0 [sflag:s8], $0x0  }
0x24: {  	s3 =	sadd.s32 $0x88, s3;
	s6 =	simm.s32 @!p1 $0x1082;
	[sflag:s4] =	ssyncset.s32 $0xFFFFF086  }
0x25: {  	[simem:s6], [sflag:s4] =	dma.local [hbm:s3], $0xF7A  }
0x26: {  	[smem:$0x3F9F] =	sst s1;
	(tag) =	ssettag s2;
	_ =	strace s9  }
0x27: {  	s1 =	sld [smem:$0x3FAF]  }
0x28: {  	s2 =	sld [smem:$0x3FB0]  }
0x29: {  	s4 =	sld [smem:$0x3FB2]  }
0x2a: {  	p0 =	seq.s32 s5, $0x0;
	s5 =	sld [smem:$0x3FB3]  }
0x2b: {  	s6 =	sld [smem:$0x3FB4]  }
0x2c: {  	s7 =	sld [smem:$0x3FB5]  }
0x2d: {  	s3 =	simm.s32 $0x108;
	s8 =	sld [smem:$0x3FB6]  }
0x2e: {  	s3 =	simm.s32 @!p0 $0x1082;
	s9 =	sld [smem:$0x3FB7]  }
0x2f: {  	lr =	sadd.s32 s0, s3;
	s0 =	sld [smem:$0x3FAE]  }
0x30: {  	s3 =	sld [smem:$0x3FB1]  }
0x31: {  	[smem:$0x3FBA] =	sst s10  }
0x32: {  	s10 =	sld [smem:$0x3FB8];
	_ =	sdelay $0x3  }
0x33: {  	p0 =	seq.s32 s10, $0x1;
	s10 =	sld [smem:$0x3FBA];
	_ =	sdelay $0x3  }
0x34: {  	[smem:$0x3FBA] =	sst s10  }
0x35: {  	s10 =	sld [smem:$0x3FB9];
	_ =	sdelay $0x3  }
0x36: {  	p1 =	seq.s32 s10, $0x1;
	s10 =	sld [smem:$0x3FBA];
	_ =	sdelay $0x3  }
0x37: {  	[smem:$0x3FBA] =	sst s10  }
0x38: {  	s10 =	sld [smem:$0x3FBB]  }
0x39: {  	_ = 	snop;
	(pc) =	sbr.ind lr, $3  }
0x3a: {  	_ = 	snop  }
0x3b: {  	_ = 	snop  }
0x3c: {  	p2 =	seq.s32 s10, $0x1;
	s10 =	sld [smem:$0x3FBA]  }
0x3d: {  	_ =	shalt  }
0x3e: {  	_ =	shalt  }
0x3f: {  	_ =	shalt  }
0x40: {  	_ =	shalt  }
0x41: {  	_ =	shalt  }
0x42: {  	_ =	shalt  }
0x43: {  	_ =	shalt  }
0x44: {  	_ =	shalt  }
0x45: {  	_ =	shalt  }
0x46: {  	_ =	shalt  }
0x47: {  	_ =	shalt  }
0x48: {  	_ =	shalt  }
0x49: {  	_ =	shalt  }
0x4a: {  	_ =	shalt  }
0x4b: {  	_ =	shalt  }
0x4c: {  	_ =	shalt  }
0x4d: {  	_ =	shalt  }
0x4e: {  	_ =	shalt  }
0x4f: {  	_ =	shalt  }
0x50: {  	_ =	shalt  }
0x51: {  	_ =	shalt  }
0x52: {  	_ =	shalt  }
0x53: {  	_ =	shalt  }
0x54: {  	_ =	shalt  }
0x55: {  	_ =	shalt  }
0x56: {  	_ =	shalt  }
0x57: {  	_ =	shalt  }
0x58: {  	_ =	shalt  }
0x59: {  	_ =	shalt  }
0x5a: {  	_ =	shalt  }
0x5b: {  	_ =	shalt  }
0x5c: {  	_ =	shalt  }
0x5d: {  	_ =	shalt  }
0x5e: {  	_ =	shalt  }
0x5f: {  	_ =	shalt  }
0x60: {  	_ =	shalt  }
0x61: {  	_ =	shalt  }
0x62: {  	_ =	shalt  }
0x63: {  	_ =	shalt  }
0x64: {  	_ =	shalt  }
0x65: {  	_ =	shalt  }
0x66: {  	_ =	shalt  }
0x67: {  	_ =	shalt  }
0x68: {  	_ =	shalt  }
0x69: {  	_ =	shalt  }
0x6a: {  	_ =	shalt  }
0x6b: {  	_ =	shalt  }
0x6c: {  	_ =	shalt  }
0x6d: {  	_ =	shalt  }
0x6e: {  	_ =	shalt  }
0x6f: {  	_ =	shalt  }
0x70: {  	_ =	shalt  }
0x71: {  	_ =	shalt  }
0x72: {  	_ =	shalt  }
0x73: {  	_ =	shalt  }
0x74: {  	_ =	shalt  }
0x75: {  	_ =	shalt  }
0x76: {  	_ =	shalt  }
0x77: {  	_ =	shalt  }
0x78: {  	_ =	shalt  }
0x79: {  	_ =	shalt  }
0x7a: {  	_ =	shalt  }
0x7b: {  	_ =	shalt  }
0x7c: {  	_ =	shalt  }
0x7d: {  	_ =	shalt  }
0x7e: {  	_ =	shalt  }
0x7f: {  	_ =	shalt  }
0x80: {  	_ =	shalt  }
0x81: {  	_ =	shalt  }
0x82: {  	_ =	shalt  }
0x83: {  	_ =	shalt  }
0x84: {  	_ =	shalt  }
0x85: {  	_ =	shalt  }
0x86: {  	_ =	shalt  }
0x87: {  	_ =	shalt  }
.Lfunc_end0:
.L_simem_size_0:
called_computation_lowered:
.L_overlay_start_0:
0x88: {  	s2 =	sld [smem:$0x3FD9]  }
0x89: {  	s3 =	sld [smem:$0x3FFE];
	_ =	sdelay $0x1  }
0x8a: {  	s1 =	srdreg.scid  }
0x8b: {  	s0 =	sand.u32 $0x1, s1  }
0x8c: {  	s17 =	sshll.u32 s0, $0xA;
	s2 =	sadd.s32 s3, s2  }
0x8d: {  	s2 =	sadd.s32 s2, s17  }
0x8e: {  	[smem:$0x3FC6] =	sst s2  }
0x8f: {  	_ = 	snop  }
0x90: {  	s2 =	sld [smem:$0x3FC9]  }
0x91: {  	s18 =	sld [smem:$0x3FC8];
	(tm) =	ssettm $0x1  }
0x92: {  	s4 =	sld [smem:$0x3FFB];
	_ =	sdelay $0x3  }
0x93: {  	_ =	strace s4  }
0x94: {  	s4 =	sld [smem:$0x3FFC];
	_ =	sdelay $0x3  }
0x95: {  	_ =	strace s4  }
0x96: {  	s4 =	sld [smem:$0x3FFD];
	_ =	sdelay $0x3  }
0x97: {  	_ =	strace s4  }
0x98: {  	_ =	strace $0x8FFFFFFF  }
0x99: {  	s19 =	sld [smem:$0x3FDB];
	_ =	sdelay $0x1  }
0x9a: {  	s5 =	simm.s32 $_scs_section_size  }
0x9b: {  	s6 =	simm.s32 $_size__tile_overlayer_lowered;
	s7 =	simm.s32 $_tile_overlayer_lowered  }
0x9c: {  	s22 =	simm.s32 $0x1BFF;
	s21 =	sshll.u32 s7, $0x1;
	s4 =	sadd.s32 s5, s19  }
0x9d: {  	s8 =	simm.s32 $0x0;
	s20 =	sshll.u32 s6, $0x1;
	s6 =	sadd.s32 s21, s4  }
0x9e: {  	[timem:s8], [sflag:s22] =	dma.local [hbm:s6], s20  }
0x9f: {  	_ =	swait.ge [sflag:s22], s20  }
0xa0: {  	s5 =	ssub.s32 $0x0, s20;
	[sflag:s22] =	ssyncset.done $0x0  }
0xa1: {  	[sflag:s22] =	ssyncadd.s32 s5;
	_ =	sdelay $0x1  }
0xa2: {  	s23 =	simm.s32 $0x1B8B  }
0xa3: {  	_ =	swait.ge [sflag:s23], $0x1  }
0xa4: {  	[sflag:s23] =	ssyncset.done $0x0  }
0xa5: {  	s25 =	simm.s32 $0x1B8E;
	s24 =	sld [smem:$0x3FFE];
	[sflag:s23] =	ssyncadd.s32 $0xFFFFFFFF  }
0xa6: {  	s26 =	simm.s32 $execute0_lowered;
	[smem:$0x3FD2] =	sst s25  }
0xa7: {  	s6 =	sshll.u32 s26, $0x1;
	_ =	strace $0x80000046;
	[dreg:$0x1] =	wrdreg $0xFFFFFFFF  }
0xa8: {  	s28 =	simm.s32 $_size_execute0_lowered;
	s4 =	sadd.s32 s4, s6;
	[dreg:$0x0] =	wrdreg $0x0  }
0xa9: {  	s6 =	sshll.u32 s28, $0x1;
	[dreg:$0x2] =	wrdreg s4  }
0xaa: {  	[dreg:$0x3] =	wrdreg s6  }
0xab: {  	[dreg:$0x4] =	wrdreg $0xC0  }
0xac: {  	_ =	task [dreg:s8], $0x5FFFF  }
0xad: {  	[dreg:$0x1] =	wrdreg $0xFFFFFFFF  }
0xae: {  	[dreg:$0x0] =	wrdreg $0x60  }
0xaf: {  	[dreg:$0x2] =	wrdreg s2  }
0xb0: {  	[dreg:$0x3] =	wrdreg s18  }
0xb1: {  	[dreg:$0x4] =	wrdreg s24  }
0xb2: {  	[dreg:$0x5] =	wrdreg $0x9  }
0xb3: {  	_ =	task.clear_ibuf [dreg:s8], $0x6FFFF;
	_ =	strace $0x90000046  }
0xb4: {  	s29 =	simm.s32 $0x9;
	_ =	strace $0x80000048  }
0xb5: {  	_ =	swait.ge [sflag:s29], $0x1  }
0xb6: {  	[sflag:s29] =	ssyncadd.s32 $0xFFFFFFFF  }
0xb7: {  	_ =	strace $0x90000048  }
0xb8: {  	_ =	sfence  }
0xb9: {  	s30 =	sld [smem:$0x0];
	_ =	sdelay $0x2  }
0xba: {  	s31 =	sshll.u32 s1, $0xD;
	s1 =	sshrl.u32 s1, $0x2  }
0xbb: {  	s3 =	sand.u32 $0x4000, s31;
	s1 =	sadd.s32 s1, s30  }
0xbc: {  	s0 =	sor.u32 s3, s0;
	s1 =	sshll.u32 s1, $0x11  }
0xbd: {  	s0 =	sor.u32 s1, s0  }
0xbe: {  	s0 =	sadd.s32 $0x8F2B, s0  }
0xbf: {  	[sflag:s0] =	ssyncadd.remote.s32 $0x1  }
0xc0: {  	_ =	sfence.sel $0xFFFF  }
0xc1: {  	[dreg:$0x0] =	wrdreg $0xFFFFFFFF;
	(pc) =	sbr.abs _section_cstart, $3  }
0xc2: {  	[dreg:$0x1] =	wrdreg $0xFFFFFFFF  }
0xc3: {  	_ =	task.clear_ibuf [dreg:s8], $0x2FFFF;
	_ =	strace $0x9FFFFFFF  }
0xc4: {  	(tm) =	ssettm $0x7FFFFFFF  }
0xc5: {  	_ =	shalt  }
tec
execute0_lowered:
.L_overlay_start_1:
0x0: {  	(tag) =	ssettag $0x1  }
0x1: {  	s5 =	rddreg [dreg:$0x0]  }
0x2: {  	s1 =	srdreg.scid;
	s2 =	rddreg [dreg:$0x1]  }
0x3: {  	s0 =	stileid.u32;
	s7 =	rddreg [dreg:$0x2];
	s3 =	simm.s32 $0x0  }
0x4: {  	s10 =	simm.s32 $0x4880;
	s4 =	sand.u32 $0x1, s1;
	s31 =	sshll.u32 s0, $0x1  }
0x5: {  	v0 =	vimm.s32 $0xFFEDCBA9;
	v1 =	vimm.s32 $0x87654321;
	s11 =	simm.s32 $0x5;
	s12 =	simm.s32 $0x1;
	s1 =	sor.u32 s4, s31  }
0x6: {  	s13 =	simm.s32 $0x2;
	s14 =	simm.s32 $0x3;
	v0 =	vunpack.c.l.s4.s8 v0;
	v1 =	vunpack.c.l.s4.s8 v1;
	s6 =	smul.u32 $0x60, s1  }
0x7: {  	s15 =	simm.s32 $0x4;
	s16 =	simm.s32 $0x0;
	s4 =	ssub.s32 $0x2, s4  }
0x8: {  	[smem:$0x7FF] =	sst s3;
	s8 =	sshrl.u32 s4, $0x1;
	v2 =	vunpack.c.0.s8.s32 v0;
	v1 =	vunpack.c.0.s8.s32 v1;
	s6 =	sshrl.u32 s6, $0x3  }
0x9: {  	s7 =	sadd.s32 $0x800, s7;
	s8 =	ssub.s32 s4, s8;
	s6 =	smul.u32 $0x180, s6  }
0xa: {  	s1 =	rddreg [dreg:$0x3];
	_ =	strace $0x80000047;
	s8 =	smax.u32 s8, $0x1;
	v0 =	vcombine.low v1, v2  }
0xb: {  	v5 =	vimm.s32 $0x3;
	s4 =	sadd.s32 s5, s6;
	s9 =	sadd.s32 $0x900, s6;
	s6 =	sadd.s32 s7, s6  }
0xc: {  	v29 =	vimm.s32 $0xFFFFFFFE;
	v21 =	vimm.s32 $0xFFFFFFFF;
	v19 =	vimm.s32 $0x0;
	[tilespmem:$0x1FFF0] =	vst v0;
	s5 =	sadd.s32 s5, s9;
	s7 =	sadd.s32 s7, s9;
	s9 =	simm.s32 $0x80  }
.LBB2_1:
0xd: {  	[tilespmem:s9], [sflag:$0x1] =	stream.linear.gather [hbm4b:s4+s3], $0x4800, $0x38;
	[tilespmem:$0x9080] =	vst v63  }
0xe: {  	_ = 	snop  }
0xf: {  	[tilespmem:s10], [sflag:$0x2] =	stream.linear.gather [hbm4b:s5+s3], $0x4800, $0x38;
	[tilespmem:$0x9080] =	vst v63  }
0x10: {  	_ = 	snop  }
0x11: {  	[tilespmem:s3], [sflag:$0x5] =	stream.linear.gather [hbm4b:s2+s3], $0x80, $0x38;
	[tilespmem:$0x9080] =	vst v63  }
0x12: {  	_ =	swait.ge [sflag:s11], $0x80  }
0x13: {  	[sflag:s11] =	ssyncset.done $0x0  }
0x14: {  	[sflag:s11] =	ssyncadd.s32 $0xFFFFFF80  }
0x15: {  	v6 =	vld [tilespmem:$0x0];
	_ =	sdelay $0x3  }
0x16: {  	v0 =	vlaneseq.u32  }
0x17: {  	(xrf1) =	vsort.ascd.msk.f32 $0xffff, v6, v0;
	_ =	sdelay $0x9  }
0x18: {  	v63 =	vld [tilespmem:$0x1FFF0];
	_ =	sdelay $0x3  }
0x19: {  	v6, _, _ =	vpop (xrf1)  }
0x1a: {  	v7 =	vperm.xlane v6, v63;
	_ =	sdelay $0x1  }
0x1b: {  	v7 =	vadd.f32 v6, v7;
	_ =	sdelay $0x1  }
0x1c: {  	v7 =	vmul.f32 $5.000000000e-01, v7  }
0x1d: {  	_ =	swait.ge [sflag:s12], $0x4800  }
0x1e: {  	[sflag:s12] =	ssyncset.done $0x0;
	v8 =	vbroadcast v7, $0x7  }
0x1f: {  	s17 =	simm.s32 $0xFFFFFFFC;
	s18 =	simm.s32 $0x0;
	[sflag:s12] =	ssyncadd.s32 $0xFFFFB800;
	v9 =	vbroadcast v7, $0x3;
	v10 =	vbroadcast v7, $0xB  }
.LBB2_2:
0x20: {  	s17 =	sadd.s32 $0x4, s17  }
0x21: {  	s19 =	sshrl.u32 s17, $0x3  }
0x22: {  	s19 =	smul.u32 $0x3000, s19;
	_ =	sdelay $0x1  }
0x23: {  	s19 =	sshra.s32 s19, $0x2  }
0x24: {  	s23 =	sand.u32 $0x200, s18;
	s22 =	sor.u32 $0x80, s19  }
0x25: {  	s20 =	sor.u32 s23, s22  }
0x26: {  	v11 =	vld [tilespmem:s20+$0x0];
	_ =	sdelay $0x4  }
0x27: {  	vm0 =	vgt.f32 v11, v8  }
0x28: {  	v12 =	vsel vm0, v10, v9  }
0x29: {  	v0 =	vimm.s32 $0xFFFFFFFF;
	v53 =	vld [tilespmem:s20+$0x10];
	vm1 =	vgt.f32 v11, v12  }
0x2a: {  	v60 =	vimm.s32 $0x0;
	v13 =	vsel vm0, $0xB, v5;
	v14 =	vsel vm1, $0x2, v29  }
0x2b: {  	v62 =	vimm.s32 $0xFFFFFFFF;
	v34 =	vimm.s32 $0x0;
	v54 =	vld [tilespmem:s20+$0x20];
	v13 =	vadd.s32 v13, v14  }
0x2c: {  	v36 =	vimm.s32 $0x0;
	v37 =	vimm.s32 $0xFFFFFFFF;
	v14 =	vperm.xlane v7, v13  }
0x2d: {  	v39 =	vimm.s32 $0xFFFFFFFF;
	v40 =	vimm.s32 $0xFFFFFFFF;
	v41 =	vimm.s32 $0xFFFFFFFF  }
0x2e: {  	v42 =	vimm.s32 $0x0;
	vm15 =	vgt.f32 v53, v8;
	vm14 =	vgt.f32 v11, v14  }
0x2f: {  	v46 =	vimm.s32 $0x0;
	v18 =	vld [tilespmem:s20+$0x30];
	v16 =	vsel vm15, v10, v9;
	v15 =	vsel vm14, $0x1, v21  }
0x30: {  	vm6 =	vgt.f32 v54, v8;
	vm4 =	vgt.f32 v53, v16;
	v13 =	vadd.s32 v15, v13  }
0x31: {  	v16 =	vsel vm15, $0xB, v5;
	v17 =	vsel vm4, $0x2, v29;
	v15 =	vperm.xlane v7, v13  }
0x32: {  	v47 =	vimm.s32 $0x0;
	v16 =	vadd.s32 v16, v17;
	v17 =	vsel vm6, v10, v9  }
0x33: {  	vm2 =	vgt.f32 v54, v17;
	vm5 =	vgt.f32 v11, v15;
	v11 =	vperm.xlane v7, v16  }
0x34: {  	v50 =	vimm.s32 $0x0;
	vm8 =	vgt.f32 v18, v8;
	v55 =	vsel vm2, $0x2, v29  }
0x35: {  	v15 =	vsel vm5, $0x1, v19;
	v19 =	vld [tilespmem:s20+$0x40];
	vm7 =	vgt.f32 v53, v11;
	v11 =	vsel vm6, $0xB, v5  }
0x36: {  	v56 =	vsel vm8, v10, v9;
	v17 =	vsel vm7, $0x1, v21;
	v11 =	vadd.s32 v11, v55  }
0x37: {  	vm9 =	vgt.f32 v18, v56;
	v16 =	vadd.s32 v17, v16;
	v17 =	vperm.xlane v7, v11  }
0x38: {  	v20 =	vsel vm8, $0xB, v5;
	v21 =	vsel vm9, $0x2, v29;
	v57 =	vperm.xlane v7, v16  }
0x39: {  	v13 =	vor.u32 v15, v13;
	vm10 =	vgt.f32 v54, v17;
	v17 =	vadd.s32 v20, v21  }
0x3a: {  	vm12 =	vgt.f32 v19, v8;
	vm11 =	vgt.f32 v53, v57;
	v58 =	vsel vm10, $0x1, v0  }
0x3b: {  	v63 =	vld [tilespmem:s20+$0x50];
	v59 =	vperm.xlane v7, v17;
	v61 =	vsel vm12, v10, v9;
	v11 =	vadd.s32 v58, v11  }
0x3c: {  	v22 =	vld [tilespmem:s20+$0x70];
	v32 =	vsel vm12, $0xB, v5;
	v20 =	vsel vm11, $0x1, v60;
	v12 =	vperm.xlane v7, v11  }
0x3d: {  	vm14 =	vgt.f32 v19, v61;
	vm13 =	vgt.f32 v18, v59;
	v16 =	vor.u32 v20, v16  }
0x3e: {  	v33 =	vsel vm14, $0x2, v29;
	v20 =	vsel vm13, $0x1, v62;
	vm15 =	vgt.f32 v54, v12  }
0x3f: {  	v17 =	vadd.s32 v20, v17;
	v12 =	vadd.s32 v32, v33;
	v21 =	vsel vm15, $0x1, v34  }
0x40: {  	v35 =	vperm.xlane v7, v17;
	v20 =	vperm.xlane v7, v12;
	v11 =	vor.u32 v21, v11;
	v21 =	vld [tilespmem:s20+$0x60]  }
0x41: {  	vm6 =	vgt.f32 v63, v8;
	v13 =	vperm.xlane v6, v13;
	vm9 =	vgt.f32 v22, v8  }
0x42: {  	v16 =	vperm.xlane v6, v16;
	vm4 =	vgt.f32 v18, v35;
	vm5 =	vgt.f32 v19, v20  }
0x43: {  	v20 =	vsel vm6, v10, v9;
	v14 =	vsel vm4, $0x1, v36;
	v18 =	vsel vm5, $0x1, v37  }
0x44: {  	vm7 =	vgt.f32 v63, v20;
	v14 =	vor.u32 v14, v17;
	v12 =	vadd.s32 v18, v12  }
0x45: {  	v17 =	vsel vm6, $0xB, v5;
	v18 =	vsel vm7, $0x2, v29;
	vm8 =	vgt.f32 v21, v8  }
0x46: {  	v11 =	vperm.xlane v6, v11;
	v17 =	vadd.s32 v17, v18;
	v18 =	vsel vm8, v10, v9  }
0x47: {  	v20 =	vperm.xlane v7, v17;
	vm10 =	vgt.f32 v21, v18;
	v18 =	vsel vm9, v10, v9  }
0x48: {  	v23 =	vsel vm8, $0xB, v5;
	v24 =	vsel vm10, $0x2, v29;
	vm11 =	vgt.f32 v22, v18  }
0x49: {  	v18 =	vadd.s32 v23, v24;
	v23 =	vsel vm9, $0xB, v5;
	v38 =	vsel vm11, $0x2, v29  }
0x4a: {  	v25 =	vperm.xlane v7, v12;
	v26 =	vperm.xlane v7, v18;
	v23 =	vadd.s32 v23, v38  }
0x4b: {  	v14 =	vperm.xlane v6, v14;
	vm12 =	vgt.f32 v63, v20;
	v20 =	vperm.xlane v7, v23  }
0x4c: {  	vm13 =	vgt.f32 v19, v25;
	v19 =	vsel vm12, $0x1, v39;
	vm14 =	vgt.f32 v21, v26  }
0x4d: {  	v17 =	vadd.s32 v19, v17;
	v19 =	vsel vm14, $0x1, v40;
	vm15 =	vgt.f32 v22, v20  }
0x4e: {  	v20 =	vperm.xlane v7, v17;
	v18 =	vadd.s32 v19, v18;
	v19 =	vsel vm15, $0x1, v41  }
0x4f: {  	v43 =	vsel vm13, $0x1, v42;
	v44 =	vperm.xlane v7, v18;
	v19 =	vadd.s32 v19, v23  }
0x50: {  	[tilespmem:s20+$0x0] =	vst v13;
	v12 =	vor.u32 v43, v12;
	vm4 =	vgt.f32 v63, v20;
	v45 =	vperm.xlane v7, v19  }
0x51: {  	[tilespmem:s20+$0x10] =	vst v16;
	v12 =	vperm.xlane v6, v12;
	v15 =	vsel vm4, $0x1, v46;
	vm5 =	vgt.f32 v21, v44  }
0x52: {  	[tilespmem:s20+$0x20] =	vst v11;
	v11 =	vor.u32 v15, v17;
	v48 =	vsel vm5, $0x1, v47;
	vm6 =	vgt.f32 v22, v45  }
0x53: {  	[tilespmem:s20+$0x30] =	vst v14;
	v11 =	vperm.xlane v6, v11;
	v49 =	vor.u32 v48, v18;
	v51 =	vsel vm6, $0x1, v50  }
0x54: {  	[tilespmem:s20+$0x40] =	vst v12;
	v52 =	vperm.xlane v6, v49;
	v53 =	vor.u32 v51, v19  }
0x55: {  	[tilespmem:s20+$0x50] =	vst v11;
	v11 =	vperm.xlane v6, v53  }
0x56: {  	s21 =	sadd.s32 $0x480, s19;
	[tilespmem:s20+$0x60] =	vst v52  }
0x57: {  	s24 =	sor.u32 s23, s21;
	[tilespmem:s20+$0x70] =	vst v11  }
0x58: {  	v11 =	vld [tilespmem:s24+$0x0];
	_ =	sdelay $0x4  }
0x59: {  	vm7 =	vgt.f32 v11, v8  }
0x5a: {  	v61 =	vimm.s32 $0x0;
	v59 =	vimm.s32 $0xFFFFFFFF;
	v54 =	vsel vm7, v10, v9  }
0x5b: {  	v34 =	vimm.s32 $0x0;
	v36 =	vimm.s32 $0xFFFFFFFF;
	v55 =	vld [tilespmem:s24+$0x10];
	vm8 =	vgt.f32 v11, v54  }
0x5c: {  	v42 =	vimm.s32 $0x0;
	v18 =	vld [tilespmem:s24+$0x30];
	v56 =	vsel vm7, $0xB, v5;
	v57 =	vsel vm8, $0x2, v29  }
0x5d: {  	v43 =	vimm.s32 $0xFFFFFFFF;
	v26 =	vimm.s32 $0xFFFFFFFF;
	v13 =	vadd.s32 v56, v57  }
0x5e: {  	v40 =	vimm.s32 $0x0;
	v63 =	vimm.s32 $0xFFFFFFFF;
	v14 =	vperm.xlane v7, v13  }
0x5f: {  	v48 =	vimm.s32 $0xFFFFFFFF;
	v50 =	vimm.s32 $0xFFFFFFFF;
	v49 =	vimm.s32 $0xFFFFFFFF;
	v58 =	vld [tilespmem:s24+$0x20]  }
0x60: {  	v51 =	vimm.s32 $0x0;
	vm10 =	vgt.f32 v55, v8;
	vm9 =	vgt.f32 v11, v14  }
0x61: {  	vm4 =	vgt.f32 v18, v8;
	v16 =	vsel vm10, v10, v9;
	v60 =	vsel vm9, $0x1, v59  }
0x62: {  	v24 =	vsel vm4, v10, v9;
	vm11 =	vgt.f32 v55, v16;
	v13 =	vadd.s32 v60, v13  }
0x63: {  	v19 =	vld [tilespmem:s24+$0x40];
	v16 =	vsel vm10, $0xB, v5;
	v17 =	vsel vm11, $0x2, v29;
	v15 =	vperm.xlane v7, v13  }
0x64: {  	vm13 =	vgt.f32 v58, v8;
	vm5 =	vgt.f32 v18, v24;
	v16 =	vadd.s32 v16, v17  }
0x65: {  	v22 =	vld [tilespmem:s24+$0x70];
	v17 =	vsel vm13, v10, v9;
	vm12 =	vgt.f32 v11, v15;
	v11 =	vperm.xlane v7, v16  }
0x66: {  	v20 =	vsel vm4, $0xB, v5;
	v21 =	vsel vm5, $0x2, v29;
	vm15 =	vgt.f32 v58, v17  }
0x67: {  	v62 =	vsel vm15, $0x2, v29;
	vm14 =	vgt.f32 v55, v11;
	v11 =	vsel vm13, $0xB, v5  }
0x68: {  	vm8 =	vgt.f32 v19, v8;
	v17 =	vsel vm14, $0x1, v63;
	v11 =	vadd.s32 v11, v62  }
0x69: {  	v35 =	vsel vm8, v10, v9;
	v16 =	vadd.s32 v17, v16;
	v17 =	vperm.xlane v7, v11  }
0x6a: {  	vm5 =	vgt.f32 v22, v8;
	v38 =	vsel vm8, $0xB, v5;
	vm10 =	vgt.f32 v19, v35  }
0x6b: {  	v56 =	vimm.s32 $0x0;
	v39 =	vsel vm10, $0x2, v29;
	vm6 =	vgt.f32 v58, v17  }
0x6c: {  	v25 =	vperm.xlane v7, v16;
	v17 =	vadd.s32 v20, v21;
	v32 =	vsel vm6, $0x1, v26  }
0x6d: {  	v59 =	vimm.s32 $0x0;
	v33 =	vperm.xlane v7, v17;
	v11 =	vadd.s32 v32, v11  }
0x6e: {  	v37 =	vld [tilespmem:s24+$0x50];
	v15 =	vsel vm12, $0x1, v61;
	vm7 =	vgt.f32 v55, v25;
	v12 =	vperm.xlane v7, v11  }
0x6f: {  	v13 =	vor.u32 v15, v13;
	v20 =	vsel vm7, $0x1, v34;
	vm9 =	vgt.f32 v18, v33  }
0x70: {  	v16 =	vor.u32 v20, v16;
	v20 =	vsel vm9, $0x1, v36;
	vm11 =	vgt.f32 v58, v12  }
0x71: {  	v17 =	vadd.s32 v20, v17;
	v12 =	vadd.s32 v38, v39;
	v21 =	vsel vm11, $0x1, v40  }
0x72: {  	v41 =	vperm.xlane v7, v17;
	v20 =	vperm.xlane v7, v12;
	v11 =	vor.u32 v21, v11;
	v21 =	vld [tilespmem:s24+$0x60]  }
0x73: {  	v13 =	vperm.xlane v6, v13;
	vm14 =	vgt.f32 v37, v8;
	v55 =	vimm.s32 $0x0  }
0x74: {  	v16 =	vperm.xlane v6, v16;
	vm12 =	vgt.f32 v18, v41;
	vm13 =	vgt.f32 v19, v20  }
0x75: {  	v20 =	vsel vm14, v10, v9;
	v14 =	vsel vm12, $0x1, v42;
	v18 =	vsel vm13, $0x1, v43  }
0x76: {  	vm15 =	vgt.f32 v37, v20;
	v14 =	vor.u32 v14, v17;
	v12 =	vadd.s32 v18, v12  }
0x77: {  	v17 =	vsel vm14, $0xB, v5;
	v18 =	vsel vm15, $0x2, v29;
	vm4 =	vgt.f32 v21, v8  }
0x78: {  	v11 =	vperm.xlane v6, v11;
	v17 =	vadd.s32 v17, v18;
	v18 =	vsel vm4, v10, v9  }
0x79: {  	v20 =	vperm.xlane v7, v17;
	vm6 =	vgt.f32 v21, v18;
	v18 =	vsel vm5, v10, v9  }
0x7a: {  	v23 =	vsel vm4, $0xB, v5;
	v44 =	vsel vm6, $0x2, v29;
	vm7 =	vgt.f32 v22, v18  }
0x7b: {  	v18 =	vadd.s32 v23, v44;
	v23 =	vsel vm5, $0xB, v5;
	v45 =	vsel vm7, $0x2, v29  }
0x7c: {  	v46 =	vperm.xlane v7, v12;
	v47 =	vperm.xlane v7, v18;
	v23 =	vadd.s32 v23, v45  }
0x7d: {  	v14 =	vperm.xlane v6, v14;
	vm8 =	vgt.f32 v37, v20;
	v20 =	vperm.xlane v7, v23  }
0x7e: {  	vm9 =	vgt.f32 v19, v46;
	v19 =	vsel vm8, $0x1, v48;
	vm10 =	vgt.f32 v21, v47  }
0x7f: {  	v17 =	vadd.s32 v19, v17;
	v19 =	vsel vm10, $0x1, v49;
	vm11 =	vgt.f32 v22, v20  }
0x80: {  	v20 =	vperm.xlane v7, v17;
	v18 =	vadd.s32 v19, v18;
	v19 =	vsel vm11, $0x1, v50  }
0x81: {  	v52 =	vsel vm9, $0x1, v51;
	v53 =	vperm.xlane v7, v18;
	v19 =	vadd.s32 v19, v23  }
0x82: {  	[tilespmem:s24+$0x0] =	vst v13;
	v12 =	vor.u32 v52, v12;
	vm12 =	vgt.f32 v37, v20;
	v54 =	vperm.xlane v7, v19  }
0x83: {  	[tilespmem:s24+$0x10] =	vst v16;
	v12 =	vperm.xlane v6, v12;
	v15 =	vsel vm12, $0x1, v55;
	vm13 =	vgt.f32 v21, v53  }
0x84: {  	[tilespmem:s24+$0x20] =	vst v11;
	v11 =	vor.u32 v15, v17;
	v57 =	vsel vm13, $0x1, v56;
	vm14 =	vgt.f32 v22, v54  }
0x85: {  	s28 =	sor.u32 $0x80, s23;
	[tilespmem:s24+$0x30] =	vst v14;
	v11 =	vperm.xlane v6, v11;
	v58 =	vor.u32 v57, v18;
	v60 =	vsel vm14, $0x1, v59  }
0x86: {  	s25 =	sadd.s32 s28, s22;
	[tilespmem:s24+$0x40] =	vst v12;
	v61 =	vperm.xlane v6, v58;
	v62 =	vor.u32 v60, v19  }
0x87: {  	v63 =	vld [tilespmem:s25+$0x0];
	[tilespmem:s24+$0x50] =	vst v11;
	v11 =	vperm.xlane v6, v62  }
0x88: {  	s20 =	sadd.s32 $0x880, s19;
	[tilespmem:s24+$0x60] =	vst v61  }
0x89: {  	v3 =	vimm.s32 $0x0;
	s19 =	sor.u32 s23, s20;
	[tilespmem:s24+$0x70] =	vst v11  }
0x8a: {  	v4 =	vimm.s32 $0xFFFFFFFE;
	v35 =	vimm.s32 $0xFFFFFFFF;
	v32 =	vimm.s32 $0xFFFFFFFF;
	v13 =	vld [tilespmem:s19+$0x0]  }
0x8b: {  	v38 =	vimm.s32 $0x0;
	v39 =	vimm.s32 $0xFFFFFFFF;
	v41 =	vimm.s32 $0x0  }
0x8c: {  	v42 =	vimm.s32 $0xFFFFFFFF;
	v43 =	vimm.s32 $0xFFFFFFFF;
	vm4 =	vgt.f32 v63, v8  }
0x8d: {  	v46 =	vimm.s32 $0x0;
	v26 =	vsel vm4, $0xB, v5;
	v51 =	vimm.s32 $0xFFFFFFFE  }
0x8e: {  	v34 =	vld [tilespmem:s25+$0x30];
	v52 =	vimm.s32 $0xFFFFFFFE;
	v44 =	vimm.s32 $0xFFFFFFFE;
	v45 =	vimm.s32 $0x0  }
0x8f: {  	v47 =	vimm.s32 $0xFFFFFFFF;
	v50 =	vimm.s32 $0xFFFFFFFE;
	v14 =	vld [tilespmem:s19+$0x10];
	vm15 =	vgt.f32 v13, v8  }
0x90: {  	v17 =	vld [tilespmem:s25+$0x10];
	v54 =	vimm.s32 $0xFFFFFFFF;
	v56 =	vimm.s32 $0xFFFFFFFF;
	v11 =	vsel vm15, v10, v9  }
0x91: {  	v22 =	vld [tilespmem:s25+$0x20];
	v59 =	vimm.s32 $0x0;
	vm5 =	vgt.f32 v13, v11;
	v11 =	vsel vm4, v10, v9  }
0x92: {  	v25 =	vsel vm15, $0xB, v5;
	v16 =	vsel vm5, $0x2, v29;
	vm6 =	vgt.f32 v63, v11  }
0x93: {  	v58 =	vimm.s32 $0xFFFFFFFF;
	v11 =	vadd.s32 v25, v16;
	v16 =	vsel vm6, $0x2, v29  }
0x94: {  	vm7 =	vgt.f32 v14, v8;
	v18 =	vperm.xlane v7, v11;
	v12 =	vadd.s32 v26, v16  }
0x95: {  	v40 =	vld [tilespmem:s25+$0x40];
	vm9 =	vgt.f32 v17, v8;
	v20 =	vsel vm7, $0xB, v5;
	v19 =	vperm.xlane v7, v12  }
0x96: {  	vm15 =	vgt.f32 v22, v8;
	vm5 =	vgt.f32 v34, v8;
	vm8 =	vgt.f32 v13, v18  }
0x97: {  	v16 =	vld [tilespmem:s19+$0x20];
	v18 =	vsel vm7, v10, v9;
	vm10 =	vgt.f32 v63, v19;
	v19 =	vsel vm9, v10, v9  }
0x98: {  	vm12 =	vgt.f32 v14, v18;
	v36 =	vsel vm8, $0x1, v35;
	v35 =	vimm.s32 $0xFFFFFFFF  }
0x99: {  	v21 =	vsel vm10, $0x1, v32;
	vm11 =	vgt.f32 v17, v19;
	v19 =	vsel vm9, $0xB, v5  }
0x9a: {  	vm9 =	vgt.f32 v40, v8;
	v1 =	vadd.s32 v36, v11;
	v18 =	vadd.s32 v21, v12  }
0x9b: {  	v33 =	vsel vm11, $0x2, v29;
	v21 =	vsel vm12, $0x2, v29;
	v23 =	vperm.xlane v7, v18  }
0x9c: {  	vm0 =	vgt.f32 v16, v8;
	v19 =	vadd.s32 v19, v33;
	v37 =	vadd.s32 v20, v21  }
0x9d: {  	v20 =	vperm.xlane v7, v19;
	v21 =	vperm.xlane v7, v37;
	vm13 =	vgt.f32 v63, v23  }
0x9e: {  	v23 =	vsel vm5, v10, v9;
	v63 =	vimm.s32 $0x0;
	v15 =	vsel vm13, $0x1, v38  }
0x9f: {  	vm14 =	vgt.f32 v17, v20;
	v20 =	vsel vm15, v10, v9;
	vm6 =	vgt.f32 v34, v23  }
0xa0: {  	v15 =	vor.u32 v15, v18;
	v18 =	vsel vm14, $0x1, v39;
	vm4 =	vgt.f32 v22, v20  }
0xa1: {  	v20 =	vsel vm15, $0xB, v5;
	v18 =	vadd.s32 v18, v19;
	v19 =	vsel vm4, $0x2, v29  }
0xa2: {  	v23 =	vsel vm5, $0xB, v5;
	v38 =	vimm.s32 $0xFFFFFFFF;
	v19 =	vadd.s32 v20, v19  }
0xa3: {  	v28 =	vsel vm6, $0x2, v29;
	v27 =	vperm.xlane v7, v18;
	v20 =	vperm.xlane v7, v19  }
0xa4: {  	v29 =	vsel vm0, v10, v9;
	v15 =	vperm.xlane v6, v15;
	v23 =	vadd.s32 v23, v28  }
0xa5: {  	vm7 =	vgt.f32 v17, v27;
	v17 =	vperm.xlane v7, v23;
	vm8 =	vgt.f32 v22, v20  }
0xa6: {  	v20 =	vsel vm7, $0x1, v41;
	v41 =	vimm.s32 $0x0;
	v27 =	vsel vm8, $0x1, v42  }
0xa7: {  	vm10 =	vgt.f32 v34, v17;
	v17 =	vsel vm9, v10, v9;
	v18 =	vor.u32 v20, v18  }
0xa8: {  	v42 =	vimm.s32 $0x0;
	v19 =	vadd.s32 v27, v19;
	v28 =	vsel vm10, $0x1, v43  }
0xa9: {  	vm11 =	vgt.f32 v40, v17;
	v17 =	vld [tilespmem:s25+$0x50];
	v18 =	vperm.xlane v6, v18;
	v27 =	vperm.xlane v7, v19  }
0xaa: {  	v43 =	vimm.s32 $0x0;
	v23 =	vadd.s32 v28, v23;
	v28 =	vsel vm9, $0xB, v5  }
0xab: {  	v30 =	vsel vm11, $0x2, v44;
	vm12 =	vgt.f32 v22, v27;
	v22 =	vperm.xlane v7, v23  }
0xac: {  	v44 =	vimm.s32 $0xFFFFFFFF;
	v27 =	vadd.s32 v28, v30;
	v20 =	vsel vm12, $0x1, v45  }
0xad: {  	v30 =	vld [tilespmem:s25+$0x60];
	v28 =	vperm.xlane v7, v27;
	v45 =	vimm.s32 $0xFFFFFFFE;
	vm13 =	vgt.f32 v34, v22  }
0xae: {  	v19 =	vor.u32 v20, v19;
	vm15 =	vgt.f32 v17, v8;
	v22 =	vsel vm13, $0x1, v46  }
0xaf: {  	vm14 =	vgt.f32 v40, v28;
	v19 =	vperm.xlane v6, v19;
	v28 =	vsel vm15, v10, v9  }
0xb0: {  	v20 =	vld [tilespmem:s25+$0x70];
	v49 =	vsel vm15, $0xB, v5;
	v48 =	vsel vm14, $0x1, v47;
	vm4 =	vgt.f32 v17, v28  }
0xb1: {  	v22 =	vor.u32 v22, v23;
	v23 =	vadd.s32 v48, v27;
	v27 =	vsel vm4, $0x2, v50  }
0xb2: {  	vm5 =	vgt.f32 v30, v8;
	v22 =	vperm.xlane v6, v22;
	vm4 =	vgt.f32 v16, v29  }
0xb3: {  	v24 =	vadd.s32 v49, v27;
	v27 =	vsel vm5, v10, v9;
	v28 =	vsel vm5, $0xB, v5  }
0xb4: {  	v33 =	vperm.xlane v7, v23;
	vm5 =	vgt.f32 v14, v21;
	v49 =	vimm.s32 $0xFFFFFFFE  }
0xb5: {  	vm6 =	vgt.f32 v20, v8;
	vm7 =	vgt.f32 v30, v27;
	v31 =	vperm.xlane v7, v24  }
0xb6: {  	v36 =	vsel vm5, $0x1, v35;
	v27 =	vsel vm6, v10, v9;
	v32 =	vsel vm7, $0x2, v51  }
0xb7: {  	vm10 =	vgt.f32 v40, v33;
	v0 =	vadd.s32 v36, v37;
	v40 =	vimm.s32 $0xFFFFFFFE  }
0xb8: {  	v51 =	vimm.s32 $0xFFFFFFFF;
	v36 =	vimm.s32 $0x0;
	vm8 =	vgt.f32 v20, v27  }
0xb9: {  	v27 =	vadd.s32 v28, v32;
	v28 =	vsel vm6, $0xB, v5;
	vm9 =	vgt.f32 v17, v31  }
0xba: {  	[tilespmem:s25+$0x30] =	vst v22;
	v60 =	vsel vm10, $0x1, v59;
	v32 =	vimm.s32 $0x0;
	v22 =	vperm.xlane v7, v0  }
0xbb: {  	v53 =	vsel vm8, $0x2, v52;
	v34 =	vperm.xlane v7, v27;
	v55 =	vsel vm9, $0x1, v54  }
0xbc: {  	v62 =	vor.u32 v60, v23;
	v52 =	vimm.s32 $0xFFFFFFFE;
	v54 =	vimm.s32 $0xFFFFFFFF  }
0xbd: {  	[tilespmem:s25+$0x0] =	vst v15;
	v28 =	vadd.s32 v28, v53;
	v24 =	vadd.s32 v55, v24;
	v15 =	vperm.xlane v6, v62  }
0xbe: {  	vm10 =	vgt.f32 v14, v22;
	v31 =	vperm.xlane v7, v28;
	vm11 =	vgt.f32 v30, v34  }
0xbf: {  	v55 =	vimm.s32 $0x0;
	v34 =	vimm.s32 $0xFFFFFFFE;
	v57 =	vsel vm11, $0x1, v56  }
0xc0: {  	[tilespmem:s25+$0x40] =	vst v15;
	v15 =	vsel vm10, $0x1, v42;
	vm12 =	vgt.f32 v20, v31;
	v31 =	vperm.xlane v7, v24  }
0xc1: {  	v56 =	vimm.s32 $0x0;
	v26 =	vadd.s32 v57, v27;
	v27 =	vsel vm12, $0x1, v58  }
0xc2: {  	v61 =	vperm.xlane v7, v26;
	v27 =	vadd.s32 v27, v28;
	vm13 =	vgt.f32 v17, v31  }
0xc3: {  	[tilespmem:s25+$0x10] =	vst v18;
	v23 =	vld [tilespmem:s19+$0x30];
	v42 =	vimm.s32 $0xFFFFFFFE;
	v17 =	vperm.xlane v7, v27;
	v18 =	vsel vm13, $0x1, v63  }
0xc4: {  	vm14 =	vgt.f32 v30, v61;
	v18 =	vor.u32 v18, v24;
	v24 =	vimm.s32 $0x0  }
0xc5: {  	[tilespmem:s25+$0x20] =	vst v19;
	v19 =	vsel vm14, $0x1, v24;
	vm15 =	vgt.f32 v20, v17;
	v17 =	vperm.xlane v6, v18  }
0xc6: {  	v20 =	vsel vm4, $0x2, v34;
	v18 =	vor.u32 v19, v26;
	v19 =	vsel vm15, $0x1, v32  }
0xc7: {  	v33 =	vperm.xlane v6, v18;
	v18 =	vor.u32 v19, v27;
	v19 =	vsel vm0, $0xB, v5  }
0xc8: {  	vm6 =	vgt.f32 v23, v8;
	[tilespmem:s25+$0x50] =	vst v17;
	v17 =	vperm.xlane v6, v18;
	v18 =	vadd.s32 v19, v20  }
0xc9: {  	v57 =	vimm.s32 $0xFFFFFFFF;
	v37 =	vsel vm6, v10, v9;
	[tilespmem:s25+$0x60] =	vst v33;
	v19 =	vperm.xlane v7, v18  }
0xca: {  	s29 =	sadd.s32 s28, s21;
	vm8 =	vgt.f32 v23, v37;
	v61 =	vimm.s32 $0xFFFFFFFE;
	[tilespmem:s25+$0x70] =	vst v17;
	v17 =	vperm.xlane v7, v1  }
0xcb: {  	v20 =	vsel vm8, $0x2, v40;
	v21 =	vld [tilespmem:s29+$0x0];
	vm7 =	vgt.f32 v16, v19;
	v19 =	vsel vm6, $0xB, v5  }
0xcc: {  	v22 =	vld [tilespmem:s29+$0x10];
	v39 =	vsel vm7, $0x1, v38;
	vm9 =	vgt.f32 v13, v17;
	v17 =	vadd.s32 v19, v20  }
0xcd: {  	v63 =	vimm.s32 $0xFFFFFFFE;
	v20 =	vld [tilespmem:s19+$0x40];
	v13 =	vadd.s32 v39, v18;
	v19 =	vperm.xlane v7, v17  }
0xce: {  	v34 =	vimm.s32 $0x0;
	v28 =	vld [tilespmem:s29+$0x20];
	v38 =	vimm.s32 $0xFFFFFFFF;
	v18 =	vperm.xlane v7, v13  }
0xcf: {  	v14 =	vsel vm9, $0x1, v41;
	v39 =	vimm.s32 $0xFFFFFFFF;
	vm13 =	vgt.f32 v23, v19  }
0xd0: {  	vm11 =	vgt.f32 v21, v8;
	vm12 =	vgt.f32 v16, v18;
	v19 =	vsel vm13, $0x1, v44  }
0xd1: {  	vm5 =	vgt.f32 v22, v8;
	v44 =	vimm.s32 $0x0;
	v18 =	vsel vm11, v10, v9  }
0xd2: {  	v30 =	vld [tilespmem:s29+$0x30];
	v16 =	vsel vm12, $0x1, v43;
	vm15 =	vgt.f32 v20, v8;
	v17 =	vadd.s32 v19, v17  }
0xd3: {  	vm12 =	vgt.f32 v28, v8;
	vm14 =	vgt.f32 v21, v18;
	v18 =	vsel vm11, $0xB, v5  }
0xd4: {  	v19 =	vsel vm15, v10, v9;
	v47 =	vperm.xlane v7, v17;
	v48 =	vsel vm15, $0xB, v5  }
0xd5: {  	v59 =	vsel vm12, v10, v9;
	v60 =	vsel vm12, $0xB, v5;
	v13 =	vor.u32 v16, v13  }
0xd6: {  	v46 =	vsel vm14, $0x2, v45;
	vm4 =	vgt.f32 v20, v19;
	vm13 =	vgt.f32 v28, v59  }
0xd7: {  	vm14 =	vgt.f32 v30, v8;
	v59 =	vimm.s32 $0xFFFFFFFF;
	v18 =	vadd.s32 v18, v46  }
0xd8: {  	v50 =	vsel vm4, $0x2, v49;
	vm9 =	vgt.f32 v23, v47;
	v19 =	vperm.xlane v7, v18  }
0xd9: {  	v62 =	vsel vm13, $0x2, v61;
	v49 =	vimm.s32 $0xFFFFFFFF;
	v25 =	vadd.s32 v48, v50  }
0xda: {  	v26 =	vperm.xlane v7, v25;
	vm6 =	vgt.f32 v21, v19;
	v19 =	vsel vm5, v10, v9  }
0xdb: {  	v48 =	vimm.s32 $0x0;
	v27 =	vsel vm6, $0x1, v51;
	vm7 =	vgt.f32 v22, v19  }
0xdc: {  	vm8 =	vgt.f32 v20, v26;
	v51 =	vimm.s32 $0xFFFFFFFE;
	v27 =	vadd.s32 v27, v18  }
0xdd: {  	v18 =	vsel vm5, $0xB, v5;
	v19 =	vsel vm7, $0x2, v52;
	v53 =	vperm.xlane v7, v27  }
0xde: {  	v29 =	vadd.s32 v18, v19;
	v19 =	vsel vm8, $0x1, v54;
	v18 =	vsel vm9, $0x1, v55  }
0xdf: {  	v54 =	vimm.s32 $0xFFFFFFFE;
	v23 =	vperm.xlane v7, v29;
	v19 =	vadd.s32 v19, v25  }
0xe0: {  	v46 =	vld [tilespmem:s29+$0x60];
	v25 =	vadd.s32 v60, v62;
	v60 =	vimm.s32 $0xFFFFFFFF;
	vm10 =	vgt.f32 v21, v53  }
0xe1: {  	v47 =	vld [tilespmem:s29+$0x70];
	v62 =	vimm.s32 $0xFFFFFFFF;
	v26 =	vperm.xlane v7, v25;
	v21 =	vsel vm10, $0x1, v56  }
0xe2: {  	vm11 =	vgt.f32 v22, v23;
	v56 =	vimm.s32 $0xFFFFFFFE;
	v21 =	vor.u32 v21, v27  }
0xe3: {  	v58 =	vsel vm11, $0x1, v57;
	v27 =	vsel vm14, v10, v9;
	vm5 =	vgt.f32 v28, v26  }
0xe4: {  	v23 =	vld [tilespmem:s19+$0x50];
	v24 =	vadd.s32 v58, v29;
	vm15 =	vgt.f32 v30, v27;
	v27 =	vsel vm14, $0xB, v5  }
0xe5: {  	v29 =	vld [tilespmem:s29+$0x40];
	v21 =	vperm.xlane v6, v21;
	vm14 =	vgt.f32 v46, v8;
	v31 =	vperm.xlane v7, v24  }
0xe6: {  	v12 =	vsel vm15, $0x2, v63;
	vm15 =	vgt.f32 v47, v8;
	v52 =	vsel vm14, $0xB, v5  }
0xe7: {  	v63 =	vimm.s32 $0x0;
	v27 =	vadd.s32 v27, v12;
	v55 =	vsel vm15, $0xB, v5  }
0xe8: {  	vm4 =	vgt.f32 v22, v31;
	v22 =	vperm.xlane v7, v27;
	v31 =	vsel vm5, $0x1, v38  }
0xe9: {  	vm0 =	vgt.f32 v23, v8;
	v37 =	vsel vm4, $0x1, v36;
	v25 =	vadd.s32 v31, v25  }
0xea: {  	vm6 =	vgt.f32 v29, v8;
	vm7 =	vgt.f32 v30, v22;
	v31 =	vperm.xlane v7, v25  }
0xeb: {  	v24 =	vor.u32 v37, v24;
	v22 =	vsel vm6, v10, v9;
	v40 =	vsel vm7, $0x1, v39  }
0xec: {  	v41 =	vsel vm6, $0xB, v5;
	v24 =	vperm.xlane v6, v24;
	v39 =	vsel vm0, v10, v9  }
0xed: {  	vm8 =	vgt.f32 v29, v22;
	v27 =	vadd.s32 v40, v27;
	vm9 =	vgt.f32 v28, v31  }
0xee: {  	v22 =	vld [tilespmem:s29+$0x50];
	v43 =	vsel vm8, $0x2, v42;
	v28 =	vperm.xlane v7, v27;
	v45 =	vsel vm9, $0x1, v44  }
0xef: {  	[tilespmem:s29+$0x10] =	vst v24;
	v24 =	vimm.s32 $0x0;
	v42 =	vsel vm0, $0xB, v5;
	v31 =	vadd.s32 v41, v43  }
0xf0: {  	v25 =	vor.u32 v45, v25;
	v41 =	vperm.xlane v7, v19;
	v32 =	vperm.xlane v7, v31  }
0xf1: {  	v43 =	vimm.s32 $0xFFFFFFFE;
	v45 =	vimm.s32 $0x0;
	vm10 =	vgt.f32 v30, v28  }
0xf2: {  	v25 =	vperm.xlane v6, v25;
	v28 =	vsel vm10, $0x1, v48;
	vm11 =	vgt.f32 v29, v32  }
0xf3: {  	vm12 =	vgt.f32 v22, v8;
	v27 =	vor.u32 v28, v27;
	v30 =	vsel vm11, $0x1, v49  }
0xf4: {  	v50 =	vsel vm12, v10, v9;
	v27 =	vperm.xlane v6, v27;
	v28 =	vadd.s32 v30, v31  }
0xf5: {  	vm13 =	vgt.f32 v22, v50;
	v30 =	vsel vm12, $0xB, v5;
	v50 =	vimm.s32 $0xFFFFFFFF  }
0xf6: {  	v31 =	vsel vm13, $0x2, v51;
	v36 =	vperm.xlane v7, v28;
	vm13 =	vgt.f32 v23, v39  }
0xf7: {  	v39 =	vimm.s32 $0xFFFFFFFE;
	v30 =	vadd.s32 v30, v31;
	v31 =	vsel vm14, v10, v9  }
0xf8: {  	v26 =	vsel vm13, $0x2, v43;
	vm4 =	vgt.f32 v46, v31;
	v31 =	vsel vm15, v10, v9  }
0xf9: {  	v53 =	vperm.xlane v7, v30;
	vm7 =	vgt.f32 v29, v36;
	vm15 =	vgt.f32 v20, v41  }
0xfa: {  	[tilespmem:s29+$0x30] =	vst v27;
	v27 =	vld [tilespmem:s19+$0x70];
	v35 =	vsel vm4, $0x2, v54;
	vm5 =	vgt.f32 v47, v31;
	v2 =	vsel vm7, $0x1, v63  }
0xfb: {  	v20 =	vsel vm15, $0x1, v45;
	v54 =	vimm.s32 $0xFFFFFFFE;
	v63 =	vimm.s32 $0xFFFFFFFF  }
0xfc: {  	v45 =	vimm.s32 $0xFFFFFFFE;
	v31 =	vadd.s32 v52, v35;
	v57 =	vsel vm5, $0x2, v56  }
0xfd: {  	[tilespmem:s29+$0x0] =	vst v21;
	vm6 =	vgt.f32 v22, v53;
	v21 =	vor.u32 v2, v28;
	v56 =	vimm.s32 $0xFFFFFFFF  }
0xfe: {  	v16 =	vor.u32 v20, v19;
	v37 =	vperm.xlane v7, v31;
	v32 =	vadd.s32 v55, v57  }
0xff: {  	v29 =	vsel vm6, $0x1, v59;
	v21 =	vperm.xlane v6, v21;
	vm5 =	vgt.f32 v27, v8  }
0x100: {  	v16 =	vperm.xlane v6, v16;
	v58 =	vperm.xlane v7, v32;
	v29 =	vadd.s32 v29, v30  }
0x101: {  	v28 =	vld [tilespmem:s19+$0x60];
	v49 =	vsel vm5, v10, v9;
	v53 =	vsel vm5, $0xB, v5;
	vm8 =	vgt.f32 v46, v37  }
0x102: {  	v61 =	vperm.xlane v7, v29;
	v37 =	vimm.s32 $0x0;
	vm7 =	vgt.f32 v27, v49  }
0x103: {  	[tilespmem:s19+$0x40] =	vst v16;
	v16 =	vimm.s32 $0xFFFFFFFE;
	v30 =	vsel vm8, $0x1, v60;
	vm9 =	vgt.f32 v47, v58  }
0x104: {  	v55 =	vsel vm7, $0x2, v54;
	v30 =	vadd.s32 v30, v31;
	v31 =	vsel vm9, $0x1, v62  }
0x105: {  	v60 =	vimm.s32 $0xFFFFFFFE;
	v12 =	vperm.xlane v7, v30;
	v31 =	vadd.s32 v31, v32  }
0x106: {  	vm10 =	vgt.f32 v22, v61;
	vm14 =	vgt.f32 v28, v8;
	v22 =	vperm.xlane v7, v31  }
0x107: {  	v32 =	vsel vm10, $0x1, v24;
	v44 =	vsel vm14, v10, v9;
	vm11 =	vgt.f32 v46, v12  }
0x108: {  	v24 =	vor.u32 v32, v29;
	v35 =	vsel vm11, $0x1, v34;
	vm12 =	vgt.f32 v47, v22  }
0x109: {  	[tilespmem:s29+$0x20] =	vst v25;
	v22 =	vperm.xlane v6, v24;
	v36 =	vor.u32 v35, v30;
	v38 =	vsel vm12, $0x1, v37  }
0x10a: {  	[tilespmem:s29+$0x40] =	vst v21;
	vm4 =	vgt.f32 v28, v44;
	v21 =	vperm.xlane v6, v36;
	v40 =	vor.u32 v38, v31  }
0x10b: {  	v46 =	vsel vm14, $0xB, v5;
	v47 =	vimm.s32 $0xFFFFFFFE;
	[tilespmem:s29+$0x50] =	vst v22;
	v22 =	vperm.xlane v6, v40  }
0x10c: {  	v24 =	vadd.s32 v53, v55;
	v48 =	vsel vm4, $0x2, v47;
	[tilespmem:s29+$0x60] =	vst v21;
	v21 =	vadd.s32 v42, v26  }
0x10d: {  	s24 =	sadd.s32 s28, s20;
	v58 =	vperm.xlane v7, v24;
	v35 =	vimm.s32 $0x0;
	[tilespmem:s29+$0x70] =	vst v22;
	v22 =	vperm.xlane v7, v21  }
0x10e: {  	v37 =	vimm.s32 $0xFFFFFFFF;
	v36 =	vimm.s32 $0x0;
	v38 =	vimm.s32 $0x0;
	v30 =	vld [tilespmem:s24+$0x0]  }
0x10f: {  	s30 =	sor.u32 $0x100, s23;
	vm11 =	vgt.f32 v27, v58;
	vm6 =	vgt.f32 v23, v22;
	v22 =	vadd.s32 v46, v48  }
0x110: {  	s26 =	sor.u32 s30, s22;
	v2 =	vsel vm11, $0x1, v63;
	v51 =	vsel vm6, $0x1, v50;
	v52 =	vperm.xlane v7, v22  }
0x111: {  	v32 =	vld [tilespmem:s26+$0x10];
	v63 =	vimm.s32 $0xFFFFFFFF;
	v48 =	vimm.s32 $0xFFFFFFFE;
	v21 =	vadd.s32 v51, v21  }
0x112: {  	v50 =	vimm.s32 $0xFFFFFFFF;
	vm8 =	vgt.f32 v28, v52;
	v31 =	vperm.xlane v7, v21  }
0x113: {  	v52 =	vimm.s32 $0xFFFFFFFF;
	vm9 =	vgt.f32 v30, v8;
	v57 =	vsel vm8, $0x1, v56  }
0x114: {  	v56 =	vimm.s32 $0xFFFFFFFE;
	v29 =	vsel vm9, v10, v9;
	v22 =	vadd.s32 v57, v22  }
0x115: {  	v59 =	vsel vm9, $0xB, v5;
	vm12 =	vgt.f32 v23, v31;
	vm10 =	vgt.f32 v30, v29  }
0x116: {  	v31 =	vld [tilespmem:s26+$0x0];
	v62 =	vperm.xlane v7, v22;
	v25 =	vsel vm12, $0x1, v35;
	vm12 =	vgt.f32 v32, v8  }
0x117: {  	v23 =	vadd.s32 v2, v24;
	v29 =	vld [tilespmem:s24+$0x10];
	v61 =	vsel vm10, $0x2, v60;
	v54 =	vsel vm12, v10, v9  }
0x118: {  	v55 =	vsel vm12, $0xB, v5;
	v12 =	vadd.s32 v59, v61;
	vm13 =	vgt.f32 v28, v62  }
0x119: {  	v28 =	vperm.xlane v7, v23;
	v59 =	vimm.s32 $0xFFFFFFFF;
	v33 =	vperm.xlane v7, v12  }
0x11a: {  	v61 =	vimm.s32 $0xFFFFFFFE;
	v62 =	vimm.s32 $0x0;
	v26 =	vsel vm13, $0x1, v36  }
0x11b: {  	vm4 =	vgt.f32 v27, v28;
	vm6 =	vgt.f32 v31, v8;
	vm14 =	vgt.f32 v30, v33  }
0x11c: {  	vm15 =	vgt.f32 v29, v8;
	v27 =	vsel vm4, $0x1, v38;
	v41 =	vsel vm6, v10, v9  }
0x11d: {  	v33 =	vld [tilespmem:s24+$0x20];
	v44 =	vsel vm6, $0xB, v5;
	v24 =	vsel vm14, $0x1, v37;
	v28 =	vsel vm15, v10, v9  }
0x11e: {  	vm8 =	vgt.f32 v31, v41;
	vm14 =	vgt.f32 v32, v54;
	v20 =	vor.u32 v27, v23  }
0x11f: {  	v37 =	vld [tilespmem:s24+$0x30];
	v23 =	vimm.s32 $0xFFFFFFFF;
	v24 =	vadd.s32 v24, v12;
	vm5 =	vgt.f32 v29, v28  }
0x120: {  	v28 =	vsel vm15, $0xB, v5;
	v38 =	vsel vm8, $0x2, v45;
	v57 =	vsel vm14, $0x2, v56  }
0x121: {  	v40 =	vsel vm5, $0x2, v39;
	v34 =	vperm.xlane v7, v24;
	v46 =	vadd.s32 v44, v38  }
0x122: {  	v28 =	vadd.s32 v28, v40;
	v39 =	vperm.xlane v7, v46;
	vm7 =	vgt.f32 v33, v8  }
0x123: {  	v38 =	vld [tilespmem:s26+$0x20];
	v42 =	vperm.xlane v7, v28;
	vm0 =	vgt.f32 v30, v34;
	v43 =	vsel vm7, v10, v9  }
0x124: {  	v47 =	vsel vm7, $0xB, v5;
	vm11 =	vgt.f32 v31, v39;
	vm15 =	vgt.f32 v37, v8  }
0x125: {  	vm9 =	vgt.f32 v29, v42;
	vm10 =	vgt.f32 v33, v43;
	v53 =	vsel vm11, $0x1, v52  }
0x126: {  	v58 =	vsel vm15, v10, v9;
	v42 =	vsel vm15, $0xB, v5;
	v49 =	vsel vm10, $0x2, v48  }
0x127: {  	v51 =	vsel vm9, $0x1, v50;
	v34 =	vadd.s32 v53, v46;
	vm4 =	vgt.f32 v37, v58  }
0x128: {  	v39 =	vld [tilespmem:s26+$0x30];
	vm7 =	vgt.f32 v38, v8;
	v53 =	vimm.s32 $0x0;
	v58 =	vimm.s32 $0xFFFFFFFF  }
0x129: {  	v30 =	vadd.s32 v47, v49;
	v28 =	vadd.s32 v51, v28;
	v40 =	vperm.xlane v7, v34  }
0x12a: {  	v43 =	vsel vm4, $0x2, v61;
	v2 =	vsel vm7, v10, v9;
	v12 =	vsel vm7, $0xB, v5  }
0x12b: {  	v47 =	vimm.s32 $0xFFFFFFFE;
	v51 =	vimm.s32 $0xFFFFFFFE;
	v61 =	vimm.s32 $0xFFFFFFFE  }
0x12c: {  	v36 =	vperm.xlane v7, v30;
	vm8 =	vgt.f32 v38, v2;
	v42 =	vadd.s32 v42, v43  }
0x12d: {  	v44 =	vld [tilespmem:s26+$0x40];
	vm5 =	vgt.f32 v31, v40;
	vm9 =	vgt.f32 v39, v8;
	v48 =	vsel vm8, $0x2, v47  }
0x12e: {  	vm13 =	vgt.f32 v33, v36;
	v36 =	vadd.s32 v55, v57;
	v31 =	vsel vm5, $0x1, v62  }
0x12f: {  	v49 =	vsel vm9, v10, v9;
	v35 =	vadd.s32 v12, v48;
	v50 =	vsel vm9, $0xB, v5  }
0x130: {  	v55 =	vimm.s32 $0xFFFFFFFF;
	v48 =	vimm.s32 $0x0;
	v41 =	vsel vm13, $0x1, v59  }
0x131: {  	v60 =	vperm.xlane v7, v36;
	v31 =	vor.u32 v31, v34;
	vm10 =	vgt.f32 v39, v49  }
0x132: {  	vm13 =	vgt.f32 v44, v8;
	v46 =	vsel vm10, $0x2, v51;
	v31 =	vperm.xlane v6, v31  }
0x133: {  	v57 =	vsel vm13, v10, v9;
	v51 =	vimm.s32 $0xFFFFFFFF;
	v30 =	vadd.s32 v41, v30  }
0x134: {  	vm6 =	vgt.f32 v32, v60;
	v40 =	vadd.s32 v50, v46;
	vm15 =	vgt.f32 v44, v57  }
0x135: {  	[tilespmem:$0x1FFD0] =	vst v1;
	v60 =	vsel vm13, $0xB, v5;
	v1 =	vsel vm6, $0x1, v63;
	v52 =	vperm.xlane v7, v40  }
0x136: {  	v46 =	vld [tilespmem:s26+$0x60];
	v62 =	vsel vm15, $0x2, v61;
	v34 =	vadd.s32 v1, v36;
	v36 =	vperm.xlane v7, v35  }
0x137: {  	v50 =	vimm.s32 $0x0;
	v12 =	vadd.s32 v60, v62;
	v45 =	vperm.xlane v7, v34  }
0x138: {  	v60 =	vimm.s32 $0xFFFFFFFE;
	vm14 =	vgt.f32 v39, v52;
	vm12 =	vgt.f32 v38, v36  }
0x139: {  	v59 =	vsel vm14, $0x1, v58;
	vm11 =	vgt.f32 v32, v45;
	v56 =	vsel vm12, $0x1, v55  }
0x13a: {  	v40 =	vadd.s32 v59, v40;
	v45 =	vperm.xlane v7, v12;
	v55 =	vimm.s32 $0xFFFFFFFE  }
0x13b: {  	v36 =	vld [tilespmem:s26+$0x70];
	vm9 =	vgt.f32 v46, v8;
	v54 =	vsel vm11, $0x1, v53;
	v35 =	vadd.s32 v56, v35  }
0x13c: {  	v32 =	vld [tilespmem:s26+$0x50];
	v63 =	vperm.xlane v7, v40;
	v57 =	vsel vm9, v10, v9;
	v58 =	vsel vm9, $0xB, v5  }
0x13d: {  	v43 =	vperm.xlane v7, v35;
	v34 =	vor.u32 v54, v34;
	vm6 =	vgt.f32 v44, v45  }
0x13e: {  	vm11 =	vgt.f32 v46, v57;
	v34 =	vperm.xlane v6, v34;
	vm5 =	vgt.f32 v39, v63  }
0x13f: {  	v52 =	vsel vm6, $0x1, v51;
	v63 =	vimm.s32 $0xFFFFFFFE;
	v51 =	vimm.s32 $0xFFFFFFFF  }
0x140: {  	vm4 =	vgt.f32 v38, v43;
	v38 =	vsel vm5, $0x1, v50;
	vm10 =	vgt.f32 v36, v8  }
0x141: {  	v49 =	vsel vm4, $0x1, v48;
	vm7 =	vgt.f32 v32, v8;
	v38 =	vor.u32 v38, v40  }
0x142: {  	v40 =	vadd.s32 v52, v12;
	v59 =	vsel vm10, v10, v9;
	v48 =	vsel vm11, $0x2, v60  }
0x143: {  	v62 =	vsel vm10, $0xB, v5;
	v35 =	vor.u32 v49, v35;
	v53 =	vsel vm7, v10, v9  }
0x144: {  	v54 =	vsel vm7, $0xB, v5;
	vm12 =	vgt.f32 v36, v59;
	v61 =	vadd.s32 v58, v48  }
0x145: {  	v49 =	vperm.xlane v7, v40;
	v38 =	vperm.xlane v6, v38;
	v48 =	vimm.s32 $0xFFFFFFFF  }
0x146: {  	v59 =	vimm.s32 $0x0;
	v39 =	vperm.xlane v6, v35;
	vm8 =	vgt.f32 v32, v53  }
0x147: {  	v2 =	vsel vm12, $0x2, v63;
	v50 =	vperm.xlane v7, v61;
	v56 =	vsel vm8, $0x2, v55  }
0x148: {  	v45 =	vadd.s32 v62, v2;
	vm14 =	vgt.f32 v44, v49;
	v35 =	vadd.s32 v54, v56  }
0x149: {  	v12 =	vperm.xlane v7, v45;
	vm15 =	vgt.f32 v46, v50;
	v54 =	vimm.s32 $0xFFFFFFFF  }
0x14a: {  	v56 =	vimm.s32 $0x0;
	v47 =	vperm.xlane v7, v35;
	v52 =	vsel vm15, $0x1, v51  }
0x14b: {  	v50 =	vimm.s32 $0xFFFFFFFF;
	vm4 =	vgt.f32 v36, v12;
	v43 =	vadd.s32 v52, v61  }
0x14c: {  	v61 =	vimm.s32 $0x0;
	v52 =	vimm.s32 $0x0;
	vm13 =	vgt.f32 v32, v47  }
0x14d: {  	v55 =	vsel vm4, $0x1, v54;
	v57 =	vperm.xlane v7, v43;
	v47 =	vperm.xlane v7, v28  }
0x14e: {  	v54 =	vimm.s32 $0x0;
	v49 =	vsel vm13, $0x1, v48;
	v45 =	vadd.s32 v55, v45  }
0x14f: {  	v48 =	vimm.s32 $0xFFFFFFFE;
	v55 =	vimm.s32 $0x0;
	v44 =	vadd.s32 v49, v35  }
0x150: {  	v49 =	vsel vm14, $0x1, v56;
	v58 =	vperm.xlane v7, v45;
	vm6 =	vgt.f32 v46, v57  }
0x151: {  	vm11 =	vgt.f32 v29, v47;
	v56 =	vimm.s32 $0xFFFFFFFF;
	v53 =	vperm.xlane v7, v44  }
0x152: {  	[tilespmem:s26+$0x0] =	vst v31;
	v35 =	vld [tilespmem:s24+$0x40];
	v31 =	vor.u32 v49, v40;
	v62 =	vsel vm6, $0x1, v61;
	v40 =	vimm.s32 $0x0  }
0x153: {  	[tilespmem:s26+$0x10] =	vst v34;
	v49 =	vperm.xlane v7, v30;
	v31 =	vperm.xlane v6, v31;
	vm7 =	vgt.f32 v36, v58  }
0x154: {  	[tilespmem:s26+$0x30] =	vst v38;
	v12 =	vor.u32 v62, v43;
	vm5 =	vgt.f32 v32, v53;
	v36 =	vsel vm7, $0x1, v40  }
0x155: {  	v60 =	vsel vm5, $0x1, v59;
	[tilespmem:s26+$0x40] =	vst v31;
	v31 =	vperm.xlane v6, v12;
	v43 =	vor.u32 v36, v45  }
0x156: {  	[tilespmem:s26+$0x20] =	vst v39;
	v32 =	vsel vm0, $0x1, v52;
	v34 =	vor.u32 v60, v44;
	v46 =	vperm.xlane v6, v43  }
0x157: {  	vm12 =	vgt.f32 v33, v49;
	v36 =	vld [tilespmem:s24+$0x50];
	vm8 =	vgt.f32 v35, v8;
	v63 =	vperm.xlane v6, v34;
	[tilespmem:s26+$0x60] =	vst v31  }
0x158: {  	v52 =	vimm.s32 $0xFFFFFFFE;
	v44 =	vperm.xlane v7, v42;
	v45 =	vsel vm8, v10, v9;
	[tilespmem:s26+$0x70] =	vst v46  }
0x159: {  	s31 =	sor.u32 s30, s21;
	v33 =	vsel vm12, $0x1, v55;
	v60 =	vimm.s32 $0xFFFFFFFE;
	vm9 =	vgt.f32 v35, v45;
	[tilespmem:s26+$0x50] =	vst v63  }
0x15a: {  	v31 =	vsel vm8, $0xB, v5;
	vm10 =	vgt.f32 v37, v44;
	v38 =	vsel vm9, $0x2, v48;
	v41 =	vld [tilespmem:s31+$0x0]  }
0x15b: {  	v34 =	vsel vm11, $0x1, v54;
	v51 =	vsel vm10, $0x1, v50;
	v38 =	vadd.s32 v31, v38;
	v39 =	vld [tilespmem:s31+$0x10]  }
0x15c: {  	v31 =	vadd.s32 v51, v42;
	vm14 =	vgt.f32 v36, v8;
	v40 =	vld [tilespmem:s31+$0x20];
	v53 =	vperm.xlane v7, v38  }
0x15d: {  	v63 =	vimm.s32 $0xFFFFFFFE;
	v44 =	vld [tilespmem:s31+$0x30];
	v29 =	vperm.xlane v7, v31;
	v57 =	vsel vm14, v10, v9  }
0x15e: {  	v58 =	vsel vm14, $0xB, v5;
	vm4 =	vgt.f32 v36, v57;
	vm13 =	vgt.f32 v35, v53  }
0x15f: {  	vm0 =	vgt.f32 v37, v29;
	v61 =	vsel vm4, $0x2, v60;
	v29 =	vsel vm13, $0x1, v56  }
0x160: {  	v37 =	vadd.s32 v58, v61;
	v56 =	vimm.s32 $0xFFFFFFFE;
	v61 =	vimm.s32 $0xFFFFFFFE  }
0x161: {  	v29 =	vadd.s32 v29, v38;
	vm15 =	vgt.f32 v41, v8;
	vm6 =	vgt.f32 v39, v8  }
0x162: {  	v48 =	vld [tilespmem:s31+$0x50];
	vm8 =	vgt.f32 v40, v8;
	vm10 =	vgt.f32 v44, v8;
	v59 =	vsel vm15, v10, v9  }
0x163: {  	v50 =	vld [tilespmem:s31+$0x40];
	v38 =	vperm.xlane v7, v29;
	v62 =	vsel vm15, $0xB, v5;
	v2 =	vsel vm6, v10, v9  }
0x164: {  	v12 =	vsel vm6, $0xB, v5;
	v54 =	vsel vm8, v10, v9;
	v55 =	vsel vm8, $0xB, v5  }
0x165: {  	v58 =	vsel vm10, v10, v9;
	vm5 =	vgt.f32 v41, v59;
	vm7 =	vgt.f32 v39, v2  }
0x166: {  	vm9 =	vgt.f32 v40, v54;
	v59 =	vsel vm10, $0xB, v5;
	vm12 =	vgt.f32 v44, v58  }
0x167: {  	vm10 =	vgt.f32 v48, v8;
	v1 =	vsel vm5, $0x2, v63;
	v53 =	vsel vm7, $0x2, v52  }
0x168: {  	v57 =	vsel vm9, $0x2, v56;
	v63 =	vimm.s32 $0xFFFFFFFF;
	vm7 =	vgt.f32 v50, v8  }
0x169: {  	v42 =	vadd.s32 v62, v1;
	v43 =	vadd.s32 v12, v53;
	v47 =	vadd.s32 v55, v57  }
0x16a: {  	v62 =	vsel vm12, $0x2, v61;
	v55 =	vimm.s32 $0xFFFFFFFF;
	v45 =	vperm.xlane v7, v42  }
0x16b: {  	v49 =	vld [tilespmem:s31+$0x70];
	v60 =	vperm.xlane v7, v43;
	v52 =	vperm.xlane v7, v47;
	v46 =	vadd.s32 v59, v62  }
0x16c: {  	v57 =	vimm.s32 $0xFFFFFFFF;
	v53 =	vperm.xlane v7, v46;
	vm11 =	vgt.f32 v41, v45  }
0x16d: {  	vm13 =	vgt.f32 v39, v60;
	vm14 =	vgt.f32 v40, v52;
	v60 =	vimm.s32 $0xFFFFFFFF  }
0x16e: {  	v12 =	vsel vm11, $0x1, v63;
	v56 =	vsel vm13, $0x1, v55;
	v58 =	vsel vm14, $0x1, v57  }
0x16f: {  	vm15 =	vgt.f32 v44, v53;
	v63 =	vimm.s32 $0x0;
	v55 =	vimm.s32 $0x0  }
0x170: {  	v57 =	vsel vm7, v10, v9;
	v53 =	vsel vm10, $0xB, v5;
	vm14 =	vgt.f32 v49, v8  }
0x171: {  	v42 =	vadd.s32 v12, v42;
	v43 =	vadd.s32 v56, v43;
	v47 =	vadd.s32 v58, v47  }
0x172: {  	v61 =	vsel vm15, $0x1, v60;
	v56 =	vimm.s32 $0x0;
	v58 =	vperm.xlane v7, v37  }
0x173: {  	vm9 =	vgt.f32 v50, v57;
	v60 =	vsel vm7, $0xB, v5;
	v54 =	vperm.xlane v7, v42  }
0x174: {  	v57 =	vsel vm14, v10, v9;
	v59 =	vperm.xlane v7, v43;
	v62 =	vperm.xlane v7, v47  }
0x175: {  	v46 =	vadd.s32 v61, v46;
	v61 =	vimm.s32 $0xFFFFFFFE;
	vm15 =	vgt.f32 v49, v57  }
0x176: {  	v52 =	vsel vm9, $0x2, v61;
	vm1 =	vgt.f32 v36, v58;
	v58 =	vsel vm14, $0xB, v5  }
0x177: {  	vm4 =	vgt.f32 v41, v54;
	vm5 =	vgt.f32 v39, v59;
	v54 =	vperm.xlane v7, v46  }
0x178: {  	vm6 =	vgt.f32 v40, v62;
	v59 =	vimm.s32 $0x0;
	v62 =	vsel vm10, v10, v9  }
0x179: {  	v39 =	vadd.s32 v60, v52;
	v60 =	vimm.s32 $0xFFFFFFFE;
	v12 =	vsel vm4, $0x1, v63  }
0x17a: {  	v45 =	vsel vm5, $0x1, v55;
	v40 =	vsel vm6, $0x1, v56;
	vm11 =	vgt.f32 v48, v62  }
0x17b: {  	v63 =	vimm.s32 $0xFFFFFFFE;
	v55 =	vimm.s32 $0xFFFFFFFE;
	v56 =	vperm.xlane v7, v39  }
0x17c: {  	v41 =	vld [tilespmem:s31+$0x60];
	v61 =	vsel vm15, $0x2, v60;
	v60 =	vimm.s32 $0xFFFFFFFF;
	vm8 =	vgt.f32 v44, v54  }
0x17d: {  	v42 =	vor.u32 v12, v42;
	v43 =	vor.u32 v45, v43;
	v44 =	vsel vm11, $0x2, v63  }
0x17e: {  	v40 =	vor.u32 v40, v47;
	v47 =	vadd.s32 v58, v61;
	v63 =	vimm.s32 $0xFFFFFFFF  }
0x17f: {  	v51 =	vsel vm8, $0x1, v59;
	v42 =	vperm.xlane v6, v42;
	v45 =	vperm.xlane v6, v43  }
0x180: {  	v40 =	vperm.xlane v6, v40;
	v44 =	vadd.s32 v53, v44;
	vm4 =	vgt.f32 v50, v56  }
0x181: {  	v46 =	vor.u32 v51, v46;
	v59 =	vperm.xlane v7, v44;
	vm12 =	vgt.f32 v41, v8  }
0x182: {  	v56 =	vimm.s32 $0xFFFFFFFF;
	v46 =	vperm.xlane v6, v46;
	v2 =	vsel vm12, v10, v9  }
0x183: {  	v53 =	vld [tilespmem:s24+$0x60];
	v12 =	vsel vm12, $0xB, v5;
	vm5 =	vgt.f32 v48, v59;
	v59 =	vimm.s32 $0xFFFFFFFF  }
0x184: {  	vm13 =	vgt.f32 v41, v2;
	v2 =	vsel vm4, $0x1, v63;
	v57 =	vsel vm5, $0x1, v56  }
0x185: {  	v63 =	vimm.s32 $0x0;
	v43 =	vsel vm13, $0x2, v55;
	v39 =	vadd.s32 v2, v39  }
0x186: {  	v44 =	vadd.s32 v57, v44;
	v43 =	vadd.s32 v12, v43;
	v12 =	vperm.xlane v7, v47  }
0x187: {  	vm4 =	vgt.f32 v35, v38;
	v58 =	vperm.xlane v7, v39;
	v61 =	vperm.xlane v7, v44  }
0x188: {  	[tilespmem:s31+$0x30] =	vst v46;
	v46 =	vimm.s32 $0x0;
	vm12 =	vgt.f32 v53, v8;
	v62 =	vperm.xlane v7, v43  }
0x189: {  	vm7 =	vgt.f32 v49, v12;
	vm8 =	vgt.f32 v50, v58;
	vm9 =	vgt.f32 v48, v61  }
0x18a: {  	v58 =	vimm.s32 $0x0;
	v61 =	vimm.s32 $0x0;
	v48 =	vimm.s32 $0xFFFFFFFF  }
0x18b: {  	v50 =	vsel vm12, v10, v9;
	vm6 =	vgt.f32 v41, v62;
	v52 =	vsel vm7, $0x1, v60  }
0x18c: {  	v12 =	vsel vm8, $0x1, v63;
	vm13 =	vgt.f32 v53, v50;
	v54 =	vsel vm6, $0x1, v59  }
0x18d: {  	v47 =	vadd.s32 v52, v47;
	v39 =	vor.u32 v12, v39;
	v59 =	vsel vm9, $0x1, v58  }
0x18e: {  	v52 =	vsel vm12, $0xB, v5;
	v62 =	vadd.s32 v54, v43;
	v57 =	vperm.xlane v7, v47  }
0x18f: {  	v43 =	vld [tilespmem:s24+$0x70];
	v39 =	vperm.xlane v6, v39;
	v60 =	vor.u32 v59, v44;
	v54 =	vperm.xlane v7, v62  }
0x190: {  	[tilespmem:s31+$0x20] =	vst v40;
	v44 =	vimm.s32 $0x0;
	v40 =	vperm.xlane v6, v60;
	v60 =	vimm.s32 $0xFFFFFFFE  }
0x191: {  	vm11 =	vgt.f32 v49, v57;
	v49 =	vsel vm1, $0x1, v48;
	vm10 =	vgt.f32 v41, v54  }
0x192: {  	v37 =	vadd.s32 v49, v37;
	v54 =	vimm.s32 $0xFFFFFFFE;
	v41 =	vsel vm10, $0x1, v61  }
0x193: {  	v55 =	vsel vm13, $0x2, v54;
	v57 =	vperm.xlane v7, v37;
	v41 =	vor.u32 v41, v62  }
0x194: {  	s23 =	sor.u32 $0x180, s23;
	[tilespmem:s31+$0x40] =	vst v39;
	v62 =	vimm.s32 $0x0;
	vm14 =	vgt.f32 v43, v8;
	v39 =	vadd.s32 v52, v55  }
0x195: {  	s22 =	sadd.s32 s23, s22;
	[tilespmem:s31+$0x0] =	vst v42;
	v42 =	vsel vm11, $0x1, v62;
	v63 =	vperm.xlane v6, v41;
	v56 =	vsel vm14, v10, v9  }
0x196: {  	v49 =	vld [tilespmem:s22+$0x0];
	v58 =	vperm.xlane v7, v39;
	v59 =	vsel vm14, $0xB, v5;
	v62 =	vimm.s32 $0x0  }
0x197: {  	vm5 =	vgt.f32 v36, v57;
	v41 =	vsel vm4, $0x1, v44;
	v12 =	vor.u32 v42, v47  }
0x198: {  	[tilespmem:s31+$0x50] =	vst v40;
	vm15 =	vgt.f32 v43, v56;
	v42 =	vsel vm0, $0x1, v62;
	v40 =	vsel vm5, $0x1, v46  }
0x199: {  	v47 =	vimm.s32 $0xFFFFFFFF;
	v56 =	vimm.s32 $0xFFFFFFFE;
	v62 =	vimm.s32 $0x0  }
0x19a: {  	[tilespmem:s31+$0x10] =	vst v45;
	v51 =	vperm.xlane v6, v12;
	v61 =	vsel vm15, $0x2, v60;
	vm6 =	vgt.f32 v53, v58  }
0x19b: {  	[tilespmem:s31+$0x60] =	vst v63;
	vm10 =	vgt.f32 v49, v8;
	v60 =	vimm.s32 $0xFFFFFFFE;
	v63 =	vadd.s32 v59, v61  }
0x19c: {  	s25 =	sor.u32 s30, s20;
	v48 =	vsel vm6, $0x1, v47;
	v58 =	vsel vm10, v10, v9;
	v59 =	vsel vm10, $0xB, v5;
	[tilespmem:s31+$0x70] =	vst v51  }
0x19d: {  	v12 =	vperm.xlane v7, v63;
	v35 =	vadd.s32 v48, v39;
	vm12 =	vgt.f32 v49, v58;
	v45 =	vld [tilespmem:s25+$0x0]  }
0x19e: {  	v51 =	vimm.s32 $0xFFFFFFFF;
	v50 =	vperm.xlane v7, v35;
	v46 =	vld [tilespmem:s25+$0x10];
	v61 =	vsel vm12, $0x2, v60  }
0x19f: {  	vm7 =	vgt.f32 v43, v12;
	v48 =	vadd.s32 v59, v61;
	v59 =	vimm.s32 $0xFFFFFFFF  }
0x1a0: {  	v52 =	vsel vm7, $0x1, v51;
	vm11 =	vgt.f32 v53, v50;
	v51 =	vperm.xlane v7, v48  }
0x1a1: {  	v50 =	vld [tilespmem:s22+$0x10];
	v36 =	vadd.s32 v52, v63;
	v38 =	vsel vm11, $0x1, v62;
	v63 =	vimm.s32 $0xFFFFFFFF  }
0x1a2: {  	v62 =	vimm.s32 $0xFFFFFFFE;
	v44 =	vperm.xlane v7, v36;
	vm4 =	vgt.f32 v49, v51  }
0x1a3: {  	vm8 =	vgt.f32 v45, v8;
	vm14 =	vgt.f32 v46, v8;
	v60 =	vsel vm4, $0x1, v59  }
0x1a4: {  	v51 =	vld [tilespmem:s22+$0x20];
	v59 =	vimm.s32 $0x0;
	v54 =	vsel vm8, v10, v9;
	v55 =	vsel vm8, $0xB, v5  }
0x1a5: {  	v2 =	vsel vm14, v10, v9;
	v12 =	vsel vm14, $0xB, v5;
	v53 =	vadd.s32 v60, v48  }
0x1a6: {  	v60 =	vimm.s32 $0xFFFFFFFF;
	vm9 =	vgt.f32 v45, v54;
	vm15 =	vgt.f32 v50, v8  }
0x1a7: {  	v57 =	vsel vm9, $0x2, v56;
	v58 =	vsel vm15, v10, v9;
	v61 =	vsel vm15, $0xB, v5  }
0x1a8: {  	v39 =	vadd.s32 v55, v57;
	vm6 =	vgt.f32 v50, v58;
	v57 =	vperm.xlane v7, v53  }
0x1a9: {  	v58 =	vld [tilespmem:s22+$0x30];
	vm9 =	vgt.f32 v51, v8;
	v47 =	vperm.xlane v7, v39;
	v55 =	vsel vm6, $0x2, v62  }
0x1aa: {  	vm5 =	vgt.f32 v46, v2;
	v62 =	vsel vm9, $0xB, v5;
	v55 =	vadd.s32 v61, v55  }
0x1ab: {  	vm7 =	vgt.f32 v49, v57;
	v61 =	vsel vm9, v10, v9;
	vm13 =	vgt.f32 v45, v47  }
0x1ac: {  	v49 =	vsel vm7, $0x1, v59;
	v52 =	vsel vm13, $0x1, v63;
	v63 =	vimm.s32 $0xFFFFFFFE  }
0x1ad: {  	v57 =	vld [tilespmem:s22+$0x40];
	vm10 =	vgt.f32 v51, v61;
	v49 =	vor.u32 v49, v53;
	v56 =	vsel vm5, $0x2, v63  }
0x1ae: {  	v47 =	vld [tilespmem:s25+$0x20];
	v39 =	vadd.s32 v52, v39;
	vm11 =	vgt.f32 v58, v8;
	v63 =	vimm.s32 $0xFFFFFFFE  }
0x1af: {  	v49 =	vperm.xlane v6, v49;
	v48 =	vadd.s32 v12, v56;
	v12 =	vperm.xlane v7, v55  }
0x1b0: {  	v1 =	vsel vm10, $0x2, v63;
	v2 =	vsel vm11, v10, v9;
	v63 =	vimm.s32 $0xFFFFFFFF  }
0x1b1: {  	v54 =	vperm.xlane v7, v48;
	v53 =	vadd.s32 v62, v1;
	vm12 =	vgt.f32 v58, v2  }
0x1b2: {  	v62 =	vimm.s32 $0x0;
	vm15 =	vgt.f32 v57, v8;
	vm8 =	vgt.f32 v50, v12  }
0x1b3: {  	vm0 =	vgt.f32 v47, v8;
	v12 =	vsel vm11, $0xB, v5;
	v52 =	vsel vm8, $0x1, v60  }
0x1b4: {  	v60 =	vimm.s32 $0xFFFFFFFE;
	v52 =	vadd.s32 v52, v55;
	v55 =	vperm.xlane v7, v53  }
0x1b5: {  	v11 =	vsel vm0, v10, v9;
	v60 =	vsel vm12, $0x2, v60;
	v59 =	vperm.xlane v7, v52  }
0x1b6: {  	v56 =	vadd.s32 v12, v60;
	v12 =	vsel vm15, v10, v9;
	vm14 =	vgt.f32 v51, v55  }
0x1b7: {  	v61 =	vperm.xlane v7, v56;
	vm5 =	vgt.f32 v57, v12;
	v12 =	vsel vm15, $0xB, v5  }
0x1b8: {  	vm13 =	vgt.f32 v50, v59;
	v2 =	vsel vm14, $0x1, v63;
	v63 =	vimm.s32 $0xFFFFFFFF  }
0x1b9: {  	v50 =	vld [tilespmem:s22+$0x50];
	v55 =	vsel vm13, $0x1, v62;
	v53 =	vadd.s32 v2, v53;
	vm4 =	vgt.f32 v58, v61  }
0x1ba: {  	v62 =	vimm.s32 $0xFFFFFFFE;
	v61 =	vimm.s32 $0x0;
	v59 =	vperm.xlane v7, v53  }
0x1bb: {  	v2 =	vsel vm4, $0x1, v63;
	v62 =	vsel vm5, $0x2, v62;
	v52 =	vor.u32 v55, v52  }
0x1bc: {  	v63 =	vimm.s32 $0x0;
	v56 =	vadd.s32 v2, v56;
	v52 =	vperm.xlane v6, v52  }
0x1bd: {  	vm6 =	vgt.f32 v51, v59;
	v51 =	vperm.xlane v7, v56;
	v59 =	vadd.s32 v12, v62  }
0x1be: {  	v12 =	vsel vm6, $0x1, v63;
	v60 =	vperm.xlane v7, v59;
	vm9 =	vgt.f32 v50, v8  }
0x1bf: {  	v62 =	vld [tilespmem:s22+$0x60];
	v63 =	vimm.s32 $0xFFFFFFFF;
	[tilespmem:s22+$0x10] =	vst v52;
	v52 =	vimm.s32 $0x0;
	vm7 =	vgt.f32 v58, v51  }
0x1c0: {  	v53 =	vor.u32 v12, v53;
	v12 =	vsel vm9, v10, v9;
	v55 =	vsel vm7, $0x1, v61  }
0x1c1: {  	vm8 =	vgt.f32 v57, v60;
	v53 =	vperm.xlane v6, v53;
	vm10 =	vgt.f32 v50, v12  }
0x1c2: {  	v51 =	vld [tilespmem:s22+$0x70];
	v61 =	vsel vm9, $0xB, v5;
	v12 =	vimm.s32 $0xFFFFFFFE;
	v2 =	vsel vm8, $0x1, v63  }
0x1c3: {  	v55 =	vor.u32 v55, v56;
	v63 =	vimm.s32 $0xFFFFFFFE;
	v56 =	vadd.s32 v2, v59  }
0x1c4: {  	v1 =	vsel vm10, $0x2, v63;
	vm11 =	vgt.f32 v62, v8;
	v55 =	vperm.xlane v6, v55  }
0x1c5: {  	[tilespmem:s22+$0x20] =	vst v53;
	vm10 =	vgt.f32 v47, v11;
	v11 =	vsel vm0, $0xB, v5;
	v53 =	vimm.s32 $0xFFFFFFFF  }
0x1c6: {  	v58 =	vadd.s32 v61, v1;
	v2 =	vsel vm11, v10, v9;
	v60 =	vsel vm11, $0xB, v5  }
0x1c7: {  	v61 =	vimm.s32 $0xFFFFFFFE;
	vm11 =	vgt.f32 v46, v54;
	vm12 =	vgt.f32 v51, v8  }
0x1c8: {  	[tilespmem:$0x1FFE0] =	vst v0;
	vm13 =	vgt.f32 v62, v2;
	v63 =	vperm.xlane v7, v58;
	v59 =	vsel vm12, v10, v9  }
0x1c9: {  	[tilespmem:s22+$0x0] =	vst v49;
	v49 =	vld [tilespmem:s25+$0x30];
	v0 =	vsel vm13, $0x2, v12;
	v12 =	vperm.xlane v7, v56;
	vm14 =	vgt.f32 v51, v59  }
0x1ca: {  	v0 =	vadd.s32 v60, v0;
	v59 =	vsel vm12, $0xB, v5;
	vm15 =	vgt.f32 v50, v63  }
0x1cb: {  	v63 =	vimm.s32 $0xFFFFFFFF;
	vm12 =	vgt.f32 v43, v44;
	v60 =	vsel vm14, $0x2, v61  }
0x1cc: {  	v2 =	vperm.xlane v7, v0;
	vm4 =	vgt.f32 v57, v12;
	v57 =	vimm.s32 $0xFFFFFFFF  }
0x1cd: {  	v61 =	vimm.s32 $0xFFFFFFFF;
	v59 =	vadd.s32 v59, v60;
	v1 =	vsel vm15, $0x1, v57  }
0x1ce: {  	v12 =	vsel vm4, $0x1, v3;
	v3 =	vimm.s32 $0x0;
	vm15 =	vgt.f32 v49, v8  }
0x1cf: {  	v60 =	vperm.xlane v7, v59;
	vm5 =	vgt.f32 v62, v2;
	v1 =	vadd.s32 v1, v58  }
0x1d0: {  	[tilespmem:s22+$0x30] =	vst v55;
	v54 =	vsel vm15, v10, v9;
	v55 =	vsel vm15, $0xB, v5;
	v2 =	vsel vm5, $0x1, v61  }
0x1d1: {  	v57 =	vperm.xlane v7, v1;
	v61 =	vperm.xlane v7, v39;
	vm6 =	vgt.f32 v51, v60  }
0x1d2: {  	vm5 =	vgt.f32 v49, v54;
	v0 =	vadd.s32 v2, v0;
	v2 =	vsel vm6, $0x1, v63  }
0x1d3: {  	v60 =	vperm.xlane v7, v0;
	v63 =	vor.u32 v12, v56;
	vm7 =	vgt.f32 v50, v57  }
0x1d4: {  	vm13 =	vgt.f32 v45, v61;
	v2 =	vadd.s32 v2, v59;
	v56 =	vperm.xlane v6, v63  }
0x1d5: {  	v57 =	vsel vm7, $0x1, v3;
	v3 =	vimm.s32 $0x0;
	v45 =	vsel vm13, $0x1, v52  }
0x1d6: {  	v52 =	vld [tilespmem:s25+$0x50];
	v12 =	vperm.xlane v7, v2;
	vm8 =	vgt.f32 v62, v60;
	v1 =	vor.u32 v57, v1  }
0x1d7: {  	v62 =	vimm.s32 $0xFFFFFFFF;
	v58 =	vsel vm8, $0x1, v3;
	v1 =	vperm.xlane v6, v1  }
0x1d8: {  	v3 =	vimm.s32 $0x0;
	[tilespmem:s22+$0x40] =	vst v56;
	v56 =	vimm.s32 $0xFFFFFFFE;
	vm9 =	vgt.f32 v51, v12  }
0x1d9: {  	v0 =	vor.u32 v58, v0;
	v50 =	vsel vm9, $0x1, v3;
	v3 =	vimm.s32 $0xFFFFFFFE  }
0x1da: {  	v0 =	vperm.xlane v6, v0;
	v2 =	vor.u32 v50, v2;
	v59 =	vsel vm10, $0x2, v3  }
0x1db: {  	v50 =	vld [tilespmem:s25+$0x40];
	v3 =	vimm.s32 $0x0;
	vm13 =	vgt.f32 v52, v8;
	v11 =	vadd.s32 v11, v59  }
0x1dc: {  	v60 =	vperm.xlane v6, v2;
	[tilespmem:s22+$0x60] =	vst v0;
	v0 =	vsel vm11, $0x1, v62;
	v63 =	vperm.xlane v7, v11  }
0x1dd: {  	[tilespmem:s22+$0x50] =	vst v1;
	v44 =	vsel vm12, $0x1, v3;
	v2 =	vsel vm5, $0x2, v56;
	v43 =	vadd.s32 v0, v48  }
0x1de: {  	s21 =	sadd.s32 s23, s21;
	v3 =	vimm.s32 $0xFFFFFFFE;
	[tilespmem:s22+$0x70] =	vst v60;
	v12 =	vperm.xlane v7, v43;
	vm14 =	vgt.f32 v47, v63  }
0x1df: {  	v56 =	vsel vm13, v10, v9;
	v44 =	vor.u32 v44, v36;
	v0 =	vld [tilespmem:s21+$0x0];
	v1 =	vsel vm14, $0x1, v53  }
0x1e0: {  	vm4 =	vgt.f32 v46, v12;
	vm6 =	vgt.f32 v50, v8;
	v46 =	vadd.s32 v1, v11  }
0x1e1: {  	v1 =	vadd.s32 v55, v2;
	v57 =	vsel vm6, v10, v9;
	v11 =	vsel vm6, $0xB, v5;
	v55 =	vld [tilespmem:s21+$0x10]  }
0x1e2: {  	vm8 =	vgt.f32 v50, v57;
	v59 =	vperm.xlane v7, v1;
	v2 =	vperm.xlane v7, v46  }
0x1e3: {  	v57 =	vsel vm13, $0xB, v5;
	v60 =	vsel vm8, $0x2, v3;
	v3 =	vimm.s32 $0xFFFFFFFE  }
0x1e4: {  	vm7 =	vgt.f32 v0, v8;
	vm10 =	vgt.f32 v49, v59;
	v51 =	vadd.s32 v11, v60  }
0x1e5: {  	vm0 =	vgt.f32 v47, v2;
	v58 =	vsel vm7, v10, v9;
	v12 =	vperm.xlane v7, v51  }
0x1e6: {  	v61 =	vsel vm7, $0xB, v5;
	vm9 =	vgt.f32 v0, v58;
	vm14 =	vgt.f32 v55, v8  }
0x1e7: {  	v62 =	vsel vm9, $0x2, v3;
	v3 =	vimm.s32 $0xFFFFFFFF;
	vm11 =	vgt.f32 v50, v12  }
0x1e8: {  	v59 =	vsel vm14, $0xB, v5;
	v11 =	vadd.s32 v61, v62;
	v63 =	vsel vm10, $0x1, v3  }
0x1e9: {  	v3 =	vimm.s32 $0x0;
	v61 =	vimm.s32 $0xFFFFFFFF;
	v62 =	vimm.s32 $0xFFFFFFFF  }
0x1ea: {  	v60 =	vperm.xlane v7, v11;
	v47 =	vadd.s32 v63, v1;
	v1 =	vld [tilespmem:s21+$0x20];
	v63 =	vsel vm14, v10, v9  }
0x1eb: {  	v48 =	vsel vm4, $0x1, v3;
	v3 =	vimm.s32 $0xFFFFFFFE;
	vm15 =	vgt.f32 v55, v63  }
0x1ec: {  	v53 =	vsel vm11, $0x1, v61;
	vm12 =	vgt.f32 v0, v60;
	v12 =	vsel vm15, $0x2, v3  }
0x1ed: {  	v61 =	vimm.s32 $0xFFFFFFFF;
	v2 =	vsel vm12, $0x1, v62;
	v59 =	vadd.s32 v59, v12  }
0x1ee: {  	v54 =	vperm.xlane v7, v47;
	v2 =	vadd.s32 v2, v11;
	v11 =	vld [tilespmem:s21+$0x30];
	v62 =	vperm.xlane v7, v59  }
0x1ef: {  	v51 =	vadd.s32 v53, v51;
	v58 =	vperm.xlane v7, v2;
	vm4 =	vgt.f32 v1, v8  }
0x1f0: {  	v3 =	vimm.s32 $0x0;
	v63 =	vsel vm4, v10, v9;
	vm9 =	vgt.f32 v55, v62  }
0x1f1: {  	v62 =	vimm.s32 $0xFFFFFFFE;
	vm5 =	vgt.f32 v0, v58;
	vm6 =	vgt.f32 v1, v63  }
0x1f2: {  	v0 =	vsel vm4, $0xB, v5;
	v58 =	vsel vm5, $0x1, v3;
	v3 =	vimm.s32 $0xFFFFFFFE  }
0x1f3: {  	v63 =	vld [tilespmem:s21+$0x40];
	v61 =	vsel vm9, $0x1, v61;
	v12 =	vsel vm6, $0x2, v3;
	vm7 =	vgt.f32 v11, v8  }
0x1f4: {  	v59 =	vadd.s32 v61, v59;
	v0 =	vadd.s32 v0, v12;
	v60 =	vsel vm7, v10, v9  }
0x1f5: {  	v12 =	vor.u32 v58, v2;
	v58 =	vperm.xlane v7, v0;
	vm8 =	vgt.f32 v11, v60  }
0x1f6: {  	v60 =	vsel vm7, $0xB, v5;
	v12 =	vperm.xlane v6, v12;
	v62 =	vsel vm8, $0x2, v62  }
0x1f7: {  	vm10 =	vgt.f32 v1, v58;
	v58 =	vadd.s32 v60, v62;
	v62 =	vimm.s32 $0xFFFFFFFF  }
0x1f8: {  	vm11 =	vgt.f32 v63, v8;
	v2 =	vsel vm10, $0x1, v62;
	v61 =	vperm.xlane v7, v58  }
0x1f9: {  	v62 =	vperm.xlane v7, v59;
	v0 =	vadd.s32 v2, v0;
	v2 =	vimm.s32 $0xFFFFFFFF  }
0x1fa: {  	v60 =	vperm.xlane v7, v0;
	vm12 =	vgt.f32 v11, v61;
	v61 =	vsel vm11, v10, v9  }
0x1fb: {  	vm14 =	vgt.f32 v55, v62;
	v3 =	vsel vm12, $0x1, v2;
	vm13 =	vgt.f32 v63, v61  }
0x1fc: {  	v61 =	vsel vm11, $0xB, v5;
	vm12 =	vgt.f32 v52, v56;
	v56 =	vimm.s32 $0xFFFFFFFE  }
0x1fd: {  	v3 =	vadd.s32 v3, v58;
	v62 =	vsel vm13, $0x2, v4;
	v4 =	vimm.s32 $0x0  }
0x1fe: {  	v2 =	vld [tilespmem:s21+$0x50];
	vm15 =	vgt.f32 v1, v60;
	v60 =	vsel vm14, $0x1, v4;
	v4 =	vimm.s32 $0x0  }
0x1ff: {  	v58 =	vld [tilespmem:s21+$0x60];
	v1 =	vperm.xlane v7, v3;
	v55 =	vadd.s32 v61, v62;
	v61 =	vsel vm15, $0x1, v4  }
0x200: {  	v62 =	vperm.xlane v7, v55;
	v59 =	vor.u32 v60, v59;
	v4 =	vimm.s32 $0x0  }
0x201: {  	v0 =	vor.u32 v61, v0;
	vm4 =	vgt.f32 v11, v1;
	v59 =	vperm.xlane v6, v59  }
0x202: {  	v11 =	vsel vm4, $0x1, v4;
	vm5 =	vgt.f32 v63, v62;
	v4 =	vimm.s32 $0xFFFFFFFF  }
0x203: {  	vm6 =	vgt.f32 v2, v8;
	v0 =	vperm.xlane v6, v0;
	v60 =	vsel vm5, $0x1, v4  }
0x204: {  	v1 =	vld [tilespmem:s21+$0x70];
	v61 =	vsel vm6, v10, v9;
	vm7 =	vgt.f32 v58, v8;
	v62 =	vsel vm6, $0xB, v5  }
0x205: {  	v3 =	vor.u32 v11, v3;
	v4 =	vimm.s32 $0xFFFFFFFE;
	vm8 =	vgt.f32 v2, v61  }
0x206: {  	v61 =	vsel vm7, v10, v9;
	v55 =	vadd.s32 v60, v55;
	v3 =	vperm.xlane v6, v3  }
0x207: {  	v11 =	vsel vm8, $0x2, v4;
	vm9 =	vgt.f32 v58, v61;
	v4 =	vimm.s32 $0xFFFFFFFE  }
0x208: {  	v60 =	vimm.s32 $0xFFFFFFFF;
	v61 =	vsel vm7, $0xB, v5;
	v4 =	vsel vm9, $0x2, v4  }
0x209: {  	vm10 =	vgt.f32 v1, v8;
	v11 =	vadd.s32 v62, v11;
	[tilespmem:s21+$0x30] =	vst v3;
	v3 =	vimm.s32 $0xFFFFFFFE  }
0x20a: {  	v4 =	vadd.s32 v61, v4;
	v61 =	vsel vm10, v10, v9;
	v62 =	vperm.xlane v7, v11  }
0x20b: {  	vm11 =	vgt.f32 v1, v61;
	v61 =	vsel vm10, $0xB, v5;
	vm10 =	vgt.f32 v49, v54  }
0x20c: {  	v54 =	vimm.s32 $0x0;
	v56 =	vsel vm11, $0x2, v56;
	vm13 =	vgt.f32 v2, v62  }
0x20d: {  	v56 =	vadd.s32 v61, v56;
	v61 =	vperm.xlane v7, v4;
	v60 =	vsel vm13, $0x1, v60  }
0x20e: {  	v54 =	vsel vm10, $0x1, v54;
	v62 =	vperm.xlane v7, v56;
	v11 =	vadd.s32 v60, v11  }
0x20f: {  	v60 =	vperm.xlane v7, v55;
	vm14 =	vgt.f32 v58, v61;
	v61 =	vimm.s32 $0xFFFFFFFF  }
0x210: {  	v3 =	vsel vm12, $0x2, v3;
	v54 =	vor.u32 v54, v47;
	v61 =	vsel vm14, $0x1, v61  }
0x211: {  	vm15 =	vgt.f32 v1, v62;
	v62 =	vimm.s32 $0xFFFFFFFF;
	vm4 =	vgt.f32 v63, v60  }
0x212: {  	v60 =	vperm.xlane v7, v11;
	v63 =	vimm.s32 $0x0;
	v62 =	vsel vm15, $0x1, v62  }
0x213: {  	v4 =	vadd.s32 v61, v4;
	v63 =	vsel vm4, $0x1, v63;
	v56 =	vadd.s32 v62, v56  }
0x214: {  	v62 =	vperm.xlane v7, v4;
	v55 =	vor.u32 v63, v55;
	vm5 =	vgt.f32 v2, v60  }
0x215: {  	[tilespmem:s21+$0x0] =	vst v12;
	v60 =	vimm.s32 $0x0;
	v63 =	vperm.xlane v7, v56;
	v12 =	vperm.xlane v6, v55  }
0x216: {  	v61 =	vld [tilespmem:s25+$0x60];
	v55 =	vsel vm5, $0x1, v60;
	v60 =	vimm.s32 $0x0;
	vm6 =	vgt.f32 v58, v62  }
0x217: {  	v62 =	vor.u32 v55, v11;
	v11 =	vimm.s32 $0x0;
	v55 =	vimm.s32 $0x0  }
0x218: {  	v58 =	vadd.s32 v57, v3;
	v53 =	vsel vm0, $0x1, v60;
	v60 =	vimm.s32 $0xFFFFFFFE  }
0x219: {  	[tilespmem:s21+$0x20] =	vst v0;
	v11 =	vsel vm6, $0x1, v11;
	vm7 =	vgt.f32 v1, v63;
	v0 =	vperm.xlane v6, v62  }
0x21a: {  	[tilespmem:s21+$0x10] =	vst v59;
	v59 =	vperm.xlane v7, v58;
	v62 =	vperm.xlane v7, v51;
	v63 =	vor.u32 v11, v4  }
0x21b: {  	v3 =	vld [tilespmem:s25+$0x70];
	v2 =	vsel vm7, $0x1, v55;
	vm8 =	vgt.f32 v61, v8;
	v11 =	vimm.s32 $0xFFFFFFFE  }
0x21c: {  	[tilespmem:s21+$0x40] =	vst v12;
	v55 =	vimm.s32 $0xFFFFFFFF;
	v1 =	vperm.xlane v6, v63;
	v2 =	vor.u32 v2, v56  }
0x21d: {  	v4 =	vsel vm8, v10, v9;
	[tilespmem:s21+$0x50] =	vst v0;
	vm11 =	vgt.f32 v52, v59;
	v56 =	vperm.xlane v6, v2  }
0x21e: {  	vm12 =	vgt.f32 v50, v62;
	v59 =	vimm.s32 $0xFFFFFFFE;
	vm9 =	vgt.f32 v61, v4;
	[tilespmem:s21+$0x60] =	vst v1  }
0x21f: {  	s20 =	sadd.s32 s23, s20;
	v4 =	vsel vm8, $0xB, v5;
	v0 =	vsel vm11, $0x1, v55;
	v11 =	vsel vm9, $0x2, v11;
	[tilespmem:s21+$0x70] =	vst v56  }
0x220: {  	v49 =	vadd.s32 v0, v58;
	vm14 =	vgt.f32 v3, v8;
	v4 =	vadd.s32 v4, v11;
	v11 =	vld [tilespmem:s20+$0x0]  }
0x221: {  	v0 =	vperm.xlane v7, v49;
	v57 =	vsel vm14, v10, v9;
	v63 =	vperm.xlane v7, v4  }
0x222: {  	v56 =	vimm.s32 $0xFFFFFFFF;
	v58 =	vsel vm14, $0xB, v5;
	vm15 =	vgt.f32 v3, v57;
	v2 =	vld [tilespmem:s20+$0x10]  }
0x223: {  	v57 =	vimm.s32 $0x0;
	vm13 =	vgt.f32 v61, v63;
	v63 =	vimm.s32 $0x0  }
0x224: {  	vm6 =	vgt.f32 v52, v0;
	v1 =	vsel vm13, $0x1, v56;
	v56 =	vsel vm12, $0x1, v63  }
0x225: {  	v50 =	vadd.s32 v1, v4;
	v1 =	vsel vm15, $0x2, v59;
	vm4 =	vgt.f32 v11, v8  }
0x226: {  	v59 =	vld [tilespmem:s20+$0x20];
	v12 =	vperm.xlane v7, v50;
	v1 =	vadd.s32 v58, v1;
	v4 =	vsel vm4, v10, v9  }
0x227: {  	vm10 =	vgt.f32 v2, v8;
	v55 =	vsel vm4, $0xB, v5;
	vm5 =	vgt.f32 v11, v4  }
0x228: {  	v4 =	vperm.xlane v7, v1;
	vm7 =	vgt.f32 v61, v12;
	v61 =	vsel vm10, v10, v9  }
0x229: {  	v62 =	vsel vm5, $0x2, v60;
	v57 =	vsel vm7, $0x1, v57;
	v60 =	vimm.s32 $0xFFFFFFFF  }
0x22a: {  	v19 =	vld [tilespmem:s20+$0x40];
	vm11 =	vgt.f32 v2, v61;
	v0 =	vadd.s32 v55, v62;
	vm8 =	vgt.f32 v3, v4  }
0x22b: {  	v55 =	vimm.s32 $0x0;
	vm12 =	vgt.f32 v59, v8;
	v4 =	vperm.xlane v7, v0  }
0x22c: {  	v62 =	vimm.s32 $0xFFFFFFFE;
	v58 =	vsel vm6, $0x1, v55;
	v12 =	vsel vm8, $0x1, v60  }
0x22d: {  	v60 =	vld [tilespmem:s20+$0x30];
	v52 =	vadd.s32 v12, v1;
	vm9 =	vgt.f32 v11, v4;
	v4 =	vimm.s32 $0xFFFFFFFF  }
0x22e: {  	v12 =	vsel vm10, $0xB, v5;
	v1 =	vperm.xlane v7, v52;
	v4 =	vsel vm9, $0x1, v4  }
0x22f: {  	vm9 =	vgt.f32 v19, v8;
	v55 =	vadd.s32 v4, v0;
	v0 =	vsel vm11, $0x2, v62  }
0x230: {  	v4 =	vsel vm12, v10, v9;
	v62 =	vimm.s32 $0xFFFFFFFE;
	vm15 =	vgt.f32 v3, v1  }
0x231: {  	v3 =	vimm.s32 $0xFFFFFFFE;
	v27 =	vsel vm9, $0xB, v5;
	v61 =	vperm.xlane v7, v55  }
0x232: {  	vm13 =	vgt.f32 v59, v4;
	v4 =	vsel vm12, $0xB, v5;
	vm14 =	vgt.f32 v60, v8  }
0x233: {  	v0 =	vadd.s32 v12, v0;
	v63 =	vsel vm14, v10, v9;
	vm5 =	vgt.f32 v11, v61;
	v11 =	vld [tilespmem:$0x1FFD0]  }
0x234: {  	v12 =	vor.u32 v26, v22;
	v22 =	vor.u32 v32, v24;
	vm4 =	vgt.f32 v60, v63;
	v63 =	vld [tilespmem:$0x1FFE0]  }
0x235: {  	v32 =	vimm.s32 $0xFFFFFFFF;
	v1 =	vsel vm14, $0xB, v5;
	v3 =	vsel vm4, $0x2, v3  }
0x236: {  	v26 =	vor.u32 v42, v31;
	v1 =	vadd.s32 v1, v3;
	v3 =	vimm.s32 $0x0  }
0x237: {  	v31 =	vor.u32 v40, v37;
	v62 =	vsel vm13, $0x2, v62;
	v3 =	vsel vm15, $0x1, v3  }
0x238: {  	v12 =	vperm.xlane v6, v12;
	v4 =	vadd.s32 v4, v62;
	v3 =	vor.u32 v3, v52  }
0x239: {  	v11 =	vor.u32 v14, v11;
	v14 =	vor.u32 v15, v63;
	v15 =	vor.u32 v18, v17  }
0x23a: {  	v17 =	vor.u32 v25, v21;
	v18 =	vperm.xlane v7, v0;
	v21 =	vperm.xlane v7, v4  }
0x23b: {  	v37 =	vimm.s32 $0x0;
	v63 =	vperm.xlane v6, v13;
	v3 =	vperm.xlane v6, v3  }
0x23c: {  	v62 =	vimm.s32 $0x0;
	v11 =	vperm.xlane v6, v11;
	v14 =	vperm.xlane v6, v14  }
0x23d: {  	v13 =	vperm.xlane v6, v15;
	vm6 =	vgt.f32 v2, v18;
	v18 =	vperm.xlane v7, v1  }
0x23e: {  	vm7 =	vgt.f32 v59, v21;
	v21 =	vor.u32 v34, v28;
	v34 =	vimm.s32 $0xFFFFFFFE  }
0x23f: {  	v28 =	vimm.s32 $0x0;
	v23 =	vsel vm6, $0x1, v23;
	v24 =	vsel vm7, $0x1, v32  }
0x240: {  	v32 =	vperm.xlane v6, v17;
	vm8 =	vgt.f32 v60, v18;
	v18 =	vor.u32 v33, v30  }
0x241: {  	v33 =	vimm.s32 $0xFFFFFFFF;
	v0 =	vadd.s32 v23, v0;
	v23 =	vsel vm9, v10, v9  }
0x242: {  	v4 =	vadd.s32 v24, v4;
	vm10 =	vgt.f32 v19, v23;
	v23 =	vperm.xlane v7, v0  }
0x243: {  	v25 =	vsel vm8, $0x1, v33;
	v42 =	vperm.xlane v7, v4;
	v18 =	vperm.xlane v6, v18  }
0x244: {  	v17 =	vld [tilespmem:s20+$0x70];
	v24 =	vsel vm10, $0x2, v34;
	v1 =	vadd.s32 v25, v1;
	vm11 =	vgt.f32 v2, v23  }
0x245: {  	v30 =	vld [tilespmem:s20+$0x60];
	v24 =	vadd.s32 v27, v24;
	v25 =	vperm.xlane v7, v1;
	v27 =	vimm.s32 $0x0  }
0x246: {  	vm12 =	vgt.f32 v59, v42;
	v42 =	vor.u32 v41, v29;
	v29 =	vimm.s32 $0xFFFFFFFF  }
0x247: {  	v41 =	vperm.xlane v6, v26;
	[tilespmem:s24+$0x20] =	vst v18;
	v18 =	vperm.xlane v6, v31;
	v27 =	vsel vm5, $0x1, v27  }
0x248: {  	v61 =	vperm.xlane v7, v24;
	v28 =	vsel vm11, $0x1, v28;
	v15 =	vperm.xlane v6, v42  }
0x249: {  	[tilespmem:s19+$0x60] =	vst v12;
	vm10 =	vgt.f32 v17, v8;
	vm13 =	vgt.f32 v60, v25;
	v25 =	vsel vm12, $0x1, v62  }
0x24a: {  	v23 =	vld [tilespmem:s20+$0x50];
	vm5 =	vgt.f32 v30, v8;
	v42 =	vsel vm10, $0xB, v5;
	[tilespmem:s24+$0x50] =	vst v18;
	v18 =	vor.u32 v45, v39  }
0x24b: {  	[tilespmem:s19+$0x20] =	vst v63;
	v0 =	vor.u32 v28, v0;
	vm14 =	vgt.f32 v19, v61;
	v63 =	vsel vm5, v10, v9  }
0x24c: {  	v12 =	vsel vm13, $0x1, v37;
	[tilespmem:s24+$0x40] =	vst v15;
	v15 =	vperm.xlane v6, v44;
	v18 =	vperm.xlane v6, v18  }
0x24d: {  	[tilespmem:s25+$0x70] =	vst v3;
	v0 =	vperm.xlane v6, v0;
	v3 =	vor.u32 v25, v4;
	v29 =	vsel vm14, $0x1, v29  }
0x24e: {  	[tilespmem:s19+$0x0] =	vst v11;
	vm6 =	vgt.f32 v30, v63;
	v1 =	vor.u32 v12, v1;
	v3 =	vperm.xlane v6, v3  }
0x24f: {  	vm15 =	vgt.f32 v23, v8;
	v11 =	vadd.s32 v29, v24;
	v29 =	vimm.s32 $0xFFFFFFFE;
	[tilespmem:s24+$0x70] =	vst v15  }
0x250: {  	v16 =	vsel vm6, $0x2, v16;
	[tilespmem:s25+$0x0] =	vst v18;
	v18 =	vor.u32 v58, v49;
	v15 =	vperm.xlane v6, v54  }
0x251: {  	v1 =	vperm.xlane v6, v1;
	v59 =	vsel vm15, v10, v9;
	v61 =	vperm.xlane v7, v11  }
0x252: {  	v60 =	vsel vm15, $0xB, v5;
	v18 =	vperm.xlane v6, v18;
	vm4 =	vgt.f32 v23, v59  }
0x253: {  	v59 =	vimm.s32 $0x0;
	v29 =	vsel vm4, $0x2, v29;
	vm7 =	vgt.f32 v19, v61  }
0x254: {  	[tilespmem:s19+$0x10] =	vst v14;
	v19 =	vperm.xlane v6, v22;
	v22 =	vor.u32 v56, v51;
	v62 =	vadd.s32 v60, v29  }
0x255: {  	[tilespmem:s25+$0x50] =	vst v18;
	v18 =	vor.u32 v27, v55;
	v29 =	vsel vm5, $0xB, v5;
	v33 =	vperm.xlane v7, v62  }
0x256: {  	[tilespmem:s25+$0x30] =	vst v15;
	v15 =	vsel vm7, $0x1, v59;
	v34 =	vadd.s32 v29, v16;
	v16 =	vperm.xlane v6, v20  }
0x257: {  	[tilespmem:s19+$0x30] =	vst v13;
	v29 =	vimm.s32 $0xFFFFFFFE;
	v20 =	vimm.s32 $0xFFFFFFFF;
	vm8 =	vgt.f32 v23, v33  }
0x258: {  	v40 =	vperm.xlane v7, v34;
	[tilespmem:s19+$0x70] =	vst v16;
	v16 =	vperm.xlane v6, v21;
	v20 =	vsel vm8, $0x1, v20  }
0x259: {  	[tilespmem:s24+$0x0] =	vst v19;
	v19 =	vimm.s32 $0xFFFFFFFF;
	v2 =	vadd.s32 v20, v62;
	v20 =	vsel vm10, v10, v9  }
0x25a: {  	vm9 =	vgt.f32 v30, v40;
	[tilespmem:s24+$0x10] =	vst v16;
	v16 =	vor.u32 v38, v35;
	vm11 =	vgt.f32 v17, v20  }
0x25b: {  	[tilespmem:s19+$0x50] =	vst v32;
	v19 =	vsel vm9, $0x1, v19;
	v16 =	vperm.xlane v6, v16;
	v21 =	vsel vm11, $0x2, v29  }
0x25c: {  	[tilespmem:s24+$0x30] =	vst v41;
	v20 =	vperm.xlane v7, v2;
	v13 =	vadd.s32 v19, v34;
	v14 =	vadd.s32 v42, v21  }
0x25d: {  	v19 =	vperm.xlane v6, v22;
	[tilespmem:s24+$0x60] =	vst v16;
	v16 =	vor.u32 v48, v43;
	v21 =	vperm.xlane v7, v14  }
0x25e: {  	[tilespmem:s20+$0x10] =	vst v0;
	vm12 =	vgt.f32 v23, v20;
	v20 =	vor.u32 v53, v46;
	v16 =	vperm.xlane v6, v16  }
0x25f: {  	[tilespmem:s25+$0x40] =	vst v19;
	v20 =	vperm.xlane v6, v20;
	vm13 =	vgt.f32 v17, v21;
	v21 =	vimm.s32 $0xFFFFFFFF  }
0x260: {  	v61 =	vor.u32 v15, v11;
	[tilespmem:s25+$0x10] =	vst v16;
	v16 =	vor.u32 v57, v50;
	v19 =	vsel vm13, $0x1, v21  }
0x261: {  	[tilespmem:s25+$0x20] =	vst v20;
	v20 =	vperm.xlane v7, v13;
	v16 =	vperm.xlane v6, v16;
	v14 =	vadd.s32 v19, v14  }
0x262: {  	[tilespmem:s20+$0x20] =	vst v3;
	v0 =	vperm.xlane v6, v61;
	v19 =	vimm.s32 $0x0;
	v4 =	vperm.xlane v7, v14  }
0x263: {  	vm14 =	vgt.f32 v30, v20;
	[tilespmem:s25+$0x60] =	vst v16;
	v16 =	vperm.xlane v6, v18;
	v60 =	vsel vm12, $0x1, v19  }
0x264: {  	p0 =	slt.u32 s17, $0x2C;
	[tilespmem:s20+$0x30] =	vst v1;
	v3 =	vsel vm14, $0x1, v19;
	v2 =	vor.u32 v60, v2;
	vm15 =	vgt.f32 v17, v4  }
.Ltmp0:
0x265: {  	[tilespmem:s20+$0x40] =	vst v0;
	v62 =	vor.u32 v3, v13;
	v2 =	vperm.xlane v6, v2;
	v3 =	vsel vm15, $0x1, v19;
	(pc) =	sbr.rel @p0 .LBB2_2-.Ltmp0, $4  }
0x266: {  	[tilespmem:s20+$0x0] =	vst v16;
	v1 =	vperm.xlane v6, v62;
	v63 =	vor.u32 v3, v14  }
0x267: {  	[tilespmem:s20+$0x50] =	vst v2;
	v0 =	vperm.xlane v6, v63  }
0x268: {  	[tilespmem:s20+$0x60] =	vst v1  }
0x269: {  	s18 =	sadd.s32 $0x200, s18;
	[tilespmem:s20+$0x70] =	vst v0  }
0x26a: {  	s17 =	simm.s32 $0x0  }
0x26b: {  	[hbm4b:s6+s17] =	stream.linear.scatter [tilespmem:s9], [sflag:$0x3], $0x4800, $0x38;
	[tilespmem:$0x9080] =	vst v63  }
0x26c: {  	_ =	swait.ge [sflag:s13], $0x4800  }
0x26d: {  	[sflag:s13] =	ssyncset.done $0x0  }
0x26e: {  	s18 =	simm.s32 $0xFFFFFFFC;
	[sflag:s13] =	ssyncadd.s32 $0xFFFFB800  }
.LBB2_4:
0x26f: {  	s18 =	sadd.s32 $0x4, s18  }
0x270: {  	s19 =	sshrl.u32 s18, $0x3  }
0x271: {  	s19 =	smul.u32 $0x3000, s19;
	_ =	sdelay $0x1  }
0x272: {  	s19 =	sshra.s32 s19, $0x2  }
0x273: {  	s23 =	sand.u32 $0x200, s17;
	s22 =	sadd.s32 $0x4880, s19  }
0x274: {  	s20 =	sor.u32 s23, s22  }
0x275: {  	v0 =	vld [tilespmem:s20+$0x0];
	_ =	sdelay $0x4  }
0x276: {  	vm0 =	vgt.f32 v0, v8  }
0x277: {  	v1 =	vsel vm0, v10, v9  }
0x278: {  	vm1 =	vgt.f32 v0, v1  }
0x279: {  	v58 =	vld [tilespmem:s20+$0x10];
	v2 =	vsel vm0, $0xB, v5;
	v3 =	vsel vm1, $0x2, v29  }
0x27a: {  	v13 =	vld [tilespmem:s20+$0x30];
	v2 =	vadd.s32 v2, v3  }
0x27b: {  	v14 =	vld [tilespmem:s20+$0x40];
	v3 =	vperm.xlane v7, v2;
	_ =	sdelay $0x1  }
0x27c: {  	vm14 =	vgt.f32 v0, v3;
	v3 =	vld [tilespmem:s20+$0x20];
	_ =	sdelay $0x1  }
0x27d: {  	vm15 =	vgt.f32 v58, v8;
	vm8 =	vgt.f32 v13, v8;
	v4 =	vsel vm14, $0x1, v21  }
0x27e: {  	vm12 =	vgt.f32 v14, v8;
	v11 =	vsel vm15, v10, v9;
	v2 =	vadd.s32 v4, v2  }
0x27f: {  	v15 =	vsel vm8, $0xB, v5;
	vm4 =	vgt.f32 v58, v11;
	v4 =	vperm.xlane v7, v2  }
0x280: {  	v11 =	vsel vm15, $0xB, v5;
	v12 =	vsel vm4, $0x2, v29;
	vm6 =	vgt.f32 v3, v8  }
0x281: {  	v11 =	vadd.s32 v11, v12;
	vm5 =	vgt.f32 v0, v4;
	v60 =	vsel vm6, v10, v9  }
0x282: {  	v59 =	vperm.xlane v7, v11;
	v4 =	vsel vm5, $0x1, v19;
	vm2 =	vgt.f32 v3, v60  }
0x283: {  	v17 =	vld [tilespmem:s20+$0x70];
	v61 =	vsel vm6, $0xB, v5;
	v2 =	vor.u32 v4, v2;
	v4 =	vsel vm2, $0x2, v29  }
0x284: {  	v33 =	vsel vm12, $0xB, v5;
	vm7 =	vgt.f32 v58, v59;
	v0 =	vadd.s32 v61, v4  }
0x285: {  	v62 =	vsel vm7, $0x1, v21;
	v4 =	vsel vm8, v10, v9;
	v63 =	vperm.xlane v7, v0  }
0x286: {  	v11 =	vadd.s32 v62, v11;
	v2 =	vperm.xlane v6, v2;
	vm9 =	vgt.f32 v13, v4  }
0x287: {  	v4 =	vperm.xlane v7, v11;
	v16 =	vsel vm9, $0x2, v29;
	vm10 =	vgt.f32 v3, v63  }
0x288: {  	vm9 =	vgt.f32 v17, v8;
	v24 =	vadd.s32 v15, v16;
	v25 =	vsel vm10, $0x1, v21  }
0x289: {  	vm11 =	vgt.f32 v58, v4;
	v4 =	vperm.xlane v7, v24;
	v0 =	vadd.s32 v25, v0  }
0x28a: {  	v41 =	vsel vm9, v10, v9;
	v26 =	vsel vm11, $0x1, v19;
	v1 =	vperm.xlane v7, v0  }
0x28b: {  	v11 =	vor.u32 v26, v11;
	vm13 =	vgt.f32 v13, v4;
	v4 =	vsel vm12, v10, v9  }
0x28c: {  	v32 =	vsel vm13, $0x1, v21;
	vm14 =	vgt.f32 v14, v4;
	v4 =	vld [tilespmem:s20+$0x50];
	vm15 =	vgt.f32 v3, v1  }
0x28d: {  	v3 =	vsel vm14, $0x2, v29;
	v12 =	vadd.s32 v32, v24;
	v16 =	vsel vm15, $0x1, v19  }
0x28e: {  	v1 =	vadd.s32 v33, v3;
	v3 =	vperm.xlane v7, v12;
	v0 =	vor.u32 v16, v0;
	v16 =	vld [tilespmem:s20+$0x60]  }
0x28f: {  	vm11 =	vgt.f32 v17, v41;
	v11 =	vperm.xlane v6, v11;
	v34 =	vperm.xlane v7, v1  }
0x290: {  	v33 =	vimm.s32 $0xFFFFFFFF;
	v0 =	vperm.xlane v6, v0;
	vm4 =	vgt.f32 v13, v3  }
0x291: {  	vm5 =	vgt.f32 v14, v34;
	vm6 =	vgt.f32 v4, v8;
	v3 =	vsel vm4, $0x1, v19  }
0x292: {  	v35 =	vsel vm5, $0x1, v21;
	v36 =	vsel vm6, v10, v9;
	v3 =	vor.u32 v3, v12  }
0x293: {  	v37 =	vsel vm6, $0xB, v5;
	vm7 =	vgt.f32 v4, v36;
	vm8 =	vgt.f32 v16, v8  }
0x294: {  	v1 =	vadd.s32 v35, v1;
	v38 =	vsel vm7, $0x2, v29;
	v39 =	vsel vm8, v10, v9  }
0x295: {  	v36 =	vimm.s32 $0x0;
	v12 =	vadd.s32 v37, v38;
	vm10 =	vgt.f32 v16, v39  }
0x296: {  	v18 =	vsel vm8, $0xB, v5;
	v40 =	vperm.xlane v7, v12;
	v19 =	vsel vm10, $0x2, v29  }
0x297: {  	v42 =	vadd.s32 v18, v19;
	v18 =	vsel vm9, $0xB, v5;
	v19 =	vsel vm11, $0x2, v29  }
0x298: {  	v20 =	vperm.xlane v7, v1;
	v21 =	vperm.xlane v7, v42;
	v18 =	vadd.s32 v18, v19  }
0x299: {  	v3 =	vperm.xlane v6, v3;
	vm12 =	vgt.f32 v4, v40;
	v43 =	vperm.xlane v7, v18  }
0x29a: {  	vm13 =	vgt.f32 v14, v20;
	v44 =	vsel vm12, $0x1, v33;
	vm14 =	vgt.f32 v16, v21  }
0x29b: {  	v12 =	vadd.s32 v44, v12;
	v45 =	vsel vm14, $0x1, v33;
	vm15 =	vgt.f32 v17, v43  }
0x29c: {  	v46 =	vperm.xlane v7, v12;
	v13 =	vadd.s32 v45, v42;
	v47 =	vsel vm15, $0x1, v33  }
0x29d: {  	v19 =	vsel vm13, $0x1, v36;
	v20 =	vperm.xlane v7, v13;
	v14 =	vadd.s32 v47, v18  }
0x29e: {  	[tilespmem:s20+$0x0] =	vst v2;
	v1 =	vor.u32 v19, v1;
	vm4 =	vgt.f32 v4, v46;
	v48 =	vperm.xlane v7, v14  }
0x29f: {  	[tilespmem:s20+$0x10] =	vst v11;
	v1 =	vperm.xlane v6, v1;
	v4 =	vsel vm4, $0x1, v36;
	vm5 =	vgt.f32 v16, v20  }
0x2a0: {  	[tilespmem:s20+$0x20] =	vst v0;
	v49 =	vor.u32 v4, v12;
	v4 =	vsel vm5, $0x1, v36;
	vm6 =	vgt.f32 v17, v48  }
0x2a1: {  	[tilespmem:s20+$0x30] =	vst v3;
	v0 =	vperm.xlane v6, v49;
	v50 =	vor.u32 v4, v13;
	v3 =	vsel vm6, $0x1, v36  }
0x2a2: {  	[tilespmem:s20+$0x40] =	vst v1;
	v51 =	vperm.xlane v6, v50;
	v52 =	vor.u32 v3, v14  }
0x2a3: {  	[tilespmem:s20+$0x50] =	vst v0;
	v53 =	vperm.xlane v6, v52  }
0x2a4: {  	s21 =	sadd.s32 $0x4C80, s19;
	[tilespmem:s20+$0x60] =	vst v51  }
0x2a5: {  	s24 =	sor.u32 s23, s21;
	[tilespmem:s20+$0x70] =	vst v53  }
0x2a6: {  	v0 =	vld [tilespmem:s24+$0x0];
	_ =	sdelay $0x4  }
0x2a7: {  	vm7 =	vgt.f32 v0, v8  }
0x2a8: {  	v54 =	vsel vm7, v10, v9  }
0x2a9: {  	vm8 =	vgt.f32 v0, v54  }
0x2aa: {  	v56 =	vsel vm7, $0xB, v5;
	v3 =	vsel vm8, $0x2, v29  }
0x2ab: {  	v55 =	vld [tilespmem:s24+$0x10];
	v2 =	vadd.s32 v56, v3  }
0x2ac: {  	v3 =	vperm.xlane v7, v2  }
0x2ad: {  	v58 =	vld [tilespmem:s24+$0x30]  }
0x2ae: {  	vm9 =	vgt.f32 v0, v3;
	v3 =	vld [tilespmem:s24+$0x20];
	_ =	sdelay $0x1  }
0x2af: {  	vm10 =	vgt.f32 v55, v8;
	v4 =	vsel vm9, $0x1, v33  }
0x2b0: {  	v11 =	vsel vm10, v10, v9;
	v2 =	vadd.s32 v4, v2  }
0x2b1: {  	vm4 =	vgt.f32 v58, v8;
	vm11 =	vgt.f32 v55, v11;
	v4 =	vperm.xlane v7, v2  }
0x2b2: {  	v11 =	vsel vm10, $0xB, v5;
	v57 =	vsel vm11, $0x2, v29;
	vm13 =	vgt.f32 v3, v8  }
0x2b3: {  	v63 =	vld [tilespmem:s24+$0x40];
	v11 =	vadd.s32 v11, v57;
	vm12 =	vgt.f32 v0, v4;
	v60 =	vsel vm13, v10, v9  }
0x2b4: {  	v59 =	vperm.xlane v7, v11;
	v4 =	vsel vm12, $0x1, v36;
	vm15 =	vgt.f32 v3, v60  }
0x2b5: {  	v61 =	vsel vm13, $0xB, v5;
	v2 =	vor.u32 v4, v2;
	v4 =	vsel vm15, $0x2, v29  }
0x2b6: {  	v25 =	vsel vm4, $0xB, v5;
	vm14 =	vgt.f32 v55, v59;
	v0 =	vadd.s32 v61, v4  }
0x2b7: {  	v17 =	vld [tilespmem:s24+$0x70];
	v62 =	vsel vm14, $0x1, v33;
	v4 =	vsel vm4, v10, v9;
	v24 =	vperm.xlane v7, v0  }
0x2b8: {  	vm8 =	vgt.f32 v63, v8;
	v11 =	vadd.s32 v62, v11;
	vm5 =	vgt.f32 v58, v4  }
0x2b9: {  	v4 =	vperm.xlane v7, v11;
	v16 =	vsel vm5, $0x2, v29;
	vm6 =	vgt.f32 v3, v24  }
0x2ba: {  	v37 =	vsel vm8, $0xB, v5;
	v26 =	vadd.s32 v25, v16;
	v32 =	vsel vm6, $0x1, v33  }
0x2bb: {  	vm7 =	vgt.f32 v55, v4;
	v4 =	vperm.xlane v7, v26;
	v0 =	vadd.s32 v32, v0  }
0x2bc: {  	v2 =	vperm.xlane v6, v2;
	vm5 =	vgt.f32 v17, v8;
	v1 =	vperm.xlane v7, v0  }
0x2bd: {  	v45 =	vsel vm5, v10, v9;
	vm9 =	vgt.f32 v58, v4;
	v4 =	vsel vm8, v10, v9  }
0x2be: {  	v34 =	vsel vm7, $0x1, v36;
	vm10 =	vgt.f32 v63, v4;
	v4 =	vld [tilespmem:s24+$0x50];
	vm11 =	vgt.f32 v3, v1  }
0x2bf: {  	v35 =	vsel vm9, $0x1, v33;
	v3 =	vsel vm10, $0x2, v29;
	v16 =	vsel vm11, $0x1, v36  }
0x2c0: {  	v12 =	vadd.s32 v35, v26;
	v1 =	vadd.s32 v37, v3;
	v0 =	vor.u32 v16, v0;
	v16 =	vld [tilespmem:s24+$0x60]  }
0x2c1: {  	v11 =	vor.u32 v34, v11;
	v3 =	vperm.xlane v7, v12;
	v38 =	vperm.xlane v7, v1  }
0x2c2: {  	vm7 =	vgt.f32 v17, v45;
	v11 =	vperm.xlane v6, v11;
	v0 =	vperm.xlane v6, v0  }
0x2c3: {  	vm12 =	vgt.f32 v58, v3;
	vm13 =	vgt.f32 v63, v38;
	vm14 =	vgt.f32 v4, v8  }
0x2c4: {  	v3 =	vsel vm12, $0x1, v36;
	v39 =	vsel vm13, $0x1, v33;
	v40 =	vsel vm14, v10, v9  }
0x2c5: {  	v3 =	vor.u32 v3, v12;
	vm15 =	vgt.f32 v4, v40;
	vm4 =	vgt.f32 v16, v8  }
0x2c6: {  	v41 =	vsel vm14, $0xB, v5;
	v42 =	vsel vm15, $0x2, v29;
	v43 =	vsel vm4, v10, v9  }
0x2c7: {  	v1 =	vadd.s32 v39, v1;
	v12 =	vadd.s32 v41, v42;
	vm6 =	vgt.f32 v16, v43  }
0x2c8: {  	v18 =	vsel vm4, $0xB, v5;
	v44 =	vperm.xlane v7, v12;
	v19 =	vsel vm6, $0x2, v29  }
0x2c9: {  	v46 =	vadd.s32 v18, v19;
	v18 =	vsel vm5, $0xB, v5;
	v19 =	vsel vm7, $0x2, v29  }
0x2ca: {  	v20 =	vperm.xlane v7, v1;
	v21 =	vperm.xlane v7, v46;
	v18 =	vadd.s32 v18, v19  }
0x2cb: {  	v3 =	vperm.xlane v6, v3;
	vm8 =	vgt.f32 v4, v44;
	v47 =	vperm.xlane v7, v18  }
0x2cc: {  	vm9 =	vgt.f32 v63, v20;
	v48 =	vsel vm8, $0x1, v33;
	vm10 =	vgt.f32 v16, v21  }
0x2cd: {  	v12 =	vadd.s32 v48, v12;
	v49 =	vsel vm10, $0x1, v33;
	vm11 =	vgt.f32 v17, v47  }
0x2ce: {  	v50 =	vperm.xlane v7, v12;
	v13 =	vadd.s32 v49, v46;
	v51 =	vsel vm11, $0x1, v33  }
0x2cf: {  	v19 =	vsel vm9, $0x1, v36;
	v20 =	vperm.xlane v7, v13;
	v14 =	vadd.s32 v51, v18  }
0x2d0: {  	[tilespmem:s24+$0x0] =	vst v2;
	v1 =	vor.u32 v19, v1;
	vm12 =	vgt.f32 v4, v50;
	v52 =	vperm.xlane v7, v14  }
0x2d1: {  	[tilespmem:s24+$0x10] =	vst v11;
	v1 =	vperm.xlane v6, v1;
	v4 =	vsel vm12, $0x1, v36;
	vm13 =	vgt.f32 v16, v20  }
0x2d2: {  	[tilespmem:s24+$0x20] =	vst v0;
	v53 =	vor.u32 v4, v12;
	v4 =	vsel vm13, $0x1, v36;
	vm14 =	vgt.f32 v17, v52  }
0x2d3: {  	[tilespmem:s24+$0x30] =	vst v3;
	v0 =	vperm.xlane v6, v53;
	v54 =	vor.u32 v4, v13;
	v3 =	vsel vm14, $0x1, v36  }
0x2d4: {  	[tilespmem:s24+$0x40] =	vst v1;
	v55 =	vperm.xlane v6, v54;
	v56 =	vor.u32 v3, v14  }
0x2d5: {  	s28 =	sor.u32 $0x80, s23;
	[tilespmem:s24+$0x50] =	vst v0;
	v57 =	vperm.xlane v6, v56  }
0x2d6: {  	s25 =	sadd.s32 s28, s22;
	s20 =	sadd.s32 $0x5080, s19;
	[tilespmem:s24+$0x60] =	vst v55  }
0x2d7: {  	s19 =	sor.u32 s23, s20;
	v58 =	vld [tilespmem:s25+$0x0];
	[tilespmem:s24+$0x70] =	vst v57  }
0x2d8: {  	v13 =	vld [tilespmem:s19+$0x0];
	_ =	sdelay $0x2  }
0x2d9: {  	v61 =	vld [tilespmem:s25+$0x10]  }
0x2da: {  	v17 =	vld [tilespmem:s25+$0x20]  }
0x2db: {  	vm4 =	vgt.f32 v58, v8;
	v14 =	vld [tilespmem:s19+$0x10];
	vm15 =	vgt.f32 v13, v8  }
0x2dc: {  	v60 =	vsel vm4, v10, v9;
	v30 =	vld [tilespmem:s19+$0x20];
	v59 =	vsel vm15, v10, v9  }
0x2dd: {  	v62 =	vsel vm4, $0xB, v5;
	vm6 =	vgt.f32 v58, v60;
	vm5 =	vgt.f32 v13, v59  }
0x2de: {  	vm9 =	vgt.f32 v61, v8;
	v3 =	vsel vm15, $0xB, v5;
	v4 =	vsel vm5, $0x2, v29  }
0x2df: {  	v16 =	vimm.s32 $0xFFFFFFFE;
	v11 =	vadd.s32 v3, v4;
	v3 =	vsel vm6, $0x2, v29  }
0x2e0: {  	vm7 =	vgt.f32 v14, v8;
	v4 =	vperm.xlane v7, v11;
	v1 =	vadd.s32 v62, v3  }
0x2e1: {  	v40 =	vld [tilespmem:s25+$0x50];
	vm0 =	vgt.f32 v30, v8;
	vm15 =	vgt.f32 v17, v8;
	v3 =	vperm.xlane v7, v1  }
0x2e2: {  	v63 =	vsel vm7, $0xB, v5;
	v34 =	vsel vm15, v10, v9;
	vm8 =	vgt.f32 v13, v4  }
0x2e3: {  	v21 =	vld [tilespmem:s25+$0x40];
	v4 =	vsel vm7, v10, v9;
	vm10 =	vgt.f32 v58, v3;
	v3 =	vsel vm9, v10, v9  }
0x2e4: {  	v35 =	vsel vm15, $0xB, v5;
	vm12 =	vgt.f32 v14, v4;
	vm11 =	vgt.f32 v61, v3  }
0x2e5: {  	v24 =	vsel vm10, $0x1, v33;
	v3 =	vsel vm9, $0xB, v5;
	v4 =	vsel vm11, $0x2, v29  }
0x2e6: {  	vm15 =	vgt.f32 v40, v8;
	v1 =	vadd.s32 v24, v1;
	v3 =	vadd.s32 v3, v4;
	v4 =	vld [tilespmem:s25+$0x30]  }
0x2e7: {  	vm4 =	vgt.f32 v17, v34;
	v19 =	vsel vm8, $0x1, v33;
	v18 =	vperm.xlane v7, v1  }
0x2e8: {  	v25 =	vsel vm12, $0x2, v29;
	vm9 =	vgt.f32 v21, v8;
	v26 =	vperm.xlane v7, v3  }
0x2e9: {  	v11 =	vadd.s32 v19, v11;
	v12 =	vadd.s32 v63, v25;
	vm13 =	vgt.f32 v58, v18  }
0x2ea: {  	v24 =	vsel vm0, v10, v9;
	v0 =	vsel vm13, $0x1, v36;
	vm14 =	vgt.f32 v61, v26  }
0x2eb: {  	v0 =	vor.u32 v0, v1;
	v32 =	vsel vm14, $0x1, v33;
	vm5 =	vgt.f32 v4, v8  }
0x2ec: {  	v1 =	vadd.s32 v32, v3;
	v3 =	vsel vm4, $0x2, v29;
	v18 =	vsel vm5, v10, v9  }
0x2ed: {  	v39 =	vsel vm9, v10, v9;
	v3 =	vadd.s32 v35, v3;
	vm6 =	vgt.f32 v4, v18  }
0x2ee: {  	v15 =	vperm.xlane v7, v3;
	v18 =	vsel vm5, $0xB, v5;
	v23 =	vsel vm6, $0x2, v29  }
0x2ef: {  	v42 =	vld [tilespmem:s25+$0x60];
	v55 =	vperm.xlane v7, v11;
	v22 =	vperm.xlane v7, v1;
	v18 =	vadd.s32 v18, v23  }
0x2f0: {  	v20 =	vperm.xlane v7, v12;
	vm8 =	vgt.f32 v17, v15;
	v37 =	vperm.xlane v7, v18  }
0x2f1: {  	vm11 =	vgt.f32 v21, v39;
	vm7 =	vgt.f32 v61, v22;
	v22 =	vsel vm8, $0x1, v33  }
0x2f2: {  	v25 =	vsel vm11, $0x2, v29;
	v3 =	vadd.s32 v22, v3;
	vm10 =	vgt.f32 v4, v37  }
0x2f3: {  	v0 =	vperm.xlane v6, v0;
	v22 =	vperm.xlane v7, v3;
	v23 =	vsel vm10, $0x1, v33  }
0x2f4: {  	vm5 =	vgt.f32 v42, v8;
	v18 =	vadd.s32 v23, v18;
	v23 =	vsel vm9, $0xB, v5  }
0x2f5: {  	vm12 =	vgt.f32 v17, v22;
	v17 =	vperm.xlane v7, v18;
	v22 =	vadd.s32 v23, v25  }
0x2f6: {  	v38 =	vsel vm7, $0x1, v36;
	v41 =	vsel vm12, $0x1, v36;
	v23 =	vperm.xlane v7, v22  }
0x2f7: {  	v1 =	vor.u32 v38, v1;
	v3 =	vor.u32 v41, v3;
	vm13 =	vgt.f32 v4, v17;
	v4 =	vld [tilespmem:s25+$0x70]  }
0x2f8: {  	v1 =	vperm.xlane v6, v1;
	v3 =	vperm.xlane v6, v3;
	vm14 =	vgt.f32 v21, v23  }
0x2f9: {  	v43 =	vsel vm13, $0x1, v36;
	v23 =	vsel vm15, v10, v9;
	v17 =	vsel vm14, $0x1, v33  }
0x2fa: {  	v15 =	vor.u32 v43, v18;
	vm4 =	vgt.f32 v40, v23;
	v18 =	vsel vm15, $0xB, v5  }
0x2fb: {  	v23 =	vsel vm5, $0xB, v5;
	v17 =	vadd.s32 v17, v22;
	v22 =	vsel vm4, $0x2, v29  }
0x2fc: {  	v18 =	vadd.s32 v18, v22;
	v22 =	vsel vm5, v10, v9;
	vm6 =	vgt.f32 v4, v8  }
0x2fd: {  	v15 =	vperm.xlane v6, v15;
	vm7 =	vgt.f32 v42, v22;
	v22 =	vsel vm6, v10, v9  }
0x2fe: {  	v26 =	vperm.xlane v7, v18;
	v27 =	vsel vm7, $0x2, v29;
	vm8 =	vgt.f32 v4, v22  }
0x2ff: {  	v22 =	vadd.s32 v23, v27;
	v23 =	vsel vm6, $0xB, v5;
	v27 =	vsel vm8, $0x2, v29  }
0x300: {  	v28 =	vperm.xlane v7, v17;
	v29 =	vperm.xlane v7, v22;
	v23 =	vadd.s32 v23, v27  }
0x301: {  	vm5 =	vgt.f32 v14, v20;
	vm9 =	vgt.f32 v40, v26;
	v44 =	vperm.xlane v7, v23  }
0x302: {  	vm10 =	vgt.f32 v21, v28;
	v21 =	vsel vm9, $0x1, v33;
	vm11 =	vgt.f32 v42, v29  }
0x303: {  	v18 =	vadd.s32 v21, v18;
	v21 =	vsel vm11, $0x1, v33;
	vm12 =	vgt.f32 v4, v44  }
0x304: {  	v45 =	vperm.xlane v7, v18;
	v21 =	vadd.s32 v21, v22;
	v22 =	vsel vm12, $0x1, v33  }
0x305: {  	v27 =	vsel vm10, $0x1, v36;
	v28 =	vperm.xlane v7, v21;
	v22 =	vadd.s32 v22, v23  }
0x306: {  	[tilespmem:s25+$0x0] =	vst v0;
	v46 =	vor.u32 v27, v17;
	vm13 =	vgt.f32 v40, v45;
	v47 =	vperm.xlane v7, v22  }
0x307: {  	[tilespmem:s25+$0x10] =	vst v1;
	v0 =	vperm.xlane v6, v46;
	v48 =	vsel vm13, $0x1, v36;
	vm14 =	vgt.f32 v42, v28  }
0x308: {  	[tilespmem:s25+$0x20] =	vst v3;
	v23 =	vld [tilespmem:s19+$0x30];
	v1 =	vor.u32 v48, v18;
	v3 =	vsel vm14, $0x1, v36;
	vm15 =	vgt.f32 v4, v47  }
0x309: {  	v20 =	vld [tilespmem:s19+$0x40];
	[tilespmem:s25+$0x30] =	vst v15;
	v1 =	vperm.xlane v6, v1;
	v49 =	vor.u32 v3, v21;
	v3 =	vsel vm15, $0x1, v36  }
0x30a: {  	v54 =	vsel vm5, $0x1, v33;
	[tilespmem:s25+$0x40] =	vst v0;
	v50 =	vperm.xlane v6, v49;
	v51 =	vor.u32 v3, v22  }
0x30b: {  	vm4 =	vgt.f32 v30, v24;
	v12 =	vadd.s32 v54, v12;
	[tilespmem:s25+$0x50] =	vst v1;
	v52 =	vperm.xlane v6, v51  }
0x30c: {  	v57 =	vperm.xlane v7, v12;
	v4 =	vsel vm4, $0x2, v16;
	v3 =	vsel vm0, $0xB, v5;
	[tilespmem:s25+$0x60] =	vst v50  }
0x30d: {  	s29 =	sadd.s32 s28, s21;
	vm9 =	vgt.f32 v13, v55;
	vm6 =	vgt.f32 v23, v8;
	v53 =	vadd.s32 v3, v4;
	[tilespmem:s25+$0x70] =	vst v52  }
0x30e: {  	vm15 =	vgt.f32 v20, v8;
	v56 =	vsel vm6, v10, v9;
	v3 =	vperm.xlane v7, v53;
	v4 =	vld [tilespmem:s29+$0x0]  }
0x30f: {  	vm10 =	vgt.f32 v14, v57;
	v34 =	vsel vm15, v10, v9;
	vm8 =	vgt.f32 v23, v56  }
0x310: {  	v17 =	vsel vm8, $0x2, v16;
	vm7 =	vgt.f32 v30, v3;
	v3 =	vsel vm6, $0xB, v5;
	v63 =	vld [tilespmem:s29+$0x10]  }
0x311: {  	vm4 =	vgt.f32 v20, v34;
	v58 =	vsel vm7, $0x1, v33;
	v59 =	vadd.s32 v3, v17  }
0x312: {  	v19 =	vsel vm4, $0x2, v16;
	v13 =	vadd.s32 v58, v53;
	v61 =	vperm.xlane v7, v59  }
0x313: {  	v3 =	vsel vm9, $0x1, v36;
	v60 =	vperm.xlane v7, v13;
	vm11 =	vgt.f32 v4, v8  }
0x314: {  	v38 =	vld [tilespmem:s29+$0x20];
	[tilespmem:$0x1FF90] =	vst v3;
	v3 =	vsel vm10, $0x1, v36;
	vm13 =	vgt.f32 v23, v61;
	v62 =	vsel vm11, v10, v9  }
0x315: {  	vm12 =	vgt.f32 v30, v60;
	vm5 =	vgt.f32 v63, v8;
	vm14 =	vgt.f32 v4, v62  }
0x316: {  	[tilespmem:$0x1FFA0] =	vst v3;
	v3 =	vsel vm12, $0x1, v36;
	v32 =	vsel vm11, $0xB, v5;
	v18 =	vsel vm14, $0x2, v16  }
0x317: {  	v37 =	vsel vm5, v10, v9;
	[tilespmem:$0x1FFB0] =	vst v3;
	v3 =	vsel vm13, $0x1, v33;
	v1 =	vadd.s32 v32, v18  }
0x318: {  	v41 =	vld [tilespmem:s29+$0x40];
	v14 =	vadd.s32 v3, v59;
	v18 =	vsel vm15, $0xB, v5;
	v35 =	vperm.xlane v7, v1  }
0x319: {  	vm12 =	vgt.f32 v38, v8;
	v3 =	vperm.xlane v7, v14;
	v19 =	vadd.s32 v18, v19  }
0x31a: {  	vm7 =	vgt.f32 v63, v37;
	v18 =	vperm.xlane v7, v19;
	vm6 =	vgt.f32 v4, v35  }
0x31b: {  	v22 =	vsel vm7, $0x2, v16;
	vm9 =	vgt.f32 v23, v3;
	v21 =	vsel vm6, $0x1, v33  }
0x31c: {  	vm8 =	vgt.f32 v20, v18;
	v1 =	vadd.s32 v21, v1;
	v21 =	vsel vm5, $0xB, v5  }
0x31d: {  	vm6 =	vgt.f32 v41, v8;
	v39 =	vperm.xlane v7, v1;
	v21 =	vadd.s32 v21, v22;
	v22 =	vld [tilespmem:s29+$0x30]  }
0x31e: {  	[tilespmem:$0x1FF80] =	vst v11;
	v11 =	vsel vm9, $0x1, v36;
	v3 =	vsel vm8, $0x1, v33;
	v46 =	vsel vm6, v10, v9  }
0x31f: {  	v47 =	vld [tilespmem:s29+$0x50];
	v19 =	vadd.s32 v3, v19;
	v23 =	vperm.xlane v7, v21;
	vm10 =	vgt.f32 v4, v39  }
0x320: {  	vm8 =	vgt.f32 v41, v46;
	v4 =	vsel vm12, v10, v9;
	v3 =	vsel vm10, $0x1, v36  }
0x321: {  	vm11 =	vgt.f32 v63, v23;
	vm13 =	vgt.f32 v38, v4;
	v4 =	vsel vm12, $0xB, v5  }
0x322: {  	v1 =	vor.u32 v3, v1;
	v3 =	vsel vm11, $0x1, v33;
	vm14 =	vgt.f32 v22, v8  }
0x323: {  	v23 =	vld [tilespmem:s19+$0x50];
	v3 =	vadd.s32 v3, v21;
	v21 =	vsel vm13, $0x2, v16;
	v40 =	vsel vm14, v10, v9  }
0x324: {  	vm12 =	vgt.f32 v47, v8;
	v4 =	vadd.s32 v4, v21;
	vm15 =	vgt.f32 v22, v40  }
0x325: {  	v50 =	vld [tilespmem:s29+$0x70];
	v43 =	vsel vm14, $0xB, v5;
	v21 =	vperm.xlane v7, v4;
	v27 =	vsel vm15, $0x2, v16  }
0x326: {  	v28 =	vsel vm8, $0x2, v16;
	v51 =	vsel vm12, $0xB, v5;
	v24 =	vadd.s32 v43, v27  }
0x327: {  	v42 =	vperm.xlane v7, v3;
	vm5 =	vgt.f32 v38, v21;
	v44 =	vperm.xlane v7, v24  }
0x328: {  	v1 =	vperm.xlane v6, v1;
	vm0 =	vgt.f32 v23, v8;
	v45 =	vsel vm5, $0x1, v33  }
0x329: {  	vm4 =	vgt.f32 v63, v42;
	v4 =	vadd.s32 v45, v4;
	vm7 =	vgt.f32 v22, v44  }
0x32a: {  	vm15 =	vgt.f32 v50, v8;
	v26 =	vperm.xlane v7, v4;
	v27 =	vsel vm7, $0x1, v33  }
0x32b: {  	v21 =	vsel vm4, $0x1, v36;
	v24 =	vadd.s32 v27, v24;
	v27 =	vsel vm6, $0xB, v5  }
0x32c: {  	v54 =	vsel vm15, v10, v9;
	vm9 =	vgt.f32 v38, v26;
	v49 =	vadd.s32 v27, v28;
	v28 =	vld [tilespmem:s29+$0x60]  }
0x32d: {  	v3 =	vor.u32 v21, v3;
	v48 =	vperm.xlane v7, v24;
	v21 =	vsel vm9, $0x1, v36  }
0x32e: {  	vm5 =	vgt.f32 v50, v54;
	v27 =	vperm.xlane v7, v49;
	v4 =	vor.u32 v21, v4  }
0x32f: {  	v3 =	vperm.xlane v6, v3;
	vm10 =	vgt.f32 v22, v48;
	v4 =	vperm.xlane v6, v4  }
0x330: {  	v21 =	vsel vm10, $0x1, v36;
	vm11 =	vgt.f32 v41, v27;
	v27 =	vsel vm12, v10, v9  }
0x331: {  	v22 =	vsel vm11, $0x1, v33;
	vm13 =	vgt.f32 v47, v27;
	vm14 =	vgt.f32 v28, v8  }
0x332: {  	v21 =	vor.u32 v21, v24;
	v52 =	vsel vm13, $0x2, v16;
	v53 =	vsel vm14, v10, v9  }
0x333: {  	v22 =	vadd.s32 v22, v49;
	v24 =	vadd.s32 v51, v52;
	vm4 =	vgt.f32 v28, v53  }
0x334: {  	v27 =	vsel vm14, $0xB, v5;
	v29 =	vperm.xlane v7, v24;
	v30 =	vsel vm4, $0x2, v16  }
0x335: {  	v55 =	vadd.s32 v27, v30;
	v27 =	vsel vm15, $0xB, v5;
	v30 =	vsel vm5, $0x2, v16  }
0x336: {  	v31 =	vperm.xlane v7, v22;
	v32 =	vperm.xlane v7, v55;
	v27 =	vadd.s32 v27, v30  }
0x337: {  	v21 =	vperm.xlane v6, v21;
	vm6 =	vgt.f32 v47, v29;
	v29 =	vperm.xlane v7, v27  }
0x338: {  	vm7 =	vgt.f32 v41, v31;
	v56 =	vsel vm6, $0x1, v33;
	vm8 =	vgt.f32 v28, v32  }
0x339: {  	v24 =	vadd.s32 v56, v24;
	v57 =	vsel vm8, $0x1, v33;
	vm9 =	vgt.f32 v50, v29  }
0x33a: {  	v29 =	vperm.xlane v7, v24;
	v25 =	vadd.s32 v57, v55;
	v58 =	vsel vm9, $0x1, v33  }
0x33b: {  	v30 =	vsel vm7, $0x1, v36;
	v31 =	vperm.xlane v7, v25;
	v26 =	vadd.s32 v58, v27  }
0x33c: {  	[tilespmem:s29+$0x0] =	vst v1;
	v59 =	vor.u32 v30, v22;
	vm10 =	vgt.f32 v47, v29;
	v27 =	vld [tilespmem:s19+$0x60];
	v60 =	vperm.xlane v7, v26  }
0x33d: {  	[tilespmem:s29+$0x10] =	vst v3;
	v1 =	vperm.xlane v6, v59;
	v3 =	vsel vm10, $0x1, v36;
	vm11 =	vgt.f32 v28, v31  }
0x33e: {  	[tilespmem:s29+$0x20] =	vst v4;
	v3 =	vor.u32 v3, v24;
	v4 =	vsel vm11, $0x1, v36;
	vm12 =	vgt.f32 v50, v60  }
0x33f: {  	[tilespmem:s29+$0x30] =	vst v21;
	v61 =	vperm.xlane v6, v3;
	v62 =	vor.u32 v4, v25;
	v3 =	vsel vm12, $0x1, v36  }
0x340: {  	v63 =	vld [tilespmem:s19+$0x70];
	[tilespmem:s29+$0x40] =	vst v1;
	v4 =	vsel vm0, v10, v9;
	v32 =	vperm.xlane v6, v62;
	v34 =	vor.u32 v3, v26  }
0x341: {  	v3 =	vperm.xlane v7, v19;
	[tilespmem:s29+$0x50] =	vst v61;
	vm14 =	vgt.f32 v27, v8;
	v35 =	vperm.xlane v6, v34  }
0x342: {  	v37 =	vsel vm0, $0xB, v5;
	vm13 =	vgt.f32 v23, v4;
	v39 =	vsel vm14, v10, v9;
	[tilespmem:s29+$0x60] =	vst v32  }
0x343: {  	s24 =	sadd.s32 s28, s20;
	v4 =	vsel vm13, $0x2, v16;
	vm15 =	vgt.f32 v20, v3;
	vm4 =	vgt.f32 v27, v39;
	[tilespmem:s29+$0x70] =	vst v35  }
0x344: {  	v38 =	vadd.s32 v37, v4;
	v3 =	vsel vm14, $0xB, v5;
	v4 =	vsel vm4, $0x2, v16;
	v41 =	vld [tilespmem:s24+$0x0]  }
0x345: {  	vm5 =	vgt.f32 v63, v8;
	v40 =	vperm.xlane v7, v38;
	v42 =	vadd.s32 v3, v4;
	v29 =	vld [tilespmem:s24+$0x10]  }
0x346: {  	[tilespmem:$0x1FFC0] =	vst v11;
	v43 =	vsel vm5, $0xB, v5;
	v3 =	vsel vm5, v10, v9;
	v11 =	vld [tilespmem:s24+$0x20];
	v22 =	vperm.xlane v7, v42  }
0x347: {  	v15 =	vsel vm15, $0x1, v36;
	vm6 =	vgt.f32 v23, v40;
	vm7 =	vgt.f32 v63, v3  }
0x348: {  	s30 =	sor.u32 $0x100, s23;
	v4 =	vsel vm6, $0x1, v33;
	v3 =	vsel vm7, $0x2, v16;
	vm8 =	vgt.f32 v27, v22  }
0x349: {  	s26 =	sor.u32 s30, s22;
	v17 =	vadd.s32 v4, v38;
	v1 =	vadd.s32 v43, v3;
	v3 =	vsel vm8, $0x1, v33  }
0x34a: {  	v52 =	vld [tilespmem:s26+$0x10];
	v4 =	vperm.xlane v7, v1;
	v45 =	vperm.xlane v7, v17;
	vm9 =	vgt.f32 v41, v8  }
0x34b: {  	v22 =	vadd.s32 v3, v42;
	vm15 =	vgt.f32 v29, v8;
	vm7 =	vgt.f32 v11, v8  }
0x34c: {  	v44 =	vsel vm9, v10, v9;
	vm11 =	vgt.f32 v63, v4;
	v46 =	vsel vm9, $0xB, v5  }
0x34d: {  	v4 =	vperm.xlane v7, v22;
	vm12 =	vgt.f32 v23, v45;
	v49 =	vsel vm15, $0xB, v5  }
0x34e: {  	v37 =	vld [tilespmem:s24+$0x30];
	v30 =	vsel vm7, v10, v9;
	vm10 =	vgt.f32 v41, v44;
	v47 =	vsel vm11, $0x1, v33  }
0x34f: {  	v20 =	vsel vm12, $0x1, v36;
	vm12 =	vgt.f32 v52, v8;
	v3 =	vsel vm10, $0x2, v16  }
0x350: {  	v23 =	vadd.s32 v47, v1;
	vm13 =	vgt.f32 v27, v4;
	vm10 =	vgt.f32 v11, v30  }
0x351: {  	v56 =	vsel vm12, v10, v9;
	v0 =	vadd.s32 v46, v3;
	v3 =	vld [tilespmem:s26+$0x0];
	v4 =	vperm.xlane v7, v23  }
0x352: {  	v18 =	vsel vm13, $0x1, v36;
	v30 =	vsel vm10, $0x2, v16;
	v48 =	vperm.xlane v7, v0  }
0x353: {  	vm4 =	vgt.f32 v63, v4;
	v4 =	vsel vm15, v10, v9;
	vm15 =	vgt.f32 v37, v8  }
0x354: {  	vm14 =	vgt.f32 v41, v48;
	v27 =	vsel vm4, $0x1, v36;
	vm5 =	vgt.f32 v29, v4  }
0x355: {  	v57 =	vld [tilespmem:s26+$0x20];
	v35 =	vsel vm15, $0xB, v5;
	v1 =	vsel vm14, $0x1, v33;
	v50 =	vsel vm5, $0x2, v16  }
0x356: {  	v24 =	vadd.s32 v1, v0;
	vm6 =	vgt.f32 v3, v8;
	v0 =	vadd.s32 v49, v50  }
0x357: {  	v59 =	vld [tilespmem:s26+$0x30];
	vm14 =	vgt.f32 v52, v56;
	v51 =	vsel vm6, v10, v9;
	v28 =	vperm.xlane v7, v0  }
0x358: {  	v58 =	vsel vm14, $0x2, v16;
	v4 =	vperm.xlane v7, v24;
	vm8 =	vgt.f32 v3, v51  }
0x359: {  	v31 =	vsel vm6, $0xB, v5;
	v53 =	vsel vm8, $0x2, v16;
	vm9 =	vgt.f32 v29, v28  }
0x35a: {  	v48 =	vld [tilespmem:s26+$0x70];
	v28 =	vsel vm7, $0xB, v5;
	vm0 =	vgt.f32 v41, v4;
	vm7 =	vgt.f32 v57, v8  }
0x35b: {  	v31 =	vadd.s32 v31, v53;
	v54 =	vsel vm9, $0x1, v33;
	v30 =	vadd.s32 v28, v30  }
0x35c: {  	v39 =	vld [tilespmem:s26+$0x40];
	vm9 =	vgt.f32 v59, v8;
	v32 =	vperm.xlane v7, v31;
	v4 =	vperm.xlane v7, v30  }
0x35d: {  	v28 =	vadd.s32 v54, v0;
	v60 =	vsel vm9, v10, v9;
	v61 =	vsel vm9, $0xB, v5  }
0x35e: {  	vm10 =	vgt.f32 v59, v60;
	vm11 =	vgt.f32 v3, v32;
	vm13 =	vgt.f32 v11, v4  }
0x35f: {  	v4 =	vsel vm12, $0xB, v5;
	v41 =	vsel vm10, $0x2, v16;
	vm10 =	vgt.f32 v48, v8  }
0x360: {  	v55 =	vsel vm11, $0x1, v33;
	v4 =	vadd.s32 v4, v58;
	v21 =	vsel vm13, $0x1, v33  }
0x361: {  	vm13 =	vgt.f32 v39, v8;
	v0 =	vadd.s32 v55, v31;
	v31 =	vsel vm15, v10, v9  }
0x362: {  	v25 =	vsel vm13, v10, v9;
	v44 =	vsel vm13, $0xB, v5;
	v55 =	vsel vm10, v10, v9  }
0x363: {  	v1 =	vld [tilespmem:s26+$0x50];
	v34 =	vperm.xlane v7, v0;
	vm4 =	vgt.f32 v37, v31;
	v31 =	vperm.xlane v7, v4  }
0x364: {  	v30 =	vadd.s32 v21, v30;
	vm15 =	vgt.f32 v39, v25;
	v38 =	vsel vm4, $0x2, v16  }
0x365: {  	v45 =	vsel vm15, $0x2, v16;
	vm5 =	vgt.f32 v3, v34;
	vm6 =	vgt.f32 v52, v31  }
0x366: {  	v31 =	vsel vm7, v10, v9;
	v38 =	vadd.s32 v35, v38;
	v34 =	vadd.s32 v61, v41  }
0x367: {  	v47 =	vadd.s32 v44, v45;
	v3 =	vsel vm5, $0x1, v36;
	vm8 =	vgt.f32 v57, v31  }
0x368: {  	v41 =	vld [tilespmem:s26+$0x60];
	v31 =	vsel vm7, $0xB, v5;
	v62 =	vperm.xlane v7, v34;
	vm7 =	vgt.f32 v1, v8  }
0x369: {  	v0 =	vor.u32 v3, v0;
	v3 =	vsel vm6, $0x1, v33;
	v50 =	vsel vm7, v10, v9  }
0x36a: {  	v51 =	vsel vm7, $0xB, v5;
	v3 =	vadd.s32 v3, v4;
	v4 =	vsel vm8, $0x2, v16  }
0x36b: {  	v0 =	vperm.xlane v6, v0;
	vm14 =	vgt.f32 v59, v62;
	vm8 =	vgt.f32 v1, v50  }
0x36c: {  	v40 =	vperm.xlane v7, v3;
	v4 =	vadd.s32 v31, v4;
	v26 =	vsel vm14, $0x1, v33  }
0x36d: {  	v31 =	vperm.xlane v7, v4;
	v34 =	vadd.s32 v26, v34;
	vm9 =	vgt.f32 v41, v8  }
0x36e: {  	vm11 =	vgt.f32 v52, v40;
	v46 =	vperm.xlane v7, v34;
	v40 =	vperm.xlane v7, v47  }
0x36f: {  	v52 =	vsel vm8, $0x2, v16;
	v53 =	vsel vm9, v10, v9;
	vm12 =	vgt.f32 v57, v31  }
0x370: {  	v54 =	vsel vm9, $0xB, v5;
	v31 =	vsel vm11, $0x1, v36;
	v63 =	vsel vm12, $0x1, v33  }
0x371: {  	vm11 =	vgt.f32 v41, v53;
	v3 =	vor.u32 v31, v3;
	v4 =	vadd.s32 v63, v4  }
0x372: {  	vm5 =	vgt.f32 v59, v46;
	vm6 =	vgt.f32 v39, v40;
	v35 =	vperm.xlane v7, v4  }
0x373: {  	v43 =	vsel vm11, $0x2, v16;
	vm12 =	vgt.f32 v48, v55;
	v3 =	vperm.xlane v6, v3  }
0x374: {  	v49 =	vsel vm6, $0x1, v33;
	v56 =	vadd.s32 v54, v43;
	vm4 =	vgt.f32 v57, v35  }
0x375: {  	v58 =	vsel vm12, $0x2, v16;
	v32 =	vadd.s32 v49, v47;
	v31 =	vsel vm4, $0x1, v36  }
0x376: {  	v45 =	vperm.xlane v7, v56;
	v4 =	vor.u32 v31, v4;
	v31 =	vsel vm5, $0x1, v36  }
0x377: {  	v44 =	vperm.xlane v7, v32;
	v31 =	vor.u32 v31, v34;
	v34 =	vadd.s32 v51, v52  }
0x378: {  	v47 =	vperm.xlane v7, v28;
	v57 =	vsel vm10, $0xB, v5;
	v42 =	vperm.xlane v7, v34  }
0x379: {  	vm15 =	vgt.f32 v41, v45;
	v40 =	vadd.s32 v57, v58;
	vm14 =	vgt.f32 v39, v44  }
0x37a: {  	v61 =	vsel vm15, $0x1, v33;
	v59 =	vperm.xlane v7, v40;
	vm13 =	vgt.f32 v1, v42  }
0x37b: {  	v39 =	vadd.s32 v61, v56;
	v44 =	vsel vm14, $0x1, v36;
	v60 =	vsel vm13, $0x1, v33  }
0x37c: {  	v4 =	vperm.xlane v6, v4;
	vm4 =	vgt.f32 v48, v59;
	v34 =	vadd.s32 v60, v34  }
0x37d: {  	v25 =	vperm.xlane v7, v39;
	v63 =	vsel vm4, $0x1, v33;
	v62 =	vperm.xlane v7, v34  }
0x37e: {  	[tilespmem:s26+$0x0] =	vst v0;
	v35 =	vld [tilespmem:s24+$0x40];
	v26 =	vor.u32 v44, v32;
	v31 =	vperm.xlane v6, v31;
	v40 =	vadd.s32 v63, v40  }
0x37f: {  	[tilespmem:s26+$0x10] =	vst v3;
	vm6 =	vgt.f32 v41, v25;
	v32 =	vperm.xlane v7, v40;
	vm5 =	vgt.f32 v1, v62  }
0x380: {  	v0 =	vperm.xlane v6, v26;
	[tilespmem:s26+$0x20] =	vst v4;
	v4 =	vsel vm6, $0x1, v36;
	v3 =	vsel vm5, $0x1, v36  }
0x381: {  	v43 =	vor.u32 v4, v39;
	vm7 =	vgt.f32 v48, v32;
	v3 =	vor.u32 v3, v34  }
0x382: {  	v21 =	vld [tilespmem:s24+$0x50];
	[tilespmem:s26+$0x30] =	vst v31;
	v44 =	vperm.xlane v6, v43;
	v42 =	vperm.xlane v6, v3;
	v3 =	vsel vm7, $0x1, v36  }
0x383: {  	v49 =	vperm.xlane v7, v30;
	vm8 =	vgt.f32 v35, v8;
	[tilespmem:s26+$0x40] =	vst v0;
	v45 =	vor.u32 v3, v40  }
0x384: {  	v4 =	vsel vm8, v10, v9;
	[tilespmem:s26+$0x60] =	vst v44;
	v3 =	vperm.xlane v7, v38;
	v46 =	vperm.xlane v6, v45  }
0x385: {  	vm11 =	vgt.f32 v29, v47;
	vm12 =	vgt.f32 v11, v49;
	vm9 =	vgt.f32 v35, v4;
	[tilespmem:s26+$0x50] =	vst v42  }
0x386: {  	s31 =	sor.u32 s30, s21;
	v48 =	vsel vm8, $0xB, v5;
	vm10 =	vgt.f32 v37, v3;
	v3 =	vsel vm9, $0x2, v16;
	[tilespmem:s26+$0x70] =	vst v46  }
0x387: {  	vm14 =	vgt.f32 v21, v8;
	v4 =	vsel vm10, $0x1, v33;
	v0 =	vadd.s32 v48, v3;
	v3 =	vld [tilespmem:s31+$0x0]  }
0x388: {  	v52 =	vsel vm14, v10, v9;
	v31 =	vadd.s32 v4, v38;
	v4 =	vperm.xlane v7, v0;
	v2 =	vld [tilespmem:s31+$0x10]  }
0x389: {  	v26 =	vsel vm12, $0x1, v36;
	v25 =	vsel vm11, $0x1, v36;
	vm4 =	vgt.f32 v21, v52;
	v1 =	vld [tilespmem:s31+$0x20]  }
0x38a: {  	v54 =	vsel vm4, $0x2, v16;
	v50 =	vperm.xlane v7, v31;
	vm13 =	vgt.f32 v35, v4  }
0x38b: {  	v32 =	vsel vm0, $0x1, v36;
	v4 =	vsel vm14, $0xB, v5;
	v51 =	vsel vm13, $0x1, v33  }
0x38c: {  	vm0 =	vgt.f32 v37, v50;
	v37 =	vadd.s32 v4, v54;
	v29 =	vadd.s32 v51, v0  }
0x38d: {  	v45 =	vld [tilespmem:s31+$0x40];
	vm15 =	vgt.f32 v3, v8;
	v38 =	vperm.xlane v7, v29;
	vm6 =	vgt.f32 v2, v8  }
0x38e: {  	v0 =	vld [tilespmem:s31+$0x30];
	vm8 =	vgt.f32 v1, v8;
	v53 =	vsel vm15, v10, v9;
	v55 =	vsel vm15, $0xB, v5  }
0x38f: {  	v57 =	vsel vm6, v10, v9;
	v58 =	vsel vm6, $0xB, v5;
	v60 =	vsel vm8, v10, v9  }
0x390: {  	v61 =	vsel vm8, $0xB, v5;
	vm5 =	vgt.f32 v3, v53;
	vm7 =	vgt.f32 v2, v57  }
0x391: {  	v43 =	vld [tilespmem:s31+$0x50];
	vm9 =	vgt.f32 v1, v60;
	v56 =	vsel vm5, $0x2, v16;
	v59 =	vsel vm7, $0x2, v16  }
0x392: {  	v62 =	vsel vm9, $0x2, v16;
	vm7 =	vgt.f32 v45, v8;
	v4 =	vadd.s32 v55, v56  }
0x393: {  	vm10 =	vgt.f32 v0, v8;
	v39 =	vadd.s32 v58, v59;
	v42 =	vadd.s32 v61, v62  }
0x394: {  	v60 =	vsel vm7, v10, v9;
	v61 =	vsel vm7, $0xB, v5;
	v40 =	vperm.xlane v7, v4  }
0x395: {  	v63 =	vsel vm10, v10, v9;
	v34 =	vsel vm10, $0xB, v5;
	v48 =	vperm.xlane v7, v39  }
0x396: {  	v44 =	vld [tilespmem:s31+$0x70];
	v51 =	vperm.xlane v7, v42;
	vm9 =	vgt.f32 v45, v60;
	vm10 =	vgt.f32 v43, v8  }
0x397: {  	vm12 =	vgt.f32 v0, v63;
	v47 =	vsel vm9, $0x2, v16;
	vm11 =	vgt.f32 v3, v40  }
0x398: {  	v49 =	vsel vm12, $0x2, v16;
	vm13 =	vgt.f32 v2, v48;
	vm14 =	vgt.f32 v1, v51  }
0x399: {  	v48 =	vsel vm10, $0xB, v5;
	v50 =	vsel vm11, $0x1, v33;
	v41 =	vadd.s32 v34, v49  }
0x39a: {  	v54 =	vsel vm13, $0x1, v33;
	v55 =	vsel vm14, $0x1, v33;
	v52 =	vperm.xlane v7, v41  }
0x39b: {  	vm14 =	vgt.f32 v44, v8;
	v4 =	vadd.s32 v50, v4;
	v39 =	vadd.s32 v54, v39  }
0x39c: {  	v42 =	vadd.s32 v55, v42;
	v53 =	vperm.xlane v7, v4;
	vm15 =	vgt.f32 v0, v52  }
0x39d: {  	v54 =	vsel vm14, $0xB, v5;
	v56 =	vperm.xlane v7, v39;
	v57 =	vsel vm15, $0x1, v33  }
0x39e: {  	vm4 =	vgt.f32 v3, v53;
	v3 =	vperm.xlane v7, v42;
	v53 =	vsel vm14, v10, v9  }
0x39f: {  	vm5 =	vgt.f32 v2, v56;
	v41 =	vadd.s32 v57, v41;
	vm15 =	vgt.f32 v44, v53  }
0x3a0: {  	v59 =	vperm.xlane v7, v41;
	vm6 =	vgt.f32 v1, v3;
	v3 =	vperm.xlane v7, v37  }
0x3a1: {  	v2 =	vld [tilespmem:s31+$0x60];
	v58 =	vsel vm4, $0x1, v36;
	v40 =	vsel vm5, $0x1, v36;
	v56 =	vsel vm15, $0x2, v16  }
0x3a2: {  	v1 =	vsel vm6, $0x1, v36;
	vm8 =	vgt.f32 v0, v59;
	vm1 =	vgt.f32 v21, v3  }
0x3a3: {  	v3 =	vor.u32 v58, v4;
	v4 =	vsel vm10, v10, v9;
	v1 =	vor.u32 v1, v42  }
0x3a4: {  	v0 =	vadd.s32 v61, v47;
	v42 =	vadd.s32 v54, v56;
	v46 =	vsel vm8, $0x1, v36  }
0x3a5: {  	v3 =	vperm.xlane v6, v3;
	vm11 =	vgt.f32 v43, v4;
	v4 =	vor.u32 v40, v39  }
0x3a6: {  	vm12 =	vgt.f32 v2, v8;
	v1 =	vperm.xlane v6, v1;
	v52 =	vperm.xlane v7, v0  }
0x3a7: {  	v59 =	vperm.xlane v7, v42;
	v62 =	vsel vm11, $0x2, v16;
	v4 =	vperm.xlane v6, v4  }
0x3a8: {  	v63 =	vsel vm12, v10, v9;
	v34 =	vsel vm12, $0xB, v5;
	v41 =	vor.u32 v46, v41  }
0x3a9: {  	vm13 =	vgt.f32 v2, v63;
	v39 =	vadd.s32 v48, v62;
	vm4 =	vgt.f32 v45, v52  }
0x3aa: {  	vm7 =	vgt.f32 v44, v59;
	v41 =	vperm.xlane v6, v41;
	v40 =	vsel vm13, $0x2, v16  }
0x3ab: {  	v55 =	vperm.xlane v7, v39;
	v58 =	vsel vm4, $0x1, v33;
	v47 =	vsel vm7, $0x1, v33  }
0x3ac: {  	v63 =	vld [tilespmem:s24+$0x60];
	v40 =	vadd.s32 v34, v40;
	v0 =	vadd.s32 v58, v0;
	v42 =	vadd.s32 v47, v42  }
0x3ad: {  	v57 =	vperm.xlane v7, v40;
	vm5 =	vgt.f32 v43, v55;
	v61 =	vperm.xlane v7, v0  }
0x3ae: {  	[tilespmem:s31+$0x0] =	vst v3;
	vm4 =	vgt.f32 v35, v38;
	v3 =	vperm.xlane v7, v42;
	v60 =	vsel vm5, $0x1, v33  }
0x3af: {  	vm6 =	vgt.f32 v2, v57;
	v39 =	vadd.s32 v60, v39;
	vm8 =	vgt.f32 v45, v61  }
0x3b0: {  	vm11 =	vgt.f32 v44, v3;
	v49 =	vsel vm6, $0x1, v33;
	v62 =	vperm.xlane v7, v39  }
0x3b1: {  	vm12 =	vgt.f32 v63, v8;
	v46 =	vsel vm8, $0x1, v36;
	v40 =	vadd.s32 v49, v40  }
0x3b2: {  	v0 =	vor.u32 v46, v0;
	v49 =	vperm.xlane v7, v40;
	vm9 =	vgt.f32 v43, v62  }
0x3b3: {  	[tilespmem:s31+$0x10] =	vst v4;
	v3 =	vsel vm11, $0x1, v36;
	v43 =	vld [tilespmem:s24+$0x70];
	v0 =	vperm.xlane v6, v0;
	v4 =	vsel vm9, $0x1, v36  }
0x3b4: {  	[tilespmem:s31+$0x20] =	vst v1;
	vm10 =	vgt.f32 v2, v49;
	v46 =	vor.u32 v4, v39;
	v49 =	vor.u32 v3, v42  }
0x3b5: {  	[tilespmem:s31+$0x30] =	vst v41;
	v4 =	vsel vm12, v10, v9;
	v2 =	vsel vm10, $0x1, v36;
	v1 =	vperm.xlane v6, v46  }
0x3b6: {  	[tilespmem:s31+$0x40] =	vst v0;
	v50 =	vperm.xlane v6, v49;
	vm13 =	vgt.f32 v63, v4;
	v2 =	vor.u32 v2, v40  }
0x3b7: {  	s23 =	sor.u32 $0x180, s23;
	v51 =	vsel vm12, $0xB, v5;
	v52 =	vsel vm13, $0x2, v16;
	v47 =	vperm.xlane v6, v2;
	[tilespmem:s31+$0x50] =	vst v1  }
0x3b8: {  	s22 =	sadd.s32 s23, s22;
	v3 =	vsel vm1, $0x1, v33;
	vm14 =	vgt.f32 v43, v8;
	[tilespmem:s31+$0x70] =	vst v50;
	v0 =	vadd.s32 v51, v52  }
0x3b9: {  	s25 =	sor.u32 s30, s20;
	v37 =	vadd.s32 v3, v37;
	v49 =	vld [tilespmem:s22+$0x10];
	v53 =	vsel vm14, v10, v9;
	v54 =	vperm.xlane v7, v0;
	[tilespmem:s31+$0x60] =	vst v47  }
0x3ba: {  	v41 =	vsel vm4, $0x1, v36;
	v3 =	vperm.xlane v7, v37;
	vm15 =	vgt.f32 v43, v53;
	v45 =	vld [tilespmem:s25+$0x0]  }
0x3bb: {  	v55 =	vsel vm14, $0xB, v5;
	v4 =	vsel vm15, $0x2, v16;
	vm6 =	vgt.f32 v63, v54;
	v46 =	vld [tilespmem:s25+$0x10]  }
0x3bc: {  	vm5 =	vgt.f32 v21, v3;
	v47 =	vld [tilespmem:s25+$0x20];
	v2 =	vadd.s32 v55, v4;
	v3 =	vsel vm6, $0x1, v33  }
0x3bd: {  	v42 =	vsel vm0, $0x1, v36;
	v4 =	vld [tilespmem:s22+$0x0];
	v56 =	vperm.xlane v7, v2;
	v35 =	vadd.s32 v3, v0  }
0x3be: {  	v21 =	vimm.s32 $0x3;
	vm15 =	vgt.f32 v49, v8;
	v0 =	vperm.xlane v7, v35  }
0x3bf: {  	v40 =	vsel vm5, $0x1, v36;
	vm7 =	vgt.f32 v43, v56;
	v56 =	vsel vm15, v10, v9  }
0x3c0: {  	vm8 =	vgt.f32 v45, v8;
	v1 =	vsel vm7, $0x1, v33;
	vm11 =	vgt.f32 v63, v0  }
0x3c1: {  	vm14 =	vgt.f32 v46, v8;
	vm6 =	vgt.f32 v49, v56;
	vm0 =	vgt.f32 v47, v8  }
0x3c2: {  	v53 =	vld [tilespmem:s22+$0x30];
	v3 =	vsel vm8, v10, v9;
	vm10 =	vgt.f32 v4, v8;
	v34 =	vadd.s32 v1, v2  }
0x3c3: {  	v38 =	vsel vm11, $0x1, v36;
	vm9 =	vgt.f32 v45, v3;
	v58 =	vsel vm10, v10, v9  }
0x3c4: {  	v3 =	vsel vm8, $0xB, v5;
	v57 =	vsel vm9, $0x2, v16;
	vm12 =	vgt.f32 v4, v58  }
0x3c5: {  	v60 =	vsel vm10, $0xB, v5;
	v0 =	vadd.s32 v3, v57;
	v3 =	vsel vm12, $0x2, v16  }
0x3c6: {  	v62 =	vsel vm14, v10, v9;
	v63 =	vsel vm14, $0xB, v5;
	v2 =	vadd.s32 v60, v3  }
0x3c7: {  	v50 =	vsel vm6, $0x2, v16;
	vm11 =	vgt.f32 v53, v8;
	v61 =	vperm.xlane v7, v2  }
0x3c8: {  	v1 =	vld [tilespmem:s22+$0x20];
	v56 =	vsel vm0, v10, v9;
	v44 =	vperm.xlane v7, v34;
	vm5 =	vgt.f32 v46, v62  }
0x3c9: {  	v62 =	vsel vm11, v10, v9;
	v58 =	vsel vm15, $0xB, v5;
	vm4 =	vgt.f32 v4, v61  }
0x3ca: {  	v51 =	vsel vm5, $0x2, v16;
	v50 =	vadd.s32 v58, v50;
	v57 =	vsel vm4, $0x1, v33  }
0x3cb: {  	v48 =	vadd.s32 v63, v51;
	v59 =	vperm.xlane v7, v0;
	v2 =	vadd.s32 v57, v2  }
0x3cc: {  	vm12 =	vgt.f32 v53, v62;
	v63 =	vsel vm11, $0xB, v5;
	v52 =	vperm.xlane v7, v2  }
0x3cd: {  	v55 =	vsel vm12, $0x2, v16;
	vm9 =	vgt.f32 v1, v8;
	vm13 =	vgt.f32 v45, v59  }
0x3ce: {  	v59 =	vperm.xlane v7, v50;
	v3 =	vsel vm13, $0x1, v33;
	vm7 =	vgt.f32 v4, v52  }
0x3cf: {  	v51 =	vadd.s32 v63, v55;
	v39 =	vadd.s32 v3, v0;
	v4 =	vsel vm7, $0x1, v36  }
0x3d0: {  	vm8 =	vgt.f32 v49, v59;
	v52 =	vld [tilespmem:s22+$0x40];
	v0 =	vor.u32 v4, v2;
	v4 =	vsel vm9, v10, v9  }
0x3d1: {  	v58 =	vperm.xlane v7, v51;
	v60 =	vsel vm8, $0x1, v33;
	vm10 =	vgt.f32 v1, v4  }
0x3d2: {  	v2 =	vadd.s32 v60, v50;
	v4 =	vsel vm9, $0xB, v5;
	v61 =	vsel vm10, $0x2, v16  }
0x3d3: {  	v3 =	vperm.xlane v7, v48;
	v54 =	vperm.xlane v7, v2;
	v4 =	vadd.s32 v4, v61  }
0x3d4: {  	vm4 =	vgt.f32 v53, v58;
	v0 =	vperm.xlane v6, v0;
	v50 =	vperm.xlane v7, v4  }
0x3d5: {  	vm13 =	vgt.f32 v49, v54;
	vm15 =	vgt.f32 v52, v8;
	v61 =	vsel vm4, $0x1, v33;
	v49 =	vld [tilespmem:s22+$0x50]  }
0x3d6: {  	v60 =	vsel vm15, v10, v9;
	v51 =	vadd.s32 v61, v51;
	vm14 =	vgt.f32 v1, v50  }
0x3d7: {  	v62 =	vsel vm15, $0xB, v5;
	v63 =	vperm.xlane v7, v51;
	v59 =	vsel vm14, $0x1, v33  }
0x3d8: {  	vm5 =	vgt.f32 v52, v60;
	v50 =	vsel vm13, $0x1, v36;
	v4 =	vadd.s32 v59, v4  }
0x3d9: {  	v57 =	vsel vm5, $0x2, v16;
	vm7 =	vgt.f32 v53, v63;
	v54 =	vperm.xlane v7, v4  }
0x3da: {  	v2 =	vor.u32 v50, v2;
	v61 =	vsel vm7, $0x1, v36;
	vm9 =	vgt.f32 v49, v8  }
0x3db: {  	v63 =	vsel vm9, v10, v9;
	vm6 =	vgt.f32 v1, v54;
	v54 =	vadd.s32 v62, v57;
	v57 =	vld [tilespmem:s22+$0x60]  }
0x3dc: {  	v2 =	vperm.xlane v6, v2;
	v50 =	vor.u32 v61, v51;
	vm10 =	vgt.f32 v49, v63;
	v1 =	vld [tilespmem:s22+$0x70]  }
0x3dd: {  	v58 =	vsel vm9, $0xB, v5;
	v50 =	vperm.xlane v6, v50;
	v59 =	vsel vm10, $0x2, v16  }
0x3de: {  	v60 =	vsel vm6, $0x1, v36;
	v55 =	vperm.xlane v7, v54;
	v53 =	vadd.s32 v58, v59  }
0x3df: {  	vm10 =	vgt.f32 v47, v56;
	v4 =	vor.u32 v60, v4;
	v58 =	vperm.xlane v7, v53  }
0x3e0: {  	vm8 =	vgt.f32 v52, v55;
	v4 =	vperm.xlane v6, v4;
	vm11 =	vgt.f32 v57, v8  }
0x3e1: {  	v62 =	vsel vm8, $0x1, v33;
	vm12 =	vgt.f32 v1, v8;
	v60 =	vsel vm11, v10, v9  }
0x3e2: {  	v51 =	vadd.s32 v62, v54;
	v62 =	vsel vm12, v10, v9;
	vm13 =	vgt.f32 v57, v60  }
0x3e3: {  	v61 =	vsel vm11, $0xB, v5;
	vm14 =	vgt.f32 v1, v62;
	v59 =	vsel vm13, $0x2, v16  }
0x3e4: {  	v55 =	vsel vm12, $0xB, v5;
	v54 =	vadd.s32 v61, v59;
	v59 =	vsel vm14, $0x2, v16  }
0x3e5: {  	v60 =	vperm.xlane v7, v51;
	v61 =	vperm.xlane v7, v54;
	v55 =	vadd.s32 v55, v59  }
0x3e6: {  	vm15 =	vgt.f32 v49, v58;
	vm11 =	vgt.f32 v46, v3;
	v63 =	vperm.xlane v7, v55  }
0x3e7: {  	vm4 =	vgt.f32 v52, v60;
	v60 =	vsel vm15, $0x1, v33;
	vm5 =	vgt.f32 v57, v61  }
0x3e8: {  	v52 =	vadd.s32 v60, v53;
	v62 =	vsel vm5, $0x1, v33;
	vm6 =	vgt.f32 v1, v63  }
0x3e9: {  	v58 =	vperm.xlane v7, v52;
	v53 =	vadd.s32 v62, v54;
	v54 =	vsel vm6, $0x1, v33  }
0x3ea: {  	[tilespmem:s22+$0x0] =	vst v0;
	v59 =	vsel vm4, $0x1, v36;
	v60 =	vperm.xlane v7, v53;
	v54 =	vadd.s32 v54, v55  }
0x3eb: {  	[tilespmem:s22+$0x10] =	vst v2;
	v63 =	vor.u32 v59, v51;
	vm7 =	vgt.f32 v49, v58;
	v55 =	vperm.xlane v7, v54  }
0x3ec: {  	[tilespmem:s22+$0x30] =	vst v50;
	v50 =	vld [tilespmem:s25+$0x40];
	v0 =	vperm.xlane v6, v63;
	v58 =	vsel vm7, $0x1, v36;
	vm8 =	vgt.f32 v57, v60  }
0x3ed: {  	[tilespmem:s22+$0x20] =	vst v4;
	v49 =	vld [tilespmem:s25+$0x30];
	v2 =	vor.u32 v58, v52;
	v4 =	vsel vm8, $0x1, v36;
	vm9 =	vgt.f32 v1, v55  }
0x3ee: {  	v59 =	vperm.xlane v6, v2;
	v60 =	vor.u32 v4, v53;
	v4 =	vsel vm9, $0x1, v36  }
0x3ef: {  	vm12 =	vgt.f32 v43, v44;
	[tilespmem:s22+$0x40] =	vst v0;
	v61 =	vperm.xlane v6, v60;
	v62 =	vor.u32 v4, v54  }
0x3f0: {  	v63 =	vsel vm10, $0x2, v16;
	[tilespmem:s22+$0x50] =	vst v59;
	v4 =	vsel vm0, $0xB, v5;
	v51 =	vperm.xlane v6, v62  }
0x3f1: {  	vm6 =	vgt.f32 v50, v8;
	v52 =	vperm.xlane v7, v39;
	v3 =	vadd.s32 v4, v63;
	[tilespmem:s22+$0x60] =	vst v61  }
0x3f2: {  	s21 =	sadd.s32 s23, s21;
	vm15 =	vgt.f32 v49, v8;
	v53 =	vsel vm11, $0x1, v33;
	v54 =	vperm.xlane v7, v3;
	[tilespmem:s22+$0x70] =	vst v51  }
0x3f3: {  	vm13 =	vgt.f32 v45, v52;
	v43 =	vadd.s32 v53, v48;
	v4 =	vsel vm15, v10, v9;
	v0 =	vld [tilespmem:s21+$0x0]  }
0x3f4: {  	v52 =	vld [tilespmem:s25+$0x50];
	v55 =	vperm.xlane v7, v43;
	vm5 =	vgt.f32 v49, v4;
	vm14 =	vgt.f32 v47, v54  }
0x3f5: {  	v56 =	vsel vm15, $0xB, v5;
	v57 =	vsel vm5, $0x2, v16;
	v1 =	vsel vm14, $0x1, v33  }
0x3f6: {  	vm4 =	vgt.f32 v46, v55;
	v46 =	vadd.s32 v1, v3;
	v1 =	vadd.s32 v56, v57  }
0x3f7: {  	v44 =	vsel vm12, $0x1, v36;
	v58 =	vsel vm6, v10, v9;
	v4 =	vperm.xlane v7, v1  }
0x3f8: {  	v45 =	vsel vm13, $0x1, v36;
	vm8 =	vgt.f32 v50, v58;
	vm7 =	vgt.f32 v0, v8  }
0x3f9: {  	vm13 =	vgt.f32 v52, v8;
	vm10 =	vgt.f32 v49, v4;
	v4 =	vld [tilespmem:s21+$0x10];
	v59 =	vsel vm7, v10, v9  }
0x3fa: {  	v60 =	vsel vm8, $0x2, v16;
	v55 =	vsel vm13, v10, v9;
	vm9 =	vgt.f32 v0, v59  }
0x3fb: {  	v3 =	vsel vm6, $0xB, v5;
	v61 =	vsel vm7, $0xB, v5;
	v62 =	vsel vm9, $0x2, v16  }
0x3fc: {  	v2 =	vperm.xlane v7, v46;
	v51 =	vadd.s32 v3, v60;
	v3 =	vadd.s32 v61, v62  }
0x3fd: {  	v60 =	vperm.xlane v7, v51;
	v63 =	vsel vm10, $0x1, v33;
	v61 =	vperm.xlane v7, v3  }
0x3fe: {  	vm0 =	vgt.f32 v47, v2;
	v47 =	vadd.s32 v63, v1;
	v1 =	vld [tilespmem:s21+$0x20];
	vm14 =	vgt.f32 v4, v8  }
0x3ff: {  	vm11 =	vgt.f32 v50, v60;
	v60 =	vsel vm14, v10, v9;
	vm12 =	vgt.f32 v0, v61  }
0x400: {  	v48 =	vsel vm4, $0x1, v36;
	vm15 =	vgt.f32 v4, v60;
	v62 =	vsel vm12, $0x1, v33  }
0x401: {  	v61 =	vsel vm14, $0xB, v5;
	v2 =	vadd.s32 v62, v3;
	v3 =	vld [tilespmem:s21+$0x30];
	v62 =	vsel vm15, $0x2, v16  }
0x402: {  	v56 =	vsel vm13, $0xB, v5;
	v63 =	vperm.xlane v7, v2;
	v58 =	vadd.s32 v61, v62  }
0x403: {  	v53 =	vsel vm11, $0x1, v33;
	vm4 =	vgt.f32 v1, v8;
	v60 =	vperm.xlane v7, v58  }
0x404: {  	v61 =	vld [tilespmem:s21+$0x40];
	vm5 =	vgt.f32 v0, v63;
	v63 =	vsel vm4, v10, v9;
	v0 =	vsel vm4, $0xB, v5  }
0x405: {  	v57 =	vsel vm5, $0x1, v36;
	vm6 =	vgt.f32 v1, v63;
	vm9 =	vgt.f32 v4, v60  }
0x406: {  	v59 =	vsel vm6, $0x2, v16;
	vm7 =	vgt.f32 v3, v8;
	v11 =	vor.u32 v57, v2  }
0x407: {  	v62 =	vsel vm9, $0x1, v33;
	v0 =	vadd.s32 v0, v59;
	v59 =	vsel vm7, v10, v9  }
0x408: {  	v58 =	vadd.s32 v62, v58;
	v57 =	vperm.xlane v7, v0;
	vm8 =	vgt.f32 v3, v59  }
0x409: {  	vm11 =	vgt.f32 v61, v8;
	v59 =	vsel vm7, $0xB, v5;
	v2 =	vsel vm8, $0x2, v16  }
0x40a: {  	v62 =	vperm.xlane v7, v58;
	vm10 =	vgt.f32 v1, v57;
	v57 =	vadd.s32 v59, v2  }
0x40b: {  	v11 =	vperm.xlane v6, v11;
	v2 =	vsel vm10, $0x1, v33;
	v60 =	vperm.xlane v7, v57  }
0x40c: {  	vm14 =	vgt.f32 v4, v62;
	v62 =	vld [tilespmem:s21+$0x60];
	v0 =	vadd.s32 v2, v0;
	v2 =	vsel vm11, v10, v9  }
0x40d: {  	v59 =	vperm.xlane v7, v0;
	vm12 =	vgt.f32 v3, v60;
	vm13 =	vgt.f32 v61, v2  }
0x40e: {  	v60 =	vsel vm11, $0xB, v5;
	v2 =	vld [tilespmem:s21+$0x50];
	v63 =	vsel vm12, $0x1, v33;
	vm12 =	vgt.f32 v52, v55  }
0x40f: {  	v4 =	vadd.s32 v63, v57;
	v57 =	vsel vm13, $0x2, v16;
	vm15 =	vgt.f32 v1, v59  }
0x410: {  	v59 =	vsel vm14, $0x1, v36;
	v1 =	vperm.xlane v7, v4;
	v57 =	vadd.s32 v60, v57  }
0x411: {  	vm7 =	vgt.f32 v62, v8;
	v60 =	vsel vm15, $0x1, v36;
	v63 =	vperm.xlane v7, v57  }
0x412: {  	v58 =	vor.u32 v59, v58;
	v0 =	vor.u32 v60, v0;
	vm4 =	vgt.f32 v3, v1;
	v1 =	vld [tilespmem:s21+$0x70]  }
0x413: {  	vm6 =	vgt.f32 v2, v8;
	v3 =	vsel vm4, $0x1, v36;
	vm5 =	vgt.f32 v61, v63  }
0x414: {  	v60 =	vsel vm6, v10, v9;
	v63 =	vsel vm6, $0xB, v5;
	v59 =	vsel vm5, $0x1, v33  }
0x415: {  	vm8 =	vgt.f32 v2, v60;
	v60 =	vsel vm7, v10, v9;
	v3 =	vor.u32 v3, v4  }
0x416: {  	v4 =	vsel vm8, $0x2, v16;
	vm9 =	vgt.f32 v62, v60;
	v60 =	vsel vm7, $0xB, v5  }
0x417: {  	v5 =	vsel vm9, $0x2, v16;
	v4 =	vadd.s32 v63, v4;
	vm10 =	vgt.f32 v1, v8  }
0x418: {  	v5 =	vadd.s32 v60, v5;
	v63 =	vperm.xlane v7, v4;
	v60 =	vsel vm10, v10, v9  }
0x419: {  	v58 =	vperm.xlane v6, v58;
	v57 =	vadd.s32 v59, v57;
	vm11 =	vgt.f32 v1, v60  }
0x41a: {  	v60 =	vsel vm10, $0xB, v21;
	vm13 =	vgt.f32 v2, v63;
	v55 =	vsel vm11, $0x2, v16  }
0x41b: {  	v59 =	vsel vm13, $0x1, v33;
	v55 =	vadd.s32 v60, v55;
	v60 =	vperm.xlane v7, v5  }
0x41c: {  	v4 =	vadd.s32 v59, v4;
	v59 =	vperm.xlane v7, v57;
	v63 =	vperm.xlane v7, v55  }
0x41d: {  	v0 =	vperm.xlane v6, v0;
	v3 =	vperm.xlane v6, v3;
	vm14 =	vgt.f32 v62, v60  }
0x41e: {  	vm4 =	vgt.f32 v61, v59;
	v60 =	vsel vm14, $0x1, v33;
	vm15 =	vgt.f32 v1, v63  }
0x41f: {  	v59 =	vperm.xlane v7, v4;
	v63 =	vsel vm15, $0x1, v33;
	v5 =	vadd.s32 v60, v5  }
0x420: {  	v61 =	vsel vm4, $0x1, v36;
	v60 =	vld [tilespmem:s25+$0x60];
	v55 =	vadd.s32 v63, v55;
	v63 =	vperm.xlane v7, v5  }
0x421: {  	[tilespmem:s21+$0x0] =	vst v11;
	v11 =	vor.u32 v61, v57;
	vm5 =	vgt.f32 v2, v59;
	v2 =	vperm.xlane v7, v55  }
0x422: {  	[tilespmem:s21+$0x10] =	vst v58;
	v11 =	vperm.xlane v6, v11;
	v61 =	vsel vm5, $0x1, v36;
	vm6 =	vgt.f32 v62, v63  }
0x423: {  	[tilespmem:s21+$0x20] =	vst v0;
	v57 =	vor.u32 v61, v4;
	v4 =	vsel vm6, $0x1, v36;
	vm7 =	vgt.f32 v1, v2  }
0x424: {  	[tilespmem:s21+$0x30] =	vst v3;
	v0 =	vperm.xlane v6, v57;
	v58 =	vor.u32 v4, v5;
	v2 =	vsel vm7, $0x1, v36  }
0x425: {  	[tilespmem:s21+$0x40] =	vst v11;
	vm8 =	vgt.f32 v60, v8;
	v1 =	vperm.xlane v6, v58;
	v2 =	vor.u32 v2, v55  }
0x426: {  	v3 =	vsel vm12, $0x2, v16;
	[tilespmem:s21+$0x50] =	vst v0;
	v4 =	vsel vm8, v10, v9;
	v59 =	vperm.xlane v6, v2  }
0x427: {  	v61 =	vadd.s32 v56, v3;
	v3 =	vld [tilespmem:s25+$0x70];
	vm9 =	vgt.f32 v60, v4;
	[tilespmem:s21+$0x60] =	vst v1  }
0x428: {  	s20 =	sadd.s32 s23, s20;
	v62 =	vperm.xlane v7, v61;
	v4 =	vsel vm8, $0xB, v21;
	v5 =	vsel vm9, $0x2, v16;
	[tilespmem:s21+$0x70] =	vst v59  }
0x429: {  	v54 =	vperm.xlane v7, v47;
	v51 =	vadd.s32 v53, v51;
	v4 =	vadd.s32 v4, v5;
	v5 =	vld [tilespmem:s20+$0x0]  }
0x42a: {  	v63 =	vperm.xlane v7, v51;
	vm11 =	vgt.f32 v52, v62  }
0x42b: {  	vm10 =	vgt.f32 v49, v54;
	v58 =	vsel vm11, $0x1, v33;
	v57 =	vperm.xlane v7, v4  }
0x42c: {  	vm12 =	vgt.f32 v50, v63;
	v49 =	vadd.s32 v58, v61;
	vm14 =	vgt.f32 v3, v8  }
0x42d: {  	v61 =	vsel vm14, $0xB, v21;
	v59 =	vsel vm14, v10, v9;
	vm13 =	vgt.f32 v60, v57  }
0x42e: {  	vm15 =	vgt.f32 v3, v59;
	v1 =	vsel vm13, $0x1, v33;
	vm4 =	vgt.f32 v5, v8  }
0x42f: {  	v62 =	vsel vm15, $0x2, v16;
	v50 =	vadd.s32 v1, v4;
	v4 =	vsel vm4, v10, v9  }
0x430: {  	v0 =	vperm.xlane v7, v49;
	v1 =	vadd.s32 v61, v62;
	vm5 =	vgt.f32 v5, v4  }
0x431: {  	v63 =	vsel vm4, $0xB, v21;
	v4 =	vperm.xlane v7, v1;
	v61 =	vsel vm5, $0x2, v16  }
0x432: {  	vm6 =	vgt.f32 v52, v0;
	v0 =	vadd.s32 v63, v61  }
0x433: {  	vm8 =	vgt.f32 v3, v4;
	v4 =	vperm.xlane v7, v0;
	_ =	sdelay $0x1  }
0x434: {  	vm9 =	vgt.f32 v5, v4  }
0x435: {  	v4 =	vsel vm9, $0x1, v33  }
0x436: {  	v55 =	vadd.s32 v4, v0  }
0x437: {  	v61 =	vperm.xlane v7, v55;
	_ =	sdelay $0x1  }
0x438: {  	vm5 =	vgt.f32 v5, v61;
	v5 =	vld [tilespmem:$0x1FF80]  }
0x439: {  	v61 =	vld [tilespmem:$0x1FF90];
	_ =	sdelay $0x2  }
0x43a: {  	v2 =	vld [tilespmem:s20+$0x10]  }
0x43b: {  	v59 =	vld [tilespmem:s20+$0x20]  }
0x43c: {  	v15 =	vor.u32 v15, v19;
	v11 =	vperm.xlane v7, v50;
	v5 =	vor.u32 v61, v5;
	v61 =	vld [tilespmem:$0x1FFA0]  }
0x43d: {  	v15 =	vperm.xlane v6, v15;
	v19 =	vor.u32 v27, v23;
	v32 =	vor.u32 v32, v24  }
0x43e: {  	v44 =	vor.u32 v44, v34;
	v54 =	vsel vm10, $0x1, v36;
	vm7 =	vgt.f32 v60, v11;
	v60 =	vld [tilespmem:s20+$0x30]  }
0x43f: {  	v48 =	vor.u32 v48, v43;
	v53 =	vsel vm0, $0x1, v36;
	v54 =	vor.u32 v54, v47  }
0x440: {  	v56 =	vsel vm12, $0x1, v36;
	v58 =	vsel vm6, $0x1, v36;
	vm10 =	vgt.f32 v2, v8  }
0x441: {  	vm12 =	vgt.f32 v59, v8;
	v11 =	vsel vm8, $0x1, v33;
	v12 =	vor.u32 v61, v12;
	v61 =	vld [tilespmem:$0x1FFB0]  }
0x442: {  	v57 =	vsel vm7, $0x1, v36;
	v52 =	vadd.s32 v11, v1;
	v11 =	vsel vm10, v10, v9  }
0x443: {  	v1 =	vperm.xlane v7, v52;
	vm11 =	vgt.f32 v2, v11;
	vm14 =	vgt.f32 v60, v8  }
0x444: {  	v11 =	vsel vm10, $0xB, v21;
	v63 =	vsel vm14, v10, v9;
	v0 =	vsel vm11, $0x2, v16  }
0x445: {  	v4 =	vsel vm12, v10, v9;
	v0 =	vadd.s32 v11, v0;
	v11 =	vor.u32 v18, v22;
	v18 =	vld [tilespmem:s20+$0x40]  }
0x446: {  	vm15 =	vgt.f32 v3, v1;
	vm4 =	vgt.f32 v60, v63;
	v13 =	vor.u32 v61, v13;
	v61 =	vld [tilespmem:$0x1FFC0]  }
0x447: {  	v1 =	vsel vm14, $0xB, v21;
	vm13 =	vgt.f32 v59, v4;
	v3 =	vsel vm4, $0x2, v16  }
0x448: {  	v4 =	vsel vm12, $0xB, v21;
	v1 =	vadd.s32 v1, v3;
	v3 =	vsel vm15, $0x1, v36  }
0x449: {  	v62 =	vsel vm13, $0x2, v16;
	v11 =	vperm.xlane v6, v11;
	v3 =	vor.u32 v3, v52  }
0x44a: {  	v4 =	vadd.s32 v4, v62;
	v3 =	vperm.xlane v6, v3;
	vm9 =	vgt.f32 v18, v8  }
0x44b: {  	v14 =	vor.u32 v61, v14;
	v61 =	vor.u32 v20, v17;
	v17 =	vperm.xlane v7, v0  }
0x44c: {  	v63 =	vsel vm9, $0xB, v21;
	v5 =	vperm.xlane v6, v5;
	v20 =	vperm.xlane v7, v4  }
0x44d: {  	v12 =	vperm.xlane v6, v12;
	vm6 =	vgt.f32 v2, v17;
	v17 =	vperm.xlane v7, v1  }
0x44e: {  	vm7 =	vgt.f32 v59, v20;
	v20 =	vor.u32 v25, v28;
	v25 =	vor.u32 v42, v31  }
0x44f: {  	v22 =	vsel vm6, $0x1, v33;
	v23 =	vsel vm7, $0x1, v33;
	vm8 =	vgt.f32 v60, v17  }
0x450: {  	v17 =	vor.u32 v26, v30;
	v0 =	vadd.s32 v22, v0;
	v22 =	vsel vm9, v10, v9  }
0x451: {  	v4 =	vadd.s32 v23, v4;
	v26 =	vsel vm5, $0x1, v36;
	v30 =	vor.u32 v40, v37  }
0x452: {  	v28 =	vld [tilespmem:s20+$0x60];
	v37 =	vperm.xlane v6, v20;
	v40 =	vperm.xlane v6, v25;
	v62 =	vsel vm8, $0x1, v33  }
0x453: {  	vm10 =	vgt.f32 v18, v22;
	v22 =	vperm.xlane v7, v0;
	v42 =	vperm.xlane v7, v4  }
0x454: {  	v17 =	vperm.xlane v6, v17;
	v23 =	vsel vm10, $0x2, v16;
	v1 =	vadd.s32 v62, v1  }
0x455: {  	v62 =	vperm.xlane v6, v13;
	vm11 =	vgt.f32 v2, v22;
	v23 =	vadd.s32 v63, v23  }
0x456: {  	v22 =	vld [tilespmem:s20+$0x50];
	v24 =	vperm.xlane v7, v1;
	vm12 =	vgt.f32 v59, v42;
	v63 =	vperm.xlane v6, v14  }
0x457: {  	v14 =	vor.u32 v41, v29;
	vm5 =	vgt.f32 v28, v8;
	[tilespmem:s24+$0x20] =	vst v17;
	v17 =	vperm.xlane v6, v30  }
0x458: {  	v59 =	vperm.xlane v7, v23;
	v27 =	vsel vm11, $0x1, v36;
	v14 =	vperm.xlane v6, v14  }
0x459: {  	vm13 =	vgt.f32 v60, v24;
	v24 =	vsel vm12, $0x1, v36;
	[tilespmem:s19+$0x30] =	vst v63;
	v63 =	vperm.xlane v6, v19  }
0x45a: {  	[tilespmem:s24+$0x50] =	vst v17;
	v17 =	vor.u32 v45, v39;
	v0 =	vor.u32 v27, v0;
	vm14 =	vgt.f32 v18, v59  }
0x45b: {  	[tilespmem:s19+$0x60] =	vst v11;
	v59 =	vperm.xlane v6, v61;
	v11 =	vsel vm13, $0x1, v36;
	vm15 =	vgt.f32 v22, v8  }
0x45c: {  	[tilespmem:s24+$0x40] =	vst v14;
	v14 =	vperm.xlane v6, v44;
	v17 =	vperm.xlane v6, v17;
	v31 =	vsel vm15, v10, v9  }
0x45d: {  	[tilespmem:s19+$0x40] =	vst v15;
	v0 =	vperm.xlane v6, v0;
	v29 =	vsel vm14, $0x1, v33;
	vm4 =	vgt.f32 v22, v31  }
0x45e: {  	[tilespmem:s19+$0x0] =	vst v5;
	v5 =	vadd.s32 v29, v23;
	v23 =	vsel vm15, $0xB, v21;
	v29 =	vsel vm4, $0x2, v16  }
0x45f: {  	[tilespmem:s25+$0x70] =	vst v3;
	v3 =	vor.u32 v24, v4;
	v42 =	vadd.s32 v23, v29;
	v23 =	vsel vm5, v10, v9  }
0x460: {  	[tilespmem:s19+$0x10] =	vst v12;
	v1 =	vor.u32 v11, v1;
	v3 =	vperm.xlane v6, v3;
	vm6 =	vgt.f32 v28, v23  }
0x461: {  	[tilespmem:s25+$0x0] =	vst v17;
	v17 =	vor.u32 v58, v49;
	v41 =	vperm.xlane v7, v5;
	v60 =	vsel vm6, $0x2, v16;
	v16 =	vld [tilespmem:s20+$0x70]  }
0x462: {  	[tilespmem:s24+$0x70] =	vst v14;
	v14 =	vperm.xlane v6, v54;
	v58 =	vor.u32 v57, v50;
	v17 =	vperm.xlane v6, v17  }
0x463: {  	[tilespmem:s24+$0x10] =	vst v37;
	vm7 =	vgt.f32 v18, v41;
	v29 =	vsel vm5, $0xB, v21;
	v61 =	vperm.xlane v7, v42  }
0x464: {  	[tilespmem:s19+$0x20] =	vst v62;
	v18 =	vperm.xlane v6, v32;
	v41 =	vor.u32 v38, v35;
	v62 =	vadd.s32 v29, v60  }
0x465: {  	[tilespmem:s24+$0x30] =	vst v40;
	v15 =	vperm.xlane v6, v41;
	vm8 =	vgt.f32 v22, v61;
	v32 =	vperm.xlane v7, v62  }
0x466: {  	[tilespmem:s19+$0x70] =	vst v63;
	v29 =	vimm.s32 $0xFFFFFFFE;
	v19 =	vsel vm8, $0x1, v33;
	vm10 =	vgt.f32 v16, v8  }
0x467: {  	[tilespmem:s19+$0x50] =	vst v59;
	v2 =	vadd.s32 v19, v42;
	vm9 =	vgt.f32 v28, v32;
	v19 =	vsel vm10, v10, v9  }
0x468: {  	[tilespmem:s24+$0x0] =	vst v18;
	v18 =	vsel vm9, $0x1, v33;
	v42 =	vsel vm10, $0xB, v21;
	vm11 =	vgt.f32 v16, v19  }
0x469: {  	[tilespmem:s20+$0x10] =	vst v0;
	v21 =	vor.u32 v56, v51;
	v19 =	vperm.xlane v7, v2;
	v20 =	vsel vm11, $0x2, v29  }
0x46a: {  	[tilespmem:s20+$0x20] =	vst v3;
	v13 =	vadd.s32 v18, v62;
	v18 =	vperm.xlane v6, v21;
	v12 =	vadd.s32 v42, v20  }
0x46b: {  	[tilespmem:s25+$0x50] =	vst v17;
	vm12 =	vgt.f32 v22, v19;
	v19 =	vor.u32 v53, v46;
	v20 =	vperm.xlane v7, v12  }
0x46c: {  	v1 =	vperm.xlane v6, v1;
	v17 =	vor.u32 v26, v55;
	[tilespmem:s24+$0x60] =	vst v15;
	v19 =	vperm.xlane v6, v19  }
0x46d: {  	v59 =	vsel vm7, $0x1, v36;
	v21 =	vimm.s32 $0xFFFFFFFF;
	[tilespmem:s25+$0x40] =	vst v18;
	vm13 =	vgt.f32 v16, v20  }
0x46e: {  	v15 =	vperm.xlane v6, v48;
	[tilespmem:s25+$0x20] =	vst v19;
	v19 =	vperm.xlane v7, v13;
	v18 =	vsel vm13, $0x1, v21  }
0x46f: {  	[tilespmem:s25+$0x30] =	vst v14;
	v60 =	vperm.xlane v6, v17;
	v61 =	vor.u32 v59, v5;
	v12 =	vadd.s32 v18, v12  }
0x470: {  	[tilespmem:s20+$0x30] =	vst v1;
	vm14 =	vgt.f32 v28, v19;
	v19 =	vimm.s32 $0x0;
	v4 =	vperm.xlane v7, v12  }
0x471: {  	[tilespmem:s25+$0x10] =	vst v15;
	v15 =	vperm.xlane v6, v58;
	v0 =	vperm.xlane v6, v61;
	v11 =	vsel vm12, $0x1, v19  }
0x472: {  	p0 =	slt.u32 s18, $0x2C;
	[tilespmem:s20+$0x0] =	vst v60;
	v3 =	vsel vm14, $0x1, v19;
	v2 =	vor.u32 v11, v2;
	vm15 =	vgt.f32 v16, v4  }
.Ltmp1:
0x473: {  	[tilespmem:s25+$0x60] =	vst v15;
	v62 =	vor.u32 v3, v13;
	v2 =	vperm.xlane v6, v2;
	v3 =	vsel vm15, $0x1, v19;
	(pc) =	sbr.rel @p0 .LBB2_4-.Ltmp1, $4  }
0x474: {  	[tilespmem:s20+$0x40] =	vst v0;
	v1 =	vperm.xlane v6, v62;
	v63 =	vor.u32 v3, v12  }
0x475: {  	[tilespmem:s20+$0x50] =	vst v2;
	v0 =	vperm.xlane v6, v63  }
0x476: {  	[tilespmem:s20+$0x60] =	vst v1  }
0x477: {  	s17 =	sadd.s32 $0x200, s17;
	v5 =	vimm.s32 $0x3;
	[tilespmem:s20+$0x70] =	vst v0  }
0x478: {  	[hbm4b:s7+s3] =	stream.linear.scatter [tilespmem:s10], [sflag:$0x4], $0x4800, $0x38;
	[tilespmem:$0x9080] =	vst v63  }
0x479: {  	s16 =	sadd.s32 $0x1, s16  }
0x47a: {  	_ =	swait.ge [sflag:s14], $0x4800;
	p0 =	sne.s32 s16, s8  }
.Ltmp2:
0x47b: {  	[sflag:s14] =	ssyncset.done $0x0;
	(pc) =	sbr.rel @p0 .LBB2_1-.Ltmp2, $4  }
0x47c: {  	[sflag:s14] =	ssyncadd.s32 $0xFFFFB800  }
0x47d: {  	_ =	swait.ge [sflag:s15], $0x4800  }
0x47e: {  	[sflag:s15] =	ssyncset.done $0x0  }
0x47f: {  	[sflag:s15] =	ssyncadd.s32 $0xFFFFB800  }
0x480: {  	_ =	sfence.sel $0x180000  }
0x481: {  	[bflag:$0x0] =	sbarrier.arrive $0xFFFF  }
0x482: {  	p0 =	sne.s32 s0, $0x0;
	_ =	strace $0x90000047  }
0x483: {  	s0 =	sadd.s32 @!p0 $0x100000, s1;
	[bflag:$0x2] =	sbarrier.arrive $0xFFFF  }
0x484: {  	[sflag:s0] =	ssyncadd.tile.s32 @!p0 $0x1;
	_ =	shalt  }
.Lfunc_end2:
_tile_overlayer_lowered:
.L_overlay_start_2:
0x485: {  	(tag) =	ssettag $0x2  }
0x486: {  	s0 =	rddreg [dreg:$0x0];
	s2 =	stileid.u32  }
0x487: {  	s1 =	rddreg [dreg:$0x1];
	p0 =	sne.s32 s2, $0x0  }
0x488: {  	s3 =	rddreg [dreg:$0x2];
	[bflag:$0x3] =	sbarrier.arrive $0xFFFF;
	s2 =	simm.s32 @!p0 $0x1C05  }
0x489: {  	[timem:s3], [sflag:s2] =	dma.local @!p0 [hbm:s0], s1  }
0x48a: {  	s0 =	simm.s32 @!p0 $0x5  }
0x48b: {  	_ =	swait.ge @!p0 [sflag:s0], s1  }
0x48c: {  	s1 =	ssub.s32 @!p0 $0x0, s1;
	[sflag:s0] =	ssyncset.done @!p0 $0x0  }
0x48d: {  	[sflag:s0] =	ssyncadd.s32 @!p0 s1  }
0x48e: {  	[bflag:$0x3] =	sbarrier.arrive $0xFFFF  }
0x48f: {  	_ =	shalt  }

</sc_bundles>
